<compile_context>
chip_gen: v7x
topology: tpu7x:2x2x1
jax: 0.10.2.dev20260603
libtpu: 0.0.44.dev20260713+nightly
codegen_flags: <defaults>
</compile_context>

<pallas_src>
import functools

import jax
import jax.numpy as jnp
from jax import lax
from jax.experimental import pallas as pl
from jax.experimental.pallas import tpu as pltpu
from jax.experimental.pallas import tpu_sc as plsc

B = 4096
D0, D1, D2, DF = 32, 64, 64, 64
V0, V1, V2 = 1000, 100000, 1000000
NC, NS, L = 2, 16, 16
NW = NC * NS
BPW = B // NW
TAILBASE = (V2 // 128) * 128
NTAIL = V2 - TAILBASE
TCMAX = V2 // 128 - 1
G = 4
NG = BPW // G


def _matvec(d, v, blk):
    grid = (v + blk - 1) // blk

    def body(w_ref, t_ref, o_ref):
        o_ref[...] = jnp.dot(
            w_ref[...], t_ref[...], preferred_element_type=jnp.float32
        )[0]

    return pl.pallas_call(
        body,
        grid=(grid,),
        in_specs=[
            pl.BlockSpec((1, d), lambda i: (0, 0)),
            pl.BlockSpec((d, blk), lambda i: (0, i)),
        ],
        out_specs=pl.BlockSpec((blk,), lambda i: (i,)),
        out_shape=jax.ShapeDtypeStruct((v,), jnp.float32),
    )


_MV1 = _matvec(D1, V1, 32768)


def _small_dense_body(w0_ref, t0_ref, wt_ref, tt_ref, wf_ref, f_ref,
                      p0_ref, pt_ref, fd_ref):
    p0_ref[...] = jnp.dot(
        w0_ref[...], t0_ref[...], preferred_element_type=jnp.float32)[0]
    pt_ref[...] = jnp.dot(
        wt_ref[...], tt_ref[...], preferred_element_type=jnp.float32)[0]
    fd_ref[...] = jnp.dot(
        wf_ref[...], f_ref[...], preferred_element_type=jnp.float32)[0]


_SMALL_DENSE = pl.pallas_call(
    _small_dense_body,
    out_shape=(
        jax.ShapeDtypeStruct((V0,), jnp.float32),
        jax.ShapeDtypeStruct((NTAIL,), jnp.float32),
        jax.ShapeDtypeStruct((B,), jnp.float32),
    ),
)


def _build_t2dot():
    mesh = plsc.VectorSubcoreMesh(core_axis_name="c", subcore_axis_name="s")

    @functools.partial(
        pl.kernel,
        mesh=mesh,
        out_type=jax.ShapeDtypeStruct((B,), jnp.float32),
        compiler_params=pltpu.CompilerParams(
            needs_layout_passes=False, use_tc_tiling_on_sc=True),
        scratch_types=[
            pltpu.VMEM((BPW + L,), jnp.int32),
            pltpu.VMEM((2 * G, D2, 128), jnp.float32),
            pltpu.VMEM((D2,), jnp.float32),
            pltpu.VMEM((BPW * L,), jnp.float32),
            pltpu.VMEM((BPW,), jnp.float32),
            pltpu.SemaphoreType.DMA,
            pltpu.SemaphoreType.DMA,
        ],
    )
    def sc_kernel(id2_h, t2_h, w2_h, out_h, idv, stage, wv, accT, outv,
                  sem_a, sem_b):
        wid = lax.axis_index("s") * NC + lax.axis_index("c")
        base = wid * BPW
        pltpu.sync_copy(id2_h.at[pl.ds(base, BPW)], idv.at[pl.ds(0, BPW)])
        pltpu.sync_copy(w2_h, wv)
        wch = [wv[pl.ds(c * L, L)] for c in range(D2 // L)]
        iot = lax.iota(jnp.int32, L)
        row_base = iot * L

        def scol(s):
            tc = jnp.minimum(
                lax.shift_right_logical(s, 7), jnp.int32(TCMAX))
            return pl.multiple_of(tc * 128, 128)

        def issue(chunk, j):
            sem = sem_a if j % 2 == 0 else sem_b
            for k in range(G):
                s = chunk[j * G + k]
                slot = (j % 2) * G + k
                pltpu.async_copy(
                    t2_h.at[:, pl.ds(scol(s), 128)], stage.at[slot], sem)

        def wait_group(j):
            sem = sem_a if j % 2 == 0 else sem_b
            for _ in range(G):
                pltpu.make_async_copy(
                    t2_h.at[:, pl.ds(0, 128)], stage.at[0], sem).wait()

        def process(chunk, j, gbase):
            for k in range(G):
                s = chunk[j * G + k]
                slot = (j % 2) * G + k
                lane = jnp.minimum(s - scol(s), jnp.int32(127))
                lanev = jnp.full((L,), lane, jnp.int32)
                acc = None
                for c in range(D2 // L):
                    v = plsc.load_gather(
                        stage.at[slot], [c * L + iot, lanev])
                    term = v * wch[c]
                    acc = term if acc is None else acc + term
                accT[pl.ds((gbase + j * G + k) * L, L)] = acc

        chunk0 = idv[pl.ds(0, L)]
        issue(chunk0, 0)
        issue(chunk0, 1)

        def body(gg, carry):
            gbase = gg * L
            chunk = idv[pl.ds(gbase, L)]
            chunk_n = idv[pl.ds(gbase + L, L)]
            wait_group(0)
            process(chunk, 0, gbase)
            issue(chunk, 2)
            wait_group(1)
            process(chunk, 1, gbase)
            issue(chunk, 3)
            wait_group(0)
            process(chunk, 2, gbase)
            issue(chunk_n, 0)
            wait_group(1)
            process(chunk, 3, gbase)
            issue(chunk_n, 1)
            return carry

        lax.fori_loop(0, BPW // L, body, 0)
        wait_group(0)
        wait_group(1)

        for g in range(BPW // L):
            gbase = row_base + g * (L * L)
            s = plsc.load_gather(accT, [gbase])
            for k in range(1, L):
                s = s + plsc.load_gather(accT, [gbase + k])
            outv[pl.ds(g * L, L)] = s
        pltpu.sync_copy(outv, out_h.at[pl.ds(base, BPW)])

    return sc_kernel


def _build_assemble():
    mesh = plsc.VectorSubcoreMesh(core_axis_name="c", subcore_axis_name="s")

    @functools.partial(
        pl.kernel,
        mesh=mesh,
        out_type=jax.ShapeDtypeStruct((B,), jnp.float32),
        compiler_params=pltpu.CompilerParams(
            needs_layout_passes=False, use_tc_tiling_on_sc=False),
        scratch_types=[
            pltpu.VMEM((BPW,), jnp.int32),
            pltpu.VMEM((BPW,), jnp.int32),
            pltpu.VMEM((BPW,), jnp.int32),
            pltpu.VMEM((BPW,), jnp.int32),
            pltpu.VMEM((BPW,), jnp.float32),
            pltpu.VMEM((BPW,), jnp.float32),
            pltpu.VMEM((BPW,), jnp.float32),
            pltpu.VMEM((BPW,), jnp.float32),
            pltpu.VMEM((BPW,), jnp.float32),
            pltpu.VMEM((L,), jnp.float32),
            pltpu.VMEM((BPW,), jnp.float32),
            pltpu.SemaphoreType.DMA,
        ],
    )
    def sc_kernel(id0_h, id1_h, id2_h, p0_h, p1_h, ptail_h, t2_h, fd_h, b_h,
                  out_h, idx0, idx1, idx2, idxt, g0, g1, gt, t2v, fdv, bv,
                  outv, sem):
        wid = lax.axis_index("s") * NC + lax.axis_index("c")
        base = wid * BPW
        pltpu.sync_copy(id0_h.at[pl.ds(base, BPW)], idx0)
        pltpu.sync_copy(id1_h.at[pl.ds(base, BPW)], idx1)
        pltpu.sync_copy(id2_h.at[pl.ds(base, BPW)], idx2)
        for c in range(BPW // L):
            sl = pl.ds(c * L, L)
            ids = idx2[sl]
            idxt[sl] = jnp.where(ids >= TAILBASE, ids - TAILBASE,
                                 ids & (NTAIL - 1))
        cp0 = pltpu.async_copy(p0_h.at[idx0], g0, sem)
        cp1 = pltpu.async_copy(p1_h.at[idx1], g1, sem)
        cpt = pltpu.async_copy(ptail_h.at[idxt], gt, sem)
        pltpu.sync_copy(t2_h.at[pl.ds(base, BPW)], t2v)
        pltpu.sync_copy(fd_h.at[pl.ds(base, BPW)], fdv)
        pltpu.sync_copy(b_h, bv)
        cp0.wait()
        cp1.wait()
        cpt.wait()
        bvec = bv[...]
        for c in range(BPW // L):
            sl = pl.ds(c * L, L)
            t2sel = jnp.where(idx2[sl] >= TAILBASE, gt[sl], t2v[sl])
            outv[sl] = g0[sl] + g1[sl] + t2sel + fdv[sl] + bvec
        pltpu.sync_copy(outv, out_h.at[pl.ds(base, BPW)])

    return sc_kernel


_SC_T2DOT = _build_t2dot()
_SC_ASSEMBLE = _build_assemble()


def kernel(hierarchy_ids_level0, hierarchy_ids_level1, hierarchy_ids_level2,
           features, emb_level0, emb_level1, emb_level2, W, b):
    id0 = hierarchy_ids_level0.astype(jnp.int32)
    id1 = hierarchy_ids_level1.astype(jnp.int32)
    id2 = hierarchy_ids_level2.astype(jnp.int32)
    w0 = W[:, :D0]
    w1 = W[:, D0:D0 + D1]
    w2 = W[:, D0 + D1:D0 + D1 + D2]
    wf = W[:, D0 + D1 + D2:]
    t2t = emb_level2.T
    t2dot = _SC_T2DOT(id2, t2t, w2.reshape(-1))
    p1 = _MV1(w1, emb_level1.T)
    p0, ptail, fd = _SMALL_DENSE(w0, emb_level0.T, w2, t2t[:, TAILBASE:],
                                 wf, features.T)
    b_vec = jnp.broadcast_to(b.astype(jnp.float32), (L,))
    return _SC_ASSEMBLE(id0, id1, id2, p0, p1, ptail, t2dot, fd, b_vec)

# --- scband reference (transcript-rebuilt; emitter-appended) ---
"""Pipeline reference for scband-hierarchical-model-1795296330455 (READ-ONLY COPY).

The authoritative reference and input builder live on the scoring server;
editing this copy changes nothing except your own understanding.
"""

import jax, jax.numpy as jnp
import numpy as np

B = 4096
N_FEATURES = 64
VOCABS = (1000, 100000, 1000000)
DIMS = (32, 64, 64)
TOTAL_EMB = sum(DIMS)
COMBINED = TOTAL_EMB + N_FEATURES


def setup_inputs(seed: int = 0) -> dict:
    key = jax.random.key(seed)
    ks = jax.random.split(key, 9)
    hierarchy_ids_level0 = jax.random.randint(ks[0], (B,), 0, VOCABS[0], dtype=jnp.int64 if jax.config.jax_enable_x64 else jnp.int32)
    hierarchy_ids_level1 = jax.random.randint(ks[1], (B,), 0, VOCABS[1], dtype=jnp.int64 if jax.config.jax_enable_x64 else jnp.int32)
    hierarchy_ids_level2 = jax.random.randint(ks[2], (B,), 0, VOCABS[2], dtype=jnp.int64 if jax.config.jax_enable_x64 else jnp.int32)
    features = jax.random.normal(ks[3], (B, N_FEATURES), dtype=jnp.float32)
    emb_level0 = jax.random.normal(ks[4], (VOCABS[0], DIMS[0]), dtype=jnp.float32)
    emb_level1 = jax.random.normal(ks[5], (VOCABS[1], DIMS[1]), dtype=jnp.float32)
    emb_level2 = jax.random.normal(ks[6], (VOCABS[2], DIMS[2]), dtype=jnp.float32)
    W = jax.random.normal(ks[7], (1, COMBINED), dtype=jnp.float32) * 0.05
    b = jnp.zeros((1,), dtype=jnp.float32)
    return {
        'hierarchy_ids_level0': hierarchy_ids_level0,
        'hierarchy_ids_level1': hierarchy_ids_level1,
        'hierarchy_ids_level2': hierarchy_ids_level2,
        'features': features,
        'emb_level0': emb_level0,
        'emb_level1': emb_level1,
        'emb_level2': emb_level2,
        'W': W,
        'b': b,
    }


def reference(hierarchy_ids_level0, hierarchy_ids_level1, hierarchy_ids_level2, features, emb_level0, emb_level1, emb_level2, W, b):
    # per-hierarchy embedding lookups (gather)
    e0 = jnp.take(emb_level0, hierarchy_ids_level0, axis=0)
    e1 = jnp.take(emb_level1, hierarchy_ids_level1, axis=0)
    e2 = jnp.take(emb_level2, hierarchy_ids_level2, axis=0)
    all_embeddings = jnp.concatenate([e0, e1, e2], axis=1)
    # use_interactions = False path: combined = [embeddings, features]
    combined = jnp.concatenate([all_embeddings, features], axis=1)
    # final linear layer to scalar prediction
    output = combined @ W.T + b
    return output.squeeze(-1)

if __name__ == "__main__":
    import jax
    _d = setup_inputs()
    print(jax.jit(kernel)(*tuple(_d.values())))

</pallas_src>

<mosaic_0001>
#map = affine_map<(d0, d1) -> (0)>
#map1 = affine_map<(d0, d1) -> (0, 0)>
module attributes {stable_mosaic.version = 14 : i64} {
  func.func @sc_kernel(%arg0: i32, %arg1: i32, %arg2: memref<4096xi32, #tpu.memory_space<hbm>>, %arg3: memref<64x1000000xf32, #tpu.memory_space<hbm>>, %arg4: memref<64xf32, #tpu.memory_space<hbm>>, %arg5: memref<4096xf32, #tpu.memory_space<hbm>>, %arg6: memref<144xi32, #tpu.memory_space<vmem>>, %arg7: memref<8x64x128xf32, #tpu.memory_space<vmem>>, %arg8: memref<64xf32, #tpu.memory_space<vmem>>, %arg9: memref<2048xf32, #tpu.memory_space<vmem>>, %arg10: memref<128xf32, #tpu.memory_space<vmem>>, %arg11: memref<!tpu.dma_semaphore, #tpu.memory_space<semaphore_mem>>, %arg12: memref<!tpu.dma_semaphore, #tpu.memory_space<semaphore_mem>>) attributes {dimension_semantics = [#tpu.dimension_semantics<core_parallel>, #tpu.dimension_semantics<subcore_parallel>], iteration_bounds = array<i64: 2, 16>, scalar_prefetch = 0 : i64, scratch_operands = 7 : i64, tpu.core_type = #tpu.core_type<sc_vector_subcore>, window_params = [{transform_indices = #map}, {transform_indices = #map1}, {transform_indices = #map}, {transform_indices = #map}]} {
    %mul3A = arith.constant 2 : i32
    %mul3A_0 = arith.muli %arg1, %mul3A : i32
    %add3A = arith.addi %mul3A_0, %arg0 : i32
    %mul3A_1 = arith.constant 128 : i32
    %mul3A_2 = arith.muli %add3A, %mul3A_1 : i32
    "tpu.region"() ({
      %run_scoped3A = tpu.sem_alloc : memref<!tpu.dma_semaphore, #tpu.memory_space<semaphore_mem>>
      %dma_start3A_955 = arith.constant 0 : i32
      %dma_start3A_956 = tpu.memref_slice %arg6[%dma_start3A_955] : memref<144xi32, #tpu.memory_space<vmem>> -> memref<128xi32, #tpu.memory_space<vmem>>
      %dma_start3A_957 = tpu.memref_slice %arg2[%mul3A_2] : memref<4096xi32, #tpu.memory_space<hbm>> -> memref<128xi32, #tpu.memory_space<hbm>>
      %dma_start3A_958 = arith.constant 0 : i32
      %dma_start3A_959 = tpu.memref_slice %arg6[%dma_start3A_958] : memref<144xi32, #tpu.memory_space<vmem>> -> memref<128xi32, #tpu.memory_space<vmem>>
      %dma_start3A_960 = tpu.memref_slice %arg2[%mul3A_2] : memref<4096xi32, #tpu.memory_space<hbm>> -> memref<128xi32, #tpu.memory_space<hbm>>
      tpu.enqueue_dma source(%dma_start3A_960 : memref<128xi32, #tpu.memory_space<hbm>>) target(%dma_start3A_959 : memref<128xi32, #tpu.memory_space<vmem>>) target_semaphore(%run_scoped3A : memref<!tpu.dma_semaphore, #tpu.memory_space<semaphore_mem>>)
      %dma_wait3A_961 = arith.constant 0 : i32
      %dma_wait3A_962 = tpu.memref_slice %arg6[%dma_wait3A_961] : memref<144xi32, #tpu.memory_space<vmem>> -> memref<128xi32, #tpu.memory_space<vmem>>
      %dma_wait3A_963 = tpu.memref_slice %arg2[%mul3A_2] : memref<4096xi32, #tpu.memory_space<hbm>> -> memref<128xi32, #tpu.memory_space<hbm>>
      %dma_wait3A_964 = arith.constant 0 : i32
      %dma_wait3A_965 = tpu.memref_slice %arg6[%dma_wait3A_964] : memref<144xi32, #tpu.memory_space<vmem>> -> memref<128xi32, #tpu.memory_space<vmem>>
      %dma_wait3A_966 = tpu.memref_slice %arg2[%mul3A_2] : memref<4096xi32, #tpu.memory_space<hbm>> -> memref<128xi32, #tpu.memory_space<hbm>>
      tpu.wait_dma2 semaphore(%run_scoped3A : memref<!tpu.dma_semaphore, #tpu.memory_space<semaphore_mem>>) src(%dma_wait3A_966 : memref<128xi32, #tpu.memory_space<hbm>>) dst(%dma_wait3A_965 : memref<128xi32, #tpu.memory_space<vmem>>)
      tpu.yield
    }) : () -> ()
    "tpu.region"() ({
      %run_scoped3A = tpu.sem_alloc : memref<!tpu.dma_semaphore, #tpu.memory_space<semaphore_mem>>
      tpu.enqueue_dma source(%arg4 : memref<64xf32, #tpu.memory_space<hbm>>) target(%arg8 : memref<64xf32, #tpu.memory_space<vmem>>) target_semaphore(%run_scoped3A : memref<!tpu.dma_semaphore, #tpu.memory_space<semaphore_mem>>)
      tpu.wait_dma2 semaphore(%run_scoped3A : memref<!tpu.dma_semaphore, #tpu.memory_space<semaphore_mem>>) src(%arg4 : memref<64xf32, #tpu.memory_space<hbm>>) dst(%arg8 : memref<64xf32, #tpu.memory_space<vmem>>)
      tpu.yield
    }) : () -> ()
    %get3A = arith.constant 0 : index
    %get3A_3 = tpu.vector_load %arg8[%get3A] {strides = array<i32>} : memref<64xf32, #tpu.memory_space<vmem>>, vector<16xf32>,
    %get3A_4 = arith.constant 16 : index
    %get3A_5 = tpu.vector_load %arg8[%get3A_4] {strides = array<i32>} : memref<64xf32, #tpu.memory_space<vmem>>, vector<16xf32>,
    %get3A_6 = arith.constant 32 : index
    %get3A_7 = tpu.vector_load %arg8[%get3A_6] {strides = array<i32>} : memref<64xf32, #tpu.memory_space<vmem>>, vector<16xf32>,
    %get3A_8 = arith.constant 48 : index
    %get3A_9 = tpu.vector_load %arg8[%get3A_8] {strides = array<i32>} : memref<64xf32, #tpu.memory_space<vmem>>, vector<16xf32>,
    %iota3A = tpu.iota {dimensions = array<i32: 0>} : vector<16xi32>
    %mul3A_10 = arith.constant 16 : i32
    %mul3A_11 = vector.broadcast %mul3A_10 : i32 to vector<16xi32>
    %mul3A_12 = arith.muli %iota3A, %mul3A_11 : vector<16xi32>
    %get3A_13 = arith.constant 0 : index
    %get3A_14 = tpu.vector_load %arg6[%get3A_13] {strides = array<i32>} : memref<144xi32, #tpu.memory_space<vmem>>, vector<16xi32>,
    %slice3A = vector.extract_strided_slice %get3A_14 {offsets = [0], sizes = [1], strides = [1]} : vector<16xi32> to vector<1xi32>
    %squeeze3A = vector.extract %slice3A[0] : i32 from vector<1xi32>
    %shift_right_logical3A = arith.constant 7 : i32
    %shift_right_logical3A_15 = arith.shrui %squeeze3A, %shift_right_logical3A : i32
    %min3A = arith.constant 7811 : i32
    %min3A_16 = arith.minsi %shift_right_logical3A_15, %min3A : i32
    %mul3A_17 = arith.constant 128 : i32
    %mul3A_18 = arith.muli %min3A_16, %mul3A_17 : i32
    %multiple_of3A = tpu.assume_multiple %mul3A_18, 128 : i32
    %dma_start3A = arith.constant 0 : i32
    %dma_start3A_19 = arith.constant 0 : i32
    %dma_start3A_20 = arith.constant 0 : i32
    %dma_start3A_21 = tpu.memref_slice %arg7[%dma_start3A, %dma_start3A_19, %dma_start3A_20] : memref<8x64x128xf32, #tpu.memory_space<vmem>> -> memref<1x64x128xf32, #tpu.memory_space<vmem>>
    %dma_start3A_22 = tpu.memref_squeeze %dma_start3A_21 : memref<1x64x128xf32, #tpu.memory_space<vmem>> -> memref<64x128xf32, #tpu.memory_space<vmem>>
    %dma_start3A_23 = arith.constant 0 : i32
    %dma_start3A_24 = tpu.memref_slice %arg3[%dma_start3A_23, %multiple_of3A] : memref<64x1000000xf32, #tpu.memory_space<hbm>> -> memref<64x128xf32, #tpu.memory_space<hbm>>
    %dma_start3A_25 = arith.constant 0 : i32
    %dma_start3A_26 = arith.constant 0 : i32
    %dma_start3A_27 = tpu.memref_slice %arg7[%dma_start3A, %dma_start3A_25, %dma_start3A_26] : memref<8x64x128xf32, #tpu.memory_space<vmem>> -> memref<1x64x128xf32, #tpu.memory_space<vmem>>
    %dma_start3A_28 = tpu.memref_squeeze %dma_start3A_27 : memref<1x64x128xf32, #tpu.memory_space<vmem>> -> memref<64x128xf32, #tpu.memory_space<vmem>>
    %dma_start3A_29 = arith.constant 0 : i32
    %dma_start3A_30 = tpu.memref_slice %arg3[%dma_start3A_29, %multiple_of3A] : memref<64x1000000xf32, #tpu.memory_space<hbm>> -> memref<64x128xf32, #tpu.memory_space<hbm>>
    tpu.enqueue_dma source(%dma_start3A_30 : memref<64x128xf32, #tpu.memory_space<hbm>>) target(%dma_start3A_28 : memref<64x128xf32, #tpu.memory_space<vmem>>) target_semaphore(%arg11 : memref<!tpu.dma_semaphore, #tpu.memory_space<semaphore_mem>>)
    %slice3A_31 = vector.extract_strided_slice %get3A_14 {offsets = [1], sizes = [1], strides = [1]} : vector<16xi32> to vector<1xi32>
    %squeeze3A_32 = vector.extract %slice3A_31[0] : i32 from vector<1xi32>
    %shift_right_logical3A_33 = arith.constant 7 : i32
    %shift_right_logical3A_34 = arith.shrui %squeeze3A_32, %shift_right_logical3A_33 : i32
    %min3A_35 = arith.constant 7811 : i32
    %min3A_36 = arith.minsi %shift_right_logical3A_34, %min3A_35 : i32
    %mul3A_37 = arith.constant 128 : i32
    %mul3A_38 = arith.muli %min3A_36, %mul3A_37 : i32
    %multiple_of3A_39 = tpu.assume_multiple %mul3A_38, 128 : i32
    %dma_start3A_40 = arith.constant 1 : i32
    %dma_start3A_41 = arith.constant 0 : i32
    %dma_start3A_42 = arith.constant 0 : i32
    %dma_start3A_43 = tpu.memref_slice %arg7[%dma_start3A_40, %dma_start3A_41, %dma_start3A_42] : memref<8x64x128xf32, #tpu.memory_space<vmem>> -> memref<1x64x128xf32, #tpu.memory_space<vmem>>
    %dma_start3A_44 = tpu.memref_squeeze %dma_start3A_43 : memref<1x64x128xf32, #tpu.memory_space<vmem>> -> memref<64x128xf32, #tpu.memory_space<vmem>>
    %dma_start3A_45 = arith.constant 0 : i32
    %dma_start3A_46 = tpu.memref_slice %arg3[%dma_start3A_45, %multiple_of3A_39] : memref<64x1000000xf32, #tpu.memory_space<hbm>> -> memref<64x128xf32, #tpu.memory_space<hbm>>
    %dma_start3A_47 = arith.constant 0 : i32
    %dma_start3A_48 = arith.constant 0 : i32
    %dma_start3A_49 = tpu.memref_slice %arg7[%dma_start3A_40, %dma_start3A_47, %dma_start3A_48] : memref<8x64x128xf32, #tpu.memory_space<vmem>> -> memref<1x64x128xf32, #tpu.memory_space<vmem>>
    %dma_start3A_50 = tpu.memref_squeeze %dma_start3A_49 : memref<1x64x128xf32, #tpu.memory_space<vmem>> -> memref<64x128xf32, #tpu.memory_space<vmem>>
    %dma_start3A_51 = arith.constant 0 : i32
    %dma_start3A_52 = tpu.memref_slice %arg3[%dma_start3A_51, %multiple_of3A_39] : memref<64x1000000xf32, #tpu.memory_space<hbm>> -> memref<64x128xf32, #tpu.memory_space<hbm>>
    tpu.enqueue_dma source(%dma_start3A_52 : memref<64x128xf32, #tpu.memory_space<hbm>>) target(%dma_start3A_50 : memref<64x128xf32, #tpu.memory_space<vmem>>) target_semaphore(%arg11 : memref<!tpu.dma_semaphore, #tpu.memory_space<semaphore_mem>>)
    %slice3A_53 = vector.extract_strided_slice %get3A_14 {offsets = [2], sizes = [1], strides = [1]} : vector<16xi32> to vector<1xi32>
    %squeeze3A_54 = vector.extract %slice3A_53[0] : i32 from vector<1xi32>
    %shift_right_logical3A_55 = arith.constant 7 : i32
    %shift_right_logical3A_56 = arith.shrui %squeeze3A_54, %shift_right_logical3A_55 : i32
    %min3A_57 = arith.constant 7811 : i32
    %min3A_58 = arith.minsi %shift_right_logical3A_56, %min3A_57 : i32
    %mul3A_59 = arith.constant 128 : i32
    %mul3A_60 = arith.muli %min3A_58, %mul3A_59 : i32
    %multiple_of3A_61 = tpu.assume_multiple %mul3A_60, 128 : i32
    %dma_start3A_62 = arith.constant 2 : i32
    %dma_start3A_63 = arith.constant 0 : i32
    %dma_start3A_64 = arith.constant 0 : i32
    %dma_start3A_65 = tpu.memref_slice %arg7[%dma_start3A_62, %dma_start3A_63, %dma_start3A_64] : memref<8x64x128xf32, #tpu.memory_space<vmem>> -> memref<1x64x128xf32, #tpu.memory_space<vmem>>
    %dma_start3A_66 = tpu.memref_squeeze %dma_start3A_65 : memref<1x64x128xf32, #tpu.memory_space<vmem>> -> memref<64x128xf32, #tpu.memory_space<vmem>>
    %dma_start3A_67 = arith.constant 0 : i32
    %dma_start3A_68 = tpu.memref_slice %arg3[%dma_start3A_67, %multiple_of3A_61] : memref<64x1000000xf32, #tpu.memory_space<hbm>> -> memref<64x128xf32, #tpu.memory_space<hbm>>
    %dma_start3A_69 = arith.constant 0 : i32
    %dma_start3A_70 = arith.constant 0 : i32
    %dma_start3A_71 = tpu.memref_slice %arg7[%dma_start3A_62, %dma_start3A_69, %dma_start3A_70] : memref<8x64x128xf32, #tpu.memory_space<vmem>> -> memref<1x64x128xf32, #tpu.memory_space<vmem>>
    %dma_start3A_72 = tpu.memref_squeeze %dma_start3A_71 : memref<1x64x128xf32, #tpu.memory_space<vmem>> -> memref<64x128xf32, #tpu.memory_space<vmem>>
    %dma_start3A_73 = arith.constant 0 : i32
    %dma_start3A_74 = tpu.memref_slice %arg3[%dma_start3A_73, %multiple_of3A_61] : memref<64x1000000xf32, #tpu.memory_space<hbm>> -> memref<64x128xf32, #tpu.memory_space<hbm>>
    tpu.enqueue_dma source(%dma_start3A_74 : memref<64x128xf32, #tpu.memory_space<hbm>>) target(%dma_start3A_72 : memref<64x128xf32, #tpu.memory_space<vmem>>) target_semaphore(%arg11 : memref<!tpu.dma_semaphore, #tpu.memory_space<semaphore_mem>>)
    %slice3A_75 = vector.extract_strided_slice %get3A_14 {offsets = [3], sizes = [1], strides = [1]} : vector<16xi32> to vector<1xi32>
    %squeeze3A_76 = vector.extract %slice3A_75[0] : i32 from vector<1xi32>
    %shift_right_logical3A_77 = arith.constant 7 : i32
    %shift_right_logical3A_78 = arith.shrui %squeeze3A_76, %shift_right_logical3A_77 : i32
    %min3A_79 = arith.constant 7811 : i32
    %min3A_80 = arith.minsi %shift_right_logical3A_78, %min3A_79 : i32
    %mul3A_81 = arith.constant 128 : i32
    %mul3A_82 = arith.muli %min3A_80, %mul3A_81 : i32
    %multiple_of3A_83 = tpu.assume_multiple %mul3A_82, 128 : i32
    %dma_start3A_84 = arith.constant 3 : i32
    %dma_start3A_85 = arith.constant 0 : i32
    %dma_start3A_86 = arith.constant 0 : i32
    %dma_start3A_87 = tpu.memref_slice %arg7[%dma_start3A_84, %dma_start3A_85, %dma_start3A_86] : memref<8x64x128xf32, #tpu.memory_space<vmem>> -> memref<1x64x128xf32, #tpu.memory_space<vmem>>
    %dma_start3A_88 = tpu.memref_squeeze %dma_start3A_87 : memref<1x64x128xf32, #tpu.memory_space<vmem>> -> memref<64x128xf32, #tpu.memory_space<vmem>>
    %dma_start3A_89 = arith.constant 0 : i32
    %dma_start3A_90 = tpu.memref_slice %arg3[%dma_start3A_89, %multiple_of3A_83] : memref<64x1000000xf32, #tpu.memory_space<hbm>> -> memref<64x128xf32, #tpu.memory_space<hbm>>
    %dma_start3A_91 = arith.constant 0 : i32
    %dma_start3A_92 = arith.constant 0 : i32
    %dma_start3A_93 = tpu.memref_slice %arg7[%dma_start3A_84, %dma_start3A_91, %dma_start3A_92] : memref<8x64x128xf32, #tpu.memory_space<vmem>> -> memref<1x64x128xf32, #tpu.memory_space<vmem>>
    %dma_start3A_94 = tpu.memref_squeeze %dma_start3A_93 : memref<1x64x128xf32, #tpu.memory_space<vmem>> -> memref<64x128xf32, #tpu.memory_space<vmem>>
    %dma_start3A_95 = arith.constant 0 : i32
    %dma_start3A_96 = tpu.memref_slice %arg3[%dma_start3A_95, %multiple_of3A_83] : memref<64x1000000xf32, #tpu.memory_space<hbm>> -> memref<64x128xf32, #tpu.memory_space<hbm>>
    tpu.enqueue_dma source(%dma_start3A_96 : memref<64x128xf32, #tpu.memory_space<hbm>>) target(%dma_start3A_94 : memref<64x128xf32, #tpu.memory_space<vmem>>) target_semaphore(%arg11 : memref<!tpu.dma_semaphore, #tpu.memory_space<semaphore_mem>>)
    %slice3A_97 = vector.extract_strided_slice %get3A_14 {offsets = [4], sizes = [1], strides = [1]} : vector<16xi32> to vector<1xi32>
    %squeeze3A_98 = vector.extract %slice3A_97[0] : i32 from vector<1xi32>
    %shift_right_logical3A_99 = arith.constant 7 : i32
    %shift_right_logical3A_100 = arith.shrui %squeeze3A_98, %shift_right_logical3A_99 : i32
    %min3A_101 = arith.constant 7811 : i32
    %min3A_102 = arith.minsi %shift_right_logical3A_100, %min3A_101 : i32
    %mul3A_103 = arith.constant 128 : i32
    %mul3A_104 = arith.muli %min3A_102, %mul3A_103 : i32
    %multiple_of3A_105 = tpu.assume_multiple %mul3A_104, 128 : i32
    %dma_start3A_106 = arith.constant 4 : i32
    %dma_start3A_107 = arith.constant 0 : i32
    %dma_start3A_108 = arith.constant 0 : i32
    %dma_start3A_109 = tpu.memref_slice %arg7[%dma_start3A_106, %dma_start3A_107, %dma_start3A_108] : memref<8x64x128xf32, #tpu.memory_space<vmem>> -> memref<1x64x128xf32, #tpu.memory_space<vmem>>
    %dma_start3A_110 = tpu.memref_squeeze %dma_start3A_109 : memref<1x64x128xf32, #tpu.memory_space<vmem>> -> memref<64x128xf32, #tpu.memory_space<vmem>>
    %dma_start3A_111 = arith.constant 0 : i32
    %dma_start3A_112 = tpu.memref_slice %arg3[%dma_start3A_111, %multiple_of3A_105] : memref<64x1000000xf32, #tpu.memory_space<hbm>> -> memref<64x128xf32, #tpu.memory_space<hbm>>
    %dma_start3A_113 = arith.constant 0 : i32
    %dma_start3A_114 = arith.constant 0 : i32
    %dma_start3A_115 = tpu.memref_slice %arg7[%dma_start3A_106, %dma_start3A_113, %dma_start3A_114] : memref<8x64x128xf32, #tpu.memory_space<vmem>> -> memref<1x64x128xf32, #tpu.memory_space<vmem>>
    %dma_start3A_116 = tpu.memref_squeeze %dma_start3A_115 : memref<1x64x128xf32, #tpu.memory_space<vmem>> -> memref<64x128xf32, #tpu.memory_space<vmem>>
    %dma_start3A_117 = arith.constant 0 : i32
    %dma_start3A_118 = tpu.memref_slice %arg3[%dma_start3A_117, %multiple_of3A_105] : memref<64x1000000xf32, #tpu.memory_space<hbm>> -> memref<64x128xf32, #tpu.memory_space<hbm>>
    tpu.enqueue_dma source(%dma_start3A_118 : memref<64x128xf32, #tpu.memory_space<hbm>>) target(%dma_start3A_116 : memref<64x128xf32, #tpu.memory_space<vmem>>) target_semaphore(%arg12 : memref<!tpu.dma_semaphore, #tpu.memory_space<semaphore_mem>>)
    %slice3A_119 = vector.extract_strided_slice %get3A_14 {offsets = [5], sizes = [1], strides = [1]} : vector<16xi32> to vector<1xi32>
    %squeeze3A_120 = vector.extract %slice3A_119[0] : i32 from vector<1xi32>
    %shift_right_logical3A_121 = arith.constant 7 : i32
    %shift_right_logical3A_122 = arith.shrui %squeeze3A_120, %shift_right_logical3A_121 : i32
    %min3A_123 = arith.constant 7811 : i32
    %min3A_124 = arith.minsi %shift_right_logical3A_122, %min3A_123 : i32
    %mul3A_125 = arith.constant 128 : i32
    %mul3A_126 = arith.muli %min3A_124, %mul3A_125 : i32
    %multiple_of3A_127 = tpu.assume_multiple %mul3A_126, 128 : i32
    %dma_start3A_128 = arith.constant 5 : i32
    %dma_start3A_129 = arith.constant 0 : i32
    %dma_start3A_130 = arith.constant 0 : i32
    %dma_start3A_131 = tpu.memref_slice %arg7[%dma_start3A_128, %dma_start3A_129, %dma_start3A_130] : memref<8x64x128xf32, #tpu.memory_space<vmem>> -> memref<1x64x128xf32, #tpu.memory_space<vmem>>
    %dma_start3A_132 = tpu.memref_squeeze %dma_start3A_131 : memref<1x64x128xf32, #tpu.memory_space<vmem>> -> memref<64x128xf32, #tpu.memory_space<vmem>>
    %dma_start3A_133 = arith.constant 0 : i32
    %dma_start3A_134 = tpu.memref_slice %arg3[%dma_start3A_133, %multiple_of3A_127] : memref<64x1000000xf32, #tpu.memory_space<hbm>> -> memref<64x128xf32, #tpu.memory_space<hbm>>
    %dma_start3A_135 = arith.constant 0 : i32
    %dma_start3A_136 = arith.constant 0 : i32
    %dma_start3A_137 = tpu.memref_slice %arg7[%dma_start3A_128, %dma_start3A_135, %dma_start3A_136] : memref<8x64x128xf32, #tpu.memory_space<vmem>> -> memref<1x64x128xf32, #tpu.memory_space<vmem>>
    %dma_start3A_138 = tpu.memref_squeeze %dma_start3A_137 : memref<1x64x128xf32, #tpu.memory_space<vmem>> -> memref<64x128xf32, #tpu.memory_space<vmem>>
    %dma_start3A_139 = arith.constant 0 : i32
    %dma_start3A_140 = tpu.memref_slice %arg3[%dma_start3A_139, %multiple_of3A_127] : memref<64x1000000xf32, #tpu.memory_space<hbm>> -> memref<64x128xf32, #tpu.memory_space<hbm>>
    tpu.enqueue_dma source(%dma_start3A_140 : memref<64x128xf32, #tpu.memory_space<hbm>>) target(%dma_start3A_138 : memref<64x128xf32, #tpu.memory_space<vmem>>) target_semaphore(%arg12 : memref<!tpu.dma_semaphore, #tpu.memory_space<semaphore_mem>>)
    %slice3A_141 = vector.extract_strided_slice %get3A_14 {offsets = [6], sizes = [1], strides = [1]} : vector<16xi32> to vector<1xi32>
    %squeeze3A_142 = vector.extract %slice3A_141[0] : i32 from vector<1xi32>
    %shift_right_logical3A_143 = arith.constant 7 : i32
    %shift_right_logical3A_144 = arith.shrui %squeeze3A_142, %shift_right_logical3A_143 : i32
    %min3A_145 = arith.constant 7811 : i32
    %min3A_146 = arith.minsi %shift_right_logical3A_144, %min3A_145 : i32
    %mul3A_147 = arith.constant 128 : i32
    %mul3A_148 = arith.muli %min3A_146, %mul3A_147 : i32
    %multiple_of3A_149 = tpu.assume_multiple %mul3A_148, 128 : i32
    %dma_start3A_150 = arith.constant 6 : i32
    %dma_start3A_151 = arith.constant 0 : i32
    %dma_start3A_152 = arith.constant 0 : i32
    %dma_start3A_153 = tpu.memref_slice %arg7[%dma_start3A_150, %dma_start3A_151, %dma_start3A_152] : memref<8x64x128xf32, #tpu.memory_space<vmem>> -> memref<1x64x128xf32, #tpu.memory_space<vmem>>
    %dma_start3A_154 = tpu.memref_squeeze %dma_start3A_153 : memref<1x64x128xf32, #tpu.memory_space<vmem>> -> memref<64x128xf32, #tpu.memory_space<vmem>>
    %dma_start3A_155 = arith.constant 0 : i32
    %dma_start3A_156 = tpu.memref_slice %arg3[%dma_start3A_155, %multiple_of3A_149] : memref<64x1000000xf32, #tpu.memory_space<hbm>> -> memref<64x128xf32, #tpu.memory_space<hbm>>
    %dma_start3A_157 = arith.constant 0 : i32
    %dma_start3A_158 = arith.constant 0 : i32
    %dma_start3A_159 = tpu.memref_slice %arg7[%dma_start3A_150, %dma_start3A_157, %dma_start3A_158] : memref<8x64x128xf32, #tpu.memory_space<vmem>> -> memref<1x64x128xf32, #tpu.memory_space<vmem>>
    %dma_start3A_160 = tpu.memref_squeeze %dma_start3A_159 : memref<1x64x128xf32, #tpu.memory_space<vmem>> -> memref<64x128xf32, #tpu.memory_space<vmem>>
    %dma_start3A_161 = arith.constant 0 : i32
    %dma_start3A_162 = tpu.memref_slice %arg3[%dma_start3A_161, %multiple_of3A_149] : memref<64x1000000xf32, #tpu.memory_space<hbm>> -> memref<64x128xf32, #tpu.memory_space<hbm>>
    tpu.enqueue_dma source(%dma_start3A_162 : memref<64x128xf32, #tpu.memory_space<hbm>>) target(%dma_start3A_160 : memref<64x128xf32, #tpu.memory_space<vmem>>) target_semaphore(%arg12 : memref<!tpu.dma_semaphore, #tpu.memory_space<semaphore_mem>>)
    %slice3A_163 = vector.extract_strided_slice %get3A_14 {offsets = [7], sizes = [1], strides = [1]} : vector<16xi32> to vector<1xi32>
    %squeeze3A_164 = vector.extract %slice3A_163[0] : i32 from vector<1xi32>
    %shift_right_logical3A_165 = arith.constant 7 : i32
    %shift_right_logical3A_166 = arith.shrui %squeeze3A_164, %shift_right_logical3A_165 : i32
    %min3A_167 = arith.constant 7811 : i32
    %min3A_168 = arith.minsi %shift_right_logical3A_166, %min3A_167 : i32
    %mul3A_169 = arith.constant 128 : i32
    %mul3A_170 = arith.muli %min3A_168, %mul3A_169 : i32
    %multiple_of3A_171 = tpu.assume_multiple %mul3A_170, 128 : i32
    %dma_start3A_172 = arith.constant 7 : i32
    %dma_start3A_173 = arith.constant 0 : i32
    %dma_start3A_174 = arith.constant 0 : i32
    %dma_start3A_175 = tpu.memref_slice %arg7[%dma_start3A_172, %dma_start3A_173, %dma_start3A_174] : memref<8x64x128xf32, #tpu.memory_space<vmem>> -> memref<1x64x128xf32, #tpu.memory_space<vmem>>
    %dma_start3A_176 = tpu.memref_squeeze %dma_start3A_175 : memref<1x64x128xf32, #tpu.memory_space<vmem>> -> memref<64x128xf32, #tpu.memory_space<vmem>>
    %dma_start3A_177 = arith.constant 0 : i32
    %dma_start3A_178 = tpu.memref_slice %arg3[%dma_start3A_177, %multiple_of3A_171] : memref<64x1000000xf32, #tpu.memory_space<hbm>> -> memref<64x128xf32, #tpu.memory_space<hbm>>
    %dma_start3A_179 = arith.constant 0 : i32
    %dma_start3A_180 = arith.constant 0 : i32
    %dma_start3A_181 = tpu.memref_slice %arg7[%dma_start3A_172, %dma_start3A_179, %dma_start3A_180] : memref<8x64x128xf32, #tpu.memory_space<vmem>> -> memref<1x64x128xf32, #tpu.memory_space<vmem>>
    %dma_start3A_182 = tpu.memref_squeeze %dma_start3A_181 : memref<1x64x128xf32, #tpu.memory_space<vmem>> -> memref<64x128xf32, #tpu.memory_space<vmem>>
    %dma_start3A_183 = arith.constant 0 : i32
    %dma_start3A_184 = tpu.memref_slice %arg3[%dma_start3A_183, %multiple_of3A_171] : memref<64x1000000xf32, #tpu.memory_space<hbm>> -> memref<64x128xf32, #tpu.memory_space<hbm>>
    tpu.enqueue_dma source(%dma_start3A_184 : memref<64x128xf32, #tpu.memory_space<hbm>>) target(%dma_start3A_182 : memref<64x128xf32, #tpu.memory_space<vmem>>) target_semaphore(%arg12 : memref<!tpu.dma_semaphore, #tpu.memory_space<semaphore_mem>>)
    %scan3A = arith.constant 0 : i32
    %scan3A_185 = arith.constant 0 : i32
    %scan3A_186 = arith.constant 8 : i32
    %scan3A_187 = arith.addi %scan3A_185, %scan3A_186 : i32
    %scan3A_188 = arith.constant 1 : i32
    scf.for %scan3A_955 = %scan3A_185 to %scan3A_187 step %scan3A_188  : i32 {
      %mul3A_956 = arith.constant 16 : i32
      %mul3A_957 = arith.muli %scan3A_955, %mul3A_956 : i32
      %get3A_958 = arith.index_cast %mul3A_957 : i32 to index
      %get3A_959 = tpu.vector_load %arg6[%get3A_958] {strides = array<i32>} : memref<144xi32, #tpu.memory_space<vmem>>, vector<16xi32>,
      %add3A_960 = arith.constant 16 : i32
      %add3A_961 = arith.addi %mul3A_957, %add3A_960 : i32
      %get3A_962 = arith.index_cast %add3A_961 : i32 to index
      %get3A_963 = tpu.vector_load %arg6[%get3A_962] {strides = array<i32>} : memref<144xi32, #tpu.memory_space<vmem>>, vector<16xi32>,
      %dma_wait3A_964 = arith.constant 0 : i32
      %dma_wait3A_965 = arith.constant 0 : i32
      %dma_wait3A_966 = arith.constant 0 : i32
      %dma_wait3A_967 = tpu.memref_slice %arg7[%dma_wait3A_964, %dma_wait3A_965, %dma_wait3A_966] : memref<8x64x128xf32, #tpu.memory_space<vmem>> -> memref<1x64x128xf32, #tpu.memory_space<vmem>>
      %dma_wait3A_968 = tpu.memref_squeeze %dma_wait3A_967 : memref<1x64x128xf32, #tpu.memory_space<vmem>> -> memref<64x128xf32, #tpu.memory_space<vmem>>
      %dma_wait3A_969 = arith.constant 0 : i32
      %dma_wait3A_970 = arith.constant 0 : i32
      %dma_wait3A_971 = tpu.memref_slice %arg3[%dma_wait3A_969, %dma_wait3A_970] : memref<64x1000000xf32, #tpu.memory_space<hbm>> -> memref<64x128xf32, #tpu.memory_space<hbm>>
      %dma_wait3A_972 = arith.constant 0 : i32
      %dma_wait3A_973 = arith.constant 0 : i32
      %dma_wait3A_974 = tpu.memref_slice %arg7[%dma_wait3A_964, %dma_wait3A_972, %dma_wait3A_973] : memref<8x64x128xf32, #tpu.memory_space<vmem>> -> memref<1x64x128xf32, #tpu.memory_space<vmem>>
      %dma_wait3A_975 = tpu.memref_squeeze %dma_wait3A_974 : memref<1x64x128xf32, #tpu.memory_space<vmem>> -> memref<64x128xf32, #tpu.memory_space<vmem>>
      %dma_wait3A_976 = arith.constant 0 : i32
      %dma_wait3A_977 = arith.constant 0 : i32
      %dma_wait3A_978 = tpu.memref_slice %arg3[%dma_wait3A_976, %dma_wait3A_977] : memref<64x1000000xf32, #tpu.memory_space<hbm>> -> memref<64x128xf32, #tpu.memory_space<hbm>>
      tpu.wait_dma2 semaphore(%arg11 : memref<!tpu.dma_semaphore, #tpu.memory_space<semaphore_mem>>) src(%dma_wait3A_978 : memref<64x128xf32, #tpu.memory_space<hbm>>) dst(%dma_wait3A_975 : memref<64x128xf32, #tpu.memory_space<vmem>>)
      %dma_wait3A_979 = arith.constant 0 : i32
      %dma_wait3A_980 = arith.constant 0 : i32
      %dma_wait3A_981 = arith.constant 0 : i32
      %dma_wait3A_982 = tpu.memref_slice %arg7[%dma_wait3A_979, %dma_wait3A_980, %dma_wait3A_981] : memref<8x64x128xf32, #tpu.memory_space<vmem>> -> memref<1x64x128xf32, #tpu.memory_space<vmem>>
      %dma_wait3A_983 = tpu.memref_squeeze %dma_wait3A_982 : memref<1x64x128xf32, #tpu.memory_space<vmem>> -> memref<64x128xf32, #tpu.memory_space<vmem>>
      %dma_wait3A_984 = arith.constant 0 : i32
      %dma_wait3A_985 = arith.constant 0 : i32
      %dma_wait3A_986 = tpu.memref_slice %arg3[%dma_wait3A_984, %dma_wait3A_985] : memref<64x1000000xf32, #tpu.memory_space<hbm>> -> memref<64x128xf32, #tpu.memory_space<hbm>>
      %dma_wait3A_987 = arith.constant 0 : i32
      %dma_wait3A_988 = arith.constant 0 : i32
      %dma_wait3A_989 = tpu.memref_slice %arg7[%dma_wait3A_979, %dma_wait3A_987, %dma_wait3A_988] : memref<8x64x128xf32, #tpu.memory_space<vmem>> -> memref<1x64x128xf32, #tpu.memory_space<vmem>>
      %dma_wait3A_990 = tpu.memref_squeeze %dma_wait3A_989 : memref<1x64x128xf32, #tpu.memory_space<vmem>> -> memref<64x128xf32, #tpu.memory_space<vmem>>
      %dma_wait3A_991 = arith.constant 0 : i32
      %dma_wait3A_992 = arith.constant 0 : i32
      %dma_wait3A_993 = tpu.memref_slice %arg3[%dma_wait3A_991, %dma_wait3A_992] : memref<64x1000000xf32, #tpu.memory_space<hbm>> -> memref<64x128xf32, #tpu.memory_space<hbm>>
      tpu.wait_dma2 semaphore(%arg11 : memref<!tpu.dma_semaphore, #tpu.memory_space<semaphore_mem>>) src(%dma_wait3A_993 : memref<64x128xf32, #tpu.memory_space<hbm>>) dst(%dma_wait3A_990 : memref<64x128xf32, #tpu.memory_space<vmem>>)
      %dma_wait3A_994 = arith.constant 0 : i32
      %dma_wait3A_995 = arith.constant 0 : i32
      %dma_wait3A_996 = arith.constant 0 : i32
      %dma_wait3A_997 = tpu.memref_slice %arg7[%dma_wait3A_994, %dma_wait3A_995, %dma_wait3A_996] : memref<8x64x128xf32, #tpu.memory_space<vmem>> -> memref<1x64x128xf32, #tpu.memory_space<vmem>>
      %dma_wait3A_998 = tpu.memref_squeeze %dma_wait3A_997 : memref<1x64x128xf32, #tpu.memory_space<vmem>> -> memref<64x128xf32, #tpu.memory_space<vmem>>
      %dma_wait3A_999 = arith.constant 0 : i32
      %dma_wait3A_1000 = arith.constant 0 : i32
      %dma_wait3A_1001 = tpu.memref_slice %arg3[%dma_wait3A_999, %dma_wait3A_1000] : memref<64x1000000xf32, #tpu.memory_space<hbm>> -> memref<64x128xf32, #tpu.memory_space<hbm>>
      %dma_wait3A_1002 = arith.constant 0 : i32
      %dma_wait3A_1003 = arith.constant 0 : i32
      %dma_wait3A_1004 = tpu.memref_slice %arg7[%dma_wait3A_994, %dma_wait3A_1002, %dma_wait3A_1003] : memref<8x64x128xf32, #tpu.memory_space<vmem>> -> memref<1x64x128xf32, #tpu.memory_space<vmem>>
      %dma_wait3A_1005 = tpu.memref_squeeze %dma_wait3A_1004 : memref<1x64x128xf32, #tpu.memory_space<vmem>> -> memref<64x128xf32, #tpu.memory_space<vmem>>
      %dma_wait3A_1006 = arith.constant 0 : i32
      %dma_wait3A_1007 = arith.constant 0 : i32
      %dma_wait3A_1008 = tpu.memref_slice %arg3[%dma_wait3A_1006, %dma_wait3A_1007] : memref<64x1000000xf32, #tpu.memory_space<hbm>> -> memref<64x128xf32, #tpu.memory_space<hbm>>
      tpu.wait_dma2 semaphore(%arg11 : memref<!tpu.dma_semaphore, #tpu.memory_space<semaphore_mem>>) src(%dma_wait3A_1008 : memref<64x128xf32, #tpu.memory_space<hbm>>) dst(%dma_wait3A_1005 : memref<64x128xf32, #tpu.memory_space<vmem>>)
      %dma_wait3A_1009 = arith.constant 0 : i32
      %dma_wait3A_1010 = arith.constant 0 : i32
      %dma_wait3A_1011 = arith.constant 0 : i32
      %dma_wait3A_1012 = tpu.memref_slice %arg7[%dma_wait3A_1009, %dma_wait3A_1010, %dma_wait3A_1011] : memref<8x64x128xf32, #tpu.memory_space<vmem>> -> memref<1x64x128xf32, #tpu.memory_space<vmem>>
      %dma_wait3A_1013 = tpu.memref_squeeze %dma_wait3A_1012 : memref<1x64x128xf32, #tpu.memory_space<vmem>> -> memref<64x128xf32, #tpu.memory_space<vmem>>
      %dma_wait3A_1014 = arith.constant 0 : i32
      %dma_wait3A_1015 = arith.constant 0 : i32
      %dma_wait3A_1016 = tpu.memref_slice %arg3[%dma_wait3A_1014, %dma_wait3A_1015] : memref<64x1000000xf32, #tpu.memory_space<hbm>> -> memref<64x128xf32, #tpu.memory_space<hbm>>
      %dma_wait3A_1017 = arith.constant 0 : i32
      %dma_wait3A_1018 = arith.constant 0 : i32
      %dma_wait3A_1019 = tpu.memref_slice %arg7[%dma_wait3A_1009, %dma_wait3A_1017, %dma_wait3A_1018] : memref<8x64x128xf32, #tpu.memory_space<vmem>> -> memref<1x64x128xf32, #tpu.memory_space<vmem>>
      %dma_wait3A_1020 = tpu.memref_squeeze %dma_wait3A_1019 : memref<1x64x128xf32, #tpu.memory_space<vmem>> -> memref<64x128xf32, #tpu.memory_space<vmem>>
      %dma_wait3A_1021 = arith.constant 0 : i32
      %dma_wait3A_1022 = arith.constant 0 : i32
      %dma_wait3A_1023 = tpu.memref_slice %arg3[%dma_wait3A_1021, %dma_wait3A_1022] : memref<64x1000000xf32, #tpu.memory_space<hbm>> -> memref<64x128xf32, #tpu.memory_space<hbm>>
      tpu.wait_dma2 semaphore(%arg11 : memref<!tpu.dma_semaphore, #tpu.memory_space<semaphore_mem>>) src(%dma_wait3A_1023 : memref<64x128xf32, #tpu.memory_space<hbm>>) dst(%dma_wait3A_1020 : memref<64x128xf32, #tpu.memory_space<vmem>>)
      %slice3A_1024 = vector.extract_strided_slice %get3A_959 {offsets = [0], sizes = [1], strides = [1]} : vector<16xi32> to vector<1xi32>
      %squeeze3A_1025 = vector.extract %slice3A_1024[0] : i32 from vector<1xi32>
      %shift_right_logical3A_1026 = arith.constant 7 : i32
      %shift_right_logical3A_1027 = arith.shrui %squeeze3A_1025, %shift_right_logical3A_1026 : i32
      %min3A_1028 = arith.constant 7811 : i32
      %min3A_1029 = arith.minsi %shift_right_logical3A_1027, %min3A_1028 : i32
      %mul3A_1030 = arith.constant 128 : i32
      %mul3A_1031 = arith.muli %min3A_1029, %mul3A_1030 : i32
      %multiple_of3A_1032 = tpu.assume_multiple %mul3A_1031, 128 : i32
      %sub3A = arith.subi %squeeze3A_1025, %multiple_of3A_1032 : i32
      %min3A_1033 = arith.constant 127 : i32
      %min3A_1034 = arith.minsi %sub3A, %min3A_1033 : i32
      %broadcast_in_dim3A = vector.broadcast %min3A_1034 : i32 to vector<16xi32>
      %add3A_1035 = arith.constant 0 : i32
      %add3A_1036 = vector.broadcast %add3A_1035 : i32 to vector<16xi32>
      %add3A_1037 = arith.addi %add3A_1036, %iota3A : vector<16xi32>
      %gather3A_1038 = arith.constant 0 : i32
      %gather3A_1039 = arith.constant 0 : i32
      %gather3A_1040 = arith.constant 0 : i32
      %gather3A_1041 = tpu.memref_slice %arg7[%gather3A_1038, %gather3A_1039, %gather3A_1040] : memref<8x64x128xf32, #tpu.memory_space<vmem>> -> memref<1x64x128xf32, #tpu.memory_space<vmem>>
      %gather3A_1042 = tpu.memref_squeeze %gather3A_1041 : memref<1x64x128xf32, #tpu.memory_space<vmem>> -> memref<64x128xf32, #tpu.memory_space<vmem>>
      %gather3A_1043 = tpu.vector_load_idx %gather3A_1042[%add3A_1037, %broadcast_in_dim3A] : memref<64x128xf32, #tpu.memory_space<vmem>>[vector<16xi32>, vector<16xi32>], vector<16xf32>,
      %mul3A_1044 = arith.mulf %gather3A_1043, %get3A_3 : vector<16xf32>
      %add3A_1045 = arith.constant 16 : i32
      %add3A_1046 = vector.broadcast %add3A_1045 : i32 to vector<16xi32>
      %add3A_1047 = arith.addi %add3A_1046, %iota3A : vector<16xi32>
      %gather3A_1048 = arith.constant 0 : i32
      %gather3A_1049 = arith.constant 0 : i32
      %gather3A_1050 = arith.constant 0 : i32
      %gather3A_1051 = tpu.memref_slice %arg7[%gather3A_1048, %gather3A_1049, %gather3A_1050] : memref<8x64x128xf32, #tpu.memory_space<vmem>> -> memref<1x64x128xf32, #tpu.memory_space<vmem>>
      %gather3A_1052 = tpu.memref_squeeze %gather3A_1051 : memref<1x64x128xf32, #tpu.memory_space<vmem>> -> memref<64x128xf32, #tpu.memory_space<vmem>>
      %gather3A_1053 = tpu.vector_load_idx %gather3A_1052[%add3A_1047, %broadcast_in_dim3A] : memref<64x128xf32, #tpu.memory_space<vmem>>[vector<16xi32>, vector<16xi32>], vector<16xf32>,
      %mul3A_1054 = arith.mulf %gather3A_1053, %get3A_5 : vector<16xf32>
      %add3A_1055 = arith.addf %mul3A_1044, %mul3A_1054 : vector<16xf32>
      %add3A_1056 = arith.constant 32 : i32
      %add3A_1057 = vector.broadcast %add3A_1056 : i32 to vector<16xi32>
      %add3A_1058 = arith.addi %add3A_1057, %iota3A : vector<16xi32>
      %gather3A_1059 = arith.constant 0 : i32
      %gather3A_1060 = arith.constant 0 : i32
      %gather3A_1061 = arith.constant 0 : i32
      %gather3A_1062 = tpu.memref_slice %arg7[%gather3A_1059, %gather3A_1060, %gather3A_1061] : memref<8x64x128xf32, #tpu.memory_space<vmem>> -> memref<1x64x128xf32, #tpu.memory_space<vmem>>
      %gather3A_1063 = tpu.memref_squeeze %gather3A_1062 : memref<1x64x128xf32, #tpu.memory_space<vmem>> -> memref<64x128xf32, #tpu.memory_space<vmem>>
      %gather3A_1064 = tpu.vector_load_idx %gather3A_1063[%add3A_1058, %broadcast_in_dim3A] : memref<64x128xf32, #tpu.memory_space<vmem>>[vector<16xi32>, vector<16xi32>], vector<16xf32>,
      %mul3A_1065 = arith.mulf %gather3A_1064, %get3A_7 : vector<16xf32>
      %add3A_1066 = arith.addf %add3A_1055, %mul3A_1065 : vector<16xf32>
      %add3A_1067 = arith.constant 48 : i32
      %add3A_1068 = vector.broadcast %add3A_1067 : i32 to vector<16xi32>
      %add3A_1069 = arith.addi %add3A_1068, %iota3A : vector<16xi32>
      %gather3A_1070 = arith.constant 0 : i32
      %gather3A_1071 = arith.constant 0 : i32
      %gather3A_1072 = arith.constant 0 : i32
      %gather3A_1073 = tpu.memref_slice %arg7[%gather3A_1070, %gather3A_1071, %gather3A_1072] : memref<8x64x128xf32, #tpu.memory_space<vmem>> -> memref<1x64x128xf32, #tpu.memory_space<vmem>>
      %gather3A_1074 = tpu.memref_squeeze %gather3A_1073 : memref<1x64x128xf32, #tpu.memory_space<vmem>> -> memref<64x128xf32, #tpu.memory_space<vmem>>
      %gather3A_1075 = tpu.vector_load_idx %gather3A_1074[%add3A_1069, %broadcast_in_dim3A] : memref<64x128xf32, #tpu.memory_space<vmem>>[vector<16xi32>, vector<16xi32>], vector<16xf32>,
      %mul3A_1076 = arith.mulf %gather3A_1075, %get3A_9 : vector<16xf32>
      %add3A_1077 = arith.addf %add3A_1066, %mul3A_1076 : vector<16xf32>
      %add3A_1078 = arith.constant 0 : i32
      %add3A_1079 = arith.addi %mul3A_957, %add3A_1078 : i32
      %add3A_1080 = arith.constant 0 : i32
      %add3A_1081 = arith.addi %add3A_1079, %add3A_1080 : i32
      %mul3A_1082 = arith.constant 16 : i32
      %mul3A_1083 = arith.muli %add3A_1081, %mul3A_1082 : i32
      %swap3A_1084 = arith.index_cast %mul3A_1083 : i32 to index
      %swap3A_1085 = tpu.vector_load %arg9[%swap3A_1084] {strides = array<i32>} : memref<2048xf32, #tpu.memory_space<vmem>>, vector<16xf32>,
      tpu.vector_store %arg9[%swap3A_1084], %add3A_1077 {strides = array<i32>} : memref<2048xf32, #tpu.memory_space<vmem>>, vector<16xf32>,
      %slice3A_1086 = vector.extract_strided_slice %get3A_959 {offsets = [1], sizes = [1], strides = [1]} : vector<16xi32> to vector<1xi32>
      %squeeze3A_1087 = vector.extract %slice3A_1086[0] : i32 from vector<1xi32>
      %shift_right_logical3A_1088 = arith.constant 7 : i32
      %shift_right_logical3A_1089 = arith.shrui %squeeze3A_1087, %shift_right_logical3A_1088 : i32
      %min3A_1090 = arith.constant 7811 : i32
      %min3A_1091 = arith.minsi %shift_right_logical3A_1089, %min3A_1090 : i32
      %mul3A_1092 = arith.constant 128 : i32
      %mul3A_1093 = arith.muli %min3A_1091, %mul3A_1092 : i32
      %multiple_of3A_1094 = tpu.assume_multiple %mul3A_1093, 128 : i32
      %sub3A_1095 = arith.subi %squeeze3A_1087, %multiple_of3A_1094 : i32
      %min3A_1096 = arith.constant 127 : i32
      %min3A_1097 = arith.minsi %sub3A_1095, %min3A_1096 : i32
      %broadcast_in_dim3A_1098 = vector.broadcast %min3A_1097 : i32 to vector<16xi32>
      %add3A_1099 = arith.constant 0 : i32
      %add3A_1100 = vector.broadcast %add3A_1099 : i32 to vector<16xi32>
      %add3A_1101 = arith.addi %add3A_1100, %iota3A : vector<16xi32>
      %gather3A_1102 = arith.constant 1 : i32
      %gather3A_1103 = arith.constant 0 : i32
      %gather3A_1104 = arith.constant 0 : i32
      %gather3A_1105 = tpu.memref_slice %arg7[%gather3A_1102, %gather3A_1103, %gather3A_1104] : memref<8x64x128xf32, #tpu.memory_space<vmem>> -> memref<1x64x128xf32, #tpu.memory_space<vmem>>
      %gather3A_1106 = tpu.memref_squeeze %gather3A_1105 : memref<1x64x128xf32, #tpu.memory_space<vmem>> -> memref<64x128xf32, #tpu.memory_space<vmem>>
      %gather3A_1107 = tpu.vector_load_idx %gather3A_1106[%add3A_1101, %broadcast_in_dim3A_1098] : memref<64x128xf32, #tpu.memory_space<vmem>>[vector<16xi32>, vector<16xi32>], vector<16xf32>,
      %mul3A_1108 = arith.mulf %gather3A_1107, %get3A_3 : vector<16xf32>
      %add3A_1109 = arith.constant 16 : i32
      %add3A_1110 = vector.broadcast %add3A_1109 : i32 to vector<16xi32>
      %add3A_1111 = arith.addi %add3A_1110, %iota3A : vector<16xi32>
      %gather3A_1112 = arith.constant 1 : i32
      %gather3A_1113 = arith.constant 0 : i32
      %gather3A_1114 = arith.constant 0 : i32
      %gather3A_1115 = tpu.memref_slice %arg7[%gather3A_1112, %gather3A_1113, %gather3A_1114] : memref<8x64x128xf32, #tpu.memory_space<vmem>> -> memref<1x64x128xf32, #tpu.memory_space<vmem>>
      %gather3A_1116 = tpu.memref_squeeze %gather3A_1115 : memref<1x64x128xf32, #tpu.memory_space<vmem>> -> memref<64x128xf32, #tpu.memory_space<vmem>>
      %gather3A_1117 = tpu.vector_load_idx %gather3A_1116[%add3A_1111, %broadcast_in_dim3A_1098] : memref<64x128xf32, #tpu.memory_space<vmem>>[vector<16xi32>, vector<16xi32>], vector<16xf32>,
      %mul3A_1118 = arith.mulf %gather3A_1117, %get3A_5 : vector<16xf32>
      %add3A_1119 = arith.addf %mul3A_1108, %mul3A_1118 : vector<16xf32>
      %add3A_1120 = arith.constant 32 : i32
      %add3A_1121 = vector.broadcast %add3A_1120 : i32 to vector<16xi32>
      %add3A_1122 = arith.addi %add3A_1121, %iota3A : vector<16xi32>
      %gather3A_1123 = arith.constant 1 : i32
      %gather3A_1124 = arith.constant 0 : i32
      %gather3A_1125 = arith.constant 0 : i32
      %gather3A_1126 = tpu.memref_slice %arg7[%gather3A_1123, %gather3A_1124, %gather3A_1125] : memref<8x64x128xf32, #tpu.memory_space<vmem>> -> memref<1x64x128xf32, #tpu.memory_space<vmem>>
      %gather3A_1127 = tpu.memref_squeeze %gather3A_1126 : memref<1x64x128xf32, #tpu.memory_space<vmem>> -> memref<64x128xf32, #tpu.memory_space<vmem>>
      %gather3A_1128 = tpu.vector_load_idx %gather3A_1127[%add3A_1122, %broadcast_in_dim3A_1098] : memref<64x128xf32, #tpu.memory_space<vmem>>[vector<16xi32>, vector<16xi32>], vector<16xf32>,
      %mul3A_1129 = arith.mulf %gather3A_1128, %get3A_7 : vector<16xf32>
      %add3A_1130 = arith.addf %add3A_1119, %mul3A_1129 : vector<16xf32>
      %add3A_1131 = arith.constant 48 : i32
      %add3A_1132 = vector.broadcast %add3A_1131 : i32 to vector<16xi32>
      %add3A_1133 = arith.addi %add3A_1132, %iota3A : vector<16xi32>
      %gather3A_1134 = arith.constant 1 : i32
      %gather3A_1135 = arith.constant 0 : i32
      %gather3A_1136 = arith.constant 0 : i32
      %gather3A_1137 = tpu.memref_slice %arg7[%gather3A_1134, %gather3A_1135, %gather3A_1136] : memref<8x64x128xf32, #tpu.memory_space<vmem>> -> memref<1x64x128xf32, #tpu.memory_space<vmem>>
      %gather3A_1138 = tpu.memref_squeeze %gather3A_1137 : memref<1x64x128xf32, #tpu.memory_space<vmem>> -> memref<64x128xf32, #tpu.memory_space<vmem>>
      %gather3A_1139 = tpu.vector_load_idx %gather3A_1138[%add3A_1133, %broadcast_in_dim3A_1098] : memref<64x128xf32, #tpu.memory_space<vmem>>[vector<16xi32>, vector<16xi32>], vector<16xf32>,
      %mul3A_1140 = arith.mulf %gather3A_1139, %get3A_9 : vector<16xf32>
      %add3A_1141 = arith.addf %add3A_1130, %mul3A_1140 : vector<16xf32>
      %add3A_1142 = arith.constant 0 : i32
      %add3A_1143 = arith.addi %mul3A_957, %add3A_1142 : i32
      %add3A_1144 = arith.constant 1 : i32
      %add3A_1145 = arith.addi %add3A_1143, %add3A_1144 : i32
      %mul3A_1146 = arith.constant 16 : i32
      %mul3A_1147 = arith.muli %add3A_1145, %mul3A_1146 : i32
      %swap3A_1148 = arith.index_cast %mul3A_1147 : i32 to index
      %swap3A_1149 = tpu.vector_load %arg9[%swap3A_1148] {strides = array<i32>} : memref<2048xf32, #tpu.memory_space<vmem>>, vector<16xf32>,
      tpu.vector_store %arg9[%swap3A_1148], %add3A_1141 {strides = array<i32>} : memref<2048xf32, #tpu.memory_space<vmem>>, vector<16xf32>,
      %slice3A_1150 = vector.extract_strided_slice %get3A_959 {offsets = [2], sizes = [1], strides = [1]} : vector<16xi32> to vector<1xi32>
      %squeeze3A_1151 = vector.extract %slice3A_1150[0] : i32 from vector<1xi32>
      %shift_right_logical3A_1152 = arith.constant 7 : i32
      %shift_right_logical3A_1153 = arith.shrui %squeeze3A_1151, %shift_right_logical3A_1152 : i32
      %min3A_1154 = arith.constant 7811 : i32
      %min3A_1155 = arith.minsi %shift_right_logical3A_1153, %min3A_1154 : i32
      %mul3A_1156 = arith.constant 128 : i32
      %mul3A_1157 = arith.muli %min3A_1155, %mul3A_1156 : i32
      %multiple_of3A_1158 = tpu.assume_multiple %mul3A_1157, 128 : i32
      %sub3A_1159 = arith.subi %squeeze3A_1151, %multiple_of3A_1158 : i32
      %min3A_1160 = arith.constant 127 : i32
      %min3A_1161 = arith.minsi %sub3A_1159, %min3A_1160 : i32
      %broadcast_in_dim3A_1162 = vector.broadcast %min3A_1161 : i32 to vector<16xi32>
      %add3A_1163 = arith.constant 0 : i32
      %add3A_1164 = vector.broadcast %add3A_1163 : i32 to vector<16xi32>
      %add3A_1165 = arith.addi %add3A_1164, %iota3A : vector<16xi32>
      %gather3A_1166 = arith.constant 2 : i32
      %gather3A_1167 = arith.constant 0 : i32
      %gather3A_1168 = arith.constant 0 : i32
      %gather3A_1169 = tpu.memref_slice %arg7[%gather3A_1166, %gather3A_1167, %gather3A_1168] : memref<8x64x128xf32, #tpu.memory_space<vmem>> -> memref<1x64x128xf32, #tpu.memory_space<vmem>>
      %gather3A_1170 = tpu.memref_squeeze %gather3A_1169 : memref<1x64x128xf32, #tpu.memory_space<vmem>> -> memref<64x128xf32, #tpu.memory_space<vmem>>
      %gather3A_1171 = tpu.vector_load_idx %gather3A_1170[%add3A_1165, %broadcast_in_dim3A_1162] : memref<64x128xf32, #tpu.memory_space<vmem>>[vector<16xi32>, vector<16xi32>], vector<16xf32>,
      %mul3A_1172 = arith.mulf %gather3A_1171, %get3A_3 : vector<16xf32>
      %add3A_1173 = arith.constant 16 : i32
      %add3A_1174 = vector.broadcast %add3A_1173 : i32 to vector<16xi32>
      %add3A_1175 = arith.addi %add3A_1174, %iota3A : vector<16xi32>
      %gather3A_1176 = arith.constant 2 : i32
      %gather3A_1177 = arith.constant 0 : i32
      %gather3A_1178 = arith.constant 0 : i32
      %gather3A_1179 = tpu.memref_slice %arg7[%gather3A_1176, %gather3A_1177, %gather3A_1178] : memref<8x64x128xf32, #tpu.memory_space<vmem>> -> memref<1x64x128xf32, #tpu.memory_space<vmem>>
      %gather3A_1180 = tpu.memref_squeeze %gather3A_1179 : memref<1x64x128xf32, #tpu.memory_space<vmem>> -> memref<64x128xf32, #tpu.memory_space<vmem>>
      %gather3A_1181 = tpu.vector_load_idx %gather3A_1180[%add3A_1175, %broadcast_in_dim3A_1162] : memref<64x128xf32, #tpu.memory_space<vmem>>[vector<16xi32>, vector<16xi32>], vector<16xf32>,
      %mul3A_1182 = arith.mulf %gather3A_1181, %get3A_5 : vector<16xf32>
      %add3A_1183 = arith.addf %mul3A_1172, %mul3A_1182 : vector<16xf32>
      %add3A_1184 = arith.constant 32 : i32
      %add3A_1185 = vector.broadcast %add3A_1184 : i32 to vector<16xi32>
      %add3A_1186 = arith.addi %add3A_1185, %iota3A : vector<16xi32>
      %gather3A_1187 = arith.constant 2 : i32
      %gather3A_1188 = arith.constant 0 : i32
      %gather3A_1189 = arith.constant 0 : i32
      %gather3A_1190 = tpu.memref_slice %arg7[%gather3A_1187, %gather3A_1188, %gather3A_1189] : memref<8x64x128xf32, #tpu.memory_space<vmem>> -> memref<1x64x128xf32, #tpu.memory_space<vmem>>
      %gather3A_1191 = tpu.memref_squeeze %gather3A_1190 : memref<1x64x128xf32, #tpu.memory_space<vmem>> -> memref<64x128xf32, #tpu.memory_space<vmem>>
      %gather3A_1192 = tpu.vector_load_idx %gather3A_1191[%add3A_1186, %broadcast_in_dim3A_1162] : memref<64x128xf32, #tpu.memory_space<vmem>>[vector<16xi32>, vector<16xi32>], vector<16xf32>,
      %mul3A_1193 = arith.mulf %gather3A_1192, %get3A_7 : vector<16xf32>
      %add3A_1194 = arith.addf %add3A_1183, %mul3A_1193 : vector<16xf32>
      %add3A_1195 = arith.constant 48 : i32
      %add3A_1196 = vector.broadcast %add3A_1195 : i32 to vector<16xi32>
      %add3A_1197 = arith.addi %add3A_1196, %iota3A : vector<16xi32>
      %gather3A_1198 = arith.constant 2 : i32
      %gather3A_1199 = arith.constant 0 : i32
      %gather3A_1200 = arith.constant 0 : i32
      %gather3A_1201 = tpu.memref_slice %arg7[%gather3A_1198, %gather3A_1199, %gather3A_1200] : memref<8x64x128xf32, #tpu.memory_space<vmem>> -> memref<1x64x128xf32, #tpu.memory_space<vmem>>
      %gather3A_1202 = tpu.memref_squeeze %gather3A_1201 : memref<1x64x128xf32, #tpu.memory_space<vmem>> -> memref<64x128xf32, #tpu.memory_space<vmem>>
      %gather3A_1203 = tpu.vector_load_idx %gather3A_1202[%add3A_1197, %broadcast_in_dim3A_1162] : memref<64x128xf32, #tpu.memory_space<vmem>>[vector<16xi32>, vector<16xi32>], vector<16xf32>,
      %mul3A_1204 = arith.mulf %gather3A_1203, %get3A_9 : vector<16xf32>
      %add3A_1205 = arith.addf %add3A_1194, %mul3A_1204 : vector<16xf32>
      %add3A_1206 = arith.constant 0 : i32
      %add3A_1207 = arith.addi %mul3A_957, %add3A_1206 : i32
      %add3A_1208 = arith.constant 2 : i32
      %add3A_1209 = arith.addi %add3A_1207, %add3A_1208 : i32
      %mul3A_1210 = arith.constant 16 : i32
      %mul3A_1211 = arith.muli %add3A_1209, %mul3A_1210 : i32
      %swap3A_1212 = arith.index_cast %mul3A_1211 : i32 to index
      %swap3A_1213 = tpu.vector_load %arg9[%swap3A_1212] {strides = array<i32>} : memref<2048xf32, #tpu.memory_space<vmem>>, vector<16xf32>,
      tpu.vector_store %arg9[%swap3A_1212], %add3A_1205 {strides = array<i32>} : memref<2048xf32, #tpu.memory_space<vmem>>, vector<16xf32>,
      %slice3A_1214 = vector.extract_strided_slice %get3A_959 {offsets = [3], sizes = [1], strides = [1]} : vector<16xi32> to vector<1xi32>
      %squeeze3A_1215 = vector.extract %slice3A_1214[0] : i32 from vector<1xi32>
      %shift_right_logical3A_1216 = arith.constant 7 : i32
      %shift_right_logical3A_1217 = arith.shrui %squeeze3A_1215, %shift_right_logical3A_1216 : i32
      %min3A_1218 = arith.constant 7811 : i32
      %min3A_1219 = arith.minsi %shift_right_logical3A_1217, %min3A_1218 : i32
      %mul3A_1220 = arith.constant 128 : i32
      %mul3A_1221 = arith.muli %min3A_1219, %mul3A_1220 : i32
      %multiple_of3A_1222 = tpu.assume_multiple %mul3A_1221, 128 : i32
      %sub3A_1223 = arith.subi %squeeze3A_1215, %multiple_of3A_1222 : i32
      %min3A_1224 = arith.constant 127 : i32
      %min3A_1225 = arith.minsi %sub3A_1223, %min3A_1224 : i32
      %broadcast_in_dim3A_1226 = vector.broadcast %min3A_1225 : i32 to vector<16xi32>
      %add3A_1227 = arith.constant 0 : i32
      %add3A_1228 = vector.broadcast %add3A_1227 : i32 to vector<16xi32>
      %add3A_1229 = arith.addi %add3A_1228, %iota3A : vector<16xi32>
      %gather3A_1230 = arith.constant 3 : i32
      %gather3A_1231 = arith.constant 0 : i32
      %gather3A_1232 = arith.constant 0 : i32
      %gather3A_1233 = tpu.memref_slice %arg7[%gather3A_1230, %gather3A_1231, %gather3A_1232] : memref<8x64x128xf32, #tpu.memory_space<vmem>> -> memref<1x64x128xf32, #tpu.memory_space<vmem>>
      %gather3A_1234 = tpu.memref_squeeze %gather3A_1233 : memref<1x64x128xf32, #tpu.memory_space<vmem>> -> memref<64x128xf32, #tpu.memory_space<vmem>>
      %gather3A_1235 = tpu.vector_load_idx %gather3A_1234[%add3A_1229, %broadcast_in_dim3A_1226] : memref<64x128xf32, #tpu.memory_space<vmem>>[vector<16xi32>, vector<16xi32>], vector<16xf32>,
      %mul3A_1236 = arith.mulf %gather3A_1235, %get3A_3 : vector<16xf32>
      %add3A_1237 = arith.constant 16 : i32
      %add3A_1238 = vector.broadcast %add3A_1237 : i32 to vector<16xi32>
      %add3A_1239 = arith.addi %add3A_1238, %iota3A : vector<16xi32>
      %gather3A_1240 = arith.constant 3 : i32
      %gather3A_1241 = arith.constant 0 : i32
      %gather3A_1242 = arith.constant 0 : i32
      %gather3A_1243 = tpu.memref_slice %arg7[%gather3A_1240, %gather3A_1241, %gather3A_1242] : memref<8x64x128xf32, #tpu.memory_space<vmem>> -> memref<1x64x128xf32, #tpu.memory_space<vmem>>
      %gather3A_1244 = tpu.memref_squeeze %gather3A_1243 : memref<1x64x128xf32, #tpu.memory_space<vmem>> -> memref<64x128xf32, #tpu.memory_space<vmem>>
      %gather3A_1245 = tpu.vector_load_idx %gather3A_1244[%add3A_1239, %broadcast_in_dim3A_1226] : memref<64x128xf32, #tpu.memory_space<vmem>>[vector<16xi32>, vector<16xi32>], vector<16xf32>,
      %mul3A_1246 = arith.mulf %gather3A_1245, %get3A_5 : vector<16xf32>
      %add3A_1247 = arith.addf %mul3A_1236, %mul3A_1246 : vector<16xf32>
      %add3A_1248 = arith.constant 32 : i32
      %add3A_1249 = vector.broadcast %add3A_1248 : i32 to vector<16xi32>
      %add3A_1250 = arith.addi %add3A_1249, %iota3A : vector<16xi32>
      %gather3A_1251 = arith.constant 3 : i32
      %gather3A_1252 = arith.constant 0 : i32
      %gather3A_1253 = arith.constant 0 : i32
      %gather3A_1254 = tpu.memref_slice %arg7[%gather3A_1251, %gather3A_1252, %gather3A_1253] : memref<8x64x128xf32, #tpu.memory_space<vmem>> -> memref<1x64x128xf32, #tpu.memory_space<vmem>>
      %gather3A_1255 = tpu.memref_squeeze %gather3A_1254 : memref<1x64x128xf32, #tpu.memory_space<vmem>> -> memref<64x128xf32, #tpu.memory_space<vmem>>
      %gather3A_1256 = tpu.vector_load_idx %gather3A_1255[%add3A_1250, %broadcast_in_dim3A_1226] : memref<64x128xf32, #tpu.memory_space<vmem>>[vector<16xi32>, vector<16xi32>], vector<16xf32>,
      %mul3A_1257 = arith.mulf %gather3A_1256, %get3A_7 : vector<16xf32>
      %add3A_1258 = arith.addf %add3A_1247, %mul3A_1257 : vector<16xf32>
      %add3A_1259 = arith.constant 48 : i32
      %add3A_1260 = vector.broadcast %add3A_1259 : i32 to vector<16xi32>
      %add3A_1261 = arith.addi %add3A_1260, %iota3A : vector<16xi32>
      %gather3A_1262 = arith.constant 3 : i32
      %gather3A_1263 = arith.constant 0 : i32
      %gather3A_1264 = arith.constant 0 : i32
      %gather3A_1265 = tpu.memref_slice %arg7[%gather3A_1262, %gather3A_1263, %gather3A_1264] : memref<8x64x128xf32, #tpu.memory_space<vmem>> -> memref<1x64x128xf32, #tpu.memory_space<vmem>>
      %gather3A_1266 = tpu.memref_squeeze %gather3A_1265 : memref<1x64x128xf32, #tpu.memory_space<vmem>> -> memref<64x128xf32, #tpu.memory_space<vmem>>
      %gather3A_1267 = tpu.vector_load_idx %gather3A_1266[%add3A_1261, %broadcast_in_dim3A_1226] : memref<64x128xf32, #tpu.memory_space<vmem>>[vector<16xi32>, vector<16xi32>], vector<16xf32>,
      %mul3A_1268 = arith.mulf %gather3A_1267, %get3A_9 : vector<16xf32>
      %add3A_1269 = arith.addf %add3A_1258, %mul3A_1268 : vector<16xf32>
      %add3A_1270 = arith.constant 0 : i32
      %add3A_1271 = arith.addi %mul3A_957, %add3A_1270 : i32
      %add3A_1272 = arith.constant 3 : i32
      %add3A_1273 = arith.addi %add3A_1271, %add3A_1272 : i32
      %mul3A_1274 = arith.constant 16 : i32
      %mul3A_1275 = arith.muli %add3A_1273, %mul3A_1274 : i32
      %swap3A_1276 = arith.index_cast %mul3A_1275 : i32 to index
      %swap3A_1277 = tpu.vector_load %arg9[%swap3A_1276] {strides = array<i32>} : memref<2048xf32, #tpu.memory_space<vmem>>, vector<16xf32>,
      tpu.vector_store %arg9[%swap3A_1276], %add3A_1269 {strides = array<i32>} : memref<2048xf32, #tpu.memory_space<vmem>>, vector<16xf32>,
      %slice3A_1278 = vector.extract_strided_slice %get3A_959 {offsets = [8], sizes = [1], strides = [1]} : vector<16xi32> to vector<1xi32>
      %squeeze3A_1279 = vector.extract %slice3A_1278[0] : i32 from vector<1xi32>
      %shift_right_logical3A_1280 = arith.constant 7 : i32
      %shift_right_logical3A_1281 = arith.shrui %squeeze3A_1279, %shift_right_logical3A_1280 : i32
      %min3A_1282 = arith.constant 7811 : i32
      %min3A_1283 = arith.minsi %shift_right_logical3A_1281, %min3A_1282 : i32
      %mul3A_1284 = arith.constant 128 : i32
      %mul3A_1285 = arith.muli %min3A_1283, %mul3A_1284 : i32
      %multiple_of3A_1286 = tpu.assume_multiple %mul3A_1285, 128 : i32
      %dma_start3A_1287 = arith.constant 0 : i32
      %dma_start3A_1288 = arith.constant 0 : i32
      %dma_start3A_1289 = arith.constant 0 : i32
      %dma_start3A_1290 = tpu.memref_slice %arg7[%dma_start3A_1287, %dma_start3A_1288, %dma_start3A_1289] : memref<8x64x128xf32, #tpu.memory_space<vmem>> -> memref<1x64x128xf32, #tpu.memory_space<vmem>>
      %dma_start3A_1291 = tpu.memref_squeeze %dma_start3A_1290 : memref<1x64x128xf32, #tpu.memory_space<vmem>> -> memref<64x128xf32, #tpu.memory_space<vmem>>
      %dma_start3A_1292 = arith.constant 0 : i32
      %dma_start3A_1293 = tpu.memref_slice %arg3[%dma_start3A_1292, %multiple_of3A_1286] : memref<64x1000000xf32, #tpu.memory_space<hbm>> -> memref<64x128xf32, #tpu.memory_space<hbm>>
      %dma_start3A_1294 = arith.constant 0 : i32
      %dma_start3A_1295 = arith.constant 0 : i32
      %dma_start3A_1296 = tpu.memref_slice %arg7[%dma_start3A_1287, %dma_start3A_1294, %dma_start3A_1295] : memref<8x64x128xf32, #tpu.memory_space<vmem>> -> memref<1x64x128xf32, #tpu.memory_space<vmem>>
      %dma_start3A_1297 = tpu.memref_squeeze %dma_start3A_1296 : memref<1x64x128xf32, #tpu.memory_space<vmem>> -> memref<64x128xf32, #tpu.memory_space<vmem>>
      %dma_start3A_1298 = arith.constant 0 : i32
      %dma_start3A_1299 = tpu.memref_slice %arg3[%dma_start3A_1298, %multiple_of3A_1286] : memref<64x1000000xf32, #tpu.memory_space<hbm>> -> memref<64x128xf32, #tpu.memory_space<hbm>>
      tpu.enqueue_dma source(%dma_start3A_1299 : memref<64x128xf32, #tpu.memory_space<hbm>>) target(%dma_start3A_1297 : memref<64x128xf32, #tpu.memory_space<vmem>>) target_semaphore(%arg11 : memref<!tpu.dma_semaphore, #tpu.memory_space<semaphore_mem>>)
      %slice3A_1300 = vector.extract_strided_slice %get3A_959 {offsets = [9], sizes = [1], strides = [1]} : vector<16xi32> to vector<1xi32>
      %squeeze3A_1301 = vector.extract %slice3A_1300[0] : i32 from vector<1xi32>
      %shift_right_logical3A_1302 = arith.constant 7 : i32
      %shift_right_logical3A_1303 = arith.shrui %squeeze3A_1301, %shift_right_logical3A_1302 : i32
      %min3A_1304 = arith.constant 7811 : i32
      %min3A_1305 = arith.minsi %shift_right_logical3A_1303, %min3A_1304 : i32
      %mul3A_1306 = arith.constant 128 : i32
      %mul3A_1307 = arith.muli %min3A_1305, %mul3A_1306 : i32
      %multiple_of3A_1308 = tpu.assume_multiple %mul3A_1307, 128 : i32
      %dma_start3A_1309 = arith.constant 1 : i32
      %dma_start3A_1310 = arith.constant 0 : i32
      %dma_start3A_1311 = arith.constant 0 : i32
      %dma_start3A_1312 = tpu.memref_slice %arg7[%dma_start3A_1309, %dma_start3A_1310, %dma_start3A_1311] : memref<8x64x128xf32, #tpu.memory_space<vmem>> -> memref<1x64x128xf32, #tpu.memory_space<vmem>>
      %dma_start3A_1313 = tpu.memref_squeeze %dma_start3A_1312 : memref<1x64x128xf32, #tpu.memory_space<vmem>> -> memref<64x128xf32, #tpu.memory_space<vmem>>
      %dma_start3A_1314 = arith.constant 0 : i32
      %dma_start3A_1315 = tpu.memref_slice %arg3[%dma_start3A_1314, %multiple_of3A_1308] : memref<64x1000000xf32, #tpu.memory_space<hbm>> -> memref<64x128xf32, #tpu.memory_space<hbm>>
      %dma_start3A_1316 = arith.constant 0 : i32
      %dma_start3A_1317 = arith.constant 0 : i32
      %dma_start3A_1318 = tpu.memref_slice %arg7[%dma_start3A_1309, %dma_start3A_1316, %dma_start3A_1317] : memref<8x64x128xf32, #tpu.memory_space<vmem>> -> memref<1x64x128xf32, #tpu.memory_space<vmem>>
      %dma_start3A_1319 = tpu.memref_squeeze %dma_start3A_1318 : memref<1x64x128xf32, #tpu.memory_space<vmem>> -> memref<64x128xf32, #tpu.memory_space<vmem>>
      %dma_start3A_1320 = arith.constant 0 : i32
      %dma_start3A_1321 = tpu.memref_slice %arg3[%dma_start3A_1320, %multiple_of3A_1308] : memref<64x1000000xf32, #tpu.memory_space<hbm>> -> memref<64x128xf32, #tpu.memory_space<hbm>>
      tpu.enqueue_dma source(%dma_start3A_1321 : memref<64x128xf32, #tpu.memory_space<hbm>>) target(%dma_start3A_1319 : memref<64x128xf32, #tpu.memory_space<vmem>>) target_semaphore(%arg11 : memref<!tpu.dma_semaphore, #tpu.memory_space<semaphore_mem>>)
      %slice3A_1322 = vector.extract_strided_slice %get3A_959 {offsets = [10], sizes = [1], strides = [1]} : vector<16xi32> to vector<1xi32>
      %squeeze3A_1323 = vector.extract %slice3A_1322[0] : i32 from vector<1xi32>
      %shift_right_logical3A_1324 = arith.constant 7 : i32
      %shift_right_logical3A_1325 = arith.shrui %squeeze3A_1323, %shift_right_logical3A_1324 : i32
      %min3A_1326 = arith.constant 7811 : i32
      %min3A_1327 = arith.minsi %shift_right_logical3A_1325, %min3A_1326 : i32
      %mul3A_1328 = arith.constant 128 : i32
      %mul3A_1329 = arith.muli %min3A_1327, %mul3A_1328 : i32
      %multiple_of3A_1330 = tpu.assume_multiple %mul3A_1329, 128 : i32
      %dma_start3A_1331 = arith.constant 2 : i32
      %dma_start3A_1332 = arith.constant 0 : i32
      %dma_start3A_1333 = arith.constant 0 : i32
      %dma_start3A_1334 = tpu.memref_slice %arg7[%dma_start3A_1331, %dma_start3A_1332, %dma_start3A_1333] : memref<8x64x128xf32, #tpu.memory_space<vmem>> -> memref<1x64x128xf32, #tpu.memory_space<vmem>>
      %dma_start3A_1335 = tpu.memref_squeeze %dma_start3A_1334 : memref<1x64x128xf32, #tpu.memory_space<vmem>> -> memref<64x128xf32, #tpu.memory_space<vmem>>
      %dma_start3A_1336 = arith.constant 0 : i32
      %dma_start3A_1337 = tpu.memref_slice %arg3[%dma_start3A_1336, %multiple_of3A_1330] : memref<64x1000000xf32, #tpu.memory_space<hbm>> -> memref<64x128xf32, #tpu.memory_space<hbm>>
      %dma_start3A_1338 = arith.constant 0 : i32
      %dma_start3A_1339 = arith.constant 0 : i32
      %dma_start3A_1340 = tpu.memref_slice %arg7[%dma_start3A_1331, %dma_start3A_1338, %dma_start3A_1339] : memref<8x64x128xf32, #tpu.memory_space<vmem>> -> memref<1x64x128xf32, #tpu.memory_space<vmem>>
      %dma_start3A_1341 = tpu.memref_squeeze %dma_start3A_1340 : memref<1x64x128xf32, #tpu.memory_space<vmem>> -> memref<64x128xf32, #tpu.memory_space<vmem>>
      %dma_start3A_1342 = arith.constant 0 : i32
      %dma_start3A_1343 = tpu.memref_slice %arg3[%dma_start3A_1342, %multiple_of3A_1330] : memref<64x1000000xf32, #tpu.memory_space<hbm>> -> memref<64x128xf32, #tpu.memory_space<hbm>>
      tpu.enqueue_dma source(%dma_start3A_1343 : memref<64x128xf32, #tpu.memory_space<hbm>>) target(%dma_start3A_1341 : memref<64x128xf32, #tpu.memory_space<vmem>>) target_semaphore(%arg11 : memref<!tpu.dma_semaphore, #tpu.memory_space<semaphore_mem>>)
      %slice3A_1344 = vector.extract_strided_slice %get3A_959 {offsets = [11], sizes = [1], strides = [1]} : vector<16xi32> to vector<1xi32>
      %squeeze3A_1345 = vector.extract %slice3A_1344[0] : i32 from vector<1xi32>
      %shift_right_logical3A_1346 = arith.constant 7 : i32
      %shift_right_logical3A_1347 = arith.shrui %squeeze3A_1345, %shift_right_logical3A_1346 : i32
      %min3A_1348 = arith.constant 7811 : i32
      %min3A_1349 = arith.minsi %shift_right_logical3A_1347, %min3A_1348 : i32
      %mul3A_1350 = arith.constant 128 : i32
      %mul3A_1351 = arith.muli %min3A_1349, %mul3A_1350 : i32
      %multiple_of3A_1352 = tpu.assume_multiple %mul3A_1351, 128 : i32
      %dma_start3A_1353 = arith.constant 3 : i32
      %dma_start3A_1354 = arith.constant 0 : i32
      %dma_start3A_1355 = arith.constant 0 : i32
      %dma_start3A_1356 = tpu.memref_slice %arg7[%dma_start3A_1353, %dma_start3A_1354, %dma_start3A_1355] : memref<8x64x128xf32, #tpu.memory_space<vmem>> -> memref<1x64x128xf32, #tpu.memory_space<vmem>>
      %dma_start3A_1357 = tpu.memref_squeeze %dma_start3A_1356 : memref<1x64x128xf32, #tpu.memory_space<vmem>> -> memref<64x128xf32, #tpu.memory_space<vmem>>
      %dma_start3A_1358 = arith.constant 0 : i32
      %dma_start3A_1359 = tpu.memref_slice %arg3[%dma_start3A_1358, %multiple_of3A_1352] : memref<64x1000000xf32, #tpu.memory_space<hbm>> -> memref<64x128xf32, #tpu.memory_space<hbm>>
      %dma_start3A_1360 = arith.constant 0 : i32
      %dma_start3A_1361 = arith.constant 0 : i32
      %dma_start3A_1362 = tpu.memref_slice %arg7[%dma_start3A_1353, %dma_start3A_1360, %dma_start3A_1361] : memref<8x64x128xf32, #tpu.memory_space<vmem>> -> memref<1x64x128xf32, #tpu.memory_space<vmem>>
      %dma_start3A_1363 = tpu.memref_squeeze %dma_start3A_1362 : memref<1x64x128xf32, #tpu.memory_space<vmem>> -> memref<64x128xf32, #tpu.memory_space<vmem>>
      %dma_start3A_1364 = arith.constant 0 : i32
      %dma_start3A_1365 = tpu.memref_slice %arg3[%dma_start3A_1364, %multiple_of3A_1352] : memref<64x1000000xf32, #tpu.memory_space<hbm>> -> memref<64x128xf32, #tpu.memory_space<hbm>>
      tpu.enqueue_dma source(%dma_start3A_1365 : memref<64x128xf32, #tpu.memory_space<hbm>>) target(%dma_start3A_1363 : memref<64x128xf32, #tpu.memory_space<vmem>>) target_semaphore(%arg11 : memref<!tpu.dma_semaphore, #tpu.memory_space<semaphore_mem>>)
      %dma_wait3A_1366 = arith.constant 0 : i32
      %dma_wait3A_1367 = arith.constant 0 : i32
      %dma_wait3A_1368 = arith.constant 0 : i32
      %dma_wait3A_1369 = tpu.memref_slice %arg7[%dma_wait3A_1366, %dma_wait3A_1367, %dma_wait3A_1368] : memref<8x64x128xf32, #tpu.memory_space<vmem>> -> memref<1x64x128xf32, #tpu.memory_space<vmem>>
      %dma_wait3A_1370 = tpu.memref_squeeze %dma_wait3A_1369 : memref<1x64x128xf32, #tpu.memory_space<vmem>> -> memref<64x128xf32, #tpu.memory_space<vmem>>
      %dma_wait3A_1371 = arith.constant 0 : i32
      %dma_wait3A_1372 = arith.constant 0 : i32
      %dma_wait3A_1373 = tpu.memref_slice %arg3[%dma_wait3A_1371, %dma_wait3A_1372] : memref<64x1000000xf32, #tpu.memory_space<hbm>> -> memref<64x128xf32, #tpu.memory_space<hbm>>
      %dma_wait3A_1374 = arith.constant 0 : i32
      %dma_wait3A_1375 = arith.constant 0 : i32
      %dma_wait3A_1376 = tpu.memref_slice %arg7[%dma_wait3A_1366, %dma_wait3A_1374, %dma_wait3A_1375] : memref<8x64x128xf32, #tpu.memory_space<vmem>> -> memref<1x64x128xf32, #tpu.memory_space<vmem>>
      %dma_wait3A_1377 = tpu.memref_squeeze %dma_wait3A_1376 : memref<1x64x128xf32, #tpu.memory_space<vmem>> -> memref<64x128xf32, #tpu.memory_space<vmem>>
      %dma_wait3A_1378 = arith.constant 0 : i32
      %dma_wait3A_1379 = arith.constant 0 : i32
      %dma_wait3A_1380 = tpu.memref_slice %arg3[%dma_wait3A_1378, %dma_wait3A_1379] : memref<64x1000000xf32, #tpu.memory_space<hbm>> -> memref<64x128xf32, #tpu.memory_space<hbm>>
      tpu.wait_dma2 semaphore(%arg12 : memref<!tpu.dma_semaphore, #tpu.memory_space<semaphore_mem>>) src(%dma_wait3A_1380 : memref<64x128xf32, #tpu.memory_space<hbm>>) dst(%dma_wait3A_1377 : memref<64x128xf32, #tpu.memory_space<vmem>>)
      %dma_wait3A_1381 = arith.constant 0 : i32
      %dma_wait3A_1382 = arith.constant 0 : i32
      %dma_wait3A_1383 = arith.constant 0 : i32
      %dma_wait3A_1384 = tpu.memref_slice %arg7[%dma_wait3A_1381, %dma_wait3A_1382, %dma_wait3A_1383] : memref<8x64x128xf32, #tpu.memory_space<vmem>> -> memref<1x64x128xf32, #tpu.memory_space<vmem>>
      %dma_wait3A_1385 = tpu.memref_squeeze %dma_wait3A_1384 : memref<1x64x128xf32, #tpu.memory_space<vmem>> -> memref<64x128xf32, #tpu.memory_space<vmem>>
      %dma_wait3A_1386 = arith.constant 0 : i32
      %dma_wait3A_1387 = arith.constant 0 : i32
      %dma_wait3A_1388 = tpu.memref_slice %arg3[%dma_wait3A_1386, %dma_wait3A_1387] : memref<64x1000000xf32, #tpu.memory_space<hbm>> -> memref<64x128xf32, #tpu.memory_space<hbm>>
      %dma_wait3A_1389 = arith.constant 0 : i32
      %dma_wait3A_1390 = arith.constant 0 : i32
      %dma_wait3A_1391 = tpu.memref_slice %arg7[%dma_wait3A_1381, %dma_wait3A_1389, %dma_wait3A_1390] : memref<8x64x128xf32, #tpu.memory_space<vmem>> -> memref<1x64x128xf32, #tpu.memory_space<vmem>>
      %dma_wait3A_1392 = tpu.memref_squeeze %dma_wait3A_1391 : memref<1x64x128xf32, #tpu.memory_space<vmem>> -> memref<64x128xf32, #tpu.memory_space<vmem>>
      %dma_wait3A_1393 = arith.constant 0 : i32
      %dma_wait3A_1394 = arith.constant 0 : i32
      %dma_wait3A_1395 = tpu.memref_slice %arg3[%dma_wait3A_1393, %dma_wait3A_1394] : memref<64x1000000xf32, #tpu.memory_space<hbm>> -> memref<64x128xf32, #tpu.memory_space<hbm>>
      tpu.wait_dma2 semaphore(%arg12 : memref<!tpu.dma_semaphore, #tpu.memory_space<semaphore_mem>>) src(%dma_wait3A_1395 : memref<64x128xf32, #tpu.memory_space<hbm>>) dst(%dma_wait3A_1392 : memref<64x128xf32, #tpu.memory_space<vmem>>)
      %dma_wait3A_1396 = arith.constant 0 : i32
      %dma_wait3A_1397 = arith.constant 0 : i32
      %dma_wait3A_1398 = arith.constant 0 : i32
      %dma_wait3A_1399 = tpu.memref_slice %arg7[%dma_wait3A_1396, %dma_wait3A_1397, %dma_wait3A_1398] : memref<8x64x128xf32, #tpu.memory_space<vmem>> -> memref<1x64x128xf32, #tpu.memory_space<vmem>>
      %dma_wait3A_1400 = tpu.memref_squeeze %dma_wait3A_1399 : memref<1x64x128xf32, #tpu.memory_space<vmem>> -> memref<64x128xf32, #tpu.memory_space<vmem>>
      %dma_wait3A_1401 = arith.constant 0 : i32
      %dma_wait3A_1402 = arith.constant 0 : i32
      %dma_wait3A_1403 = tpu.memref_slice %arg3[%dma_wait3A_1401, %dma_wait3A_1402] : memref<64x1000000xf32, #tpu.memory_space<hbm>> -> memref<64x128xf32, #tpu.memory_space<hbm>>
      %dma_wait3A_1404 = arith.constant 0 : i32
      %dma_wait3A_1405 = arith.constant 0 : i32
      %dma_wait3A_1406 = tpu.memref_slice %arg7[%dma_wait3A_1396, %dma_wait3A_1404, %dma_wait3A_1405] : memref<8x64x128xf32, #tpu.memory_space<vmem>> -> memref<1x64x128xf32, #tpu.memory_space<vmem>>
      %dma_wait3A_1407 = tpu.memref_squeeze %dma_wait3A_1406 : memref<1x64x128xf32, #tpu.memory_space<vmem>> -> memref<64x128xf32, #tpu.memory_space<vmem>>
      %dma_wait3A_1408 = arith.constant 0 : i32
      %dma_wait3A_1409 = arith.constant 0 : i32
      %dma_wait3A_1410 = tpu.memref_slice %arg3[%dma_wait3A_1408, %dma_wait3A_1409] : memref<64x1000000xf32, #tpu.memory_space<hbm>> -> memref<64x128xf32, #tpu.memory_space<hbm>>
      tpu.wait_dma2 semaphore(%arg12 : memref<!tpu.dma_semaphore, #tpu.memory_space<semaphore_mem>>) src(%dma_wait3A_1410 : memref<64x128xf32, #tpu.memory_space<hbm>>) dst(%dma_wait3A_1407 : memref<64x128xf32, #tpu.memory_space<vmem>>)
      %dma_wait3A_1411 = arith.constant 0 : i32
      %dma_wait3A_1412 = arith.constant 0 : i32
      %dma_wait3A_1413 = arith.constant 0 : i32
      %dma_wait3A_1414 = tpu.memref_slice %arg7[%dma_wait3A_1411, %dma_wait3A_1412, %dma_wait3A_1413] : memref<8x64x128xf32, #tpu.memory_space<vmem>> -> memref<1x64x128xf32, #tpu.memory_space<vmem>>
      %dma_wait3A_1415 = tpu.memref_squeeze %dma_wait3A_1414 : memref<1x64x128xf32, #tpu.memory_space<vmem>> -> memref<64x128xf32, #tpu.memory_space<vmem>>
      %dma_wait3A_1416 = arith.constant 0 : i32
      %dma_wait3A_1417 = arith.constant 0 : i32
      %dma_wait3A_1418 = tpu.memref_slice %arg3[%dma_wait3A_1416, %dma_wait3A_1417] : memref<64x1000000xf32, #tpu.memory_space<hbm>> -> memref<64x128xf32, #tpu.memory_space<hbm>>
      %dma_wait3A_1419 = arith.constant 0 : i32
      %dma_wait3A_1420 = arith.constant 0 : i32
      %dma_wait3A_1421 = tpu.memref_slice %arg7[%dma_wait3A_1411, %dma_wait3A_1419, %dma_wait3A_1420] : memref<8x64x128xf32, #tpu.memory_space<vmem>> -> memref<1x64x128xf32, #tpu.memory_space<vmem>>
      %dma_wait3A_1422 = tpu.memref_squeeze %dma_wait3A_1421 : memref<1x64x128xf32, #tpu.memory_space<vmem>> -> memref<64x128xf32, #tpu.memory_space<vmem>>
      %dma_wait3A_1423 = arith.constant 0 : i32
      %dma_wait3A_1424 = arith.constant 0 : i32
      %dma_wait3A_1425 = tpu.memref_slice %arg3[%dma_wait3A_1423, %dma_wait3A_1424] : memref<64x1000000xf32, #tpu.memory_space<hbm>> -> memref<64x128xf32, #tpu.memory_space<hbm>>
      tpu.wait_dma2 semaphore(%arg12 : memref<!tpu.dma_semaphore, #tpu.memory_space<semaphore_mem>>) src(%dma_wait3A_1425 : memref<64x128xf32, #tpu.memory_space<hbm>>) dst(%dma_wait3A_1422 : memref<64x128xf32, #tpu.memory_space<vmem>>)
      %slice3A_1426 = vector.extract_strided_slice %get3A_959 {offsets = [4], sizes = [1], strides = [1]} : vector<16xi32> to vector<1xi32>
      %squeeze3A_1427 = vector.extract %slice3A_1426[0] : i32 from vector<1xi32>
      %shift_right_logical3A_1428 = arith.constant 7 : i32
      %shift_right_logical3A_1429 = arith.shrui %squeeze3A_1427, %shift_right_logical3A_1428 : i32
      %min3A_1430 = arith.constant 7811 : i32
      %min3A_1431 = arith.minsi %shift_right_logical3A_1429, %min3A_1430 : i32
      %mul3A_1432 = arith.constant 128 : i32
      %mul3A_1433 = arith.muli %min3A_1431, %mul3A_1432 : i32
      %multiple_of3A_1434 = tpu.assume_multiple %mul3A_1433, 128 : i32
      %sub3A_1435 = arith.subi %squeeze3A_1427, %multiple_of3A_1434 : i32
      %min3A_1436 = arith.constant 127 : i32
      %min3A_1437 = arith.minsi %sub3A_1435, %min3A_1436 : i32
      %broadcast_in_dim3A_1438 = vector.broadcast %min3A_1437 : i32 to vector<16xi32>
      %add3A_1439 = arith.constant 0 : i32
      %add3A_1440 = vector.broadcast %add3A_1439 : i32 to vector<16xi32>
      %add3A_1441 = arith.addi %add3A_1440, %iota3A : vector<16xi32>
      %gather3A_1442 = arith.constant 4 : i32
      %gather3A_1443 = arith.constant 0 : i32
      %gather3A_1444 = arith.constant 0 : i32
      %gather3A_1445 = tpu.memref_slice %arg7[%gather3A_1442, %gather3A_1443, %gather3A_1444] : memref<8x64x128xf32, #tpu.memory_space<vmem>> -> memref<1x64x128xf32, #tpu.memory_space<vmem>>
      %gather3A_1446 = tpu.memref_squeeze %gather3A_1445 : memref<1x64x128xf32, #tpu.memory_space<vmem>> -> memref<64x128xf32, #tpu.memory_space<vmem>>
      %gather3A_1447 = tpu.vector_load_idx %gather3A_1446[%add3A_1441, %broadcast_in_dim3A_1438] : memref<64x128xf32, #tpu.memory_space<vmem>>[vector<16xi32>, vector<16xi32>], vector<16xf32>,
      %mul3A_1448 = arith.mulf %gather3A_1447, %get3A_3 : vector<16xf32>
      %add3A_1449 = arith.constant 16 : i32
      %add3A_1450 = vector.broadcast %add3A_1449 : i32 to vector<16xi32>
      %add3A_1451 = arith.addi %add3A_1450, %iota3A : vector<16xi32>
      %gather3A_1452 = arith.constant 4 : i32
      %gather3A_1453 = arith.constant 0 : i32
      %gather3A_1454 = arith.constant 0 : i32
      %gather3A_1455 = tpu.memref_slice %arg7[%gather3A_1452, %gather3A_1453, %gather3A_1454] : memref<8x64x128xf32, #tpu.memory_space<vmem>> -> memref<1x64x128xf32, #tpu.memory_space<vmem>>
      %gather3A_1456 = tpu.memref_squeeze %gather3A_1455 : memref<1x64x128xf32, #tpu.memory_space<vmem>> -> memref<64x128xf32, #tpu.memory_space<vmem>>
      %gather3A_1457 = tpu.vector_load_idx %gather3A_1456[%add3A_1451, %broadcast_in_dim3A_1438] : memref<64x128xf32, #tpu.memory_space<vmem>>[vector<16xi32>, vector<16xi32>], vector<16xf32>,
      %mul3A_1458 = arith.mulf %gather3A_1457, %get3A_5 : vector<16xf32>
      %add3A_1459 = arith.addf %mul3A_1448, %mul3A_1458 : vector<16xf32>
      %add3A_1460 = arith.constant 32 : i32
      %add3A_1461 = vector.broadcast %add3A_1460 : i32 to vector<16xi32>
      %add3A_1462 = arith.addi %add3A_1461, %iota3A : vector<16xi32>
      %gather3A_1463 = arith.constant 4 : i32
      %gather3A_1464 = arith.constant 0 : i32
      %gather3A_1465 = arith.constant 0 : i32
      %gather3A_1466 = tpu.memref_slice %arg7[%gather3A_1463, %gather3A_1464, %gather3A_1465] : memref<8x64x128xf32, #tpu.memory_space<vmem>> -> memref<1x64x128xf32, #tpu.memory_space<vmem>>
      %gather3A_1467 = tpu.memref_squeeze %gather3A_1466 : memref<1x64x128xf32, #tpu.memory_space<vmem>> -> memref<64x128xf32, #tpu.memory_space<vmem>>
      %gather3A_1468 = tpu.vector_load_idx %gather3A_1467[%add3A_1462, %broadcast_in_dim3A_1438] : memref<64x128xf32, #tpu.memory_space<vmem>>[vector<16xi32>, vector<16xi32>], vector<16xf32>,
      %mul3A_1469 = arith.mulf %gather3A_1468, %get3A_7 : vector<16xf32>
      %add3A_1470 = arith.addf %add3A_1459, %mul3A_1469 : vector<16xf32>
      %add3A_1471 = arith.constant 48 : i32
      %add3A_1472 = vector.broadcast %add3A_1471 : i32 to vector<16xi32>
      %add3A_1473 = arith.addi %add3A_1472, %iota3A : vector<16xi32>
      %gather3A_1474 = arith.constant 4 : i32
      %gather3A_1475 = arith.constant 0 : i32
      %gather3A_1476 = arith.constant 0 : i32
      %gather3A_1477 = tpu.memref_slice %arg7[%gather3A_1474, %gather3A_1475, %gather3A_1476] : memref<8x64x128xf32, #tpu.memory_space<vmem>> -> memref<1x64x128xf32, #tpu.memory_space<vmem>>
      %gather3A_1478 = tpu.memref_squeeze %gather3A_1477 : memref<1x64x128xf32, #tpu.memory_space<vmem>> -> memref<64x128xf32, #tpu.memory_space<vmem>>
      %gather3A_1479 = tpu.vector_load_idx %gather3A_1478[%add3A_1473, %broadcast_in_dim3A_1438] : memref<64x128xf32, #tpu.memory_space<vmem>>[vector<16xi32>, vector<16xi32>], vector<16xf32>,
      %mul3A_1480 = arith.mulf %gather3A_1479, %get3A_9 : vector<16xf32>
      %add3A_1481 = arith.addf %add3A_1470, %mul3A_1480 : vector<16xf32>
      %add3A_1482 = arith.constant 4 : i32
      %add3A_1483 = arith.addi %mul3A_957, %add3A_1482 : i32
      %add3A_1484 = arith.constant 0 : i32
      %add3A_1485 = arith.addi %add3A_1483, %add3A_1484 : i32
      %mul3A_1486 = arith.constant 16 : i32
      %mul3A_1487 = arith.muli %add3A_1485, %mul3A_1486 : i32
      %swap3A_1488 = arith.index_cast %mul3A_1487 : i32 to index
      %swap3A_1489 = tpu.vector_load %arg9[%swap3A_1488] {strides = array<i32>} : memref<2048xf32, #tpu.memory_space<vmem>>, vector<16xf32>,
      tpu.vector_store %arg9[%swap3A_1488], %add3A_1481 {strides = array<i32>} : memref<2048xf32, #tpu.memory_space<vmem>>, vector<16xf32>,
      %slice3A_1490 = vector.extract_strided_slice %get3A_959 {offsets = [5], sizes = [1], strides = [1]} : vector<16xi32> to vector<1xi32>
      %squeeze3A_1491 = vector.extract %slice3A_1490[0] : i32 from vector<1xi32>
      %shift_right_logical3A_1492 = arith.constant 7 : i32
      %shift_right_logical3A_1493 = arith.shrui %squeeze3A_1491, %shift_right_logical3A_1492 : i32
      %min3A_1494 = arith.constant 7811 : i32
      %min3A_1495 = arith.minsi %shift_right_logical3A_1493, %min3A_1494 : i32
      %mul3A_1496 = arith.constant 128 : i32
      %mul3A_1497 = arith.muli %min3A_1495, %mul3A_1496 : i32
      %multiple_of3A_1498 = tpu.assume_multiple %mul3A_1497, 128 : i32
      %sub3A_1499 = arith.subi %squeeze3A_1491, %multiple_of3A_1498 : i32
      %min3A_1500 = arith.constant 127 : i32
      %min3A_1501 = arith.minsi %sub3A_1499, %min3A_1500 : i32
      %broadcast_in_dim3A_1502 = vector.broadcast %min3A_1501 : i32 to vector<16xi32>
      %add3A_1503 = arith.constant 0 : i32
      %add3A_1504 = vector.broadcast %add3A_1503 : i32 to vector<16xi32>
      %add3A_1505 = arith.addi %add3A_1504, %iota3A : vector<16xi32>
      %gather3A_1506 = arith.constant 5 : i32
      %gather3A_1507 = arith.constant 0 : i32
      %gather3A_1508 = arith.constant 0 : i32
      %gather3A_1509 = tpu.memref_slice %arg7[%gather3A_1506, %gather3A_1507, %gather3A_1508] : memref<8x64x128xf32, #tpu.memory_space<vmem>> -> memref<1x64x128xf32, #tpu.memory_space<vmem>>
      %gather3A_1510 = tpu.memref_squeeze %gather3A_1509 : memref<1x64x128xf32, #tpu.memory_space<vmem>> -> memref<64x128xf32, #tpu.memory_space<vmem>>
      %gather3A_1511 = tpu.vector_load_idx %gather3A_1510[%add3A_1505, %broadcast_in_dim3A_1502] : memref<64x128xf32, #tpu.memory_space<vmem>>[vector<16xi32>, vector<16xi32>], vector<16xf32>,
      %mul3A_1512 = arith.mulf %gather3A_1511, %get3A_3 : vector<16xf32>
      %add3A_1513 = arith.constant 16 : i32
      %add3A_1514 = vector.broadcast %add3A_1513 : i32 to vector<16xi32>
      %add3A_1515 = arith.addi %add3A_1514, %iota3A : vector<16xi32>
      %gather3A_1516 = arith.constant 5 : i32
      %gather3A_1517 = arith.constant 0 : i32
      %gather3A_1518 = arith.constant 0 : i32
      %gather3A_1519 = tpu.memref_slice %arg7[%gather3A_1516, %gather3A_1517, %gather3A_1518] : memref<8x64x128xf32, #tpu.memory_space<vmem>> -> memref<1x64x128xf32, #tpu.memory_space<vmem>>
      %gather3A_1520 = tpu.memref_squeeze %gather3A_1519 : memref<1x64x128xf32, #tpu.memory_space<vmem>> -> memref<64x128xf32, #tpu.memory_space<vmem>>
      %gather3A_1521 = tpu.vector_load_idx %gather3A_1520[%add3A_1515, %broadcast_in_dim3A_1502] : memref<64x128xf32, #tpu.memory_space<vmem>>[vector<16xi32>, vector<16xi32>], vector<16xf32>,
      %mul3A_1522 = arith.mulf %gather3A_1521, %get3A_5 : vector<16xf32>
      %add3A_1523 = arith.addf %mul3A_1512, %mul3A_1522 : vector<16xf32>
      %add3A_1524 = arith.constant 32 : i32
      %add3A_1525 = vector.broadcast %add3A_1524 : i32 to vector<16xi32>
      %add3A_1526 = arith.addi %add3A_1525, %iota3A : vector<16xi32>
      %gather3A_1527 = arith.constant 5 : i32
      %gather3A_1528 = arith.constant 0 : i32
      %gather3A_1529 = arith.constant 0 : i32
      %gather3A_1530 = tpu.memref_slice %arg7[%gather3A_1527, %gather3A_1528, %gather3A_1529] : memref<8x64x128xf32, #tpu.memory_space<vmem>> -> memref<1x64x128xf32, #tpu.memory_space<vmem>>
      %gather3A_1531 = tpu.memref_squeeze %gather3A_1530 : memref<1x64x128xf32, #tpu.memory_space<vmem>> -> memref<64x128xf32, #tpu.memory_space<vmem>>
      %gather3A_1532 = tpu.vector_load_idx %gather3A_1531[%add3A_1526, %broadcast_in_dim3A_1502] : memref<64x128xf32, #tpu.memory_space<vmem>>[vector<16xi32>, vector<16xi32>], vector<16xf32>,
      %mul3A_1533 = arith.mulf %gather3A_1532, %get3A_7 : vector<16xf32>
      %add3A_1534 = arith.addf %add3A_1523, %mul3A_1533 : vector<16xf32>
      %add3A_1535 = arith.constant 48 : i32
      %add3A_1536 = vector.broadcast %add3A_1535 : i32 to vector<16xi32>
      %add3A_1537 = arith.addi %add3A_1536, %iota3A : vector<16xi32>
      %gather3A_1538 = arith.constant 5 : i32
      %gather3A_1539 = arith.constant 0 : i32
      %gather3A_1540 = arith.constant 0 : i32
      %gather3A_1541 = tpu.memref_slice %arg7[%gather3A_1538, %gather3A_1539, %gather3A_1540] : memref<8x64x128xf32, #tpu.memory_space<vmem>> -> memref<1x64x128xf32, #tpu.memory_space<vmem>>
      %gather3A_1542 = tpu.memref_squeeze %gather3A_1541 : memref<1x64x128xf32, #tpu.memory_space<vmem>> -> memref<64x128xf32, #tpu.memory_space<vmem>>
      %gather3A_1543 = tpu.vector_load_idx %gather3A_1542[%add3A_1537, %broadcast_in_dim3A_1502] : memref<64x128xf32, #tpu.memory_space<vmem>>[vector<16xi32>, vector<16xi32>], vector<16xf32>,
      %mul3A_1544 = arith.mulf %gather3A_1543, %get3A_9 : vector<16xf32>
      %add3A_1545 = arith.addf %add3A_1534, %mul3A_1544 : vector<16xf32>
      %add3A_1546 = arith.constant 4 : i32
      %add3A_1547 = arith.addi %mul3A_957, %add3A_1546 : i32
      %add3A_1548 = arith.constant 1 : i32
      %add3A_1549 = arith.addi %add3A_1547, %add3A_1548 : i32
      %mul3A_1550 = arith.constant 16 : i32
      %mul3A_1551 = arith.muli %add3A_1549, %mul3A_1550 : i32
      %swap3A_1552 = arith.index_cast %mul3A_1551 : i32 to index
      %swap3A_1553 = tpu.vector_load %arg9[%swap3A_1552] {strides = array<i32>} : memref<2048xf32, #tpu.memory_space<vmem>>, vector<16xf32>,
      tpu.vector_store %arg9[%swap3A_1552], %add3A_1545 {strides = array<i32>} : memref<2048xf32, #tpu.memory_space<vmem>>, vector<16xf32>,
      %slice3A_1554 = vector.extract_strided_slice %get3A_959 {offsets = [6], sizes = [1], strides = [1]} : vector<16xi32> to vector<1xi32>
      %squeeze3A_1555 = vector.extract %slice3A_1554[0] : i32 from vector<1xi32>
      %shift_right_logical3A_1556 = arith.constant 7 : i32
      %shift_right_logical3A_1557 = arith.shrui %squeeze3A_1555, %shift_right_logical3A_1556 : i32
      %min3A_1558 = arith.constant 7811 : i32
      %min3A_1559 = arith.minsi %shift_right_logical3A_1557, %min3A_1558 : i32
      %mul3A_1560 = arith.constant 128 : i32
      %mul3A_1561 = arith.muli %min3A_1559, %mul3A_1560 : i32
      %multiple_of3A_1562 = tpu.assume_multiple %mul3A_1561, 128 : i32
      %sub3A_1563 = arith.subi %squeeze3A_1555, %multiple_of3A_1562 : i32
      %min3A_1564 = arith.constant 127 : i32
      %min3A_1565 = arith.minsi %sub3A_1563, %min3A_1564 : i32
      %broadcast_in_dim3A_1566 = vector.broadcast %min3A_1565 : i32 to vector<16xi32>
      %add3A_1567 = arith.constant 0 : i32
      %add3A_1568 = vector.broadcast %add3A_1567 : i32 to vector<16xi32>
      %add3A_1569 = arith.addi %add3A_1568, %iota3A : vector<16xi32>
      %gather3A_1570 = arith.constant 6 : i32
      %gather3A_1571 = arith.constant 0 : i32
      %gather3A_1572 = arith.constant 0 : i32
      %gather3A_1573 = tpu.memref_slice %arg7[%gather3A_1570, %gather3A_1571, %gather3A_1572] : memref<8x64x128xf32, #tpu.memory_space<vmem>> -> memref<1x64x128xf32, #tpu.memory_space<vmem>>
      %gather3A_1574 = tpu.memref_squeeze %gather3A_1573 : memref<1x64x128xf32, #tpu.memory_space<vmem>> -> memref<64x128xf32, #tpu.memory_space<vmem>>
      %gather3A_1575 = tpu.vector_load_idx %gather3A_1574[%add3A_1569, %broadcast_in_dim3A_1566] : memref<64x128xf32, #tpu.memory_space<vmem>>[vector<16xi32>, vector<16xi32>], vector<16xf32>,
      %mul3A_1576 = arith.mulf %gather3A_1575, %get3A_3 : vector<16xf32>
      %add3A_1577 = arith.constant 16 : i32
      %add3A_1578 = vector.broadcast %add3A_1577 : i32 to vector<16xi32>
      %add3A_1579 = arith.addi %add3A_1578, %iota3A : vector<16xi32>
      %gather3A_1580 = arith.constant 6 : i32
      %gather3A_1581 = arith.constant 0 : i32
      %gather3A_1582 = arith.constant 0 : i32
      %gather3A_1583 = tpu.memref_slice %arg7[%gather3A_1580, %gather3A_1581, %gather3A_1582] : memref<8x64x128xf32, #tpu.memory_space<vmem>> -> memref<1x64x128xf32, #tpu.memory_space<vmem>>
      %gather3A_1584 = tpu.memref_squeeze %gather3A_1583 : memref<1x64x128xf32, #tpu.memory_space<vmem>> -> memref<64x128xf32, #tpu.memory_space<vmem>>
      %gather3A_1585 = tpu.vector_load_idx %gather3A_1584[%add3A_1579, %broadcast_in_dim3A_1566] : memref<64x128xf32, #tpu.memory_space<vmem>>[vector<16xi32>, vector<16xi32>], vector<16xf32>,
      %mul3A_1586 = arith.mulf %gather3A_1585, %get3A_5 : vector<16xf32>
      %add3A_1587 = arith.addf %mul3A_1576, %mul3A_1586 : vector<16xf32>
      %add3A_1588 = arith.constant 32 : i32
      %add3A_1589 = vector.broadcast %add3A_1588 : i32 to vector<16xi32>
      %add3A_1590 = arith.addi %add3A_1589, %iota3A : vector<16xi32>
      %gather3A_1591 = arith.constant 6 : i32
      %gather3A_1592 = arith.constant 0 : i32
      %gather3A_1593 = arith.constant 0 : i32
      %gather3A_1594 = tpu.memref_slice %arg7[%gather3A_1591, %gather3A_1592, %gather3A_1593] : memref<8x64x128xf32, #tpu.memory_space<vmem>> -> memref<1x64x128xf32, #tpu.memory_space<vmem>>
      %gather3A_1595 = tpu.memref_squeeze %gather3A_1594 : memref<1x64x128xf32, #tpu.memory_space<vmem>> -> memref<64x128xf32, #tpu.memory_space<vmem>>
      %gather3A_1596 = tpu.vector_load_idx %gather3A_1595[%add3A_1590, %broadcast_in_dim3A_1566] : memref<64x128xf32, #tpu.memory_space<vmem>>[vector<16xi32>, vector<16xi32>], vector<16xf32>,
      %mul3A_1597 = arith.mulf %gather3A_1596, %get3A_7 : vector<16xf32>
      %add3A_1598 = arith.addf %add3A_1587, %mul3A_1597 : vector<16xf32>
      %add3A_1599 = arith.constant 48 : i32
      %add3A_1600 = vector.broadcast %add3A_1599 : i32 to vector<16xi32>
      %add3A_1601 = arith.addi %add3A_1600, %iota3A : vector<16xi32>
      %gather3A_1602 = arith.constant 6 : i32
      %gather3A_1603 = arith.constant 0 : i32
      %gather3A_1604 = arith.constant 0 : i32
      %gather3A_1605 = tpu.memref_slice %arg7[%gather3A_1602, %gather3A_1603, %gather3A_1604] : memref<8x64x128xf32, #tpu.memory_space<vmem>> -> memref<1x64x128xf32, #tpu.memory_space<vmem>>
      %gather3A_1606 = tpu.memref_squeeze %gather3A_1605 : memref<1x64x128xf32, #tpu.memory_space<vmem>> -> memref<64x128xf32, #tpu.memory_space<vmem>>
      %gather3A_1607 = tpu.vector_load_idx %gather3A_1606[%add3A_1601, %broadcast_in_dim3A_1566] : memref<64x128xf32, #tpu.memory_space<vmem>>[vector<16xi32>, vector<16xi32>], vector<16xf32>,
      %mul3A_1608 = arith.mulf %gather3A_1607, %get3A_9 : vector<16xf32>
      %add3A_1609 = arith.addf %add3A_1598, %mul3A_1608 : vector<16xf32>
      %add3A_1610 = arith.constant 4 : i32
      %add3A_1611 = arith.addi %mul3A_957, %add3A_1610 : i32
      %add3A_1612 = arith.constant 2 : i32
      %add3A_1613 = arith.addi %add3A_1611, %add3A_1612 : i32
      %mul3A_1614 = arith.constant 16 : i32
      %mul3A_1615 = arith.muli %add3A_1613, %mul3A_1614 : i32
      %swap3A_1616 = arith.index_cast %mul3A_1615 : i32 to index
      %swap3A_1617 = tpu.vector_load %arg9[%swap3A_1616] {strides = array<i32>} : memref<2048xf32, #tpu.memory_space<vmem>>, vector<16xf32>,
      tpu.vector_store %arg9[%swap3A_1616], %add3A_1609 {strides = array<i32>} : memref<2048xf32, #tpu.memory_space<vmem>>, vector<16xf32>,
      %slice3A_1618 = vector.extract_strided_slice %get3A_959 {offsets = [7], sizes = [1], strides = [1]} : vector<16xi32> to vector<1xi32>
      %squeeze3A_1619 = vector.extract %slice3A_1618[0] : i32 from vector<1xi32>
      %shift_right_logical3A_1620 = arith.constant 7 : i32
      %shift_right_logical3A_1621 = arith.shrui %squeeze3A_1619, %shift_right_logical3A_1620 : i32
      %min3A_1622 = arith.constant 7811 : i32
      %min3A_1623 = arith.minsi %shift_right_logical3A_1621, %min3A_1622 : i32
      %mul3A_1624 = arith.constant 128 : i32
      %mul3A_1625 = arith.muli %min3A_1623, %mul3A_1624 : i32
      %multiple_of3A_1626 = tpu.assume_multiple %mul3A_1625, 128 : i32
      %sub3A_1627 = arith.subi %squeeze3A_1619, %multiple_of3A_1626 : i32
      %min3A_1628 = arith.constant 127 : i32
      %min3A_1629 = arith.minsi %sub3A_1627, %min3A_1628 : i32
      %broadcast_in_dim3A_1630 = vector.broadcast %min3A_1629 : i32 to vector<16xi32>
      %add3A_1631 = arith.constant 0 : i32
      %add3A_1632 = vector.broadcast %add3A_1631 : i32 to vector<16xi32>
      %add3A_1633 = arith.addi %add3A_1632, %iota3A : vector<16xi32>
      %gather3A_1634 = arith.constant 7 : i32
      %gather3A_1635 = arith.constant 0 : i32
      %gather3A_1636 = arith.constant 0 : i32
      %gather3A_1637 = tpu.memref_slice %arg7[%gather3A_1634, %gather3A_1635, %gather3A_1636] : memref<8x64x128xf32, #tpu.memory_space<vmem>> -> memref<1x64x128xf32, #tpu.memory_space<vmem>>
      %gather3A_1638 = tpu.memref_squeeze %gather3A_1637 : memref<1x64x128xf32, #tpu.memory_space<vmem>> -> memref<64x128xf32, #tpu.memory_space<vmem>>
      %gather3A_1639 = tpu.vector_load_idx %gather3A_1638[%add3A_1633, %broadcast_in_dim3A_1630] : memref<64x128xf32, #tpu.memory_space<vmem>>[vector<16xi32>, vector<16xi32>], vector<16xf32>,
      %mul3A_1640 = arith.mulf %gather3A_1639, %get3A_3 : vector<16xf32>
      %add3A_1641 = arith.constant 16 : i32
      %add3A_1642 = vector.broadcast %add3A_1641 : i32 to vector<16xi32>
      %add3A_1643 = arith.addi %add3A_1642, %iota3A : vector<16xi32>
      %gather3A_1644 = arith.constant 7 : i32
      %gather3A_1645 = arith.constant 0 : i32
      %gather3A_1646 = arith.constant 0 : i32
      %gather3A_1647 = tpu.memref_slice %arg7[%gather3A_1644, %gather3A_1645, %gather3A_1646] : memref<8x64x128xf32, #tpu.memory_space<vmem>> -> memref<1x64x128xf32, #tpu.memory_space<vmem>>
      %gather3A_1648 = tpu.memref_squeeze %gather3A_1647 : memref<1x64x128xf32, #tpu.memory_space<vmem>> -> memref<64x128xf32, #tpu.memory_space<vmem>>
      %gather3A_1649 = tpu.vector_load_idx %gather3A_1648[%add3A_1643, %broadcast_in_dim3A_1630] : memref<64x128xf32, #tpu.memory_space<vmem>>[vector<16xi32>, vector<16xi32>], vector<16xf32>,
      %mul3A_1650 = arith.mulf %gather3A_1649, %get3A_5 : vector<16xf32>
      %add3A_1651 = arith.addf %mul3A_1640, %mul3A_1650 : vector<16xf32>
      %add3A_1652 = arith.constant 32 : i32
      %add3A_1653 = vector.broadcast %add3A_1652 : i32 to vector<16xi32>
      %add3A_1654 = arith.addi %add3A_1653, %iota3A : vector<16xi32>
      %gather3A_1655 = arith.constant 7 : i32
      %gather3A_1656 = arith.constant 0 : i32
      %gather3A_1657 = arith.constant 0 : i32
      %gather3A_1658 = tpu.memref_slice %arg7[%gather3A_1655, %gather3A_1656, %gather3A_1657] : memref<8x64x128xf32, #tpu.memory_space<vmem>> -> memref<1x64x128xf32, #tpu.memory_space<vmem>>
      %gather3A_1659 = tpu.memref_squeeze %gather3A_1658 : memref<1x64x128xf32, #tpu.memory_space<vmem>> -> memref<64x128xf32, #tpu.memory_space<vmem>>
      %gather3A_1660 = tpu.vector_load_idx %gather3A_1659[%add3A_1654, %broadcast_in_dim3A_1630] : memref<64x128xf32, #tpu.memory_space<vmem>>[vector<16xi32>, vector<16xi32>], vector<16xf32>,
      %mul3A_1661 = arith.mulf %gather3A_1660, %get3A_7 : vector<16xf32>
      %add3A_1662 = arith.addf %add3A_1651, %mul3A_1661 : vector<16xf32>
      %add3A_1663 = arith.constant 48 : i32
      %add3A_1664 = vector.broadcast %add3A_1663 : i32 to vector<16xi32>
      %add3A_1665 = arith.addi %add3A_1664, %iota3A : vector<16xi32>
      %gather3A_1666 = arith.constant 7 : i32
      %gather3A_1667 = arith.constant 0 : i32
      %gather3A_1668 = arith.constant 0 : i32
      %gather3A_1669 = tpu.memref_slice %arg7[%gather3A_1666, %gather3A_1667, %gather3A_1668] : memref<8x64x128xf32, #tpu.memory_space<vmem>> -> memref<1x64x128xf32, #tpu.memory_space<vmem>>
      %gather3A_1670 = tpu.memref_squeeze %gather3A_1669 : memref<1x64x128xf32, #tpu.memory_space<vmem>> -> memref<64x128xf32, #tpu.memory_space<vmem>>
      %gather3A_1671 = tpu.vector_load_idx %gather3A_1670[%add3A_1665, %broadcast_in_dim3A_1630] : memref<64x128xf32, #tpu.memory_space<vmem>>[vector<16xi32>, vector<16xi32>], vector<16xf32>,
      %mul3A_1672 = arith.mulf %gather3A_1671, %get3A_9 : vector<16xf32>
      %add3A_1673 = arith.addf %add3A_1662, %mul3A_1672 : vector<16xf32>
      %add3A_1674 = arith.constant 4 : i32
      %add3A_1675 = arith.addi %mul3A_957, %add3A_1674 : i32
      %add3A_1676 = arith.constant 3 : i32
      %add3A_1677 = arith.addi %add3A_1675, %add3A_1676 : i32
      %mul3A_1678 = arith.constant 16 : i32
      %mul3A_1679 = arith.muli %add3A_1677, %mul3A_1678 : i32
      %swap3A_1680 = arith.index_cast %mul3A_1679 : i32 to index
      %swap3A_1681 = tpu.vector_load %arg9[%swap3A_1680] {strides = array<i32>} : memref<2048xf32, #tpu.memory_space<vmem>>, vector<16xf32>,
      tpu.vector_store %arg9[%swap3A_1680], %add3A_1673 {strides = array<i32>} : memref<2048xf32, #tpu.memory_space<vmem>>, vector<16xf32>,
      %slice3A_1682 = vector.extract_strided_slice %get3A_959 {offsets = [12], sizes = [1], strides = [1]} : vector<16xi32> to vector<1xi32>
      %squeeze3A_1683 = vector.extract %slice3A_1682[0] : i32 from vector<1xi32>
      %shift_right_logical3A_1684 = arith.constant 7 : i32
      %shift_right_logical3A_1685 = arith.shrui %squeeze3A_1683, %shift_right_logical3A_1684 : i32
      %min3A_1686 = arith.constant 7811 : i32
      %min3A_1687 = arith.minsi %shift_right_logical3A_1685, %min3A_1686 : i32
      %mul3A_1688 = arith.constant 128 : i32
      %mul3A_1689 = arith.muli %min3A_1687, %mul3A_1688 : i32
      %multiple_of3A_1690 = tpu.assume_multiple %mul3A_1689, 128 : i32
      %dma_start3A_1691 = arith.constant 4 : i32
      %dma_start3A_1692 = arith.constant 0 : i32
      %dma_start3A_1693 = arith.constant 0 : i32
      %dma_start3A_1694 = tpu.memref_slice %arg7[%dma_start3A_1691, %dma_start3A_1692, %dma_start3A_1693] : memref<8x64x128xf32, #tpu.memory_space<vmem>> -> memref<1x64x128xf32, #tpu.memory_space<vmem>>
      %dma_start3A_1695 = tpu.memref_squeeze %dma_start3A_1694 : memref<1x64x128xf32, #tpu.memory_space<vmem>> -> memref<64x128xf32, #tpu.memory_space<vmem>>
      %dma_start3A_1696 = arith.constant 0 : i32
      %dma_start3A_1697 = tpu.memref_slice %arg3[%dma_start3A_1696, %multiple_of3A_1690] : memref<64x1000000xf32, #tpu.memory_space<hbm>> -> memref<64x128xf32, #tpu.memory_space<hbm>>
      %dma_start3A_1698 = arith.constant 0 : i32
      %dma_start3A_1699 = arith.constant 0 : i32
      %dma_start3A_1700 = tpu.memref_slice %arg7[%dma_start3A_1691, %dma_start3A_1698, %dma_start3A_1699] : memref<8x64x128xf32, #tpu.memory_space<vmem>> -> memref<1x64x128xf32, #tpu.memory_space<vmem>>
      %dma_start3A_1701 = tpu.memref_squeeze %dma_start3A_1700 : memref<1x64x128xf32, #tpu.memory_space<vmem>> -> memref<64x128xf32, #tpu.memory_space<vmem>>
      %dma_start3A_1702 = arith.constant 0 : i32
      %dma_start3A_1703 = tpu.memref_slice %arg3[%dma_start3A_1702, %multiple_of3A_1690] : memref<64x1000000xf32, #tpu.memory_space<hbm>> -> memref<64x128xf32, #tpu.memory_space<hbm>>
      tpu.enqueue_dma source(%dma_start3A_1703 : memref<64x128xf32, #tpu.memory_space<hbm>>) target(%dma_start3A_1701 : memref<64x128xf32, #tpu.memory_space<vmem>>) target_semaphore(%arg12 : memref<!tpu.dma_semaphore, #tpu.memory_space<semaphore_mem>>)
      %slice3A_1704 = vector.extract_strided_slice %get3A_959 {offsets = [13], sizes = [1], strides = [1]} : vector<16xi32> to vector<1xi32>
      %squeeze3A_1705 = vector.extract %slice3A_1704[0] : i32 from vector<1xi32>
      %shift_right_logical3A_1706 = arith.constant 7 : i32
      %shift_right_logical3A_1707 = arith.shrui %squeeze3A_1705, %shift_right_logical3A_1706 : i32
      %min3A_1708 = arith.constant 7811 : i32
      %min3A_1709 = arith.minsi %shift_right_logical3A_1707, %min3A_1708 : i32
      %mul3A_1710 = arith.constant 128 : i32
      %mul3A_1711 = arith.muli %min3A_1709, %mul3A_1710 : i32
      %multiple_of3A_1712 = tpu.assume_multiple %mul3A_1711, 128 : i32
      %dma_start3A_1713 = arith.constant 5 : i32
      %dma_start3A_1714 = arith.constant 0 : i32
      %dma_start3A_1715 = arith.constant 0 : i32
      %dma_start3A_1716 = tpu.memref_slice %arg7[%dma_start3A_1713, %dma_start3A_1714, %dma_start3A_1715] : memref<8x64x128xf32, #tpu.memory_space<vmem>> -> memref<1x64x128xf32, #tpu.memory_space<vmem>>
      %dma_start3A_1717 = tpu.memref_squeeze %dma_start3A_1716 : memref<1x64x128xf32, #tpu.memory_space<vmem>> -> memref<64x128xf32, #tpu.memory_space<vmem>>
      %dma_start3A_1718 = arith.constant 0 : i32
      %dma_start3A_1719 = tpu.memref_slice %arg3[%dma_start3A_1718, %multiple_of3A_1712] : memref<64x1000000xf32, #tpu.memory_space<hbm>> -> memref<64x128xf32, #tpu.memory_space<hbm>>
      %dma_start3A_1720 = arith.constant 0 : i32
      %dma_start3A_1721 = arith.constant 0 : i32
      %dma_start3A_1722 = tpu.memref_slice %arg7[%dma_start3A_1713, %dma_start3A_1720, %dma_start3A_1721] : memref<8x64x128xf32, #tpu.memory_space<vmem>> -> memref<1x64x128xf32, #tpu.memory_space<vmem>>
      %dma_start3A_1723 = tpu.memref_squeeze %dma_start3A_1722 : memref<1x64x128xf32, #tpu.memory_space<vmem>> -> memref<64x128xf32, #tpu.memory_space<vmem>>
      %dma_start3A_1724 = arith.constant 0 : i32
      %dma_start3A_1725 = tpu.memref_slice %arg3[%dma_start3A_1724, %multiple_of3A_1712] : memref<64x1000000xf32, #tpu.memory_space<hbm>> -> memref<64x128xf32, #tpu.memory_space<hbm>>
      tpu.enqueue_dma source(%dma_start3A_1725 : memref<64x128xf32, #tpu.memory_space<hbm>>) target(%dma_start3A_1723 : memref<64x128xf32, #tpu.memory_space<vmem>>) target_semaphore(%arg12 : memref<!tpu.dma_semaphore, #tpu.memory_space<semaphore_mem>>)
      %slice3A_1726 = vector.extract_strided_slice %get3A_959 {offsets = [14], sizes = [1], strides = [1]} : vector<16xi32> to vector<1xi32>
      %squeeze3A_1727 = vector.extract %slice3A_1726[0] : i32 from vector<1xi32>
      %shift_right_logical3A_1728 = arith.constant 7 : i32
      %shift_right_logical3A_1729 = arith.shrui %squeeze3A_1727, %shift_right_logical3A_1728 : i32
      %min3A_1730 = arith.constant 7811 : i32
      %min3A_1731 = arith.minsi %shift_right_logical3A_1729, %min3A_1730 : i32
      %mul3A_1732 = arith.constant 128 : i32
      %mul3A_1733 = arith.muli %min3A_1731, %mul3A_1732 : i32
      %multiple_of3A_1734 = tpu.assume_multiple %mul3A_1733, 128 : i32
      %dma_start3A_1735 = arith.constant 6 : i32
      %dma_start3A_1736 = arith.constant 0 : i32
      %dma_start3A_1737 = arith.constant 0 : i32
      %dma_start3A_1738 = tpu.memref_slice %arg7[%dma_start3A_1735, %dma_start3A_1736, %dma_start3A_1737] : memref<8x64x128xf32, #tpu.memory_space<vmem>> -> memref<1x64x128xf32, #tpu.memory_space<vmem>>
      %dma_start3A_1739 = tpu.memref_squeeze %dma_start3A_1738 : memref<1x64x128xf32, #tpu.memory_space<vmem>> -> memref<64x128xf32, #tpu.memory_space<vmem>>
      %dma_start3A_1740 = arith.constant 0 : i32
      %dma_start3A_1741 = tpu.memref_slice %arg3[%dma_start3A_1740, %multiple_of3A_1734] : memref<64x1000000xf32, #tpu.memory_space<hbm>> -> memref<64x128xf32, #tpu.memory_space<hbm>>
      %dma_start3A_1742 = arith.constant 0 : i32
      %dma_start3A_1743 = arith.constant 0 : i32
      %dma_start3A_1744 = tpu.memref_slice %arg7[%dma_start3A_1735, %dma_start3A_1742, %dma_start3A_1743] : memref<8x64x128xf32, #tpu.memory_space<vmem>> -> memref<1x64x128xf32, #tpu.memory_space<vmem>>
      %dma_start3A_1745 = tpu.memref_squeeze %dma_start3A_1744 : memref<1x64x128xf32, #tpu.memory_space<vmem>> -> memref<64x128xf32, #tpu.memory_space<vmem>>
      %dma_start3A_1746 = arith.constant 0 : i32
      %dma_start3A_1747 = tpu.memref_slice %arg3[%dma_start3A_1746, %multiple_of3A_1734] : memref<64x1000000xf32, #tpu.memory_space<hbm>> -> memref<64x128xf32, #tpu.memory_space<hbm>>
      tpu.enqueue_dma source(%dma_start3A_1747 : memref<64x128xf32, #tpu.memory_space<hbm>>) target(%dma_start3A_1745 : memref<64x128xf32, #tpu.memory_space<vmem>>) target_semaphore(%arg12 : memref<!tpu.dma_semaphore, #tpu.memory_space<semaphore_mem>>)
      %slice3A_1748 = vector.extract_strided_slice %get3A_959 {offsets = [15], sizes = [1], strides = [1]} : vector<16xi32> to vector<1xi32>
      %squeeze3A_1749 = vector.extract %slice3A_1748[0] : i32 from vector<1xi32>
      %shift_right_logical3A_1750 = arith.constant 7 : i32
      %shift_right_logical3A_1751 = arith.shrui %squeeze3A_1749, %shift_right_logical3A_1750 : i32
      %min3A_1752 = arith.constant 7811 : i32
      %min3A_1753 = arith.minsi %shift_right_logical3A_1751, %min3A_1752 : i32
      %mul3A_1754 = arith.constant 128 : i32
      %mul3A_1755 = arith.muli %min3A_1753, %mul3A_1754 : i32
      %multiple_of3A_1756 = tpu.assume_multiple %mul3A_1755, 128 : i32
      %dma_start3A_1757 = arith.constant 7 : i32
      %dma_start3A_1758 = arith.constant 0 : i32
      %dma_start3A_1759 = arith.constant 0 : i32
      %dma_start3A_1760 = tpu.memref_slice %arg7[%dma_start3A_1757, %dma_start3A_1758, %dma_start3A_1759] : memref<8x64x128xf32, #tpu.memory_space<vmem>> -> memref<1x64x128xf32, #tpu.memory_space<vmem>>
      %dma_start3A_1761 = tpu.memref_squeeze %dma_start3A_1760 : memref<1x64x128xf32, #tpu.memory_space<vmem>> -> memref<64x128xf32, #tpu.memory_space<vmem>>
      %dma_start3A_1762 = arith.constant 0 : i32
      %dma_start3A_1763 = tpu.memref_slice %arg3[%dma_start3A_1762, %multiple_of3A_1756] : memref<64x1000000xf32, #tpu.memory_space<hbm>> -> memref<64x128xf32, #tpu.memory_space<hbm>>
      %dma_start3A_1764 = arith.constant 0 : i32
      %dma_start3A_1765 = arith.constant 0 : i32
      %dma_start3A_1766 = tpu.memref_slice %arg7[%dma_start3A_1757, %dma_start3A_1764, %dma_start3A_1765] : memref<8x64x128xf32, #tpu.memory_space<vmem>> -> memref<1x64x128xf32, #tpu.memory_space<vmem>>
      %dma_start3A_1767 = tpu.memref_squeeze %dma_start3A_1766 : memref<1x64x128xf32, #tpu.memory_space<vmem>> -> memref<64x128xf32, #tpu.memory_space<vmem>>
      %dma_start3A_1768 = arith.constant 0 : i32
      %dma_start3A_1769 = tpu.memref_slice %arg3[%dma_start3A_1768, %multiple_of3A_1756] : memref<64x1000000xf32, #tpu.memory_space<hbm>> -> memref<64x128xf32, #tpu.memory_space<hbm>>
      tpu.enqueue_dma source(%dma_start3A_1769 : memref<64x128xf32, #tpu.memory_space<hbm>>) target(%dma_start3A_1767 : memref<64x128xf32, #tpu.memory_space<vmem>>) target_semaphore(%arg12 : memref<!tpu.dma_semaphore, #tpu.memory_space<semaphore_mem>>)
      %dma_wait3A_1770 = arith.constant 0 : i32
      %dma_wait3A_1771 = arith.constant 0 : i32
      %dma_wait3A_1772 = arith.constant 0 : i32
      %dma_wait3A_1773 = tpu.memref_slice %arg7[%dma_wait3A_1770, %dma_wait3A_1771, %dma_wait3A_1772] : memref<8x64x128xf32, #tpu.memory_space<vmem>> -> memref<1x64x128xf32, #tpu.memory_space<vmem>>
      %dma_wait3A_1774 = tpu.memref_squeeze %dma_wait3A_1773 : memref<1x64x128xf32, #tpu.memory_space<vmem>> -> memref<64x128xf32, #tpu.memory_space<vmem>>
      %dma_wait3A_1775 = arith.constant 0 : i32
      %dma_wait3A_1776 = arith.constant 0 : i32
      %dma_wait3A_1777 = tpu.memref_slice %arg3[%dma_wait3A_1775, %dma_wait3A_1776] : memref<64x1000000xf32, #tpu.memory_space<hbm>> -> memref<64x128xf32, #tpu.memory_space<hbm>>
      %dma_wait3A_1778 = arith.constant 0 : i32
      %dma_wait3A_1779 = arith.constant 0 : i32
      %dma_wait3A_1780 = tpu.memref_slice %arg7[%dma_wait3A_1770, %dma_wait3A_1778, %dma_wait3A_1779] : memref<8x64x128xf32, #tpu.memory_space<vmem>> -> memref<1x64x128xf32, #tpu.memory_space<vmem>>
      %dma_wait3A_1781 = tpu.memref_squeeze %dma_wait3A_1780 : memref<1x64x128xf32, #tpu.memory_space<vmem>> -> memref<64x128xf32, #tpu.memory_space<vmem>>
      %dma_wait3A_1782 = arith.constant 0 : i32
      %dma_wait3A_1783 = arith.constant 0 : i32
      %dma_wait3A_1784 = tpu.memref_slice %arg3[%dma_wait3A_1782, %dma_wait3A_1783] : memref<64x1000000xf32, #tpu.memory_space<hbm>> -> memref<64x128xf32, #tpu.memory_space<hbm>>
      tpu.wait_dma2 semaphore(%arg11 : memref<!tpu.dma_semaphore, #tpu.memory_space<semaphore_mem>>) src(%dma_wait3A_1784 : memref<64x128xf32, #tpu.memory_space<hbm>>) dst(%dma_wait3A_1781 : memref<64x128xf32, #tpu.memory_space<vmem>>)
      %dma_wait3A_1785 = arith.constant 0 : i32
      %dma_wait3A_1786 = arith.constant 0 : i32
      %dma_wait3A_1787 = arith.constant 0 : i32
      %dma_wait3A_1788 = tpu.memref_slice %arg7[%dma_wait3A_1785, %dma_wait3A_1786, %dma_wait3A_1787] : memref<8x64x128xf32, #tpu.memory_space<vmem>> -> memref<1x64x128xf32, #tpu.memory_space<vmem>>
      %dma_wait3A_1789 = tpu.memref_squeeze %dma_wait3A_1788 : memref<1x64x128xf32, #tpu.memory_space<vmem>> -> memref<64x128xf32, #tpu.memory_space<vmem>>
      %dma_wait3A_1790 = arith.constant 0 : i32
      %dma_wait3A_1791 = arith.constant 0 : i32
      %dma_wait3A_1792 = tpu.memref_slice %arg3[%dma_wait3A_1790, %dma_wait3A_1791] : memref<64x1000000xf32, #tpu.memory_space<hbm>> -> memref<64x128xf32, #tpu.memory_space<hbm>>
      %dma_wait3A_1793 = arith.constant 0 : i32
      %dma_wait3A_1794 = arith.constant 0 : i32
      %dma_wait3A_1795 = tpu.memref_slice %arg7[%dma_wait3A_1785, %dma_wait3A_1793, %dma_wait3A_1794] : memref<8x64x128xf32, #tpu.memory_space<vmem>> -> memref<1x64x128xf32, #tpu.memory_space<vmem>>
      %dma_wait3A_1796 = tpu.memref_squeeze %dma_wait3A_1795 : memref<1x64x128xf32, #tpu.memory_space<vmem>> -> memref<64x128xf32, #tpu.memory_space<vmem>>
      %dma_wait3A_1797 = arith.constant 0 : i32
      %dma_wait3A_1798 = arith.constant 0 : i32
      %dma_wait3A_1799 = tpu.memref_slice %arg3[%dma_wait3A_1797, %dma_wait3A_1798] : memref<64x1000000xf32, #tpu.memory_space<hbm>> -> memref<64x128xf32, #tpu.memory_space<hbm>>
      tpu.wait_dma2 semaphore(%arg11 : memref<!tpu.dma_semaphore, #tpu.memory_space<semaphore_mem>>) src(%dma_wait3A_1799 : memref<64x128xf32, #tpu.memory_space<hbm>>) dst(%dma_wait3A_1796 : memref<64x128xf32, #tpu.memory_space<vmem>>)
      %dma_wait3A_1800 = arith.constant 0 : i32
      %dma_wait3A_1801 = arith.constant 0 : i32
      %dma_wait3A_1802 = arith.constant 0 : i32
      %dma_wait3A_1803 = tpu.memref_slice %arg7[%dma_wait3A_1800, %dma_wait3A_1801, %dma_wait3A_1802] : memref<8x64x128xf32, #tpu.memory_space<vmem>> -> memref<1x64x128xf32, #tpu.memory_space<vmem>>
      %dma_wait3A_1804 = tpu.memref_squeeze %dma_wait3A_1803 : memref<1x64x128xf32, #tpu.memory_space<vmem>> -> memref<64x128xf32, #tpu.memory_space<vmem>>
      %dma_wait3A_1805 = arith.constant 0 : i32
      %dma_wait3A_1806 = arith.constant 0 : i32
      %dma_wait3A_1807 = tpu.memref_slice %arg3[%dma_wait3A_1805, %dma_wait3A_1806] : memref<64x1000000xf32, #tpu.memory_space<hbm>> -> memref<64x128xf32, #tpu.memory_space<hbm>>
      %dma_wait3A_1808 = arith.constant 0 : i32
      %dma_wait3A_1809 = arith.constant 0 : i32
      %dma_wait3A_1810 = tpu.memref_slice %arg7[%dma_wait3A_1800, %dma_wait3A_1808, %dma_wait3A_1809] : memref<8x64x128xf32, #tpu.memory_space<vmem>> -> memref<1x64x128xf32, #tpu.memory_space<vmem>>
      %dma_wait3A_1811 = tpu.memref_squeeze %dma_wait3A_1810 : memref<1x64x128xf32, #tpu.memory_space<vmem>> -> memref<64x128xf32, #tpu.memory_space<vmem>>
      %dma_wait3A_1812 = arith.constant 0 : i32
      %dma_wait3A_1813 = arith.constant 0 : i32
      %dma_wait3A_1814 = tpu.memref_slice %arg3[%dma_wait3A_1812, %dma_wait3A_1813] : memref<64x1000000xf32, #tpu.memory_space<hbm>> -> memref<64x128xf32, #tpu.memory_space<hbm>>
      tpu.wait_dma2 semaphore(%arg11 : memref<!tpu.dma_semaphore, #tpu.memory_space<semaphore_mem>>) src(%dma_wait3A_1814 : memref<64x128xf32, #tpu.memory_space<hbm>>) dst(%dma_wait3A_1811 : memref<64x128xf32, #tpu.memory_space<vmem>>)
      %dma_wait3A_1815 = arith.constant 0 : i32
      %dma_wait3A_1816 = arith.constant 0 : i32
      %dma_wait3A_1817 = arith.constant 0 : i32
      %dma_wait3A_1818 = tpu.memref_slice %arg7[%dma_wait3A_1815, %dma_wait3A_1816, %dma_wait3A_1817] : memref<8x64x128xf32, #tpu.memory_space<vmem>> -> memref<1x64x128xf32, #tpu.memory_space<vmem>>
      %dma_wait3A_1819 = tpu.memref_squeeze %dma_wait3A_1818 : memref<1x64x128xf32, #tpu.memory_space<vmem>> -> memref<64x128xf32, #tpu.memory_space<vmem>>
      %dma_wait3A_1820 = arith.constant 0 : i32
      %dma_wait3A_1821 = arith.constant 0 : i32
      %dma_wait3A_1822 = tpu.memref_slice %arg3[%dma_wait3A_1820, %dma_wait3A_1821] : memref<64x1000000xf32, #tpu.memory_space<hbm>> -> memref<64x128xf32, #tpu.memory_space<hbm>>
      %dma_wait3A_1823 = arith.constant 0 : i32
      %dma_wait3A_1824 = arith.constant 0 : i32
      %dma_wait3A_1825 = tpu.memref_slice %arg7[%dma_wait3A_1815, %dma_wait3A_1823, %dma_wait3A_1824] : memref<8x64x128xf32, #tpu.memory_space<vmem>> -> memref<1x64x128xf32, #tpu.memory_space<vmem>>
      %dma_wait3A_1826 = tpu.memref_squeeze %dma_wait3A_1825 : memref<1x64x128xf32, #tpu.memory_space<vmem>> -> memref<64x128xf32, #tpu.memory_space<vmem>>
      %dma_wait3A_1827 = arith.constant 0 : i32
      %dma_wait3A_1828 = arith.constant 0 : i32
      %dma_wait3A_1829 = tpu.memref_slice %arg3[%dma_wait3A_1827, %dma_wait3A_1828] : memref<64x1000000xf32, #tpu.memory_space<hbm>> -> memref<64x128xf32, #tpu.memory_space<hbm>>
      tpu.wait_dma2 semaphore(%arg11 : memref<!tpu.dma_semaphore, #tpu.memory_space<semaphore_mem>>) src(%dma_wait3A_1829 : memref<64x128xf32, #tpu.memory_space<hbm>>) dst(%dma_wait3A_1826 : memref<64x128xf32, #tpu.memory_space<vmem>>)
      %slice3A_1830 = vector.extract_strided_slice %get3A_959 {offsets = [8], sizes = [1], strides = [1]} : vector<16xi32> to vector<1xi32>
      %squeeze3A_1831 = vector.extract %slice3A_1830[0] : i32 from vector<1xi32>
      %shift_right_logical3A_1832 = arith.constant 7 : i32
      %shift_right_logical3A_1833 = arith.shrui %squeeze3A_1831, %shift_right_logical3A_1832 : i32
      %min3A_1834 = arith.constant 7811 : i32
      %min3A_1835 = arith.minsi %shift_right_logical3A_1833, %min3A_1834 : i32
      %mul3A_1836 = arith.constant 128 : i32
      %mul3A_1837 = arith.muli %min3A_1835, %mul3A_1836 : i32
      %multiple_of3A_1838 = tpu.assume_multiple %mul3A_1837, 128 : i32
      %sub3A_1839 = arith.subi %squeeze3A_1831, %multiple_of3A_1838 : i32
      %min3A_1840 = arith.constant 127 : i32
      %min3A_1841 = arith.minsi %sub3A_1839, %min3A_1840 : i32
      %broadcast_in_dim3A_1842 = vector.broadcast %min3A_1841 : i32 to vector<16xi32>
      %add3A_1843 = arith.constant 0 : i32
      %add3A_1844 = vector.broadcast %add3A_1843 : i32 to vector<16xi32>
      %add3A_1845 = arith.addi %add3A_1844, %iota3A : vector<16xi32>
      %gather3A_1846 = arith.constant 0 : i32
      %gather3A_1847 = arith.constant 0 : i32
      %gather3A_1848 = arith.constant 0 : i32
      %gather3A_1849 = tpu.memref_slice %arg7[%gather3A_1846, %gather3A_1847, %gather3A_1848] : memref<8x64x128xf32, #tpu.memory_space<vmem>> -> memref<1x64x128xf32, #tpu.memory_space<vmem>>
      %gather3A_1850 = tpu.memref_squeeze %gather3A_1849 : memref<1x64x128xf32, #tpu.memory_space<vmem>> -> memref<64x128xf32, #tpu.memory_space<vmem>>
      %gather3A_1851 = tpu.vector_load_idx %gather3A_1850[%add3A_1845, %broadcast_in_dim3A_1842] : memref<64x128xf32, #tpu.memory_space<vmem>>[vector<16xi32>, vector<16xi32>], vector<16xf32>,
      %mul3A_1852 = arith.mulf %gather3A_1851, %get3A_3 : vector<16xf32>
      %add3A_1853 = arith.constant 16 : i32
      %add3A_1854 = vector.broadcast %add3A_1853 : i32 to vector<16xi32>
      %add3A_1855 = arith.addi %add3A_1854, %iota3A : vector<16xi32>
      %gather3A_1856 = arith.constant 0 : i32
      %gather3A_1857 = arith.constant 0 : i32
      %gather3A_1858 = arith.constant 0 : i32
      %gather3A_1859 = tpu.memref_slice %arg7[%gather3A_1856, %gather3A_1857, %gather3A_1858] : memref<8x64x128xf32, #tpu.memory_space<vmem>> -> memref<1x64x128xf32, #tpu.memory_space<vmem>>
      %gather3A_1860 = tpu.memref_squeeze %gather3A_1859 : memref<1x64x128xf32, #tpu.memory_space<vmem>> -> memref<64x128xf32, #tpu.memory_space<vmem>>
      %gather3A_1861 = tpu.vector_load_idx %gather3A_1860[%add3A_1855, %broadcast_in_dim3A_1842] : memref<64x128xf32, #tpu.memory_space<vmem>>[vector<16xi32>, vector<16xi32>], vector<16xf32>,
      %mul3A_1862 = arith.mulf %gather3A_1861, %get3A_5 : vector<16xf32>
      %add3A_1863 = arith.addf %mul3A_1852, %mul3A_1862 : vector<16xf32>
      %add3A_1864 = arith.constant 32 : i32
      %add3A_1865 = vector.broadcast %add3A_1864 : i32 to vector<16xi32>
      %add3A_1866 = arith.addi %add3A_1865, %iota3A : vector<16xi32>
      %gather3A_1867 = arith.constant 0 : i32
      %gather3A_1868 = arith.constant 0 : i32
      %gather3A_1869 = arith.constant 0 : i32
      %gather3A_1870 = tpu.memref_slice %arg7[%gather3A_1867, %gather3A_1868, %gather3A_1869] : memref<8x64x128xf32, #tpu.memory_space<vmem>> -> memref<1x64x128xf32, #tpu.memory_space<vmem>>
      %gather3A_1871 = tpu.memref_squeeze %gather3A_1870 : memref<1x64x128xf32, #tpu.memory_space<vmem>> -> memref<64x128xf32, #tpu.memory_space<vmem>>
      %gather3A_1872 = tpu.vector_load_idx %gather3A_1871[%add3A_1866, %broadcast_in_dim3A_1842] : memref<64x128xf32, #tpu.memory_space<vmem>>[vector<16xi32>, vector<16xi32>], vector<16xf32>,
      %mul3A_1873 = arith.mulf %gather3A_1872, %get3A_7 : vector<16xf32>
      %add3A_1874 = arith.addf %add3A_1863, %mul3A_1873 : vector<16xf32>
      %add3A_1875 = arith.constant 48 : i32
      %add3A_1876 = vector.broadcast %add3A_1875 : i32 to vector<16xi32>
      %add3A_1877 = arith.addi %add3A_1876, %iota3A : vector<16xi32>
      %gather3A_1878 = arith.constant 0 : i32
      %gather3A_1879 = arith.constant 0 : i32
      %gather3A_1880 = arith.constant 0 : i32
      %gather3A_1881 = tpu.memref_slice %arg7[%gather3A_1878, %gather3A_1879, %gather3A_1880] : memref<8x64x128xf32, #tpu.memory_space<vmem>> -> memref<1x64x128xf32, #tpu.memory_space<vmem>>
      %gather3A_1882 = tpu.memref_squeeze %gather3A_1881 : memref<1x64x128xf32, #tpu.memory_space<vmem>> -> memref<64x128xf32, #tpu.memory_space<vmem>>
      %gather3A_1883 = tpu.vector_load_idx %gather3A_1882[%add3A_1877, %broadcast_in_dim3A_1842] : memref<64x128xf32, #tpu.memory_space<vmem>>[vector<16xi32>, vector<16xi32>], vector<16xf32>,
      %mul3A_1884 = arith.mulf %gather3A_1883, %get3A_9 : vector<16xf32>
      %add3A_1885 = arith.addf %add3A_1874, %mul3A_1884 : vector<16xf32>
      %add3A_1886 = arith.constant 8 : i32
      %add3A_1887 = arith.addi %mul3A_957, %add3A_1886 : i32
      %add3A_1888 = arith.constant 0 : i32
      %add3A_1889 = arith.addi %add3A_1887, %add3A_1888 : i32
      %mul3A_1890 = arith.constant 16 : i32
      %mul3A_1891 = arith.muli %add3A_1889, %mul3A_1890 : i32
      %swap3A_1892 = arith.index_cast %mul3A_1891 : i32 to index
      %swap3A_1893 = tpu.vector_load %arg9[%swap3A_1892] {strides = array<i32>} : memref<2048xf32, #tpu.memory_space<vmem>>, vector<16xf32>,
      tpu.vector_store %arg9[%swap3A_1892], %add3A_1885 {strides = array<i32>} : memref<2048xf32, #tpu.memory_space<vmem>>, vector<16xf32>,
      %slice3A_1894 = vector.extract_strided_slice %get3A_959 {offsets = [9], sizes = [1], strides = [1]} : vector<16xi32> to vector<1xi32>
      %squeeze3A_1895 = vector.extract %slice3A_1894[0] : i32 from vector<1xi32>
      %shift_right_logical3A_1896 = arith.constant 7 : i32
      %shift_right_logical3A_1897 = arith.shrui %squeeze3A_1895, %shift_right_logical3A_1896 : i32
      %min3A_1898 = arith.constant 7811 : i32
      %min3A_1899 = arith.minsi %shift_right_logical3A_1897, %min3A_1898 : i32
      %mul3A_1900 = arith.constant 128 : i32
      %mul3A_1901 = arith.muli %min3A_1899, %mul3A_1900 : i32
      %multiple_of3A_1902 = tpu.assume_multiple %mul3A_1901, 128 : i32
      %sub3A_1903 = arith.subi %squeeze3A_1895, %multiple_of3A_1902 : i32
      %min3A_1904 = arith.constant 127 : i32
      %min3A_1905 = arith.minsi %sub3A_1903, %min3A_1904 : i32
      %broadcast_in_dim3A_1906 = vector.broadcast %min3A_1905 : i32 to vector<16xi32>
      %add3A_1907 = arith.constant 0 : i32
      %add3A_1908 = vector.broadcast %add3A_1907 : i32 to vector<16xi32>
      %add3A_1909 = arith.addi %add3A_1908, %iota3A : vector<16xi32>
      %gather3A_1910 = arith.constant 1 : i32
      %gather3A_1911 = arith.constant 0 : i32
      %gather3A_1912 = arith.constant 0 : i32
      %gather3A_1913 = tpu.memref_slice %arg7[%gather3A_1910, %gather3A_1911, %gather3A_1912] : memref<8x64x128xf32, #tpu.memory_space<vmem>> -> memref<1x64x128xf32, #tpu.memory_space<vmem>>
      %gather3A_1914 = tpu.memref_squeeze %gather3A_1913 : memref<1x64x128xf32, #tpu.memory_space<vmem>> -> memref<64x128xf32, #tpu.memory_space<vmem>>
      %gather3A_1915 = tpu.vector_load_idx %gather3A_1914[%add3A_1909, %broadcast_in_dim3A_1906] : memref<64x128xf32, #tpu.memory_space<vmem>>[vector<16xi32>, vector<16xi32>], vector<16xf32>,
      %mul3A_1916 = arith.mulf %gather3A_1915, %get3A_3 : vector<16xf32>
      %add3A_1917 = arith.constant 16 : i32
      %add3A_1918 = vector.broadcast %add3A_1917 : i32 to vector<16xi32>
      %add3A_1919 = arith.addi %add3A_1918, %iota3A : vector<16xi32>
      %gather3A_1920 = arith.constant 1 : i32
      %gather3A_1921 = arith.constant 0 : i32
      %gather3A_1922 = arith.constant 0 : i32
      %gather3A_1923 = tpu.memref_slice %arg7[%gather3A_1920, %gather3A_1921, %gather3A_1922] : memref<8x64x128xf32, #tpu.memory_space<vmem>> -> memref<1x64x128xf32, #tpu.memory_space<vmem>>
      %gather3A_1924 = tpu.memref_squeeze %gather3A_1923 : memref<1x64x128xf32, #tpu.memory_space<vmem>> -> memref<64x128xf32, #tpu.memory_space<vmem>>
      %gather3A_1925 = tpu.vector_load_idx %gather3A_1924[%add3A_1919, %broadcast_in_dim3A_1906] : memref<64x128xf32, #tpu.memory_space<vmem>>[vector<16xi32>, vector<16xi32>], vector<16xf32>,
      %mul3A_1926 = arith.mulf %gather3A_1925, %get3A_5 : vector<16xf32>
      %add3A_1927 = arith.addf %mul3A_1916, %mul3A_1926 : vector<16xf32>
      %add3A_1928 = arith.constant 32 : i32
      %add3A_1929 = vector.broadcast %add3A_1928 : i32 to vector<16xi32>
      %add3A_1930 = arith.addi %add3A_1929, %iota3A : vector<16xi32>
      %gather3A_1931 = arith.constant 1 : i32
      %gather3A_1932 = arith.constant 0 : i32
      %gather3A_1933 = arith.constant 0 : i32
      %gather3A_1934 = tpu.memref_slice %arg7[%gather3A_1931, %gather3A_1932, %gather3A_1933] : memref<8x64x128xf32, #tpu.memory_space<vmem>> -> memref<1x64x128xf32, #tpu.memory_space<vmem>>
      %gather3A_1935 = tpu.memref_squeeze %gather3A_1934 : memref<1x64x128xf32, #tpu.memory_space<vmem>> -> memref<64x128xf32, #tpu.memory_space<vmem>>
      %gather3A_1936 = tpu.vector_load_idx %gather3A_1935[%add3A_1930, %broadcast_in_dim3A_1906] : memref<64x128xf32, #tpu.memory_space<vmem>>[vector<16xi32>, vector<16xi32>], vector<16xf32>,
      %mul3A_1937 = arith.mulf %gather3A_1936, %get3A_7 : vector<16xf32>
      %add3A_1938 = arith.addf %add3A_1927, %mul3A_1937 : vector<16xf32>
      %add3A_1939 = arith.constant 48 : i32
      %add3A_1940 = vector.broadcast %add3A_1939 : i32 to vector<16xi32>
      %add3A_1941 = arith.addi %add3A_1940, %iota3A : vector<16xi32>
      %gather3A_1942 = arith.constant 1 : i32
      %gather3A_1943 = arith.constant 0 : i32
      %gather3A_1944 = arith.constant 0 : i32
      %gather3A_1945 = tpu.memref_slice %arg7[%gather3A_1942, %gather3A_1943, %gather3A_1944] : memref<8x64x128xf32, #tpu.memory_space<vmem>> -> memref<1x64x128xf32, #tpu.memory_space<vmem>>
      %gather3A_1946 = tpu.memref_squeeze %gather3A_1945 : memref<1x64x128xf32, #tpu.memory_space<vmem>> -> memref<64x128xf32, #tpu.memory_space<vmem>>
      %gather3A_1947 = tpu.vector_load_idx %gather3A_1946[%add3A_1941, %broadcast_in_dim3A_1906] : memref<64x128xf32, #tpu.memory_space<vmem>>[vector<16xi32>, vector<16xi32>], vector<16xf32>,
      %mul3A_1948 = arith.mulf %gather3A_1947, %get3A_9 : vector<16xf32>
      %add3A_1949 = arith.addf %add3A_1938, %mul3A_1948 : vector<16xf32>
      %add3A_1950 = arith.constant 8 : i32
      %add3A_1951 = arith.addi %mul3A_957, %add3A_1950 : i32
      %add3A_1952 = arith.constant 1 : i32
      %add3A_1953 = arith.addi %add3A_1951, %add3A_1952 : i32
      %mul3A_1954 = arith.constant 16 : i32
      %mul3A_1955 = arith.muli %add3A_1953, %mul3A_1954 : i32
      %swap3A_1956 = arith.index_cast %mul3A_1955 : i32 to index
      %swap3A_1957 = tpu.vector_load %arg9[%swap3A_1956] {strides = array<i32>} : memref<2048xf32, #tpu.memory_space<vmem>>, vector<16xf32>,
      tpu.vector_store %arg9[%swap3A_1956], %add3A_1949 {strides = array<i32>} : memref<2048xf32, #tpu.memory_space<vmem>>, vector<16xf32>,
      %slice3A_1958 = vector.extract_strided_slice %get3A_959 {offsets = [10], sizes = [1], strides = [1]} : vector<16xi32> to vector<1xi32>
      %squeeze3A_1959 = vector.extract %slice3A_1958[0] : i32 from vector<1xi32>
      %shift_right_logical3A_1960 = arith.constant 7 : i32
      %shift_right_logical3A_1961 = arith.shrui %squeeze3A_1959, %shift_right_logical3A_1960 : i32
      %min3A_1962 = arith.constant 7811 : i32
      %min3A_1963 = arith.minsi %shift_right_logical3A_1961, %min3A_1962 : i32
      %mul3A_1964 = arith.constant 128 : i32
      %mul3A_1965 = arith.muli %min3A_1963, %mul3A_1964 : i32
      %multiple_of3A_1966 = tpu.assume_multiple %mul3A_1965, 128 : i32
      %sub3A_1967 = arith.subi %squeeze3A_1959, %multiple_of3A_1966 : i32
      %min3A_1968 = arith.constant 127 : i32
      %min3A_1969 = arith.minsi %sub3A_1967, %min3A_1968 : i32
      %broadcast_in_dim3A_1970 = vector.broadcast %min3A_1969 : i32 to vector<16xi32>
      %add3A_1971 = arith.constant 0 : i32
      %add3A_1972 = vector.broadcast %add3A_1971 : i32 to vector<16xi32>
      %add3A_1973 = arith.addi %add3A_1972, %iota3A : vector<16xi32>
      %gather3A_1974 = arith.constant 2 : i32
      %gather3A_1975 = arith.constant 0 : i32
      %gather3A_1976 = arith.constant 0 : i32
      %gather3A_1977 = tpu.memref_slice %arg7[%gather3A_1974, %gather3A_1975, %gather3A_1976] : memref<8x64x128xf32, #tpu.memory_space<vmem>> -> memref<1x64x128xf32, #tpu.memory_space<vmem>>
      %gather3A_1978 = tpu.memref_squeeze %gather3A_1977 : memref<1x64x128xf32, #tpu.memory_space<vmem>> -> memref<64x128xf32, #tpu.memory_space<vmem>>
      %gather3A_1979 = tpu.vector_load_idx %gather3A_1978[%add3A_1973, %broadcast_in_dim3A_1970] : memref<64x128xf32, #tpu.memory_space<vmem>>[vector<16xi32>, vector<16xi32>], vector<16xf32>,
      %mul3A_1980 = arith.mulf %gather3A_1979, %get3A_3 : vector<16xf32>
      %add3A_1981 = arith.constant 16 : i32
      %add3A_1982 = vector.broadcast %add3A_1981 : i32 to vector<16xi32>
      %add3A_1983 = arith.addi %add3A_1982, %iota3A : vector<16xi32>
      %gather3A_1984 = arith.constant 2 : i32
      %gather3A_1985 = arith.constant 0 : i32
      %gather3A_1986 = arith.constant 0 : i32
      %gather3A_1987 = tpu.memref_slice %arg7[%gather3A_1984, %gather3A_1985, %gather3A_1986] : memref<8x64x128xf32, #tpu.memory_space<vmem>> -> memref<1x64x128xf32, #tpu.memory_space<vmem>>
      %gather3A_1988 = tpu.memref_squeeze %gather3A_1987 : memref<1x64x128xf32, #tpu.memory_space<vmem>> -> memref<64x128xf32, #tpu.memory_space<vmem>>
      %gather3A_1989 = tpu.vector_load_idx %gather3A_1988[%add3A_1983, %broadcast_in_dim3A_1970] : memref<64x128xf32, #tpu.memory_space<vmem>>[vector<16xi32>, vector<16xi32>], vector<16xf32>,
      %mul3A_1990 = arith.mulf %gather3A_1989, %get3A_5 : vector<16xf32>
      %add3A_1991 = arith.addf %mul3A_1980, %mul3A_1990 : vector<16xf32>
      %add3A_1992 = arith.constant 32 : i32
      %add3A_1993 = vector.broadcast %add3A_1992 : i32 to vector<16xi32>
      %add3A_1994 = arith.addi %add3A_1993, %iota3A : vector<16xi32>
      %gather3A_1995 = arith.constant 2 : i32
      %gather3A_1996 = arith.constant 0 : i32
      %gather3A_1997 = arith.constant 0 : i32
      %gather3A_1998 = tpu.memref_slice %arg7[%gather3A_1995, %gather3A_1996, %gather3A_1997] : memref<8x64x128xf32, #tpu.memory_space<vmem>> -> memref<1x64x128xf32, #tpu.memory_space<vmem>>
      %gather3A_1999 = tpu.memref_squeeze %gather3A_1998 : memref<1x64x128xf32, #tpu.memory_space<vmem>> -> memref<64x128xf32, #tpu.memory_space<vmem>>
      %gather3A_2000 = tpu.vector_load_idx %gather3A_1999[%add3A_1994, %broadcast_in_dim3A_1970] : memref<64x128xf32, #tpu.memory_space<vmem>>[vector<16xi32>, vector<16xi32>], vector<16xf32>,
      %mul3A_2001 = arith.mulf %gather3A_2000, %get3A_7 : vector<16xf32>
      %add3A_2002 = arith.addf %add3A_1991, %mul3A_2001 : vector<16xf32>
      %add3A_2003 = arith.constant 48 : i32
      %add3A_2004 = vector.broadcast %add3A_2003 : i32 to vector<16xi32>
      %add3A_2005 = arith.addi %add3A_2004, %iota3A : vector<16xi32>
      %gather3A_2006 = arith.constant 2 : i32
      %gather3A_2007 = arith.constant 0 : i32
      %gather3A_2008 = arith.constant 0 : i32
      %gather3A_2009 = tpu.memref_slice %arg7[%gather3A_2006, %gather3A_2007, %gather3A_2008] : memref<8x64x128xf32, #tpu.memory_space<vmem>> -> memref<1x64x128xf32, #tpu.memory_space<vmem>>
      %gather3A_2010 = tpu.memref_squeeze %gather3A_2009 : memref<1x64x128xf32, #tpu.memory_space<vmem>> -> memref<64x128xf32, #tpu.memory_space<vmem>>
      %gather3A_2011 = tpu.vector_load_idx %gather3A_2010[%add3A_2005, %broadcast_in_dim3A_1970] : memref<64x128xf32, #tpu.memory_space<vmem>>[vector<16xi32>, vector<16xi32>], vector<16xf32>,
      %mul3A_2012 = arith.mulf %gather3A_2011, %get3A_9 : vector<16xf32>
      %add3A_2013 = arith.addf %add3A_2002, %mul3A_2012 : vector<16xf32>
      %add3A_2014 = arith.constant 8 : i32
      %add3A_2015 = arith.addi %mul3A_957, %add3A_2014 : i32
      %add3A_2016 = arith.constant 2 : i32
      %add3A_2017 = arith.addi %add3A_2015, %add3A_2016 : i32
      %mul3A_2018 = arith.constant 16 : i32
      %mul3A_2019 = arith.muli %add3A_2017, %mul3A_2018 : i32
      %swap3A_2020 = arith.index_cast %mul3A_2019 : i32 to index
      %swap3A_2021 = tpu.vector_load %arg9[%swap3A_2020] {strides = array<i32>} : memref<2048xf32, #tpu.memory_space<vmem>>, vector<16xf32>,
      tpu.vector_store %arg9[%swap3A_2020], %add3A_2013 {strides = array<i32>} : memref<2048xf32, #tpu.memory_space<vmem>>, vector<16xf32>,
      %slice3A_2022 = vector.extract_strided_slice %get3A_959 {offsets = [11], sizes = [1], strides = [1]} : vector<16xi32> to vector<1xi32>
      %squeeze3A_2023 = vector.extract %slice3A_2022[0] : i32 from vector<1xi32>
      %shift_right_logical3A_2024 = arith.constant 7 : i32
      %shift_right_logical3A_2025 = arith.shrui %squeeze3A_2023, %shift_right_logical3A_2024 : i32
      %min3A_2026 = arith.constant 7811 : i32
      %min3A_2027 = arith.minsi %shift_right_logical3A_2025, %min3A_2026 : i32
      %mul3A_2028 = arith.constant 128 : i32
      %mul3A_2029 = arith.muli %min3A_2027, %mul3A_2028 : i32
      %multiple_of3A_2030 = tpu.assume_multiple %mul3A_2029, 128 : i32
      %sub3A_2031 = arith.subi %squeeze3A_2023, %multiple_of3A_2030 : i32
      %min3A_2032 = arith.constant 127 : i32
      %min3A_2033 = arith.minsi %sub3A_2031, %min3A_2032 : i32
      %broadcast_in_dim3A_2034 = vector.broadcast %min3A_2033 : i32 to vector<16xi32>
      %add3A_2035 = arith.constant 0 : i32
      %add3A_2036 = vector.broadcast %add3A_2035 : i32 to vector<16xi32>
      %add3A_2037 = arith.addi %add3A_2036, %iota3A : vector<16xi32>
      %gather3A_2038 = arith.constant 3 : i32
      %gather3A_2039 = arith.constant 0 : i32
      %gather3A_2040 = arith.constant 0 : i32
      %gather3A_2041 = tpu.memref_slice %arg7[%gather3A_2038, %gather3A_2039, %gather3A_2040] : memref<8x64x128xf32, #tpu.memory_space<vmem>> -> memref<1x64x128xf32, #tpu.memory_space<vmem>>
      %gather3A_2042 = tpu.memref_squeeze %gather3A_2041 : memref<1x64x128xf32, #tpu.memory_space<vmem>> -> memref<64x128xf32, #tpu.memory_space<vmem>>
      %gather3A_2043 = tpu.vector_load_idx %gather3A_2042[%add3A_2037, %broadcast_in_dim3A_2034] : memref<64x128xf32, #tpu.memory_space<vmem>>[vector<16xi32>, vector<16xi32>], vector<16xf32>,
      %mul3A_2044 = arith.mulf %gather3A_2043, %get3A_3 : vector<16xf32>
      %add3A_2045 = arith.constant 16 : i32
      %add3A_2046 = vector.broadcast %add3A_2045 : i32 to vector<16xi32>
      %add3A_2047 = arith.addi %add3A_2046, %iota3A : vector<16xi32>
      %gather3A_2048 = arith.constant 3 : i32
      %gather3A_2049 = arith.constant 0 : i32
      %gather3A_2050 = arith.constant 0 : i32
      %gather3A_2051 = tpu.memref_slice %arg7[%gather3A_2048, %gather3A_2049, %gather3A_2050] : memref<8x64x128xf32, #tpu.memory_space<vmem>> -> memref<1x64x128xf32, #tpu.memory_space<vmem>>
      %gather3A_2052 = tpu.memref_squeeze %gather3A_2051 : memref<1x64x128xf32, #tpu.memory_space<vmem>> -> memref<64x128xf32, #tpu.memory_space<vmem>>
      %gather3A_2053 = tpu.vector_load_idx %gather3A_2052[%add3A_2047, %broadcast_in_dim3A_2034] : memref<64x128xf32, #tpu.memory_space<vmem>>[vector<16xi32>, vector<16xi32>], vector<16xf32>,
      %mul3A_2054 = arith.mulf %gather3A_2053, %get3A_5 : vector<16xf32>
      %add3A_2055 = arith.addf %mul3A_2044, %mul3A_2054 : vector<16xf32>
      %add3A_2056 = arith.constant 32 : i32
      %add3A_2057 = vector.broadcast %add3A_2056 : i32 to vector<16xi32>
      %add3A_2058 = arith.addi %add3A_2057, %iota3A : vector<16xi32>
      %gather3A_2059 = arith.constant 3 : i32
      %gather3A_2060 = arith.constant 0 : i32
      %gather3A_2061 = arith.constant 0 : i32
      %gather3A_2062 = tpu.memref_slice %arg7[%gather3A_2059, %gather3A_2060, %gather3A_2061] : memref<8x64x128xf32, #tpu.memory_space<vmem>> -> memref<1x64x128xf32, #tpu.memory_space<vmem>>
      %gather3A_2063 = tpu.memref_squeeze %gather3A_2062 : memref<1x64x128xf32, #tpu.memory_space<vmem>> -> memref<64x128xf32, #tpu.memory_space<vmem>>
      %gather3A_2064 = tpu.vector_load_idx %gather3A_2063[%add3A_2058, %broadcast_in_dim3A_2034] : memref<64x128xf32, #tpu.memory_space<vmem>>[vector<16xi32>, vector<16xi32>], vector<16xf32>,
      %mul3A_2065 = arith.mulf %gather3A_2064, %get3A_7 : vector<16xf32>
      %add3A_2066 = arith.addf %add3A_2055, %mul3A_2065 : vector<16xf32>
      %add3A_2067 = arith.constant 48 : i32
      %add3A_2068 = vector.broadcast %add3A_2067 : i32 to vector<16xi32>
      %add3A_2069 = arith.addi %add3A_2068, %iota3A : vector<16xi32>
      %gather3A_2070 = arith.constant 3 : i32
      %gather3A_2071 = arith.constant 0 : i32
      %gather3A_2072 = arith.constant 0 : i32
      %gather3A_2073 = tpu.memref_slice %arg7[%gather3A_2070, %gather3A_2071, %gather3A_2072] : memref<8x64x128xf32, #tpu.memory_space<vmem>> -> memref<1x64x128xf32, #tpu.memory_space<vmem>>
      %gather3A_2074 = tpu.memref_squeeze %gather3A_2073 : memref<1x64x128xf32, #tpu.memory_space<vmem>> -> memref<64x128xf32, #tpu.memory_space<vmem>>
      %gather3A_2075 = tpu.vector_load_idx %gather3A_2074[%add3A_2069, %broadcast_in_dim3A_2034] : memref<64x128xf32, #tpu.memory_space<vmem>>[vector<16xi32>, vector<16xi32>], vector<16xf32>,
      %mul3A_2076 = arith.mulf %gather3A_2075, %get3A_9 : vector<16xf32>
      %add3A_2077 = arith.addf %add3A_2066, %mul3A_2076 : vector<16xf32>
      %add3A_2078 = arith.constant 8 : i32
      %add3A_2079 = arith.addi %mul3A_957, %add3A_2078 : i32
      %add3A_2080 = arith.constant 3 : i32
      %add3A_2081 = arith.addi %add3A_2079, %add3A_2080 : i32
      %mul3A_2082 = arith.constant 16 : i32
      %mul3A_2083 = arith.muli %add3A_2081, %mul3A_2082 : i32
      %swap3A_2084 = arith.index_cast %mul3A_2083 : i32 to index
      %swap3A_2085 = tpu.vector_load %arg9[%swap3A_2084] {strides = array<i32>} : memref<2048xf32, #tpu.memory_space<vmem>>, vector<16xf32>,
      tpu.vector_store %arg9[%swap3A_2084], %add3A_2077 {strides = array<i32>} : memref<2048xf32, #tpu.memory_space<vmem>>, vector<16xf32>,
      %slice3A_2086 = vector.extract_strided_slice %get3A_963 {offsets = [0], sizes = [1], strides = [1]} : vector<16xi32> to vector<1xi32>
      %squeeze3A_2087 = vector.extract %slice3A_2086[0] : i32 from vector<1xi32>
      %shift_right_logical3A_2088 = arith.constant 7 : i32
      %shift_right_logical3A_2089 = arith.shrui %squeeze3A_2087, %shift_right_logical3A_2088 : i32
      %min3A_2090 = arith.constant 7811 : i32
      %min3A_2091 = arith.minsi %shift_right_logical3A_2089, %min3A_2090 : i32
      %mul3A_2092 = arith.constant 128 : i32
      %mul3A_2093 = arith.muli %min3A_2091, %mul3A_2092 : i32
      %multiple_of3A_2094 = tpu.assume_multiple %mul3A_2093, 128 : i32
      %dma_start3A_2095 = arith.constant 0 : i32
      %dma_start3A_2096 = arith.constant 0 : i32
      %dma_start3A_2097 = arith.constant 0 : i32
      %dma_start3A_2098 = tpu.memref_slice %arg7[%dma_start3A_2095, %dma_start3A_2096, %dma_start3A_2097] : memref<8x64x128xf32, #tpu.memory_space<vmem>> -> memref<1x64x128xf32, #tpu.memory_space<vmem>>
      %dma_start3A_2099 = tpu.memref_squeeze %dma_start3A_2098 : memref<1x64x128xf32, #tpu.memory_space<vmem>> -> memref<64x128xf32, #tpu.memory_space<vmem>>
      %dma_start3A_2100 = arith.constant 0 : i32
      %dma_start3A_2101 = tpu.memref_slice %arg3[%dma_start3A_2100, %multiple_of3A_2094] : memref<64x1000000xf32, #tpu.memory_space<hbm>> -> memref<64x128xf32, #tpu.memory_space<hbm>>
      %dma_start3A_2102 = arith.constant 0 : i32
      %dma_start3A_2103 = arith.constant 0 : i32
      %dma_start3A_2104 = tpu.memref_slice %arg7[%dma_start3A_2095, %dma_start3A_2102, %dma_start3A_2103] : memref<8x64x128xf32, #tpu.memory_space<vmem>> -> memref<1x64x128xf32, #tpu.memory_space<vmem>>
      %dma_start3A_2105 = tpu.memref_squeeze %dma_start3A_2104 : memref<1x64x128xf32, #tpu.memory_space<vmem>> -> memref<64x128xf32, #tpu.memory_space<vmem>>
      %dma_start3A_2106 = arith.constant 0 : i32
      %dma_start3A_2107 = tpu.memref_slice %arg3[%dma_start3A_2106, %multiple_of3A_2094] : memref<64x1000000xf32, #tpu.memory_space<hbm>> -> memref<64x128xf32, #tpu.memory_space<hbm>>
      tpu.enqueue_dma source(%dma_start3A_2107 : memref<64x128xf32, #tpu.memory_space<hbm>>) target(%dma_start3A_2105 : memref<64x128xf32, #tpu.memory_space<vmem>>) target_semaphore(%arg11 : memref<!tpu.dma_semaphore, #tpu.memory_space<semaphore_mem>>)
      %slice3A_2108 = vector.extract_strided_slice %get3A_963 {offsets = [1], sizes = [1], strides = [1]} : vector<16xi32> to vector<1xi32>
      %squeeze3A_2109 = vector.extract %slice3A_2108[0] : i32 from vector<1xi32>
      %shift_right_logical3A_2110 = arith.constant 7 : i32
      %shift_right_logical3A_2111 = arith.shrui %squeeze3A_2109, %shift_right_logical3A_2110 : i32
      %min3A_2112 = arith.constant 7811 : i32
      %min3A_2113 = arith.minsi %shift_right_logical3A_2111, %min3A_2112 : i32
      %mul3A_2114 = arith.constant 128 : i32
      %mul3A_2115 = arith.muli %min3A_2113, %mul3A_2114 : i32
      %multiple_of3A_2116 = tpu.assume_multiple %mul3A_2115, 128 : i32
      %dma_start3A_2117 = arith.constant 1 : i32
      %dma_start3A_2118 = arith.constant 0 : i32
      %dma_start3A_2119 = arith.constant 0 : i32
      %dma_start3A_2120 = tpu.memref_slice %arg7[%dma_start3A_2117, %dma_start3A_2118, %dma_start3A_2119] : memref<8x64x128xf32, #tpu.memory_space<vmem>> -> memref<1x64x128xf32, #tpu.memory_space<vmem>>
      %dma_start3A_2121 = tpu.memref_squeeze %dma_start3A_2120 : memref<1x64x128xf32, #tpu.memory_space<vmem>> -> memref<64x128xf32, #tpu.memory_space<vmem>>
      %dma_start3A_2122 = arith.constant 0 : i32
      %dma_start3A_2123 = tpu.memref_slice %arg3[%dma_start3A_2122, %multiple_of3A_2116] : memref<64x1000000xf32, #tpu.memory_space<hbm>> -> memref<64x128xf32, #tpu.memory_space<hbm>>
      %dma_start3A_2124 = arith.constant 0 : i32
      %dma_start3A_2125 = arith.constant 0 : i32
      %dma_start3A_2126 = tpu.memref_slice %arg7[%dma_start3A_2117, %dma_start3A_2124, %dma_start3A_2125] : memref<8x64x128xf32, #tpu.memory_space<vmem>> -> memref<1x64x128xf32, #tpu.memory_space<vmem>>
      %dma_start3A_2127 = tpu.memref_squeeze %dma_start3A_2126 : memref<1x64x128xf32, #tpu.memory_space<vmem>> -> memref<64x128xf32, #tpu.memory_space<vmem>>
      %dma_start3A_2128 = arith.constant 0 : i32
      %dma_start3A_2129 = tpu.memref_slice %arg3[%dma_start3A_2128, %multiple_of3A_2116] : memref<64x1000000xf32, #tpu.memory_space<hbm>> -> memref<64x128xf32, #tpu.memory_space<hbm>>
      tpu.enqueue_dma source(%dma_start3A_2129 : memref<64x128xf32, #tpu.memory_space<hbm>>) target(%dma_start3A_2127 : memref<64x128xf32, #tpu.memory_space<vmem>>) target_semaphore(%arg11 : memref<!tpu.dma_semaphore, #tpu.memory_space<semaphore_mem>>)
      %slice3A_2130 = vector.extract_strided_slice %get3A_963 {offsets = [2], sizes = [1], strides = [1]} : vector<16xi32> to vector<1xi32>
      %squeeze3A_2131 = vector.extract %slice3A_2130[0] : i32 from vector<1xi32>
      %shift_right_logical3A_2132 = arith.constant 7 : i32
      %shift_right_logical3A_2133 = arith.shrui %squeeze3A_2131, %shift_right_logical3A_2132 : i32
      %min3A_2134 = arith.constant 7811 : i32
      %min3A_2135 = arith.minsi %shift_right_logical3A_2133, %min3A_2134 : i32
      %mul3A_2136 = arith.constant 128 : i32
      %mul3A_2137 = arith.muli %min3A_2135, %mul3A_2136 : i32
      %multiple_of3A_2138 = tpu.assume_multiple %mul3A_2137, 128 : i32
      %dma_start3A_2139 = arith.constant 2 : i32
      %dma_start3A_2140 = arith.constant 0 : i32
      %dma_start3A_2141 = arith.constant 0 : i32
      %dma_start3A_2142 = tpu.memref_slice %arg7[%dma_start3A_2139, %dma_start3A_2140, %dma_start3A_2141] : memref<8x64x128xf32, #tpu.memory_space<vmem>> -> memref<1x64x128xf32, #tpu.memory_space<vmem>>
      %dma_start3A_2143 = tpu.memref_squeeze %dma_start3A_2142 : memref<1x64x128xf32, #tpu.memory_space<vmem>> -> memref<64x128xf32, #tpu.memory_space<vmem>>
      %dma_start3A_2144 = arith.constant 0 : i32
      %dma_start3A_2145 = tpu.memref_slice %arg3[%dma_start3A_2144, %multiple_of3A_2138] : memref<64x1000000xf32, #tpu.memory_space<hbm>> -> memref<64x128xf32, #tpu.memory_space<hbm>>
      %dma_start3A_2146 = arith.constant 0 : i32
      %dma_start3A_2147 = arith.constant 0 : i32
      %dma_start3A_2148 = tpu.memref_slice %arg7[%dma_start3A_2139, %dma_start3A_2146, %dma_start3A_2147] : memref<8x64x128xf32, #tpu.memory_space<vmem>> -> memref<1x64x128xf32, #tpu.memory_space<vmem>>
      %dma_start3A_2149 = tpu.memref_squeeze %dma_start3A_2148 : memref<1x64x128xf32, #tpu.memory_space<vmem>> -> memref<64x128xf32, #tpu.memory_space<vmem>>
      %dma_start3A_2150 = arith.constant 0 : i32
      %dma_start3A_2151 = tpu.memref_slice %arg3[%dma_start3A_2150, %multiple_of3A_2138] : memref<64x1000000xf32, #tpu.memory_space<hbm>> -> memref<64x128xf32, #tpu.memory_space<hbm>>
      tpu.enqueue_dma source(%dma_start3A_2151 : memref<64x128xf32, #tpu.memory_space<hbm>>) target(%dma_start3A_2149 : memref<64x128xf32, #tpu.memory_space<vmem>>) target_semaphore(%arg11 : memref<!tpu.dma_semaphore, #tpu.memory_space<semaphore_mem>>)
      %slice3A_2152 = vector.extract_strided_slice %get3A_963 {offsets = [3], sizes = [1], strides = [1]} : vector<16xi32> to vector<1xi32>
      %squeeze3A_2153 = vector.extract %slice3A_2152[0] : i32 from vector<1xi32>
      %shift_right_logical3A_2154 = arith.constant 7 : i32
      %shift_right_logical3A_2155 = arith.shrui %squeeze3A_2153, %shift_right_logical3A_2154 : i32
      %min3A_2156 = arith.constant 7811 : i32
      %min3A_2157 = arith.minsi %shift_right_logical3A_2155, %min3A_2156 : i32
      %mul3A_2158 = arith.constant 128 : i32
      %mul3A_2159 = arith.muli %min3A_2157, %mul3A_2158 : i32
      %multiple_of3A_2160 = tpu.assume_multiple %mul3A_2159, 128 : i32
      %dma_start3A_2161 = arith.constant 3 : i32
      %dma_start3A_2162 = arith.constant 0 : i32
      %dma_start3A_2163 = arith.constant 0 : i32
      %dma_start3A_2164 = tpu.memref_slice %arg7[%dma_start3A_2161, %dma_start3A_2162, %dma_start3A_2163] : memref<8x64x128xf32, #tpu.memory_space<vmem>> -> memref<1x64x128xf32, #tpu.memory_space<vmem>>
      %dma_start3A_2165 = tpu.memref_squeeze %dma_start3A_2164 : memref<1x64x128xf32, #tpu.memory_space<vmem>> -> memref<64x128xf32, #tpu.memory_space<vmem>>
      %dma_start3A_2166 = arith.constant 0 : i32
      %dma_start3A_2167 = tpu.memref_slice %arg3[%dma_start3A_2166, %multiple_of3A_2160] : memref<64x1000000xf32, #tpu.memory_space<hbm>> -> memref<64x128xf32, #tpu.memory_space<hbm>>
      %dma_start3A_2168 = arith.constant 0 : i32
      %dma_start3A_2169 = arith.constant 0 : i32
      %dma_start3A_2170 = tpu.memref_slice %arg7[%dma_start3A_2161, %dma_start3A_2168, %dma_start3A_2169] : memref<8x64x128xf32, #tpu.memory_space<vmem>> -> memref<1x64x128xf32, #tpu.memory_space<vmem>>
      %dma_start3A_2171 = tpu.memref_squeeze %dma_start3A_2170 : memref<1x64x128xf32, #tpu.memory_space<vmem>> -> memref<64x128xf32, #tpu.memory_space<vmem>>
      %dma_start3A_2172 = arith.constant 0 : i32
      %dma_start3A_2173 = tpu.memref_slice %arg3[%dma_start3A_2172, %multiple_of3A_2160] : memref<64x1000000xf32, #tpu.memory_space<hbm>> -> memref<64x128xf32, #tpu.memory_space<hbm>>
      tpu.enqueue_dma source(%dma_start3A_2173 : memref<64x128xf32, #tpu.memory_space<hbm>>) target(%dma_start3A_2171 : memref<64x128xf32, #tpu.memory_space<vmem>>) target_semaphore(%arg11 : memref<!tpu.dma_semaphore, #tpu.memory_space<semaphore_mem>>)
      %dma_wait3A_2174 = arith.constant 0 : i32
      %dma_wait3A_2175 = arith.constant 0 : i32
      %dma_wait3A_2176 = arith.constant 0 : i32
      %dma_wait3A_2177 = tpu.memref_slice %arg7[%dma_wait3A_2174, %dma_wait3A_2175, %dma_wait3A_2176] : memref<8x64x128xf32, #tpu.memory_space<vmem>> -> memref<1x64x128xf32, #tpu.memory_space<vmem>>
      %dma_wait3A_2178 = tpu.memref_squeeze %dma_wait3A_2177 : memref<1x64x128xf32, #tpu.memory_space<vmem>> -> memref<64x128xf32, #tpu.memory_space<vmem>>
      %dma_wait3A_2179 = arith.constant 0 : i32
      %dma_wait3A_2180 = arith.constant 0 : i32
      %dma_wait3A_2181 = tpu.memref_slice %arg3[%dma_wait3A_2179, %dma_wait3A_2180] : memref<64x1000000xf32, #tpu.memory_space<hbm>> -> memref<64x128xf32, #tpu.memory_space<hbm>>
      %dma_wait3A_2182 = arith.constant 0 : i32
      %dma_wait3A_2183 = arith.constant 0 : i32
      %dma_wait3A_2184 = tpu.memref_slice %arg7[%dma_wait3A_2174, %dma_wait3A_2182, %dma_wait3A_2183] : memref<8x64x128xf32, #tpu.memory_space<vmem>> -> memref<1x64x128xf32, #tpu.memory_space<vmem>>
      %dma_wait3A_2185 = tpu.memref_squeeze %dma_wait3A_2184 : memref<1x64x128xf32, #tpu.memory_space<vmem>> -> memref<64x128xf32, #tpu.memory_space<vmem>>
      %dma_wait3A_2186 = arith.constant 0 : i32
      %dma_wait3A_2187 = arith.constant 0 : i32
      %dma_wait3A_2188 = tpu.memref_slice %arg3[%dma_wait3A_2186, %dma_wait3A_2187] : memref<64x1000000xf32, #tpu.memory_space<hbm>> -> memref<64x128xf32, #tpu.memory_space<hbm>>
      tpu.wait_dma2 semaphore(%arg12 : memref<!tpu.dma_semaphore, #tpu.memory_space<semaphore_mem>>) src(%dma_wait3A_2188 : memref<64x128xf32, #tpu.memory_space<hbm>>) dst(%dma_wait3A_2185 : memref<64x128xf32, #tpu.memory_space<vmem>>)
      %dma_wait3A_2189 = arith.constant 0 : i32
      %dma_wait3A_2190 = arith.constant 0 : i32
      %dma_wait3A_2191 = arith.constant 0 : i32
      %dma_wait3A_2192 = tpu.memref_slice %arg7[%dma_wait3A_2189, %dma_wait3A_2190, %dma_wait3A_2191] : memref<8x64x128xf32, #tpu.memory_space<vmem>> -> memref<1x64x128xf32, #tpu.memory_space<vmem>>
      %dma_wait3A_2193 = tpu.memref_squeeze %dma_wait3A_2192 : memref<1x64x128xf32, #tpu.memory_space<vmem>> -> memref<64x128xf32, #tpu.memory_space<vmem>>
      %dma_wait3A_2194 = arith.constant 0 : i32
      %dma_wait3A_2195 = arith.constant 0 : i32
      %dma_wait3A_2196 = tpu.memref_slice %arg3[%dma_wait3A_2194, %dma_wait3A_2195] : memref<64x1000000xf32, #tpu.memory_space<hbm>> -> memref<64x128xf32, #tpu.memory_space<hbm>>
      %dma_wait3A_2197 = arith.constant 0 : i32
      %dma_wait3A_2198 = arith.constant 0 : i32
      %dma_wait3A_2199 = tpu.memref_slice %arg7[%dma_wait3A_2189, %dma_wait3A_2197, %dma_wait3A_2198] : memref<8x64x128xf32, #tpu.memory_space<vmem>> -> memref<1x64x128xf32, #tpu.memory_space<vmem>>
      %dma_wait3A_2200 = tpu.memref_squeeze %dma_wait3A_2199 : memref<1x64x128xf32, #tpu.memory_space<vmem>> -> memref<64x128xf32, #tpu.memory_space<vmem>>
      %dma_wait3A_2201 = arith.constant 0 : i32
      %dma_wait3A_2202 = arith.constant 0 : i32
      %dma_wait3A_2203 = tpu.memref_slice %arg3[%dma_wait3A_2201, %dma_wait3A_2202] : memref<64x1000000xf32, #tpu.memory_space<hbm>> -> memref<64x128xf32, #tpu.memory_space<hbm>>
      tpu.wait_dma2 semaphore(%arg12 : memref<!tpu.dma_semaphore, #tpu.memory_space<semaphore_mem>>) src(%dma_wait3A_2203 : memref<64x128xf32, #tpu.memory_space<hbm>>) dst(%dma_wait3A_2200 : memref<64x128xf32, #tpu.memory_space<vmem>>)
      %dma_wait3A_2204 = arith.constant 0 : i32
      %dma_wait3A_2205 = arith.constant 0 : i32
      %dma_wait3A_2206 = arith.constant 0 : i32
      %dma_wait3A_2207 = tpu.memref_slice %arg7[%dma_wait3A_2204, %dma_wait3A_2205, %dma_wait3A_2206] : memref<8x64x128xf32, #tpu.memory_space<vmem>> -> memref<1x64x128xf32, #tpu.memory_space<vmem>>
      %dma_wait3A_2208 = tpu.memref_squeeze %dma_wait3A_2207 : memref<1x64x128xf32, #tpu.memory_space<vmem>> -> memref<64x128xf32, #tpu.memory_space<vmem>>
      %dma_wait3A_2209 = arith.constant 0 : i32
      %dma_wait3A_2210 = arith.constant 0 : i32
      %dma_wait3A_2211 = tpu.memref_slice %arg3[%dma_wait3A_2209, %dma_wait3A_2210] : memref<64x1000000xf32, #tpu.memory_space<hbm>> -> memref<64x128xf32, #tpu.memory_space<hbm>>
      %dma_wait3A_2212 = arith.constant 0 : i32
      %dma_wait3A_2213 = arith.constant 0 : i32
      %dma_wait3A_2214 = tpu.memref_slice %arg7[%dma_wait3A_2204, %dma_wait3A_2212, %dma_wait3A_2213] : memref<8x64x128xf32, #tpu.memory_space<vmem>> -> memref<1x64x128xf32, #tpu.memory_space<vmem>>
      %dma_wait3A_2215 = tpu.memref_squeeze %dma_wait3A_2214 : memref<1x64x128xf32, #tpu.memory_space<vmem>> -> memref<64x128xf32, #tpu.memory_space<vmem>>
      %dma_wait3A_2216 = arith.constant 0 : i32
      %dma_wait3A_2217 = arith.constant 0 : i32
      %dma_wait3A_2218 = tpu.memref_slice %arg3[%dma_wait3A_2216, %dma_wait3A_2217] : memref<64x1000000xf32, #tpu.memory_space<hbm>> -> memref<64x128xf32, #tpu.memory_space<hbm>>
      tpu.wait_dma2 semaphore(%arg12 : memref<!tpu.dma_semaphore, #tpu.memory_space<semaphore_mem>>) src(%dma_wait3A_2218 : memref<64x128xf32, #tpu.memory_space<hbm>>) dst(%dma_wait3A_2215 : memref<64x128xf32, #tpu.memory_space<vmem>>)
      %dma_wait3A_2219 = arith.constant 0 : i32
      %dma_wait3A_2220 = arith.constant 0 : i32
      %dma_wait3A_2221 = arith.constant 0 : i32
      %dma_wait3A_2222 = tpu.memref_slice %arg7[%dma_wait3A_2219, %dma_wait3A_2220, %dma_wait3A_2221] : memref<8x64x128xf32, #tpu.memory_space<vmem>> -> memref<1x64x128xf32, #tpu.memory_space<vmem>>
      %dma_wait3A_2223 = tpu.memref_squeeze %dma_wait3A_2222 : memref<1x64x128xf32, #tpu.memory_space<vmem>> -> memref<64x128xf32, #tpu.memory_space<vmem>>
      %dma_wait3A_2224 = arith.constant 0 : i32
      %dma_wait3A_2225 = arith.constant 0 : i32
      %dma_wait3A_2226 = tpu.memref_slice %arg3[%dma_wait3A_2224, %dma_wait3A_2225] : memref<64x1000000xf32, #tpu.memory_space<hbm>> -> memref<64x128xf32, #tpu.memory_space<hbm>>
      %dma_wait3A_2227 = arith.constant 0 : i32
      %dma_wait3A_2228 = arith.constant 0 : i32
      %dma_wait3A_2229 = tpu.memref_slice %arg7[%dma_wait3A_2219, %dma_wait3A_2227, %dma_wait3A_2228] : memref<8x64x128xf32, #tpu.memory_space<vmem>> -> memref<1x64x128xf32, #tpu.memory_space<vmem>>
      %dma_wait3A_2230 = tpu.memref_squeeze %dma_wait3A_2229 : memref<1x64x128xf32, #tpu.memory_space<vmem>> -> memref<64x128xf32, #tpu.memory_space<vmem>>
      %dma_wait3A_2231 = arith.constant 0 : i32
      %dma_wait3A_2232 = arith.constant 0 : i32
      %dma_wait3A_2233 = tpu.memref_slice %arg3[%dma_wait3A_2231, %dma_wait3A_2232] : memref<64x1000000xf32, #tpu.memory_space<hbm>> -> memref<64x128xf32, #tpu.memory_space<hbm>>
      tpu.wait_dma2 semaphore(%arg12 : memref<!tpu.dma_semaphore, #tpu.memory_space<semaphore_mem>>) src(%dma_wait3A_2233 : memref<64x128xf32, #tpu.memory_space<hbm>>) dst(%dma_wait3A_2230 : memref<64x128xf32, #tpu.memory_space<vmem>>)
      %slice3A_2234 = vector.extract_strided_slice %get3A_959 {offsets = [12], sizes = [1], strides = [1]} : vector<16xi32> to vector<1xi32>
      %squeeze3A_2235 = vector.extract %slice3A_2234[0] : i32 from vector<1xi32>
      %shift_right_logical3A_2236 = arith.constant 7 : i32
      %shift_right_logical3A_2237 = arith.shrui %squeeze3A_2235, %shift_right_logical3A_2236 : i32
      %min3A_2238 = arith.constant 7811 : i32
      %min3A_2239 = arith.minsi %shift_right_logical3A_2237, %min3A_2238 : i32
      %mul3A_2240 = arith.constant 128 : i32
      %mul3A_2241 = arith.muli %min3A_2239, %mul3A_2240 : i32
      %multiple_of3A_2242 = tpu.assume_multiple %mul3A_2241, 128 : i32
      %sub3A_2243 = arith.subi %squeeze3A_2235, %multiple_of3A_2242 : i32
      %min3A_2244 = arith.constant 127 : i32
      %min3A_2245 = arith.minsi %sub3A_2243, %min3A_2244 : i32
      %broadcast_in_dim3A_2246 = vector.broadcast %min3A_2245 : i32 to vector<16xi32>
      %add3A_2247 = arith.constant 0 : i32
      %add3A_2248 = vector.broadcast %add3A_2247 : i32 to vector<16xi32>
      %add3A_2249 = arith.addi %add3A_2248, %iota3A : vector<16xi32>
      %gather3A_2250 = arith.constant 4 : i32
      %gather3A_2251 = arith.constant 0 : i32
      %gather3A_2252 = arith.constant 0 : i32
      %gather3A_2253 = tpu.memref_slice %arg7[%gather3A_2250, %gather3A_2251, %gather3A_2252] : memref<8x64x128xf32, #tpu.memory_space<vmem>> -> memref<1x64x128xf32, #tpu.memory_space<vmem>>
      %gather3A_2254 = tpu.memref_squeeze %gather3A_2253 : memref<1x64x128xf32, #tpu.memory_space<vmem>> -> memref<64x128xf32, #tpu.memory_space<vmem>>
      %gather3A_2255 = tpu.vector_load_idx %gather3A_2254[%add3A_2249, %broadcast_in_dim3A_2246] : memref<64x128xf32, #tpu.memory_space<vmem>>[vector<16xi32>, vector<16xi32>], vector<16xf32>,
      %mul3A_2256 = arith.mulf %gather3A_2255, %get3A_3 : vector<16xf32>
      %add3A_2257 = arith.constant 16 : i32
      %add3A_2258 = vector.broadcast %add3A_2257 : i32 to vector<16xi32>
      %add3A_2259 = arith.addi %add3A_2258, %iota3A : vector<16xi32>
      %gather3A_2260 = arith.constant 4 : i32
      %gather3A_2261 = arith.constant 0 : i32
      %gather3A_2262 = arith.constant 0 : i32
      %gather3A_2263 = tpu.memref_slice %arg7[%gather3A_2260, %gather3A_2261, %gather3A_2262] : memref<8x64x128xf32, #tpu.memory_space<vmem>> -> memref<1x64x128xf32, #tpu.memory_space<vmem>>
      %gather3A_2264 = tpu.memref_squeeze %gather3A_2263 : memref<1x64x128xf32, #tpu.memory_space<vmem>> -> memref<64x128xf32, #tpu.memory_space<vmem>>
      %gather3A_2265 = tpu.vector_load_idx %gather3A_2264[%add3A_2259, %broadcast_in_dim3A_2246] : memref<64x128xf32, #tpu.memory_space<vmem>>[vector<16xi32>, vector<16xi32>], vector<16xf32>,
      %mul3A_2266 = arith.mulf %gather3A_2265, %get3A_5 : vector<16xf32>
      %add3A_2267 = arith.addf %mul3A_2256, %mul3A_2266 : vector<16xf32>
      %add3A_2268 = arith.constant 32 : i32
      %add3A_2269 = vector.broadcast %add3A_2268 : i32 to vector<16xi32>
      %add3A_2270 = arith.addi %add3A_2269, %iota3A : vector<16xi32>
      %gather3A_2271 = arith.constant 4 : i32
      %gather3A_2272 = arith.constant 0 : i32
      %gather3A_2273 = arith.constant 0 : i32
      %gather3A_2274 = tpu.memref_slice %arg7[%gather3A_2271, %gather3A_2272, %gather3A_2273] : memref<8x64x128xf32, #tpu.memory_space<vmem>> -> memref<1x64x128xf32, #tpu.memory_space<vmem>>
      %gather3A_2275 = tpu.memref_squeeze %gather3A_2274 : memref<1x64x128xf32, #tpu.memory_space<vmem>> -> memref<64x128xf32, #tpu.memory_space<vmem>>
      %gather3A_2276 = tpu.vector_load_idx %gather3A_2275[%add3A_2270, %broadcast_in_dim3A_2246] : memref<64x128xf32, #tpu.memory_space<vmem>>[vector<16xi32>, vector<16xi32>], vector<16xf32>,
      %mul3A_2277 = arith.mulf %gather3A_2276, %get3A_7 : vector<16xf32>
      %add3A_2278 = arith.addf %add3A_2267, %mul3A_2277 : vector<16xf32>
      %add3A_2279 = arith.constant 48 : i32
      %add3A_2280 = vector.broadcast %add3A_2279 : i32 to vector<16xi32>
      %add3A_2281 = arith.addi %add3A_2280, %iota3A : vector<16xi32>
      %gather3A_2282 = arith.constant 4 : i32
      %gather3A_2283 = arith.constant 0 : i32
      %gather3A_2284 = arith.constant 0 : i32
      %gather3A_2285 = tpu.memref_slice %arg7[%gather3A_2282, %gather3A_2283, %gather3A_2284] : memref<8x64x128xf32, #tpu.memory_space<vmem>> -> memref<1x64x128xf32, #tpu.memory_space<vmem>>
      %gather3A_2286 = tpu.memref_squeeze %gather3A_2285 : memref<1x64x128xf32, #tpu.memory_space<vmem>> -> memref<64x128xf32, #tpu.memory_space<vmem>>
      %gather3A_2287 = tpu.vector_load_idx %gather3A_2286[%add3A_2281, %broadcast_in_dim3A_2246] : memref<64x128xf32, #tpu.memory_space<vmem>>[vector<16xi32>, vector<16xi32>], vector<16xf32>,
      %mul3A_2288 = arith.mulf %gather3A_2287, %get3A_9 : vector<16xf32>
      %add3A_2289 = arith.addf %add3A_2278, %mul3A_2288 : vector<16xf32>
      %add3A_2290 = arith.constant 12 : i32
      %add3A_2291 = arith.addi %mul3A_957, %add3A_2290 : i32
      %add3A_2292 = arith.constant 0 : i32
      %add3A_2293 = arith.addi %add3A_2291, %add3A_2292 : i32
      %mul3A_2294 = arith.constant 16 : i32
      %mul3A_2295 = arith.muli %add3A_2293, %mul3A_2294 : i32
      %swap3A_2296 = arith.index_cast %mul3A_2295 : i32 to index
      %swap3A_2297 = tpu.vector_load %arg9[%swap3A_2296] {strides = array<i32>} : memref<2048xf32, #tpu.memory_space<vmem>>, vector<16xf32>,
      tpu.vector_store %arg9[%swap3A_2296], %add3A_2289 {strides = array<i32>} : memref<2048xf32, #tpu.memory_space<vmem>>, vector<16xf32>,
      %slice3A_2298 = vector.extract_strided_slice %get3A_959 {offsets = [13], sizes = [1], strides = [1]} : vector<16xi32> to vector<1xi32>
      %squeeze3A_2299 = vector.extract %slice3A_2298[0] : i32 from vector<1xi32>
      %shift_right_logical3A_2300 = arith.constant 7 : i32
      %shift_right_logical3A_2301 = arith.shrui %squeeze3A_2299, %shift_right_logical3A_2300 : i32
      %min3A_2302 = arith.constant 7811 : i32
      %min3A_2303 = arith.minsi %shift_right_logical3A_2301, %min3A_2302 : i32
      %mul3A_2304 = arith.constant 128 : i32
      %mul3A_2305 = arith.muli %min3A_2303, %mul3A_2304 : i32
      %multiple_of3A_2306 = tpu.assume_multiple %mul3A_2305, 128 : i32
      %sub3A_2307 = arith.subi %squeeze3A_2299, %multiple_of3A_2306 : i32
      %min3A_2308 = arith.constant 127 : i32
      %min3A_2309 = arith.minsi %sub3A_2307, %min3A_2308 : i32
      %broadcast_in_dim3A_2310 = vector.broadcast %min3A_2309 : i32 to vector<16xi32>
      %add3A_2311 = arith.constant 0 : i32
      %add3A_2312 = vector.broadcast %add3A_2311 : i32 to vector<16xi32>
      %add3A_2313 = arith.addi %add3A_2312, %iota3A : vector<16xi32>
      %gather3A_2314 = arith.constant 5 : i32
      %gather3A_2315 = arith.constant 0 : i32
      %gather3A_2316 = arith.constant 0 : i32
      %gather3A_2317 = tpu.memref_slice %arg7[%gather3A_2314, %gather3A_2315, %gather3A_2316] : memref<8x64x128xf32, #tpu.memory_space<vmem>> -> memref<1x64x128xf32, #tpu.memory_space<vmem>>
      %gather3A_2318 = tpu.memref_squeeze %gather3A_2317 : memref<1x64x128xf32, #tpu.memory_space<vmem>> -> memref<64x128xf32, #tpu.memory_space<vmem>>
      %gather3A_2319 = tpu.vector_load_idx %gather3A_2318[%add3A_2313, %broadcast_in_dim3A_2310] : memref<64x128xf32, #tpu.memory_space<vmem>>[vector<16xi32>, vector<16xi32>], vector<16xf32>,
      %mul3A_2320 = arith.mulf %gather3A_2319, %get3A_3 : vector<16xf32>
      %add3A_2321 = arith.constant 16 : i32
      %add3A_2322 = vector.broadcast %add3A_2321 : i32 to vector<16xi32>
      %add3A_2323 = arith.addi %add3A_2322, %iota3A : vector<16xi32>
      %gather3A_2324 = arith.constant 5 : i32
      %gather3A_2325 = arith.constant 0 : i32
      %gather3A_2326 = arith.constant 0 : i32
      %gather3A_2327 = tpu.memref_slice %arg7[%gather3A_2324, %gather3A_2325, %gather3A_2326] : memref<8x64x128xf32, #tpu.memory_space<vmem>> -> memref<1x64x128xf32, #tpu.memory_space<vmem>>
      %gather3A_2328 = tpu.memref_squeeze %gather3A_2327 : memref<1x64x128xf32, #tpu.memory_space<vmem>> -> memref<64x128xf32, #tpu.memory_space<vmem>>
      %gather3A_2329 = tpu.vector_load_idx %gather3A_2328[%add3A_2323, %broadcast_in_dim3A_2310] : memref<64x128xf32, #tpu.memory_space<vmem>>[vector<16xi32>, vector<16xi32>], vector<16xf32>,
      %mul3A_2330 = arith.mulf %gather3A_2329, %get3A_5 : vector<16xf32>
      %add3A_2331 = arith.addf %mul3A_2320, %mul3A_2330 : vector<16xf32>
      %add3A_2332 = arith.constant 32 : i32
      %add3A_2333 = vector.broadcast %add3A_2332 : i32 to vector<16xi32>
      %add3A_2334 = arith.addi %add3A_2333, %iota3A : vector<16xi32>
      %gather3A_2335 = arith.constant 5 : i32
      %gather3A_2336 = arith.constant 0 : i32
      %gather3A_2337 = arith.constant 0 : i32
      %gather3A_2338 = tpu.memref_slice %arg7[%gather3A_2335, %gather3A_2336, %gather3A_2337] : memref<8x64x128xf32, #tpu.memory_space<vmem>> -> memref<1x64x128xf32, #tpu.memory_space<vmem>>
      %gather3A_2339 = tpu.memref_squeeze %gather3A_2338 : memref<1x64x128xf32, #tpu.memory_space<vmem>> -> memref<64x128xf32, #tpu.memory_space<vmem>>
      %gather3A_2340 = tpu.vector_load_idx %gather3A_2339[%add3A_2334, %broadcast_in_dim3A_2310] : memref<64x128xf32, #tpu.memory_space<vmem>>[vector<16xi32>, vector<16xi32>], vector<16xf32>,
      %mul3A_2341 = arith.mulf %gather3A_2340, %get3A_7 : vector<16xf32>
      %add3A_2342 = arith.addf %add3A_2331, %mul3A_2341 : vector<16xf32>
      %add3A_2343 = arith.constant 48 : i32
      %add3A_2344 = vector.broadcast %add3A_2343 : i32 to vector<16xi32>
      %add3A_2345 = arith.addi %add3A_2344, %iota3A : vector<16xi32>
      %gather3A_2346 = arith.constant 5 : i32
      %gather3A_2347 = arith.constant 0 : i32
      %gather3A_2348 = arith.constant 0 : i32
      %gather3A_2349 = tpu.memref_slice %arg7[%gather3A_2346, %gather3A_2347, %gather3A_2348] : memref<8x64x128xf32, #tpu.memory_space<vmem>> -> memref<1x64x128xf32, #tpu.memory_space<vmem>>
      %gather3A_2350 = tpu.memref_squeeze %gather3A_2349 : memref<1x64x128xf32, #tpu.memory_space<vmem>> -> memref<64x128xf32, #tpu.memory_space<vmem>>
      %gather3A_2351 = tpu.vector_load_idx %gather3A_2350[%add3A_2345, %broadcast_in_dim3A_2310] : memref<64x128xf32, #tpu.memory_space<vmem>>[vector<16xi32>, vector<16xi32>], vector<16xf32>,
      %mul3A_2352 = arith.mulf %gather3A_2351, %get3A_9 : vector<16xf32>
      %add3A_2353 = arith.addf %add3A_2342, %mul3A_2352 : vector<16xf32>
      %add3A_2354 = arith.constant 12 : i32
      %add3A_2355 = arith.addi %mul3A_957, %add3A_2354 : i32
      %add3A_2356 = arith.constant 1 : i32
      %add3A_2357 = arith.addi %add3A_2355, %add3A_2356 : i32
      %mul3A_2358 = arith.constant 16 : i32
      %mul3A_2359 = arith.muli %add3A_2357, %mul3A_2358 : i32
      %swap3A_2360 = arith.index_cast %mul3A_2359 : i32 to index
      %swap3A_2361 = tpu.vector_load %arg9[%swap3A_2360] {strides = array<i32>} : memref<2048xf32, #tpu.memory_space<vmem>>, vector<16xf32>,
      tpu.vector_store %arg9[%swap3A_2360], %add3A_2353 {strides = array<i32>} : memref<2048xf32, #tpu.memory_space<vmem>>, vector<16xf32>,
      %slice3A_2362 = vector.extract_strided_slice %get3A_959 {offsets = [14], sizes = [1], strides = [1]} : vector<16xi32> to vector<1xi32>
      %squeeze3A_2363 = vector.extract %slice3A_2362[0] : i32 from vector<1xi32>
      %shift_right_logical3A_2364 = arith.constant 7 : i32
      %shift_right_logical3A_2365 = arith.shrui %squeeze3A_2363, %shift_right_logical3A_2364 : i32
      %min3A_2366 = arith.constant 7811 : i32
      %min3A_2367 = arith.minsi %shift_right_logical3A_2365, %min3A_2366 : i32
      %mul3A_2368 = arith.constant 128 : i32
      %mul3A_2369 = arith.muli %min3A_2367, %mul3A_2368 : i32
      %multiple_of3A_2370 = tpu.assume_multiple %mul3A_2369, 128 : i32
      %sub3A_2371 = arith.subi %squeeze3A_2363, %multiple_of3A_2370 : i32
      %min3A_2372 = arith.constant 127 : i32
      %min3A_2373 = arith.minsi %sub3A_2371, %min3A_2372 : i32
      %broadcast_in_dim3A_2374 = vector.broadcast %min3A_2373 : i32 to vector<16xi32>
      %add3A_2375 = arith.constant 0 : i32
      %add3A_2376 = vector.broadcast %add3A_2375 : i32 to vector<16xi32>
      %add3A_2377 = arith.addi %add3A_2376, %iota3A : vector<16xi32>
      %gather3A_2378 = arith.constant 6 : i32
      %gather3A_2379 = arith.constant 0 : i32
      %gather3A_2380 = arith.constant 0 : i32
      %gather3A_2381 = tpu.memref_slice %arg7[%gather3A_2378, %gather3A_2379, %gather3A_2380] : memref<8x64x128xf32, #tpu.memory_space<vmem>> -> memref<1x64x128xf32, #tpu.memory_space<vmem>>
      %gather3A_2382 = tpu.memref_squeeze %gather3A_2381 : memref<1x64x128xf32, #tpu.memory_space<vmem>> -> memref<64x128xf32, #tpu.memory_space<vmem>>
      %gather3A_2383 = tpu.vector_load_idx %gather3A_2382[%add3A_2377, %broadcast_in_dim3A_2374] : memref<64x128xf32, #tpu.memory_space<vmem>>[vector<16xi32>, vector<16xi32>], vector<16xf32>,
      %mul3A_2384 = arith.mulf %gather3A_2383, %get3A_3 : vector<16xf32>
      %add3A_2385 = arith.constant 16 : i32
      %add3A_2386 = vector.broadcast %add3A_2385 : i32 to vector<16xi32>
      %add3A_2387 = arith.addi %add3A_2386, %iota3A : vector<16xi32>
      %gather3A_2388 = arith.constant 6 : i32
      %gather3A_2389 = arith.constant 0 : i32
      %gather3A_2390 = arith.constant 0 : i32
      %gather3A_2391 = tpu.memref_slice %arg7[%gather3A_2388, %gather3A_2389, %gather3A_2390] : memref<8x64x128xf32, #tpu.memory_space<vmem>> -> memref<1x64x128xf32, #tpu.memory_space<vmem>>
      %gather3A_2392 = tpu.memref_squeeze %gather3A_2391 : memref<1x64x128xf32, #tpu.memory_space<vmem>> -> memref<64x128xf32, #tpu.memory_space<vmem>>
      %gather3A_2393 = tpu.vector_load_idx %gather3A_2392[%add3A_2387, %broadcast_in_dim3A_2374] : memref<64x128xf32, #tpu.memory_space<vmem>>[vector<16xi32>, vector<16xi32>], vector<16xf32>,
      %mul3A_2394 = arith.mulf %gather3A_2393, %get3A_5 : vector<16xf32>
      %add3A_2395 = arith.addf %mul3A_2384, %mul3A_2394 : vector<16xf32>
      %add3A_2396 = arith.constant 32 : i32
      %add3A_2397 = vector.broadcast %add3A_2396 : i32 to vector<16xi32>
      %add3A_2398 = arith.addi %add3A_2397, %iota3A : vector<16xi32>
      %gather3A_2399 = arith.constant 6 : i32
      %gather3A_2400 = arith.constant 0 : i32
      %gather3A_2401 = arith.constant 0 : i32
      %gather3A_2402 = tpu.memref_slice %arg7[%gather3A_2399, %gather3A_2400, %gather3A_2401] : memref<8x64x128xf32, #tpu.memory_space<vmem>> -> memref<1x64x128xf32, #tpu.memory_space<vmem>>
      %gather3A_2403 = tpu.memref_squeeze %gather3A_2402 : memref<1x64x128xf32, #tpu.memory_space<vmem>> -> memref<64x128xf32, #tpu.memory_space<vmem>>
      %gather3A_2404 = tpu.vector_load_idx %gather3A_2403[%add3A_2398, %broadcast_in_dim3A_2374] : memref<64x128xf32, #tpu.memory_space<vmem>>[vector<16xi32>, vector<16xi32>], vector<16xf32>,
      %mul3A_2405 = arith.mulf %gather3A_2404, %get3A_7 : vector<16xf32>
      %add3A_2406 = arith.addf %add3A_2395, %mul3A_2405 : vector<16xf32>
      %add3A_2407 = arith.constant 48 : i32
      %add3A_2408 = vector.broadcast %add3A_2407 : i32 to vector<16xi32>
      %add3A_2409 = arith.addi %add3A_2408, %iota3A : vector<16xi32>
      %gather3A_2410 = arith.constant 6 : i32
      %gather3A_2411 = arith.constant 0 : i32
      %gather3A_2412 = arith.constant 0 : i32
      %gather3A_2413 = tpu.memref_slice %arg7[%gather3A_2410, %gather3A_2411, %gather3A_2412] : memref<8x64x128xf32, #tpu.memory_space<vmem>> -> memref<1x64x128xf32, #tpu.memory_space<vmem>>
      %gather3A_2414 = tpu.memref_squeeze %gather3A_2413 : memref<1x64x128xf32, #tpu.memory_space<vmem>> -> memref<64x128xf32, #tpu.memory_space<vmem>>
      %gather3A_2415 = tpu.vector_load_idx %gather3A_2414[%add3A_2409, %broadcast_in_dim3A_2374] : memref<64x128xf32, #tpu.memory_space<vmem>>[vector<16xi32>, vector<16xi32>], vector<16xf32>,
      %mul3A_2416 = arith.mulf %gather3A_2415, %get3A_9 : vector<16xf32>
      %add3A_2417 = arith.addf %add3A_2406, %mul3A_2416 : vector<16xf32>
      %add3A_2418 = arith.constant 12 : i32
      %add3A_2419 = arith.addi %mul3A_957, %add3A_2418 : i32
      %add3A_2420 = arith.constant 2 : i32
      %add3A_2421 = arith.addi %add3A_2419, %add3A_2420 : i32
      %mul3A_2422 = arith.constant 16 : i32
      %mul3A_2423 = arith.muli %add3A_2421, %mul3A_2422 : i32
      %swap3A_2424 = arith.index_cast %mul3A_2423 : i32 to index
      %swap3A_2425 = tpu.vector_load %arg9[%swap3A_2424] {strides = array<i32>} : memref<2048xf32, #tpu.memory_space<vmem>>, vector<16xf32>,
      tpu.vector_store %arg9[%swap3A_2424], %add3A_2417 {strides = array<i32>} : memref<2048xf32, #tpu.memory_space<vmem>>, vector<16xf32>,
      %slice3A_2426 = vector.extract_strided_slice %get3A_959 {offsets = [15], sizes = [1], strides = [1]} : vector<16xi32> to vector<1xi32>
      %squeeze3A_2427 = vector.extract %slice3A_2426[0] : i32 from vector<1xi32>
      %shift_right_logical3A_2428 = arith.constant 7 : i32
      %shift_right_logical3A_2429 = arith.shrui %squeeze3A_2427, %shift_right_logical3A_2428 : i32
      %min3A_2430 = arith.constant 7811 : i32
      %min3A_2431 = arith.minsi %shift_right_logical3A_2429, %min3A_2430 : i32
      %mul3A_2432 = arith.constant 128 : i32
      %mul3A_2433 = arith.muli %min3A_2431, %mul3A_2432 : i32
      %multiple_of3A_2434 = tpu.assume_multiple %mul3A_2433, 128 : i32
      %sub3A_2435 = arith.subi %squeeze3A_2427, %multiple_of3A_2434 : i32
      %min3A_2436 = arith.constant 127 : i32
      %min3A_2437 = arith.minsi %sub3A_2435, %min3A_2436 : i32
      %broadcast_in_dim3A_2438 = vector.broadcast %min3A_2437 : i32 to vector<16xi32>
      %add3A_2439 = arith.constant 0 : i32
      %add3A_2440 = vector.broadcast %add3A_2439 : i32 to vector<16xi32>
      %add3A_2441 = arith.addi %add3A_2440, %iota3A : vector<16xi32>
      %gather3A_2442 = arith.constant 7 : i32
      %gather3A_2443 = arith.constant 0 : i32
      %gather3A_2444 = arith.constant 0 : i32
      %gather3A_2445 = tpu.memref_slice %arg7[%gather3A_2442, %gather3A_2443, %gather3A_2444] : memref<8x64x128xf32, #tpu.memory_space<vmem>> -> memref<1x64x128xf32, #tpu.memory_space<vmem>>
      %gather3A_2446 = tpu.memref_squeeze %gather3A_2445 : memref<1x64x128xf32, #tpu.memory_space<vmem>> -> memref<64x128xf32, #tpu.memory_space<vmem>>
      %gather3A_2447 = tpu.vector_load_idx %gather3A_2446[%add3A_2441, %broadcast_in_dim3A_2438] : memref<64x128xf32, #tpu.memory_space<vmem>>[vector<16xi32>, vector<16xi32>], vector<16xf32>,
      %mul3A_2448 = arith.mulf %gather3A_2447, %get3A_3 : vector<16xf32>
      %add3A_2449 = arith.constant 16 : i32
      %add3A_2450 = vector.broadcast %add3A_2449 : i32 to vector<16xi32>
      %add3A_2451 = arith.addi %add3A_2450, %iota3A : vector<16xi32>
      %gather3A_2452 = arith.constant 7 : i32
      %gather3A_2453 = arith.constant 0 : i32
      %gather3A_2454 = arith.constant 0 : i32
      %gather3A_2455 = tpu.memref_slice %arg7[%gather3A_2452, %gather3A_2453, %gather3A_2454] : memref<8x64x128xf32, #tpu.memory_space<vmem>> -> memref<1x64x128xf32, #tpu.memory_space<vmem>>
      %gather3A_2456 = tpu.memref_squeeze %gather3A_2455 : memref<1x64x128xf32, #tpu.memory_space<vmem>> -> memref<64x128xf32, #tpu.memory_space<vmem>>
      %gather3A_2457 = tpu.vector_load_idx %gather3A_2456[%add3A_2451, %broadcast_in_dim3A_2438] : memref<64x128xf32, #tpu.memory_space<vmem>>[vector<16xi32>, vector<16xi32>], vector<16xf32>,
      %mul3A_2458 = arith.mulf %gather3A_2457, %get3A_5 : vector<16xf32>
      %add3A_2459 = arith.addf %mul3A_2448, %mul3A_2458 : vector<16xf32>
      %add3A_2460 = arith.constant 32 : i32
      %add3A_2461 = vector.broadcast %add3A_2460 : i32 to vector<16xi32>
      %add3A_2462 = arith.addi %add3A_2461, %iota3A : vector<16xi32>
      %gather3A_2463 = arith.constant 7 : i32
      %gather3A_2464 = arith.constant 0 : i32
      %gather3A_2465 = arith.constant 0 : i32
      %gather3A_2466 = tpu.memref_slice %arg7[%gather3A_2463, %gather3A_2464, %gather3A_2465] : memref<8x64x128xf32, #tpu.memory_space<vmem>> -> memref<1x64x128xf32, #tpu.memory_space<vmem>>
      %gather3A_2467 = tpu.memref_squeeze %gather3A_2466 : memref<1x64x128xf32, #tpu.memory_space<vmem>> -> memref<64x128xf32, #tpu.memory_space<vmem>>
      %gather3A_2468 = tpu.vector_load_idx %gather3A_2467[%add3A_2462, %broadcast_in_dim3A_2438] : memref<64x128xf32, #tpu.memory_space<vmem>>[vector<16xi32>, vector<16xi32>], vector<16xf32>,
      %mul3A_2469 = arith.mulf %gather3A_2468, %get3A_7 : vector<16xf32>
      %add3A_2470 = arith.addf %add3A_2459, %mul3A_2469 : vector<16xf32>
      %add3A_2471 = arith.constant 48 : i32
      %add3A_2472 = vector.broadcast %add3A_2471 : i32 to vector<16xi32>
      %add3A_2473 = arith.addi %add3A_2472, %iota3A : vector<16xi32>
      %gather3A_2474 = arith.constant 7 : i32
      %gather3A_2475 = arith.constant 0 : i32
      %gather3A_2476 = arith.constant 0 : i32
      %gather3A_2477 = tpu.memref_slice %arg7[%gather3A_2474, %gather3A_2475, %gather3A_2476] : memref<8x64x128xf32, #tpu.memory_space<vmem>> -> memref<1x64x128xf32, #tpu.memory_space<vmem>>
      %gather3A_2478 = tpu.memref_squeeze %gather3A_2477 : memref<1x64x128xf32, #tpu.memory_space<vmem>> -> memref<64x128xf32, #tpu.memory_space<vmem>>
      %gather3A_2479 = tpu.vector_load_idx %gather3A_2478[%add3A_2473, %broadcast_in_dim3A_2438] : memref<64x128xf32, #tpu.memory_space<vmem>>[vector<16xi32>, vector<16xi32>], vector<16xf32>,
      %mul3A_2480 = arith.mulf %gather3A_2479, %get3A_9 : vector<16xf32>
      %add3A_2481 = arith.addf %add3A_2470, %mul3A_2480 : vector<16xf32>
      %add3A_2482 = arith.constant 12 : i32
      %add3A_2483 = arith.addi %mul3A_957, %add3A_2482 : i32
      %add3A_2484 = arith.constant 3 : i32
      %add3A_2485 = arith.addi %add3A_2483, %add3A_2484 : i32
      %mul3A_2486 = arith.constant 16 : i32
      %mul3A_2487 = arith.muli %add3A_2485, %mul3A_2486 : i32
      %swap3A_2488 = arith.index_cast %mul3A_2487 : i32 to index
      %swap3A_2489 = tpu.vector_load %arg9[%swap3A_2488] {strides = array<i32>} : memref<2048xf32, #tpu.memory_space<vmem>>, vector<16xf32>,
      tpu.vector_store %arg9[%swap3A_2488], %add3A_2481 {strides = array<i32>} : memref<2048xf32, #tpu.memory_space<vmem>>, vector<16xf32>,
      %slice3A_2490 = vector.extract_strided_slice %get3A_963 {offsets = [4], sizes = [1], strides = [1]} : vector<16xi32> to vector<1xi32>
      %squeeze3A_2491 = vector.extract %slice3A_2490[0] : i32 from vector<1xi32>
      %shift_right_logical3A_2492 = arith.constant 7 : i32
      %shift_right_logical3A_2493 = arith.shrui %squeeze3A_2491, %shift_right_logical3A_2492 : i32
      %min3A_2494 = arith.constant 7811 : i32
      %min3A_2495 = arith.minsi %shift_right_logical3A_2493, %min3A_2494 : i32
      %mul3A_2496 = arith.constant 128 : i32
      %mul3A_2497 = arith.muli %min3A_2495, %mul3A_2496 : i32
      %multiple_of3A_2498 = tpu.assume_multiple %mul3A_2497, 128 : i32
      %dma_start3A_2499 = arith.constant 4 : i32
      %dma_start3A_2500 = arith.constant 0 : i32
      %dma_start3A_2501 = arith.constant 0 : i32
      %dma_start3A_2502 = tpu.memref_slice %arg7[%dma_start3A_2499, %dma_start3A_2500, %dma_start3A_2501] : memref<8x64x128xf32, #tpu.memory_space<vmem>> -> memref<1x64x128xf32, #tpu.memory_space<vmem>>
      %dma_start3A_2503 = tpu.memref_squeeze %dma_start3A_2502 : memref<1x64x128xf32, #tpu.memory_space<vmem>> -> memref<64x128xf32, #tpu.memory_space<vmem>>
      %dma_start3A_2504 = arith.constant 0 : i32
      %dma_start3A_2505 = tpu.memref_slice %arg3[%dma_start3A_2504, %multiple_of3A_2498] : memref<64x1000000xf32, #tpu.memory_space<hbm>> -> memref<64x128xf32, #tpu.memory_space<hbm>>
      %dma_start3A_2506 = arith.constant 0 : i32
      %dma_start3A_2507 = arith.constant 0 : i32
      %dma_start3A_2508 = tpu.memref_slice %arg7[%dma_start3A_2499, %dma_start3A_2506, %dma_start3A_2507] : memref<8x64x128xf32, #tpu.memory_space<vmem>> -> memref<1x64x128xf32, #tpu.memory_space<vmem>>
      %dma_start3A_2509 = tpu.memref_squeeze %dma_start3A_2508 : memref<1x64x128xf32, #tpu.memory_space<vmem>> -> memref<64x128xf32, #tpu.memory_space<vmem>>
      %dma_start3A_2510 = arith.constant 0 : i32
      %dma_start3A_2511 = tpu.memref_slice %arg3[%dma_start3A_2510, %multiple_of3A_2498] : memref<64x1000000xf32, #tpu.memory_space<hbm>> -> memref<64x128xf32, #tpu.memory_space<hbm>>
      tpu.enqueue_dma source(%dma_start3A_2511 : memref<64x128xf32, #tpu.memory_space<hbm>>) target(%dma_start3A_2509 : memref<64x128xf32, #tpu.memory_space<vmem>>) target_semaphore(%arg12 : memref<!tpu.dma_semaphore, #tpu.memory_space<semaphore_mem>>)
      %slice3A_2512 = vector.extract_strided_slice %get3A_963 {offsets = [5], sizes = [1], strides = [1]} : vector<16xi32> to vector<1xi32>
      %squeeze3A_2513 = vector.extract %slice3A_2512[0] : i32 from vector<1xi32>
      %shift_right_logical3A_2514 = arith.constant 7 : i32
      %shift_right_logical3A_2515 = arith.shrui %squeeze3A_2513, %shift_right_logical3A_2514 : i32
      %min3A_2516 = arith.constant 7811 : i32
      %min3A_2517 = arith.minsi %shift_right_logical3A_2515, %min3A_2516 : i32
      %mul3A_2518 = arith.constant 128 : i32
      %mul3A_2519 = arith.muli %min3A_2517, %mul3A_2518 : i32
      %multiple_of3A_2520 = tpu.assume_multiple %mul3A_2519, 128 : i32
      %dma_start3A_2521 = arith.constant 5 : i32
      %dma_start3A_2522 = arith.constant 0 : i32
      %dma_start3A_2523 = arith.constant 0 : i32
      %dma_start3A_2524 = tpu.memref_slice %arg7[%dma_start3A_2521, %dma_start3A_2522, %dma_start3A_2523] : memref<8x64x128xf32, #tpu.memory_space<vmem>> -> memref<1x64x128xf32, #tpu.memory_space<vmem>>
      %dma_start3A_2525 = tpu.memref_squeeze %dma_start3A_2524 : memref<1x64x128xf32, #tpu.memory_space<vmem>> -> memref<64x128xf32, #tpu.memory_space<vmem>>
      %dma_start3A_2526 = arith.constant 0 : i32
      %dma_start3A_2527 = tpu.memref_slice %arg3[%dma_start3A_2526, %multiple_of3A_2520] : memref<64x1000000xf32, #tpu.memory_space<hbm>> -> memref<64x128xf32, #tpu.memory_space<hbm>>
      %dma_start3A_2528 = arith.constant 0 : i32
      %dma_start3A_2529 = arith.constant 0 : i32
      %dma_start3A_2530 = tpu.memref_slice %arg7[%dma_start3A_2521, %dma_start3A_2528, %dma_start3A_2529] : memref<8x64x128xf32, #tpu.memory_space<vmem>> -> memref<1x64x128xf32, #tpu.memory_space<vmem>>
      %dma_start3A_2531 = tpu.memref_squeeze %dma_start3A_2530 : memref<1x64x128xf32, #tpu.memory_space<vmem>> -> memref<64x128xf32, #tpu.memory_space<vmem>>
      %dma_start3A_2532 = arith.constant 0 : i32
      %dma_start3A_2533 = tpu.memref_slice %arg3[%dma_start3A_2532, %multiple_of3A_2520] : memref<64x1000000xf32, #tpu.memory_space<hbm>> -> memref<64x128xf32, #tpu.memory_space<hbm>>
      tpu.enqueue_dma source(%dma_start3A_2533 : memref<64x128xf32, #tpu.memory_space<hbm>>) target(%dma_start3A_2531 : memref<64x128xf32, #tpu.memory_space<vmem>>) target_semaphore(%arg12 : memref<!tpu.dma_semaphore, #tpu.memory_space<semaphore_mem>>)
      %slice3A_2534 = vector.extract_strided_slice %get3A_963 {offsets = [6], sizes = [1], strides = [1]} : vector<16xi32> to vector<1xi32>
      %squeeze3A_2535 = vector.extract %slice3A_2534[0] : i32 from vector<1xi32>
      %shift_right_logical3A_2536 = arith.constant 7 : i32
      %shift_right_logical3A_2537 = arith.shrui %squeeze3A_2535, %shift_right_logical3A_2536 : i32
      %min3A_2538 = arith.constant 7811 : i32
      %min3A_2539 = arith.minsi %shift_right_logical3A_2537, %min3A_2538 : i32
      %mul3A_2540 = arith.constant 128 : i32
      %mul3A_2541 = arith.muli %min3A_2539, %mul3A_2540 : i32
      %multiple_of3A_2542 = tpu.assume_multiple %mul3A_2541, 128 : i32
      %dma_start3A_2543 = arith.constant 6 : i32
      %dma_start3A_2544 = arith.constant 0 : i32
      %dma_start3A_2545 = arith.constant 0 : i32
      %dma_start3A_2546 = tpu.memref_slice %arg7[%dma_start3A_2543, %dma_start3A_2544, %dma_start3A_2545] : memref<8x64x128xf32, #tpu.memory_space<vmem>> -> memref<1x64x128xf32, #tpu.memory_space<vmem>>
      %dma_start3A_2547 = tpu.memref_squeeze %dma_start3A_2546 : memref<1x64x128xf32, #tpu.memory_space<vmem>> -> memref<64x128xf32, #tpu.memory_space<vmem>>
      %dma_start3A_2548 = arith.constant 0 : i32
      %dma_start3A_2549 = tpu.memref_slice %arg3[%dma_start3A_2548, %multiple_of3A_2542] : memref<64x1000000xf32, #tpu.memory_space<hbm>> -> memref<64x128xf32, #tpu.memory_space<hbm>>
      %dma_start3A_2550 = arith.constant 0 : i32
      %dma_start3A_2551 = arith.constant 0 : i32
      %dma_start3A_2552 = tpu.memref_slice %arg7[%dma_start3A_2543, %dma_start3A_2550, %dma_start3A_2551] : memref<8x64x128xf32, #tpu.memory_space<vmem>> -> memref<1x64x128xf32, #tpu.memory_space<vmem>>
      %dma_start3A_2553 = tpu.memref_squeeze %dma_start3A_2552 : memref<1x64x128xf32, #tpu.memory_space<vmem>> -> memref<64x128xf32, #tpu.memory_space<vmem>>
      %dma_start3A_2554 = arith.constant 0 : i32
      %dma_start3A_2555 = tpu.memref_slice %arg3[%dma_start3A_2554, %multiple_of3A_2542] : memref<64x1000000xf32, #tpu.memory_space<hbm>> -> memref<64x128xf32, #tpu.memory_space<hbm>>
      tpu.enqueue_dma source(%dma_start3A_2555 : memref<64x128xf32, #tpu.memory_space<hbm>>) target(%dma_start3A_2553 : memref<64x128xf32, #tpu.memory_space<vmem>>) target_semaphore(%arg12 : memref<!tpu.dma_semaphore, #tpu.memory_space<semaphore_mem>>)
      %slice3A_2556 = vector.extract_strided_slice %get3A_963 {offsets = [7], sizes = [1], strides = [1]} : vector<16xi32> to vector<1xi32>
      %squeeze3A_2557 = vector.extract %slice3A_2556[0] : i32 from vector<1xi32>
      %shift_right_logical3A_2558 = arith.constant 7 : i32
      %shift_right_logical3A_2559 = arith.shrui %squeeze3A_2557, %shift_right_logical3A_2558 : i32
      %min3A_2560 = arith.constant 7811 : i32
      %min3A_2561 = arith.minsi %shift_right_logical3A_2559, %min3A_2560 : i32
      %mul3A_2562 = arith.constant 128 : i32
      %mul3A_2563 = arith.muli %min3A_2561, %mul3A_2562 : i32
      %multiple_of3A_2564 = tpu.assume_multiple %mul3A_2563, 128 : i32
      %dma_start3A_2565 = arith.constant 7 : i32
      %dma_start3A_2566 = arith.constant 0 : i32
      %dma_start3A_2567 = arith.constant 0 : i32
      %dma_start3A_2568 = tpu.memref_slice %arg7[%dma_start3A_2565, %dma_start3A_2566, %dma_start3A_2567] : memref<8x64x128xf32, #tpu.memory_space<vmem>> -> memref<1x64x128xf32, #tpu.memory_space<vmem>>
      %dma_start3A_2569 = tpu.memref_squeeze %dma_start3A_2568 : memref<1x64x128xf32, #tpu.memory_space<vmem>> -> memref<64x128xf32, #tpu.memory_space<vmem>>
      %dma_start3A_2570 = arith.constant 0 : i32
      %dma_start3A_2571 = tpu.memref_slice %arg3[%dma_start3A_2570, %multiple_of3A_2564] : memref<64x1000000xf32, #tpu.memory_space<hbm>> -> memref<64x128xf32, #tpu.memory_space<hbm>>
      %dma_start3A_2572 = arith.constant 0 : i32
      %dma_start3A_2573 = arith.constant 0 : i32
      %dma_start3A_2574 = tpu.memref_slice %arg7[%dma_start3A_2565, %dma_start3A_2572, %dma_start3A_2573] : memref<8x64x128xf32, #tpu.memory_space<vmem>> -> memref<1x64x128xf32, #tpu.memory_space<vmem>>
      %dma_start3A_2575 = tpu.memref_squeeze %dma_start3A_2574 : memref<1x64x128xf32, #tpu.memory_space<vmem>> -> memref<64x128xf32, #tpu.memory_space<vmem>>
      %dma_start3A_2576 = arith.constant 0 : i32
      %dma_start3A_2577 = tpu.memref_slice %arg3[%dma_start3A_2576, %multiple_of3A_2564] : memref<64x1000000xf32, #tpu.memory_space<hbm>> -> memref<64x128xf32, #tpu.memory_space<hbm>>
      tpu.enqueue_dma source(%dma_start3A_2577 : memref<64x128xf32, #tpu.memory_space<hbm>>) target(%dma_start3A_2575 : memref<64x128xf32, #tpu.memory_space<vmem>>) target_semaphore(%arg12 : memref<!tpu.dma_semaphore, #tpu.memory_space<semaphore_mem>>)
    }
    %scan3A_189 = arith.constant 8 : i32
    %dma_wait3A = arith.constant 0 : i32
    %dma_wait3A_190 = arith.constant 0 : i32
    %dma_wait3A_191 = arith.constant 0 : i32
    %dma_wait3A_192 = tpu.memref_slice %arg7[%dma_wait3A, %dma_wait3A_190, %dma_wait3A_191] : memref<8x64x128xf32, #tpu.memory_space<vmem>> -> memref<1x64x128xf32, #tpu.memory_space<vmem>>
    %dma_wait3A_193 = tpu.memref_squeeze %dma_wait3A_192 : memref<1x64x128xf32, #tpu.memory_space<vmem>> -> memref<64x128xf32, #tpu.memory_space<vmem>>
    %dma_wait3A_194 = arith.constant 0 : i32
    %dma_wait3A_195 = arith.constant 0 : i32
    %dma_wait3A_196 = tpu.memref_slice %arg3[%dma_wait3A_194, %dma_wait3A_195] : memref<64x1000000xf32, #tpu.memory_space<hbm>> -> memref<64x128xf32, #tpu.memory_space<hbm>>
    %dma_wait3A_197 = arith.constant 0 : i32
    %dma_wait3A_198 = arith.constant 0 : i32
    %dma_wait3A_199 = tpu.memref_slice %arg7[%dma_wait3A, %dma_wait3A_197, %dma_wait3A_198] : memref<8x64x128xf32, #tpu.memory_space<vmem>> -> memref<1x64x128xf32, #tpu.memory_space<vmem>>
    %dma_wait3A_200 = tpu.memref_squeeze %dma_wait3A_199 : memref<1x64x128xf32, #tpu.memory_space<vmem>> -> memref<64x128xf32, #tpu.memory_space<vmem>>
    %dma_wait3A_201 = arith.constant 0 : i32
    %dma_wait3A_202 = arith.constant 0 : i32
    %dma_wait3A_203 = tpu.memref_slice %arg3[%dma_wait3A_201, %dma_wait3A_202] : memref<64x1000000xf32, #tpu.memory_space<hbm>> -> memref<64x128xf32, #tpu.memory_space<hbm>>
    tpu.wait_dma2 semaphore(%arg11 : memref<!tpu.dma_semaphore, #tpu.memory_space<semaphore_mem>>) src(%dma_wait3A_203 : memref<64x128xf32, #tpu.memory_space<hbm>>) dst(%dma_wait3A_200 : memref<64x128xf32, #tpu.memory_space<vmem>>)
    %dma_wait3A_204 = arith.constant 0 : i32
    %dma_wait3A_205 = arith.constant 0 : i32
    %dma_wait3A_206 = arith.constant 0 : i32
    %dma_wait3A_207 = tpu.memref_slice %arg7[%dma_wait3A_204, %dma_wait3A_205, %dma_wait3A_206] : memref<8x64x128xf32, #tpu.memory_space<vmem>> -> memref<1x64x128xf32, #tpu.memory_space<vmem>>
    %dma_wait3A_208 = tpu.memref_squeeze %dma_wait3A_207 : memref<1x64x128xf32, #tpu.memory_space<vmem>> -> memref<64x128xf32, #tpu.memory_space<vmem>>
    %dma_wait3A_209 = arith.constant 0 : i32
    %dma_wait3A_210 = arith.constant 0 : i32
    %dma_wait3A_211 = tpu.memref_slice %arg3[%dma_wait3A_209, %dma_wait3A_210] : memref<64x1000000xf32, #tpu.memory_space<hbm>> -> memref<64x128xf32, #tpu.memory_space<hbm>>
    %dma_wait3A_212 = arith.constant 0 : i32
    %dma_wait3A_213 = arith.constant 0 : i32
    %dma_wait3A_214 = tpu.memref_slice %arg7[%dma_wait3A_204, %dma_wait3A_212, %dma_wait3A_213] : memref<8x64x128xf32, #tpu.memory_space<vmem>> -> memref<1x64x128xf32, #tpu.memory_space<vmem>>
    %dma_wait3A_215 = tpu.memref_squeeze %dma_wait3A_214 : memref<1x64x128xf32, #tpu.memory_space<vmem>> -> memref<64x128xf32, #tpu.memory_space<vmem>>
    %dma_wait3A_216 = arith.constant 0 : i32
    %dma_wait3A_217 = arith.constant 0 : i32
    %dma_wait3A_218 = tpu.memref_slice %arg3[%dma_wait3A_216, %dma_wait3A_217] : memref<64x1000000xf32, #tpu.memory_space<hbm>> -> memref<64x128xf32, #tpu.memory_space<hbm>>
    tpu.wait_dma2 semaphore(%arg11 : memref<!tpu.dma_semaphore, #tpu.memory_space<semaphore_mem>>) src(%dma_wait3A_218 : memref<64x128xf32, #tpu.memory_space<hbm>>) dst(%dma_wait3A_215 : memref<64x128xf32, #tpu.memory_space<vmem>>)
    %dma_wait3A_219 = arith.constant 0 : i32
    %dma_wait3A_220 = arith.constant 0 : i32
    %dma_wait3A_221 = arith.constant 0 : i32
    %dma_wait3A_222 = tpu.memref_slice %arg7[%dma_wait3A_219, %dma_wait3A_220, %dma_wait3A_221] : memref<8x64x128xf32, #tpu.memory_space<vmem>> -> memref<1x64x128xf32, #tpu.memory_space<vmem>>
    %dma_wait3A_223 = tpu.memref_squeeze %dma_wait3A_222 : memref<1x64x128xf32, #tpu.memory_space<vmem>> -> memref<64x128xf32, #tpu.memory_space<vmem>>
    %dma_wait3A_224 = arith.constant 0 : i32
    %dma_wait3A_225 = arith.constant 0 : i32
    %dma_wait3A_226 = tpu.memref_slice %arg3[%dma_wait3A_224, %dma_wait3A_225] : memref<64x1000000xf32, #tpu.memory_space<hbm>> -> memref<64x128xf32, #tpu.memory_space<hbm>>
    %dma_wait3A_227 = arith.constant 0 : i32
    %dma_wait3A_228 = arith.constant 0 : i32
    %dma_wait3A_229 = tpu.memref_slice %arg7[%dma_wait3A_219, %dma_wait3A_227, %dma_wait3A_228] : memref<8x64x128xf32, #tpu.memory_space<vmem>> -> memref<1x64x128xf32, #tpu.memory_space<vmem>>
    %dma_wait3A_230 = tpu.memref_squeeze %dma_wait3A_229 : memref<1x64x128xf32, #tpu.memory_space<vmem>> -> memref<64x128xf32, #tpu.memory_space<vmem>>
    %dma_wait3A_231 = arith.constant 0 : i32
    %dma_wait3A_232 = arith.constant 0 : i32
    %dma_wait3A_233 = tpu.memref_slice %arg3[%dma_wait3A_231, %dma_wait3A_232] : memref<64x1000000xf32, #tpu.memory_space<hbm>> -> memref<64x128xf32, #tpu.memory_space<hbm>>
    tpu.wait_dma2 semaphore(%arg11 : memref<!tpu.dma_semaphore, #tpu.memory_space<semaphore_mem>>) src(%dma_wait3A_233 : memref<64x128xf32, #tpu.memory_space<hbm>>) dst(%dma_wait3A_230 : memref<64x128xf32, #tpu.memory_space<vmem>>)
    %dma_wait3A_234 = arith.constant 0 : i32
    %dma_wait3A_235 = arith.constant 0 : i32
    %dma_wait3A_236 = arith.constant 0 : i32
    %dma_wait3A_237 = tpu.memref_slice %arg7[%dma_wait3A_234, %dma_wait3A_235, %dma_wait3A_236] : memref<8x64x128xf32, #tpu.memory_space<vmem>> -> memref<1x64x128xf32, #tpu.memory_space<vmem>>
    %dma_wait3A_238 = tpu.memref_squeeze %dma_wait3A_237 : memref<1x64x128xf32, #tpu.memory_space<vmem>> -> memref<64x128xf32, #tpu.memory_space<vmem>>
    %dma_wait3A_239 = arith.constant 0 : i32
    %dma_wait3A_240 = arith.constant 0 : i32
    %dma_wait3A_241 = tpu.memref_slice %arg3[%dma_wait3A_239, %dma_wait3A_240] : memref<64x1000000xf32, #tpu.memory_space<hbm>> -> memref<64x128xf32, #tpu.memory_space<hbm>>
    %dma_wait3A_242 = arith.constant 0 : i32
    %dma_wait3A_243 = arith.constant 0 : i32
    %dma_wait3A_244 = tpu.memref_slice %arg7[%dma_wait3A_234, %dma_wait3A_242, %dma_wait3A_243] : memref<8x64x128xf32, #tpu.memory_space<vmem>> -> memref<1x64x128xf32, #tpu.memory_space<vmem>>
    %dma_wait3A_245 = tpu.memref_squeeze %dma_wait3A_244 : memref<1x64x128xf32, #tpu.memory_space<vmem>> -> memref<64x128xf32, #tpu.memory_space<vmem>>
    %dma_wait3A_246 = arith.constant 0 : i32
    %dma_wait3A_247 = arith.constant 0 : i32
    %dma_wait3A_248 = tpu.memref_slice %arg3[%dma_wait3A_246, %dma_wait3A_247] : memref<64x1000000xf32, #tpu.memory_space<hbm>> -> memref<64x128xf32, #tpu.memory_space<hbm>>
    tpu.wait_dma2 semaphore(%arg11 : memref<!tpu.dma_semaphore, #tpu.memory_space<semaphore_mem>>) src(%dma_wait3A_248 : memref<64x128xf32, #tpu.memory_space<hbm>>) dst(%dma_wait3A_245 : memref<64x128xf32, #tpu.memory_space<vmem>>)
    %dma_wait3A_249 = arith.constant 0 : i32
    %dma_wait3A_250 = arith.constant 0 : i32
    %dma_wait3A_251 = arith.constant 0 : i32
    %dma_wait3A_252 = tpu.memref_slice %arg7[%dma_wait3A_249, %dma_wait3A_250, %dma_wait3A_251] : memref<8x64x128xf32, #tpu.memory_space<vmem>> -> memref<1x64x128xf32, #tpu.memory_space<vmem>>
    %dma_wait3A_253 = tpu.memref_squeeze %dma_wait3A_252 : memref<1x64x128xf32, #tpu.memory_space<vmem>> -> memref<64x128xf32, #tpu.memory_space<vmem>>
    %dma_wait3A_254 = arith.constant 0 : i32
    %dma_wait3A_255 = arith.constant 0 : i32
    %dma_wait3A_256 = tpu.memref_slice %arg3[%dma_wait3A_254, %dma_wait3A_255] : memref<64x1000000xf32, #tpu.memory_space<hbm>> -> memref<64x128xf32, #tpu.memory_space<hbm>>
    %dma_wait3A_257 = arith.constant 0 : i32
    %dma_wait3A_258 = arith.constant 0 : i32
    %dma_wait3A_259 = tpu.memref_slice %arg7[%dma_wait3A_249, %dma_wait3A_257, %dma_wait3A_258] : memref<8x64x128xf32, #tpu.memory_space<vmem>> -> memref<1x64x128xf32, #tpu.memory_space<vmem>>
    %dma_wait3A_260 = tpu.memref_squeeze %dma_wait3A_259 : memref<1x64x128xf32, #tpu.memory_space<vmem>> -> memref<64x128xf32, #tpu.memory_space<vmem>>
    %dma_wait3A_261 = arith.constant 0 : i32
    %dma_wait3A_262 = arith.constant 0 : i32
    %dma_wait3A_263 = tpu.memref_slice %arg3[%dma_wait3A_261, %dma_wait3A_262] : memref<64x1000000xf32, #tpu.memory_space<hbm>> -> memref<64x128xf32, #tpu.memory_space<hbm>>
    tpu.wait_dma2 semaphore(%arg12 : memref<!tpu.dma_semaphore, #tpu.memory_space<semaphore_mem>>) src(%dma_wait3A_263 : memref<64x128xf32, #tpu.memory_space<hbm>>) dst(%dma_wait3A_260 : memref<64x128xf32, #tpu.memory_space<vmem>>)
    %dma_wait3A_264 = arith.constant 0 : i32
    %dma_wait3A_265 = arith.constant 0 : i32
    %dma_wait3A_266 = arith.constant 0 : i32
    %dma_wait3A_267 = tpu.memref_slice %arg7[%dma_wait3A_264, %dma_wait3A_265, %dma_wait3A_266] : memref<8x64x128xf32, #tpu.memory_space<vmem>> -> memref<1x64x128xf32, #tpu.memory_space<vmem>>
    %dma_wait3A_268 = tpu.memref_squeeze %dma_wait3A_267 : memref<1x64x128xf32, #tpu.memory_space<vmem>> -> memref<64x128xf32, #tpu.memory_space<vmem>>
    %dma_wait3A_269 = arith.constant 0 : i32
    %dma_wait3A_270 = arith.constant 0 : i32
    %dma_wait3A_271 = tpu.memref_slice %arg3[%dma_wait3A_269, %dma_wait3A_270] : memref<64x1000000xf32, #tpu.memory_space<hbm>> -> memref<64x128xf32, #tpu.memory_space<hbm>>
    %dma_wait3A_272 = arith.constant 0 : i32
    %dma_wait3A_273 = arith.constant 0 : i32
    %dma_wait3A_274 = tpu.memref_slice %arg7[%dma_wait3A_264, %dma_wait3A_272, %dma_wait3A_273] : memref<8x64x128xf32, #tpu.memory_space<vmem>> -> memref<1x64x128xf32, #tpu.memory_space<vmem>>
    %dma_wait3A_275 = tpu.memref_squeeze %dma_wait3A_274 : memref<1x64x128xf32, #tpu.memory_space<vmem>> -> memref<64x128xf32, #tpu.memory_space<vmem>>
    %dma_wait3A_276 = arith.constant 0 : i32
    %dma_wait3A_277 = arith.constant 0 : i32
    %dma_wait3A_278 = tpu.memref_slice %arg3[%dma_wait3A_276, %dma_wait3A_277] : memref<64x1000000xf32, #tpu.memory_space<hbm>> -> memref<64x128xf32, #tpu.memory_space<hbm>>
    tpu.wait_dma2 semaphore(%arg12 : memref<!tpu.dma_semaphore, #tpu.memory_space<semaphore_mem>>) src(%dma_wait3A_278 : memref<64x128xf32, #tpu.memory_space<hbm>>) dst(%dma_wait3A_275 : memref<64x128xf32, #tpu.memory_space<vmem>>)
    %dma_wait3A_279 = arith.constant 0 : i32
    %dma_wait3A_280 = arith.constant 0 : i32
    %dma_wait3A_281 = arith.constant 0 : i32
    %dma_wait3A_282 = tpu.memref_slice %arg7[%dma_wait3A_279, %dma_wait3A_280, %dma_wait3A_281] : memref<8x64x128xf32, #tpu.memory_space<vmem>> -> memref<1x64x128xf32, #tpu.memory_space<vmem>>
    %dma_wait3A_283 = tpu.memref_squeeze %dma_wait3A_282 : memref<1x64x128xf32, #tpu.memory_space<vmem>> -> memref<64x128xf32, #tpu.memory_space<vmem>>
    %dma_wait3A_284 = arith.constant 0 : i32
    %dma_wait3A_285 = arith.constant 0 : i32
    %dma_wait3A_286 = tpu.memref_slice %arg3[%dma_wait3A_284, %dma_wait3A_285] : memref<64x1000000xf32, #tpu.memory_space<hbm>> -> memref<64x128xf32, #tpu.memory_space<hbm>>
    %dma_wait3A_287 = arith.constant 0 : i32
    %dma_wait3A_288 = arith.constant 0 : i32
    %dma_wait3A_289 = tpu.memref_slice %arg7[%dma_wait3A_279, %dma_wait3A_287, %dma_wait3A_288] : memref<8x64x128xf32, #tpu.memory_space<vmem>> -> memref<1x64x128xf32, #tpu.memory_space<vmem>>
    %dma_wait3A_290 = tpu.memref_squeeze %dma_wait3A_289 : memref<1x64x128xf32, #tpu.memory_space<vmem>> -> memref<64x128xf32, #tpu.memory_space<vmem>>
    %dma_wait3A_291 = arith.constant 0 : i32
    %dma_wait3A_292 = arith.constant 0 : i32
    %dma_wait3A_293 = tpu.memref_slice %arg3[%dma_wait3A_291, %dma_wait3A_292] : memref<64x1000000xf32, #tpu.memory_space<hbm>> -> memref<64x128xf32, #tpu.memory_space<hbm>>
    tpu.wait_dma2 semaphore(%arg12 : memref<!tpu.dma_semaphore, #tpu.memory_space<semaphore_mem>>) src(%dma_wait3A_293 : memref<64x128xf32, #tpu.memory_space<hbm>>) dst(%dma_wait3A_290 : memref<64x128xf32, #tpu.memory_space<vmem>>)
    %dma_wait3A_294 = arith.constant 0 : i32
    %dma_wait3A_295 = arith.constant 0 : i32
    %dma_wait3A_296 = arith.constant 0 : i32
    %dma_wait3A_297 = tpu.memref_slice %arg7[%dma_wait3A_294, %dma_wait3A_295, %dma_wait3A_296] : memref<8x64x128xf32, #tpu.memory_space<vmem>> -> memref<1x64x128xf32, #tpu.memory_space<vmem>>
    %dma_wait3A_298 = tpu.memref_squeeze %dma_wait3A_297 : memref<1x64x128xf32, #tpu.memory_space<vmem>> -> memref<64x128xf32, #tpu.memory_space<vmem>>
    %dma_wait3A_299 = arith.constant 0 : i32
    %dma_wait3A_300 = arith.constant 0 : i32
    %dma_wait3A_301 = tpu.memref_slice %arg3[%dma_wait3A_299, %dma_wait3A_300] : memref<64x1000000xf32, #tpu.memory_space<hbm>> -> memref<64x128xf32, #tpu.memory_space<hbm>>
    %dma_wait3A_302 = arith.constant 0 : i32
    %dma_wait3A_303 = arith.constant 0 : i32
    %dma_wait3A_304 = tpu.memref_slice %arg7[%dma_wait3A_294, %dma_wait3A_302, %dma_wait3A_303] : memref<8x64x128xf32, #tpu.memory_space<vmem>> -> memref<1x64x128xf32, #tpu.memory_space<vmem>>
    %dma_wait3A_305 = tpu.memref_squeeze %dma_wait3A_304 : memref<1x64x128xf32, #tpu.memory_space<vmem>> -> memref<64x128xf32, #tpu.memory_space<vmem>>
    %dma_wait3A_306 = arith.constant 0 : i32
    %dma_wait3A_307 = arith.constant 0 : i32
    %dma_wait3A_308 = tpu.memref_slice %arg3[%dma_wait3A_306, %dma_wait3A_307] : memref<64x1000000xf32, #tpu.memory_space<hbm>> -> memref<64x128xf32, #tpu.memory_space<hbm>>
    tpu.wait_dma2 semaphore(%arg12 : memref<!tpu.dma_semaphore, #tpu.memory_space<semaphore_mem>>) src(%dma_wait3A_308 : memref<64x128xf32, #tpu.memory_space<hbm>>) dst(%dma_wait3A_305 : memref<64x128xf32, #tpu.memory_space<vmem>>)
    %add3A_309 = arith.constant 0 : i32
    %add3A_310 = vector.broadcast %add3A_309 : i32 to vector<16xi32>
    %add3A_311 = arith.addi %mul3A_12, %add3A_310 : vector<16xi32>
    %gather3A = tpu.vector_load_idx %arg9[%add3A_311] : memref<2048xf32, #tpu.memory_space<vmem>>[vector<16xi32>], vector<16xf32>,
    %add3A_312 = arith.constant 1 : i32
    %add3A_313 = vector.broadcast %add3A_312 : i32 to vector<16xi32>
    %add3A_314 = arith.addi %add3A_311, %add3A_313 : vector<16xi32>
    %gather3A_315 = tpu.vector_load_idx %arg9[%add3A_314] : memref<2048xf32, #tpu.memory_space<vmem>>[vector<16xi32>], vector<16xf32>,
    %add3A_316 = arith.addf %gather3A, %gather3A_315 : vector<16xf32>
    %add3A_317 = arith.constant 2 : i32
    %add3A_318 = vector.broadcast %add3A_317 : i32 to vector<16xi32>
    %add3A_319 = arith.addi %add3A_311, %add3A_318 : vector<16xi32>
    %gather3A_320 = tpu.vector_load_idx %arg9[%add3A_319] : memref<2048xf32, #tpu.memory_space<vmem>>[vector<16xi32>], vector<16xf32>,
    %add3A_321 = arith.addf %add3A_316, %gather3A_320 : vector<16xf32>
    %add3A_322 = arith.constant 3 : i32
    %add3A_323 = vector.broadcast %add3A_322 : i32 to vector<16xi32>
    %add3A_324 = arith.addi %add3A_311, %add3A_323 : vector<16xi32>
    %gather3A_325 = tpu.vector_load_idx %arg9[%add3A_324] : memref<2048xf32, #tpu.memory_space<vmem>>[vector<16xi32>], vector<16xf32>,
    %add3A_326 = arith.addf %add3A_321, %gather3A_325 : vector<16xf32>
    %add3A_327 = arith.constant 4 : i32
    %add3A_328 = vector.broadcast %add3A_327 : i32 to vector<16xi32>
    %add3A_329 = arith.addi %add3A_311, %add3A_328 : vector<16xi32>
    %gather3A_330 = tpu.vector_load_idx %arg9[%add3A_329] : memref<2048xf32, #tpu.memory_space<vmem>>[vector<16xi32>], vector<16xf32>,
    %add3A_331 = arith.addf %add3A_326, %gather3A_330 : vector<16xf32>
    %add3A_332 = arith.constant 5 : i32
    %add3A_333 = vector.broadcast %add3A_332 : i32 to vector<16xi32>
    %add3A_334 = arith.addi %add3A_311, %add3A_333 : vector<16xi32>
    %gather3A_335 = tpu.vector_load_idx %arg9[%add3A_334] : memref<2048xf32, #tpu.memory_space<vmem>>[vector<16xi32>], vector<16xf32>,
    %add3A_336 = arith.addf %add3A_331, %gather3A_335 : vector<16xf32>
    %add3A_337 = arith.constant 6 : i32
    %add3A_338 = vector.broadcast %add3A_337 : i32 to vector<16xi32>
    %add3A_339 = arith.addi %add3A_311, %add3A_338 : vector<16xi32>
    %gather3A_340 = tpu.vector_load_idx %arg9[%add3A_339] : memref<2048xf32, #tpu.memory_space<vmem>>[vector<16xi32>], vector<16xf32>,
    %add3A_341 = arith.addf %add3A_336, %gather3A_340 : vector<16xf32>
    %add3A_342 = arith.constant 7 : i32
    %add3A_343 = vector.broadcast %add3A_342 : i32 to vector<16xi32>
    %add3A_344 = arith.addi %add3A_311, %add3A_343 : vector<16xi32>
    %gather3A_345 = tpu.vector_load_idx %arg9[%add3A_344] : memref<2048xf32, #tpu.memory_space<vmem>>[vector<16xi32>], vector<16xf32>,
    %add3A_346 = arith.addf %add3A_341, %gather3A_345 : vector<16xf32>
    %add3A_347 = arith.constant 8 : i32
    %add3A_348 = vector.broadcast %add3A_347 : i32 to vector<16xi32>
    %add3A_349 = arith.addi %add3A_311, %add3A_348 : vector<16xi32>
    %gather3A_350 = tpu.vector_load_idx %arg9[%add3A_349] : memref<2048xf32, #tpu.memory_space<vmem>>[vector<16xi32>], vector<16xf32>,
    %add3A_351 = arith.addf %add3A_346, %gather3A_350 : vector<16xf32>
    %add3A_352 = arith.constant 9 : i32
    %add3A_353 = vector.broadcast %add3A_352 : i32 to vector<16xi32>
    %add3A_354 = arith.addi %add3A_311, %add3A_353 : vector<16xi32>
    %gather3A_355 = tpu.vector_load_idx %arg9[%add3A_354] : memref<2048xf32, #tpu.memory_space<vmem>>[vector<16xi32>], vector<16xf32>,
    %add3A_356 = arith.addf %add3A_351, %gather3A_355 : vector<16xf32>
    %add3A_357 = arith.constant 10 : i32
    %add3A_358 = vector.broadcast %add3A_357 : i32 to vector<16xi32>
    %add3A_359 = arith.addi %add3A_311, %add3A_358 : vector<16xi32>
    %gather3A_360 = tpu.vector_load_idx %arg9[%add3A_359] : memref<2048xf32, #tpu.memory_space<vmem>>[vector<16xi32>], vector<16xf32>,
    %add3A_361 = arith.addf %add3A_356, %gather3A_360 : vector<16xf32>
    %add3A_362 = arith.constant 11 : i32
    %add3A_363 = vector.broadcast %add3A_362 : i32 to vector<16xi32>
    %add3A_364 = arith.addi %add3A_311, %add3A_363 : vector<16xi32>
    %gather3A_365 = tpu.vector_load_idx %arg9[%add3A_364] : memref<2048xf32, #tpu.memory_space<vmem>>[vector<16xi32>], vector<16xf32>,
    %add3A_366 = arith.addf %add3A_361, %gather3A_365 : vector<16xf32>
    %add3A_367 = arith.constant 12 : i32
    %add3A_368 = vector.broadcast %add3A_367 : i32 to vector<16xi32>
    %add3A_369 = arith.addi %add3A_311, %add3A_368 : vector<16xi32>
    %gather3A_370 = tpu.vector_load_idx %arg9[%add3A_369] : memref<2048xf32, #tpu.memory_space<vmem>>[vector<16xi32>], vector<16xf32>,
    %add3A_371 = arith.addf %add3A_366, %gather3A_370 : vector<16xf32>
    %add3A_372 = arith.constant 13 : i32
    %add3A_373 = vector.broadcast %add3A_372 : i32 to vector<16xi32>
    %add3A_374 = arith.addi %add3A_311, %add3A_373 : vector<16xi32>
    %gather3A_375 = tpu.vector_load_idx %arg9[%add3A_374] : memref<2048xf32, #tpu.memory_space<vmem>>[vector<16xi32>], vector<16xf32>,
    %add3A_376 = arith.addf %add3A_371, %gather3A_375 : vector<16xf32>
    %add3A_377 = arith.constant 14 : i32
    %add3A_378 = vector.broadcast %add3A_377 : i32 to vector<16xi32>
    %add3A_379 = arith.addi %add3A_311, %add3A_378 : vector<16xi32>
    %gather3A_380 = tpu.vector_load_idx %arg9[%add3A_379] : memref<2048xf32, #tpu.memory_space<vmem>>[vector<16xi32>], vector<16xf32>,
    %add3A_381 = arith.addf %add3A_376, %gather3A_380 : vector<16xf32>
    %add3A_382 = arith.constant 15 : i32
    %add3A_383 = vector.broadcast %add3A_382 : i32 to vector<16xi32>
    %add3A_384 = arith.addi %add3A_311, %add3A_383 : vector<16xi32>
    %gather3A_385 = tpu.vector_load_idx %arg9[%add3A_384] : memref<2048xf32, #tpu.memory_space<vmem>>[vector<16xi32>], vector<16xf32>,
    %add3A_386 = arith.addf %add3A_381, %gather3A_385 : vector<16xf32>
    %swap3A = arith.constant 0 : index
    %swap3A_387 = tpu.vector_load %arg10[%swap3A] {strides = array<i32>} : memref<128xf32, #tpu.memory_space<vmem>>, vector<16xf32>,
    tpu.vector_store %arg10[%swap3A], %add3A_386 {strides = array<i32>} : memref<128xf32, #tpu.memory_space<vmem>>, vector<16xf32>,
    %add3A_388 = arith.constant 256 : i32
    %add3A_389 = vector.broadcast %add3A_388 : i32 to vector<16xi32>
    %add3A_390 = arith.addi %mul3A_12, %add3A_389 : vector<16xi32>
    %gather3A_391 = tpu.vector_load_idx %arg9[%add3A_390] : memref<2048xf32, #tpu.memory_space<vmem>>[vector<16xi32>], vector<16xf32>,
    %add3A_392 = arith.constant 1 : i32
    %add3A_393 = vector.broadcast %add3A_392 : i32 to vector<16xi32>
    %add3A_394 = arith.addi %add3A_390, %add3A_393 : vector<16xi32>
    %gather3A_395 = tpu.vector_load_idx %arg9[%add3A_394] : memref<2048xf32, #tpu.memory_space<vmem>>[vector<16xi32>], vector<16xf32>,
    %add3A_396 = arith.addf %gather3A_391, %gather3A_395 : vector<16xf32>
    %add3A_397 = arith.constant 2 : i32
    %add3A_398 = vector.broadcast %add3A_397 : i32 to vector<16xi32>
    %add3A_399 = arith.addi %add3A_390, %add3A_398 : vector<16xi32>
    %gather3A_400 = tpu.vector_load_idx %arg9[%add3A_399] : memref<2048xf32, #tpu.memory_space<vmem>>[vector<16xi32>], vector<16xf32>,
    %add3A_401 = arith.addf %add3A_396, %gather3A_400 : vector<16xf32>
    %add3A_402 = arith.constant 3 : i32
    %add3A_403 = vector.broadcast %add3A_402 : i32 to vector<16xi32>
    %add3A_404 = arith.addi %add3A_390, %add3A_403 : vector<16xi32>
    %gather3A_405 = tpu.vector_load_idx %arg9[%add3A_404] : memref<2048xf32, #tpu.memory_space<vmem>>[vector<16xi32>], vector<16xf32>,
    %add3A_406 = arith.addf %add3A_401, %gather3A_405 : vector<16xf32>
    %add3A_407 = arith.constant 4 : i32
    %add3A_408 = vector.broadcast %add3A_407 : i32 to vector<16xi32>
    %add3A_409 = arith.addi %add3A_390, %add3A_408 : vector<16xi32>
    %gather3A_410 = tpu.vector_load_idx %arg9[%add3A_409] : memref<2048xf32, #tpu.memory_space<vmem>>[vector<16xi32>], vector<16xf32>,
    %add3A_411 = arith.addf %add3A_406, %gather3A_410 : vector<16xf32>
    %add3A_412 = arith.constant 5 : i32
    %add3A_413 = vector.broadcast %add3A_412 : i32 to vector<16xi32>
    %add3A_414 = arith.addi %add3A_390, %add3A_413 : vector<16xi32>
    %gather3A_415 = tpu.vector_load_idx %arg9[%add3A_414] : memref<2048xf32, #tpu.memory_space<vmem>>[vector<16xi32>], vector<16xf32>,
    %add3A_416 = arith.addf %add3A_411, %gather3A_415 : vector<16xf32>
    %add3A_417 = arith.constant 6 : i32
    %add3A_418 = vector.broadcast %add3A_417 : i32 to vector<16xi32>
    %add3A_419 = arith.addi %add3A_390, %add3A_418 : vector<16xi32>
    %gather3A_420 = tpu.vector_load_idx %arg9[%add3A_419] : memref<2048xf32, #tpu.memory_space<vmem>>[vector<16xi32>], vector<16xf32>,
    %add3A_421 = arith.addf %add3A_416, %gather3A_420 : vector<16xf32>
    %add3A_422 = arith.constant 7 : i32
    %add3A_423 = vector.broadcast %add3A_422 : i32 to vector<16xi32>
    %add3A_424 = arith.addi %add3A_390, %add3A_423 : vector<16xi32>
    %gather3A_425 = tpu.vector_load_idx %arg9[%add3A_424] : memref<2048xf32, #tpu.memory_space<vmem>>[vector<16xi32>], vector<16xf32>,
    %add3A_426 = arith.addf %add3A_421, %gather3A_425 : vector<16xf32>
    %add3A_427 = arith.constant 8 : i32
    %add3A_428 = vector.broadcast %add3A_427 : i32 to vector<16xi32>
    %add3A_429 = arith.addi %add3A_390, %add3A_428 : vector<16xi32>
    %gather3A_430 = tpu.vector_load_idx %arg9[%add3A_429] : memref<2048xf32, #tpu.memory_space<vmem>>[vector<16xi32>], vector<16xf32>,
    %add3A_431 = arith.addf %add3A_426, %gather3A_430 : vector<16xf32>
    %add3A_432 = arith.constant 9 : i32
    %add3A_433 = vector.broadcast %add3A_432 : i32 to vector<16xi32>
    %add3A_434 = arith.addi %add3A_390, %add3A_433 : vector<16xi32>
    %gather3A_435 = tpu.vector_load_idx %arg9[%add3A_434] : memref<2048xf32, #tpu.memory_space<vmem>>[vector<16xi32>], vector<16xf32>,
    %add3A_436 = arith.addf %add3A_431, %gather3A_435 : vector<16xf32>
    %add3A_437 = arith.constant 10 : i32
    %add3A_438 = vector.broadcast %add3A_437 : i32 to vector<16xi32>
    %add3A_439 = arith.addi %add3A_390, %add3A_438 : vector<16xi32>
    %gather3A_440 = tpu.vector_load_idx %arg9[%add3A_439] : memref<2048xf32, #tpu.memory_space<vmem>>[vector<16xi32>], vector<16xf32>,
    %add3A_441 = arith.addf %add3A_436, %gather3A_440 : vector<16xf32>
    %add3A_442 = arith.constant 11 : i32
    %add3A_443 = vector.broadcast %add3A_442 : i32 to vector<16xi32>
    %add3A_444 = arith.addi %add3A_390, %add3A_443 : vector<16xi32>
    %gather3A_445 = tpu.vector_load_idx %arg9[%add3A_444] : memref<2048xf32, #tpu.memory_space<vmem>>[vector<16xi32>], vector<16xf32>,
    %add3A_446 = arith.addf %add3A_441, %gather3A_445 : vector<16xf32>
    %add3A_447 = arith.constant 12 : i32
    %add3A_448 = vector.broadcast %add3A_447 : i32 to vector<16xi32>
    %add3A_449 = arith.addi %add3A_390, %add3A_448 : vector<16xi32>
    %gather3A_450 = tpu.vector_load_idx %arg9[%add3A_449] : memref<2048xf32, #tpu.memory_space<vmem>>[vector<16xi32>], vector<16xf32>,
    %add3A_451 = arith.addf %add3A_446, %gather3A_450 : vector<16xf32>
    %add3A_452 = arith.constant 13 : i32
    %add3A_453 = vector.broadcast %add3A_452 : i32 to vector<16xi32>
    %add3A_454 = arith.addi %add3A_390, %add3A_453 : vector<16xi32>
    %gather3A_455 = tpu.vector_load_idx %arg9[%add3A_454] : memref<2048xf32, #tpu.memory_space<vmem>>[vector<16xi32>], vector<16xf32>,
    %add3A_456 = arith.addf %add3A_451, %gather3A_455 : vector<16xf32>
    %add3A_457 = arith.constant 14 : i32
    %add3A_458 = vector.broadcast %add3A_457 : i32 to vector<16xi32>
    %add3A_459 = arith.addi %add3A_390, %add3A_458 : vector<16xi32>
    %gather3A_460 = tpu.vector_load_idx %arg9[%add3A_459] : memref<2048xf32, #tpu.memory_space<vmem>>[vector<16xi32>], vector<16xf32>,
    %add3A_461 = arith.addf %add3A_456, %gather3A_460 : vector<16xf32>
    %add3A_462 = arith.constant 15 : i32
    %add3A_463 = vector.broadcast %add3A_462 : i32 to vector<16xi32>
    %add3A_464 = arith.addi %add3A_390, %add3A_463 : vector<16xi32>
    %gather3A_465 = tpu.vector_load_idx %arg9[%add3A_464] : memref<2048xf32, #tpu.memory_space<vmem>>[vector<16xi32>], vector<16xf32>,
    %add3A_466 = arith.addf %add3A_461, %gather3A_465 : vector<16xf32>
    %swap3A_467 = arith.constant 16 : index
    %swap3A_468 = tpu.vector_load %arg10[%swap3A_467] {strides = array<i32>} : memref<128xf32, #tpu.memory_space<vmem>>, vector<16xf32>,
    tpu.vector_store %arg10[%swap3A_467], %add3A_466 {strides = array<i32>} : memref<128xf32, #tpu.memory_space<vmem>>, vector<16xf32>,
    %add3A_469 = arith.constant 512 : i32
    %add3A_470 = vector.broadcast %add3A_469 : i32 to vector<16xi32>
    %add3A_471 = arith.addi %mul3A_12, %add3A_470 : vector<16xi32>
    %gather3A_472 = tpu.vector_load_idx %arg9[%add3A_471] : memref<2048xf32, #tpu.memory_space<vmem>>[vector<16xi32>], vector<16xf32>,
    %add3A_473 = arith.constant 1 : i32
    %add3A_474 = vector.broadcast %add3A_473 : i32 to vector<16xi32>
    %add3A_475 = arith.addi %add3A_471, %add3A_474 : vector<16xi32>
    %gather3A_476 = tpu.vector_load_idx %arg9[%add3A_475] : memref<2048xf32, #tpu.memory_space<vmem>>[vector<16xi32>], vector<16xf32>,
    %add3A_477 = arith.addf %gather3A_472, %gather3A_476 : vector<16xf32>
    %add3A_478 = arith.constant 2 : i32
    %add3A_479 = vector.broadcast %add3A_478 : i32 to vector<16xi32>
    %add3A_480 = arith.addi %add3A_471, %add3A_479 : vector<16xi32>
    %gather3A_481 = tpu.vector_load_idx %arg9[%add3A_480] : memref<2048xf32, #tpu.memory_space<vmem>>[vector<16xi32>], vector<16xf32>,
    %add3A_482 = arith.addf %add3A_477, %gather3A_481 : vector<16xf32>
    %add3A_483 = arith.constant 3 : i32
    %add3A_484 = vector.broadcast %add3A_483 : i32 to vector<16xi32>
    %add3A_485 = arith.addi %add3A_471, %add3A_484 : vector<16xi32>
    %gather3A_486 = tpu.vector_load_idx %arg9[%add3A_485] : memref<2048xf32, #tpu.memory_space<vmem>>[vector<16xi32>], vector<16xf32>,
    %add3A_487 = arith.addf %add3A_482, %gather3A_486 : vector<16xf32>
    %add3A_488 = arith.constant 4 : i32
    %add3A_489 = vector.broadcast %add3A_488 : i32 to vector<16xi32>
    %add3A_490 = arith.addi %add3A_471, %add3A_489 : vector<16xi32>
    %gather3A_491 = tpu.vector_load_idx %arg9[%add3A_490] : memref<2048xf32, #tpu.memory_space<vmem>>[vector<16xi32>], vector<16xf32>,
    %add3A_492 = arith.addf %add3A_487, %gather3A_491 : vector<16xf32>
    %add3A_493 = arith.constant 5 : i32
    %add3A_494 = vector.broadcast %add3A_493 : i32 to vector<16xi32>
    %add3A_495 = arith.addi %add3A_471, %add3A_494 : vector<16xi32>
    %gather3A_496 = tpu.vector_load_idx %arg9[%add3A_495] : memref<2048xf32, #tpu.memory_space<vmem>>[vector<16xi32>], vector<16xf32>,
    %add3A_497 = arith.addf %add3A_492, %gather3A_496 : vector<16xf32>
    %add3A_498 = arith.constant 6 : i32
    %add3A_499 = vector.broadcast %add3A_498 : i32 to vector<16xi32>
    %add3A_500 = arith.addi %add3A_471, %add3A_499 : vector<16xi32>
    %gather3A_501 = tpu.vector_load_idx %arg9[%add3A_500] : memref<2048xf32, #tpu.memory_space<vmem>>[vector<16xi32>], vector<16xf32>,
    %add3A_502 = arith.addf %add3A_497, %gather3A_501 : vector<16xf32>
    %add3A_503 = arith.constant 7 : i32
    %add3A_504 = vector.broadcast %add3A_503 : i32 to vector<16xi32>
    %add3A_505 = arith.addi %add3A_471, %add3A_504 : vector<16xi32>
    %gather3A_506 = tpu.vector_load_idx %arg9[%add3A_505] : memref<2048xf32, #tpu.memory_space<vmem>>[vector<16xi32>], vector<16xf32>,
    %add3A_507 = arith.addf %add3A_502, %gather3A_506 : vector<16xf32>
    %add3A_508 = arith.constant 8 : i32
    %add3A_509 = vector.broadcast %add3A_508 : i32 to vector<16xi32>
    %add3A_510 = arith.addi %add3A_471, %add3A_509 : vector<16xi32>
    %gather3A_511 = tpu.vector_load_idx %arg9[%add3A_510] : memref<2048xf32, #tpu.memory_space<vmem>>[vector<16xi32>], vector<16xf32>,
    %add3A_512 = arith.addf %add3A_507, %gather3A_511 : vector<16xf32>
    %add3A_513 = arith.constant 9 : i32
    %add3A_514 = vector.broadcast %add3A_513 : i32 to vector<16xi32>
    %add3A_515 = arith.addi %add3A_471, %add3A_514 : vector<16xi32>
    %gather3A_516 = tpu.vector_load_idx %arg9[%add3A_515] : memref<2048xf32, #tpu.memory_space<vmem>>[vector<16xi32>], vector<16xf32>,
    %add3A_517 = arith.addf %add3A_512, %gather3A_516 : vector<16xf32>
    %add3A_518 = arith.constant 10 : i32
    %add3A_519 = vector.broadcast %add3A_518 : i32 to vector<16xi32>
    %add3A_520 = arith.addi %add3A_471, %add3A_519 : vector<16xi32>
    %gather3A_521 = tpu.vector_load_idx %arg9[%add3A_520] : memref<2048xf32, #tpu.memory_space<vmem>>[vector<16xi32>], vector<16xf32>,
    %add3A_522 = arith.addf %add3A_517, %gather3A_521 : vector<16xf32>
    %add3A_523 = arith.constant 11 : i32
    %add3A_524 = vector.broadcast %add3A_523 : i32 to vector<16xi32>
    %add3A_525 = arith.addi %add3A_471, %add3A_524 : vector<16xi32>
    %gather3A_526 = tpu.vector_load_idx %arg9[%add3A_525] : memref<2048xf32, #tpu.memory_space<vmem>>[vector<16xi32>], vector<16xf32>,
    %add3A_527 = arith.addf %add3A_522, %gather3A_526 : vector<16xf32>
    %add3A_528 = arith.constant 12 : i32
    %add3A_529 = vector.broadcast %add3A_528 : i32 to vector<16xi32>
    %add3A_530 = arith.addi %add3A_471, %add3A_529 : vector<16xi32>
    %gather3A_531 = tpu.vector_load_idx %arg9[%add3A_530] : memref<2048xf32, #tpu.memory_space<vmem>>[vector<16xi32>], vector<16xf32>,
    %add3A_532 = arith.addf %add3A_527, %gather3A_531 : vector<16xf32>
    %add3A_533 = arith.constant 13 : i32
    %add3A_534 = vector.broadcast %add3A_533 : i32 to vector<16xi32>
    %add3A_535 = arith.addi %add3A_471, %add3A_534 : vector<16xi32>
    %gather3A_536 = tpu.vector_load_idx %arg9[%add3A_535] : memref<2048xf32, #tpu.memory_space<vmem>>[vector<16xi32>], vector<16xf32>,
    %add3A_537 = arith.addf %add3A_532, %gather3A_536 : vector<16xf32>
    %add3A_538 = arith.constant 14 : i32
    %add3A_539 = vector.broadcast %add3A_538 : i32 to vector<16xi32>
    %add3A_540 = arith.addi %add3A_471, %add3A_539 : vector<16xi32>
    %gather3A_541 = tpu.vector_load_idx %arg9[%add3A_540] : memref<2048xf32, #tpu.memory_space<vmem>>[vector<16xi32>], vector<16xf32>,
    %add3A_542 = arith.addf %add3A_537, %gather3A_541 : vector<16xf32>
    %add3A_543 = arith.constant 15 : i32
    %add3A_544 = vector.broadcast %add3A_543 : i32 to vector<16xi32>
    %add3A_545 = arith.addi %add3A_471, %add3A_544 : vector<16xi32>
    %gather3A_546 = tpu.vector_load_idx %arg9[%add3A_545] : memref<2048xf32, #tpu.memory_space<vmem>>[vector<16xi32>], vector<16xf32>,
    %add3A_547 = arith.addf %add3A_542, %gather3A_546 : vector<16xf32>
    %swap3A_548 = arith.constant 32 : index
    %swap3A_549 = tpu.vector_load %arg10[%swap3A_548] {strides = array<i32>} : memref<128xf32, #tpu.memory_space<vmem>>, vector<16xf32>,
    tpu.vector_store %arg10[%swap3A_548], %add3A_547 {strides = array<i32>} : memref<128xf32, #tpu.memory_space<vmem>>, vector<16xf32>,
    %add3A_550 = arith.constant 768 : i32
    %add3A_551 = vector.broadcast %add3A_550 : i32 to vector<16xi32>
    %add3A_552 = arith.addi %mul3A_12, %add3A_551 : vector<16xi32>
    %gather3A_553 = tpu.vector_load_idx %arg9[%add3A_552] : memref<2048xf32, #tpu.memory_space<vmem>>[vector<16xi32>], vector<16xf32>,
    %add3A_554 = arith.constant 1 : i32
    %add3A_555 = vector.broadcast %add3A_554 : i32 to vector<16xi32>
    %add3A_556 = arith.addi %add3A_552, %add3A_555 : vector<16xi32>
    %gather3A_557 = tpu.vector_load_idx %arg9[%add3A_556] : memref<2048xf32, #tpu.memory_space<vmem>>[vector<16xi32>], vector<16xf32>,
    %add3A_558 = arith.addf %gather3A_553, %gather3A_557 : vector<16xf32>
    %add3A_559 = arith.constant 2 : i32
    %add3A_560 = vector.broadcast %add3A_559 : i32 to vector<16xi32>
    %add3A_561 = arith.addi %add3A_552, %add3A_560 : vector<16xi32>
    %gather3A_562 = tpu.vector_load_idx %arg9[%add3A_561] : memref<2048xf32, #tpu.memory_space<vmem>>[vector<16xi32>], vector<16xf32>,
    %add3A_563 = arith.addf %add3A_558, %gather3A_562 : vector<16xf32>
    %add3A_564 = arith.constant 3 : i32
    %add3A_565 = vector.broadcast %add3A_564 : i32 to vector<16xi32>
    %add3A_566 = arith.addi %add3A_552, %add3A_565 : vector<16xi32>
    %gather3A_567 = tpu.vector_load_idx %arg9[%add3A_566] : memref<2048xf32, #tpu.memory_space<vmem>>[vector<16xi32>], vector<16xf32>,
    %add3A_568 = arith.addf %add3A_563, %gather3A_567 : vector<16xf32>
    %add3A_569 = arith.constant 4 : i32
    %add3A_570 = vector.broadcast %add3A_569 : i32 to vector<16xi32>
    %add3A_571 = arith.addi %add3A_552, %add3A_570 : vector<16xi32>
    %gather3A_572 = tpu.vector_load_idx %arg9[%add3A_571] : memref<2048xf32, #tpu.memory_space<vmem>>[vector<16xi32>], vector<16xf32>,
    %add3A_573 = arith.addf %add3A_568, %gather3A_572 : vector<16xf32>
    %add3A_574 = arith.constant 5 : i32
    %add3A_575 = vector.broadcast %add3A_574 : i32 to vector<16xi32>
    %add3A_576 = arith.addi %add3A_552, %add3A_575 : vector<16xi32>
    %gather3A_577 = tpu.vector_load_idx %arg9[%add3A_576] : memref<2048xf32, #tpu.memory_space<vmem>>[vector<16xi32>], vector<16xf32>,
    %add3A_578 = arith.addf %add3A_573, %gather3A_577 : vector<16xf32>
    %add3A_579 = arith.constant 6 : i32
    %add3A_580 = vector.broadcast %add3A_579 : i32 to vector<16xi32>
    %add3A_581 = arith.addi %add3A_552, %add3A_580 : vector<16xi32>
    %gather3A_582 = tpu.vector_load_idx %arg9[%add3A_581] : memref<2048xf32, #tpu.memory_space<vmem>>[vector<16xi32>], vector<16xf32>,
    %add3A_583 = arith.addf %add3A_578, %gather3A_582 : vector<16xf32>
    %add3A_584 = arith.constant 7 : i32
    %add3A_585 = vector.broadcast %add3A_584 : i32 to vector<16xi32>
    %add3A_586 = arith.addi %add3A_552, %add3A_585 : vector<16xi32>
    %gather3A_587 = tpu.vector_load_idx %arg9[%add3A_586] : memref<2048xf32, #tpu.memory_space<vmem>>[vector<16xi32>], vector<16xf32>,
    %add3A_588 = arith.addf %add3A_583, %gather3A_587 : vector<16xf32>
    %add3A_589 = arith.constant 8 : i32
    %add3A_590 = vector.broadcast %add3A_589 : i32 to vector<16xi32>
    %add3A_591 = arith.addi %add3A_552, %add3A_590 : vector<16xi32>
    %gather3A_592 = tpu.vector_load_idx %arg9[%add3A_591] : memref<2048xf32, #tpu.memory_space<vmem>>[vector<16xi32>], vector<16xf32>,
    %add3A_593 = arith.addf %add3A_588, %gather3A_592 : vector<16xf32>
    %add3A_594 = arith.constant 9 : i32
    %add3A_595 = vector.broadcast %add3A_594 : i32 to vector<16xi32>
    %add3A_596 = arith.addi %add3A_552, %add3A_595 : vector<16xi32>
    %gather3A_597 = tpu.vector_load_idx %arg9[%add3A_596] : memref<2048xf32, #tpu.memory_space<vmem>>[vector<16xi32>], vector<16xf32>,
    %add3A_598 = arith.addf %add3A_593, %gather3A_597 : vector<16xf32>
    %add3A_599 = arith.constant 10 : i32
    %add3A_600 = vector.broadcast %add3A_599 : i32 to vector<16xi32>
    %add3A_601 = arith.addi %add3A_552, %add3A_600 : vector<16xi32>
    %gather3A_602 = tpu.vector_load_idx %arg9[%add3A_601] : memref<2048xf32, #tpu.memory_space<vmem>>[vector<16xi32>], vector<16xf32>,
    %add3A_603 = arith.addf %add3A_598, %gather3A_602 : vector<16xf32>
    %add3A_604 = arith.constant 11 : i32
    %add3A_605 = vector.broadcast %add3A_604 : i32 to vector<16xi32>
    %add3A_606 = arith.addi %add3A_552, %add3A_605 : vector<16xi32>
    %gather3A_607 = tpu.vector_load_idx %arg9[%add3A_606] : memref<2048xf32, #tpu.memory_space<vmem>>[vector<16xi32>], vector<16xf32>,
    %add3A_608 = arith.addf %add3A_603, %gather3A_607 : vector<16xf32>
    %add3A_609 = arith.constant 12 : i32
    %add3A_610 = vector.broadcast %add3A_609 : i32 to vector<16xi32>
    %add3A_611 = arith.addi %add3A_552, %add3A_610 : vector<16xi32>
    %gather3A_612 = tpu.vector_load_idx %arg9[%add3A_611] : memref<2048xf32, #tpu.memory_space<vmem>>[vector<16xi32>], vector<16xf32>,
    %add3A_613 = arith.addf %add3A_608, %gather3A_612 : vector<16xf32>
    %add3A_614 = arith.constant 13 : i32
    %add3A_615 = vector.broadcast %add3A_614 : i32 to vector<16xi32>
    %add3A_616 = arith.addi %add3A_552, %add3A_615 : vector<16xi32>
    %gather3A_617 = tpu.vector_load_idx %arg9[%add3A_616] : memref<2048xf32, #tpu.memory_space<vmem>>[vector<16xi32>], vector<16xf32>,
    %add3A_618 = arith.addf %add3A_613, %gather3A_617 : vector<16xf32>
    %add3A_619 = arith.constant 14 : i32
    %add3A_620 = vector.broadcast %add3A_619 : i32 to vector<16xi32>
    %add3A_621 = arith.addi %add3A_552, %add3A_620 : vector<16xi32>
    %gather3A_622 = tpu.vector_load_idx %arg9[%add3A_621] : memref<2048xf32, #tpu.memory_space<vmem>>[vector<16xi32>], vector<16xf32>,
    %add3A_623 = arith.addf %add3A_618, %gather3A_622 : vector<16xf32>
    %add3A_624 = arith.constant 15 : i32
    %add3A_625 = vector.broadcast %add3A_624 : i32 to vector<16xi32>
    %add3A_626 = arith.addi %add3A_552, %add3A_625 : vector<16xi32>
    %gather3A_627 = tpu.vector_load_idx %arg9[%add3A_626] : memref<2048xf32, #tpu.memory_space<vmem>>[vector<16xi32>], vector<16xf32>,
    %add3A_628 = arith.addf %add3A_623, %gather3A_627 : vector<16xf32>
    %swap3A_629 = arith.constant 48 : index
    %swap3A_630 = tpu.vector_load %arg10[%swap3A_629] {strides = array<i32>} : memref<128xf32, #tpu.memory_space<vmem>>, vector<16xf32>,
    tpu.vector_store %arg10[%swap3A_629], %add3A_628 {strides = array<i32>} : memref<128xf32, #tpu.memory_space<vmem>>, vector<16xf32>,
    %add3A_631 = arith.constant 1024 : i32
    %add3A_632 = vector.broadcast %add3A_631 : i32 to vector<16xi32>
    %add3A_633 = arith.addi %mul3A_12, %add3A_632 : vector<16xi32>
    %gather3A_634 = tpu.vector_load_idx %arg9[%add3A_633] : memref<2048xf32, #tpu.memory_space<vmem>>[vector<16xi32>], vector<16xf32>,
    %add3A_635 = arith.constant 1 : i32
    %add3A_636 = vector.broadcast %add3A_635 : i32 to vector<16xi32>
    %add3A_637 = arith.addi %add3A_633, %add3A_636 : vector<16xi32>
    %gather3A_638 = tpu.vector_load_idx %arg9[%add3A_637] : memref<2048xf32, #tpu.memory_space<vmem>>[vector<16xi32>], vector<16xf32>,
    %add3A_639 = arith.addf %gather3A_634, %gather3A_638 : vector<16xf32>
    %add3A_640 = arith.constant 2 : i32
    %add3A_641 = vector.broadcast %add3A_640 : i32 to vector<16xi32>
    %add3A_642 = arith.addi %add3A_633, %add3A_641 : vector<16xi32>
    %gather3A_643 = tpu.vector_load_idx %arg9[%add3A_642] : memref<2048xf32, #tpu.memory_space<vmem>>[vector<16xi32>], vector<16xf32>,
    %add3A_644 = arith.addf %add3A_639, %gather3A_643 : vector<16xf32>
    %add3A_645 = arith.constant 3 : i32
    %add3A_646 = vector.broadcast %add3A_645 : i32 to vector<16xi32>
    %add3A_647 = arith.addi %add3A_633, %add3A_646 : vector<16xi32>
    %gather3A_648 = tpu.vector_load_idx %arg9[%add3A_647] : memref<2048xf32, #tpu.memory_space<vmem>>[vector<16xi32>], vector<16xf32>,
    %add3A_649 = arith.addf %add3A_644, %gather3A_648 : vector<16xf32>
    %add3A_650 = arith.constant 4 : i32
    %add3A_651 = vector.broadcast %add3A_650 : i32 to vector<16xi32>
    %add3A_652 = arith.addi %add3A_633, %add3A_651 : vector<16xi32>
    %gather3A_653 = tpu.vector_load_idx %arg9[%add3A_652] : memref<2048xf32, #tpu.memory_space<vmem>>[vector<16xi32>], vector<16xf32>,
    %add3A_654 = arith.addf %add3A_649, %gather3A_653 : vector<16xf32>
    %add3A_655 = arith.constant 5 : i32
    %add3A_656 = vector.broadcast %add3A_655 : i32 to vector<16xi32>
    %add3A_657 = arith.addi %add3A_633, %add3A_656 : vector<16xi32>
    %gather3A_658 = tpu.vector_load_idx %arg9[%add3A_657] : memref<2048xf32, #tpu.memory_space<vmem>>[vector<16xi32>], vector<16xf32>,
    %add3A_659 = arith.addf %add3A_654, %gather3A_658 : vector<16xf32>
    %add3A_660 = arith.constant 6 : i32
    %add3A_661 = vector.broadcast %add3A_660 : i32 to vector<16xi32>
    %add3A_662 = arith.addi %add3A_633, %add3A_661 : vector<16xi32>
    %gather3A_663 = tpu.vector_load_idx %arg9[%add3A_662] : memref<2048xf32, #tpu.memory_space<vmem>>[vector<16xi32>], vector<16xf32>,
    %add3A_664 = arith.addf %add3A_659, %gather3A_663 : vector<16xf32>
    %add3A_665 = arith.constant 7 : i32
    %add3A_666 = vector.broadcast %add3A_665 : i32 to vector<16xi32>
    %add3A_667 = arith.addi %add3A_633, %add3A_666 : vector<16xi32>
    %gather3A_668 = tpu.vector_load_idx %arg9[%add3A_667] : memref<2048xf32, #tpu.memory_space<vmem>>[vector<16xi32>], vector<16xf32>,
    %add3A_669 = arith.addf %add3A_664, %gather3A_668 : vector<16xf32>
    %add3A_670 = arith.constant 8 : i32
    %add3A_671 = vector.broadcast %add3A_670 : i32 to vector<16xi32>
    %add3A_672 = arith.addi %add3A_633, %add3A_671 : vector<16xi32>
    %gather3A_673 = tpu.vector_load_idx %arg9[%add3A_672] : memref<2048xf32, #tpu.memory_space<vmem>>[vector<16xi32>], vector<16xf32>,
    %add3A_674 = arith.addf %add3A_669, %gather3A_673 : vector<16xf32>
    %add3A_675 = arith.constant 9 : i32
    %add3A_676 = vector.broadcast %add3A_675 : i32 to vector<16xi32>
    %add3A_677 = arith.addi %add3A_633, %add3A_676 : vector<16xi32>
    %gather3A_678 = tpu.vector_load_idx %arg9[%add3A_677] : memref<2048xf32, #tpu.memory_space<vmem>>[vector<16xi32>], vector<16xf32>,
    %add3A_679 = arith.addf %add3A_674, %gather3A_678 : vector<16xf32>
    %add3A_680 = arith.constant 10 : i32
    %add3A_681 = vector.broadcast %add3A_680 : i32 to vector<16xi32>
    %add3A_682 = arith.addi %add3A_633, %add3A_681 : vector<16xi32>
    %gather3A_683 = tpu.vector_load_idx %arg9[%add3A_682] : memref<2048xf32, #tpu.memory_space<vmem>>[vector<16xi32>], vector<16xf32>,
    %add3A_684 = arith.addf %add3A_679, %gather3A_683 : vector<16xf32>
    %add3A_685 = arith.constant 11 : i32
    %add3A_686 = vector.broadcast %add3A_685 : i32 to vector<16xi32>
    %add3A_687 = arith.addi %add3A_633, %add3A_686 : vector<16xi32>
    %gather3A_688 = tpu.vector_load_idx %arg9[%add3A_687] : memref<2048xf32, #tpu.memory_space<vmem>>[vector<16xi32>], vector<16xf32>,
    %add3A_689 = arith.addf %add3A_684, %gather3A_688 : vector<16xf32>
    %add3A_690 = arith.constant 12 : i32
    %add3A_691 = vector.broadcast %add3A_690 : i32 to vector<16xi32>
    %add3A_692 = arith.addi %add3A_633, %add3A_691 : vector<16xi32>
    %gather3A_693 = tpu.vector_load_idx %arg9[%add3A_692] : memref<2048xf32, #tpu.memory_space<vmem>>[vector<16xi32>], vector<16xf32>,
    %add3A_694 = arith.addf %add3A_689, %gather3A_693 : vector<16xf32>
    %add3A_695 = arith.constant 13 : i32
    %add3A_696 = vector.broadcast %add3A_695 : i32 to vector<16xi32>
    %add3A_697 = arith.addi %add3A_633, %add3A_696 : vector<16xi32>
    %gather3A_698 = tpu.vector_load_idx %arg9[%add3A_697] : memref<2048xf32, #tpu.memory_space<vmem>>[vector<16xi32>], vector<16xf32>,
    %add3A_699 = arith.addf %add3A_694, %gather3A_698 : vector<16xf32>
    %add3A_700 = arith.constant 14 : i32
    %add3A_701 = vector.broadcast %add3A_700 : i32 to vector<16xi32>
    %add3A_702 = arith.addi %add3A_633, %add3A_701 : vector<16xi32>
    %gather3A_703 = tpu.vector_load_idx %arg9[%add3A_702] : memref<2048xf32, #tpu.memory_space<vmem>>[vector<16xi32>], vector<16xf32>,
    %add3A_704 = arith.addf %add3A_699, %gather3A_703 : vector<16xf32>
    %add3A_705 = arith.constant 15 : i32
    %add3A_706 = vector.broadcast %add3A_705 : i32 to vector<16xi32>
    %add3A_707 = arith.addi %add3A_633, %add3A_706 : vector<16xi32>
    %gather3A_708 = tpu.vector_load_idx %arg9[%add3A_707] : memref<2048xf32, #tpu.memory_space<vmem>>[vector<16xi32>], vector<16xf32>,
    %add3A_709 = arith.addf %add3A_704, %gather3A_708 : vector<16xf32>
    %swap3A_710 = arith.constant 64 : index
    %swap3A_711 = tpu.vector_load %arg10[%swap3A_710] {strides = array<i32>} : memref<128xf32, #tpu.memory_space<vmem>>, vector<16xf32>,
    tpu.vector_store %arg10[%swap3A_710], %add3A_709 {strides = array<i32>} : memref<128xf32, #tpu.memory_space<vmem>>, vector<16xf32>,
    %add3A_712 = arith.constant 1280 : i32
    %add3A_713 = vector.broadcast %add3A_712 : i32 to vector<16xi32>
    %add3A_714 = arith.addi %mul3A_12, %add3A_713 : vector<16xi32>
    %gather3A_715 = tpu.vector_load_idx %arg9[%add3A_714] : memref<2048xf32, #tpu.memory_space<vmem>>[vector<16xi32>], vector<16xf32>,
    %add3A_716 = arith.constant 1 : i32
    %add3A_717 = vector.broadcast %add3A_716 : i32 to vector<16xi32>
    %add3A_718 = arith.addi %add3A_714, %add3A_717 : vector<16xi32>
    %gather3A_719 = tpu.vector_load_idx %arg9[%add3A_718] : memref<2048xf32, #tpu.memory_space<vmem>>[vector<16xi32>], vector<16xf32>,
    %add3A_720 = arith.addf %gather3A_715, %gather3A_719 : vector<16xf32>
    %add3A_721 = arith.constant 2 : i32
    %add3A_722 = vector.broadcast %add3A_721 : i32 to vector<16xi32>
    %add3A_723 = arith.addi %add3A_714, %add3A_722 : vector<16xi32>
    %gather3A_724 = tpu.vector_load_idx %arg9[%add3A_723] : memref<2048xf32, #tpu.memory_space<vmem>>[vector<16xi32>], vector<16xf32>,
    %add3A_725 = arith.addf %add3A_720, %gather3A_724 : vector<16xf32>
    %add3A_726 = arith.constant 3 : i32
    %add3A_727 = vector.broadcast %add3A_726 : i32 to vector<16xi32>
    %add3A_728 = arith.addi %add3A_714, %add3A_727 : vector<16xi32>
    %gather3A_729 = tpu.vector_load_idx %arg9[%add3A_728] : memref<2048xf32, #tpu.memory_space<vmem>>[vector<16xi32>], vector<16xf32>,
    %add3A_730 = arith.addf %add3A_725, %gather3A_729 : vector<16xf32>
    %add3A_731 = arith.constant 4 : i32
    %add3A_732 = vector.broadcast %add3A_731 : i32 to vector<16xi32>
    %add3A_733 = arith.addi %add3A_714, %add3A_732 : vector<16xi32>
    %gather3A_734 = tpu.vector_load_idx %arg9[%add3A_733] : memref<2048xf32, #tpu.memory_space<vmem>>[vector<16xi32>], vector<16xf32>,
    %add3A_735 = arith.addf %add3A_730, %gather3A_734 : vector<16xf32>
    %add3A_736 = arith.constant 5 : i32
    %add3A_737 = vector.broadcast %add3A_736 : i32 to vector<16xi32>
    %add3A_738 = arith.addi %add3A_714, %add3A_737 : vector<16xi32>
    %gather3A_739 = tpu.vector_load_idx %arg9[%add3A_738] : memref<2048xf32, #tpu.memory_space<vmem>>[vector<16xi32>], vector<16xf32>,
    %add3A_740 = arith.addf %add3A_735, %gather3A_739 : vector<16xf32>
    %add3A_741 = arith.constant 6 : i32
    %add3A_742 = vector.broadcast %add3A_741 : i32 to vector<16xi32>
    %add3A_743 = arith.addi %add3A_714, %add3A_742 : vector<16xi32>
    %gather3A_744 = tpu.vector_load_idx %arg9[%add3A_743] : memref<2048xf32, #tpu.memory_space<vmem>>[vector<16xi32>], vector<16xf32>,
    %add3A_745 = arith.addf %add3A_740, %gather3A_744 : vector<16xf32>
    %add3A_746 = arith.constant 7 : i32
    %add3A_747 = vector.broadcast %add3A_746 : i32 to vector<16xi32>
    %add3A_748 = arith.addi %add3A_714, %add3A_747 : vector<16xi32>
    %gather3A_749 = tpu.vector_load_idx %arg9[%add3A_748] : memref<2048xf32, #tpu.memory_space<vmem>>[vector<16xi32>], vector<16xf32>,
    %add3A_750 = arith.addf %add3A_745, %gather3A_749 : vector<16xf32>
    %add3A_751 = arith.constant 8 : i32
    %add3A_752 = vector.broadcast %add3A_751 : i32 to vector<16xi32>
    %add3A_753 = arith.addi %add3A_714, %add3A_752 : vector<16xi32>
    %gather3A_754 = tpu.vector_load_idx %arg9[%add3A_753] : memref<2048xf32, #tpu.memory_space<vmem>>[vector<16xi32>], vector<16xf32>,
    %add3A_755 = arith.addf %add3A_750, %gather3A_754 : vector<16xf32>
    %add3A_756 = arith.constant 9 : i32
    %add3A_757 = vector.broadcast %add3A_756 : i32 to vector<16xi32>
    %add3A_758 = arith.addi %add3A_714, %add3A_757 : vector<16xi32>
    %gather3A_759 = tpu.vector_load_idx %arg9[%add3A_758] : memref<2048xf32, #tpu.memory_space<vmem>>[vector<16xi32>], vector<16xf32>,
    %add3A_760 = arith.addf %add3A_755, %gather3A_759 : vector<16xf32>
    %add3A_761 = arith.constant 10 : i32
    %add3A_762 = vector.broadcast %add3A_761 : i32 to vector<16xi32>
    %add3A_763 = arith.addi %add3A_714, %add3A_762 : vector<16xi32>
    %gather3A_764 = tpu.vector_load_idx %arg9[%add3A_763] : memref<2048xf32, #tpu.memory_space<vmem>>[vector<16xi32>], vector<16xf32>,
    %add3A_765 = arith.addf %add3A_760, %gather3A_764 : vector<16xf32>
    %add3A_766 = arith.constant 11 : i32
    %add3A_767 = vector.broadcast %add3A_766 : i32 to vector<16xi32>
    %add3A_768 = arith.addi %add3A_714, %add3A_767 : vector<16xi32>
    %gather3A_769 = tpu.vector_load_idx %arg9[%add3A_768] : memref<2048xf32, #tpu.memory_space<vmem>>[vector<16xi32>], vector<16xf32>,
    %add3A_770 = arith.addf %add3A_765, %gather3A_769 : vector<16xf32>
    %add3A_771 = arith.constant 12 : i32
    %add3A_772 = vector.broadcast %add3A_771 : i32 to vector<16xi32>
    %add3A_773 = arith.addi %add3A_714, %add3A_772 : vector<16xi32>
    %gather3A_774 = tpu.vector_load_idx %arg9[%add3A_773] : memref<2048xf32, #tpu.memory_space<vmem>>[vector<16xi32>], vector<16xf32>,
    %add3A_775 = arith.addf %add3A_770, %gather3A_774 : vector<16xf32>
    %add3A_776 = arith.constant 13 : i32
    %add3A_777 = vector.broadcast %add3A_776 : i32 to vector<16xi32>
    %add3A_778 = arith.addi %add3A_714, %add3A_777 : vector<16xi32>
    %gather3A_779 = tpu.vector_load_idx %arg9[%add3A_778] : memref<2048xf32, #tpu.memory_space<vmem>>[vector<16xi32>], vector<16xf32>,
    %add3A_780 = arith.addf %add3A_775, %gather3A_779 : vector<16xf32>
    %add3A_781 = arith.constant 14 : i32
    %add3A_782 = vector.broadcast %add3A_781 : i32 to vector<16xi32>
    %add3A_783 = arith.addi %add3A_714, %add3A_782 : vector<16xi32>
    %gather3A_784 = tpu.vector_load_idx %arg9[%add3A_783] : memref<2048xf32, #tpu.memory_space<vmem>>[vector<16xi32>], vector<16xf32>,
    %add3A_785 = arith.addf %add3A_780, %gather3A_784 : vector<16xf32>
    %add3A_786 = arith.constant 15 : i32
    %add3A_787 = vector.broadcast %add3A_786 : i32 to vector<16xi32>
    %add3A_788 = arith.addi %add3A_714, %add3A_787 : vector<16xi32>
    %gather3A_789 = tpu.vector_load_idx %arg9[%add3A_788] : memref<2048xf32, #tpu.memory_space<vmem>>[vector<16xi32>], vector<16xf32>,
    %add3A_790 = arith.addf %add3A_785, %gather3A_789 : vector<16xf32>
    %swap3A_791 = arith.constant 80 : index
    %swap3A_792 = tpu.vector_load %arg10[%swap3A_791] {strides = array<i32>} : memref<128xf32, #tpu.memory_space<vmem>>, vector<16xf32>,
    tpu.vector_store %arg10[%swap3A_791], %add3A_790 {strides = array<i32>} : memref<128xf32, #tpu.memory_space<vmem>>, vector<16xf32>,
    %add3A_793 = arith.constant 1536 : i32
    %add3A_794 = vector.broadcast %add3A_793 : i32 to vector<16xi32>
    %add3A_795 = arith.addi %mul3A_12, %add3A_794 : vector<16xi32>
    %gather3A_796 = tpu.vector_load_idx %arg9[%add3A_795] : memref<2048xf32, #tpu.memory_space<vmem>>[vector<16xi32>], vector<16xf32>,
    %add3A_797 = arith.constant 1 : i32
    %add3A_798 = vector.broadcast %add3A_797 : i32 to vector<16xi32>
    %add3A_799 = arith.addi %add3A_795, %add3A_798 : vector<16xi32>
    %gather3A_800 = tpu.vector_load_idx %arg9[%add3A_799] : memref<2048xf32, #tpu.memory_space<vmem>>[vector<16xi32>], vector<16xf32>,
    %add3A_801 = arith.addf %gather3A_796, %gather3A_800 : vector<16xf32>
    %add3A_802 = arith.constant 2 : i32
    %add3A_803 = vector.broadcast %add3A_802 : i32 to vector<16xi32>
    %add3A_804 = arith.addi %add3A_795, %add3A_803 : vector<16xi32>
    %gather3A_805 = tpu.vector_load_idx %arg9[%add3A_804] : memref<2048xf32, #tpu.memory_space<vmem>>[vector<16xi32>], vector<16xf32>,
    %add3A_806 = arith.addf %add3A_801, %gather3A_805 : vector<16xf32>
    %add3A_807 = arith.constant 3 : i32
    %add3A_808 = vector.broadcast %add3A_807 : i32 to vector<16xi32>
    %add3A_809 = arith.addi %add3A_795, %add3A_808 : vector<16xi32>
    %gather3A_810 = tpu.vector_load_idx %arg9[%add3A_809] : memref<2048xf32, #tpu.memory_space<vmem>>[vector<16xi32>], vector<16xf32>,
    %add3A_811 = arith.addf %add3A_806, %gather3A_810 : vector<16xf32>
    %add3A_812 = arith.constant 4 : i32
    %add3A_813 = vector.broadcast %add3A_812 : i32 to vector<16xi32>
    %add3A_814 = arith.addi %add3A_795, %add3A_813 : vector<16xi32>
    %gather3A_815 = tpu.vector_load_idx %arg9[%add3A_814] : memref<2048xf32, #tpu.memory_space<vmem>>[vector<16xi32>], vector<16xf32>,
    %add3A_816 = arith.addf %add3A_811, %gather3A_815 : vector<16xf32>
    %add3A_817 = arith.constant 5 : i32
    %add3A_818 = vector.broadcast %add3A_817 : i32 to vector<16xi32>
    %add3A_819 = arith.addi %add3A_795, %add3A_818 : vector<16xi32>
    %gather3A_820 = tpu.vector_load_idx %arg9[%add3A_819] : memref<2048xf32, #tpu.memory_space<vmem>>[vector<16xi32>], vector<16xf32>,
    %add3A_821 = arith.addf %add3A_816, %gather3A_820 : vector<16xf32>
    %add3A_822 = arith.constant 6 : i32
    %add3A_823 = vector.broadcast %add3A_822 : i32 to vector<16xi32>
    %add3A_824 = arith.addi %add3A_795, %add3A_823 : vector<16xi32>
    %gather3A_825 = tpu.vector_load_idx %arg9[%add3A_824] : memref<2048xf32, #tpu.memory_space<vmem>>[vector<16xi32>], vector<16xf32>,
    %add3A_826 = arith.addf %add3A_821, %gather3A_825 : vector<16xf32>
    %add3A_827 = arith.constant 7 : i32
    %add3A_828 = vector.broadcast %add3A_827 : i32 to vector<16xi32>
    %add3A_829 = arith.addi %add3A_795, %add3A_828 : vector<16xi32>
    %gather3A_830 = tpu.vector_load_idx %arg9[%add3A_829] : memref<2048xf32, #tpu.memory_space<vmem>>[vector<16xi32>], vector<16xf32>,
    %add3A_831 = arith.addf %add3A_826, %gather3A_830 : vector<16xf32>
    %add3A_832 = arith.constant 8 : i32
    %add3A_833 = vector.broadcast %add3A_832 : i32 to vector<16xi32>
    %add3A_834 = arith.addi %add3A_795, %add3A_833 : vector<16xi32>
    %gather3A_835 = tpu.vector_load_idx %arg9[%add3A_834] : memref<2048xf32, #tpu.memory_space<vmem>>[vector<16xi32>], vector<16xf32>,
    %add3A_836 = arith.addf %add3A_831, %gather3A_835 : vector<16xf32>
    %add3A_837 = arith.constant 9 : i32
    %add3A_838 = vector.broadcast %add3A_837 : i32 to vector<16xi32>
    %add3A_839 = arith.addi %add3A_795, %add3A_838 : vector<16xi32>
    %gather3A_840 = tpu.vector_load_idx %arg9[%add3A_839] : memref<2048xf32, #tpu.memory_space<vmem>>[vector<16xi32>], vector<16xf32>,
    %add3A_841 = arith.addf %add3A_836, %gather3A_840 : vector<16xf32>
    %add3A_842 = arith.constant 10 : i32
    %add3A_843 = vector.broadcast %add3A_842 : i32 to vector<16xi32>
    %add3A_844 = arith.addi %add3A_795, %add3A_843 : vector<16xi32>
    %gather3A_845 = tpu.vector_load_idx %arg9[%add3A_844] : memref<2048xf32, #tpu.memory_space<vmem>>[vector<16xi32>], vector<16xf32>,
    %add3A_846 = arith.addf %add3A_841, %gather3A_845 : vector<16xf32>
    %add3A_847 = arith.constant 11 : i32
    %add3A_848 = vector.broadcast %add3A_847 : i32 to vector<16xi32>
    %add3A_849 = arith.addi %add3A_795, %add3A_848 : vector<16xi32>
    %gather3A_850 = tpu.vector_load_idx %arg9[%add3A_849] : memref<2048xf32, #tpu.memory_space<vmem>>[vector<16xi32>], vector<16xf32>,
    %add3A_851 = arith.addf %add3A_846, %gather3A_850 : vector<16xf32>
    %add3A_852 = arith.constant 12 : i32
    %add3A_853 = vector.broadcast %add3A_852 : i32 to vector<16xi32>
    %add3A_854 = arith.addi %add3A_795, %add3A_853 : vector<16xi32>
    %gather3A_855 = tpu.vector_load_idx %arg9[%add3A_854] : memref<2048xf32, #tpu.memory_space<vmem>>[vector<16xi32>], vector<16xf32>,
    %add3A_856 = arith.addf %add3A_851, %gather3A_855 : vector<16xf32>
    %add3A_857 = arith.constant 13 : i32
    %add3A_858 = vector.broadcast %add3A_857 : i32 to vector<16xi32>
    %add3A_859 = arith.addi %add3A_795, %add3A_858 : vector<16xi32>
    %gather3A_860 = tpu.vector_load_idx %arg9[%add3A_859] : memref<2048xf32, #tpu.memory_space<vmem>>[vector<16xi32>], vector<16xf32>,
    %add3A_861 = arith.addf %add3A_856, %gather3A_860 : vector<16xf32>
    %add3A_862 = arith.constant 14 : i32
    %add3A_863 = vector.broadcast %add3A_862 : i32 to vector<16xi32>
    %add3A_864 = arith.addi %add3A_795, %add3A_863 : vector<16xi32>
    %gather3A_865 = tpu.vector_load_idx %arg9[%add3A_864] : memref<2048xf32, #tpu.memory_space<vmem>>[vector<16xi32>], vector<16xf32>,
    %add3A_866 = arith.addf %add3A_861, %gather3A_865 : vector<16xf32>
    %add3A_867 = arith.constant 15 : i32
    %add3A_868 = vector.broadcast %add3A_867 : i32 to vector<16xi32>
    %add3A_869 = arith.addi %add3A_795, %add3A_868 : vector<16xi32>
    %gather3A_870 = tpu.vector_load_idx %arg9[%add3A_869] : memref<2048xf32, #tpu.memory_space<vmem>>[vector<16xi32>], vector<16xf32>,
    %add3A_871 = arith.addf %add3A_866, %gather3A_870 : vector<16xf32>
    %swap3A_872 = arith.constant 96 : index
    %swap3A_873 = tpu.vector_load %arg10[%swap3A_872] {strides = array<i32>} : memref<128xf32, #tpu.memory_space<vmem>>, vector<16xf32>,
    tpu.vector_store %arg10[%swap3A_872], %add3A_871 {strides = array<i32>} : memref<128xf32, #tpu.memory_space<vmem>>, vector<16xf32>,
    %add3A_874 = arith.constant 1792 : i32
    %add3A_875 = vector.broadcast %add3A_874 : i32 to vector<16xi32>
    %add3A_876 = arith.addi %mul3A_12, %add3A_875 : vector<16xi32>
    %gather3A_877 = tpu.vector_load_idx %arg9[%add3A_876] : memref<2048xf32, #tpu.memory_space<vmem>>[vector<16xi32>], vector<16xf32>,
    %add3A_878 = arith.constant 1 : i32
    %add3A_879 = vector.broadcast %add3A_878 : i32 to vector<16xi32>
    %add3A_880 = arith.addi %add3A_876, %add3A_879 : vector<16xi32>
    %gather3A_881 = tpu.vector_load_idx %arg9[%add3A_880] : memref<2048xf32, #tpu.memory_space<vmem>>[vector<16xi32>], vector<16xf32>,
    %add3A_882 = arith.addf %gather3A_877, %gather3A_881 : vector<16xf32>
    %add3A_883 = arith.constant 2 : i32
    %add3A_884 = vector.broadcast %add3A_883 : i32 to vector<16xi32>
    %add3A_885 = arith.addi %add3A_876, %add3A_884 : vector<16xi32>
    %gather3A_886 = tpu.vector_load_idx %arg9[%add3A_885] : memref<2048xf32, #tpu.memory_space<vmem>>[vector<16xi32>], vector<16xf32>,
    %add3A_887 = arith.addf %add3A_882, %gather3A_886 : vector<16xf32>
    %add3A_888 = arith.constant 3 : i32
    %add3A_889 = vector.broadcast %add3A_888 : i32 to vector<16xi32>
    %add3A_890 = arith.addi %add3A_876, %add3A_889 : vector<16xi32>
    %gather3A_891 = tpu.vector_load_idx %arg9[%add3A_890] : memref<2048xf32, #tpu.memory_space<vmem>>[vector<16xi32>], vector<16xf32>,
    %add3A_892 = arith.addf %add3A_887, %gather3A_891 : vector<16xf32>
    %add3A_893 = arith.constant 4 : i32
    %add3A_894 = vector.broadcast %add3A_893 : i32 to vector<16xi32>
    %add3A_895 = arith.addi %add3A_876, %add3A_894 : vector<16xi32>
    %gather3A_896 = tpu.vector_load_idx %arg9[%add3A_895] : memref<2048xf32, #tpu.memory_space<vmem>>[vector<16xi32>], vector<16xf32>,
    %add3A_897 = arith.addf %add3A_892, %gather3A_896 : vector<16xf32>
    %add3A_898 = arith.constant 5 : i32
    %add3A_899 = vector.broadcast %add3A_898 : i32 to vector<16xi32>
    %add3A_900 = arith.addi %add3A_876, %add3A_899 : vector<16xi32>
    %gather3A_901 = tpu.vector_load_idx %arg9[%add3A_900] : memref<2048xf32, #tpu.memory_space<vmem>>[vector<16xi32>], vector<16xf32>,
    %add3A_902 = arith.addf %add3A_897, %gather3A_901 : vector<16xf32>
    %add3A_903 = arith.constant 6 : i32
    %add3A_904 = vector.broadcast %add3A_903 : i32 to vector<16xi32>
    %add3A_905 = arith.addi %add3A_876, %add3A_904 : vector<16xi32>
    %gather3A_906 = tpu.vector_load_idx %arg9[%add3A_905] : memref<2048xf32, #tpu.memory_space<vmem>>[vector<16xi32>], vector<16xf32>,
    %add3A_907 = arith.addf %add3A_902, %gather3A_906 : vector<16xf32>
    %add3A_908 = arith.constant 7 : i32
    %add3A_909 = vector.broadcast %add3A_908 : i32 to vector<16xi32>
    %add3A_910 = arith.addi %add3A_876, %add3A_909 : vector<16xi32>
    %gather3A_911 = tpu.vector_load_idx %arg9[%add3A_910] : memref<2048xf32, #tpu.memory_space<vmem>>[vector<16xi32>], vector<16xf32>,
    %add3A_912 = arith.addf %add3A_907, %gather3A_911 : vector<16xf32>
    %add3A_913 = arith.constant 8 : i32
    %add3A_914 = vector.broadcast %add3A_913 : i32 to vector<16xi32>
    %add3A_915 = arith.addi %add3A_876, %add3A_914 : vector<16xi32>
    %gather3A_916 = tpu.vector_load_idx %arg9[%add3A_915] : memref<2048xf32, #tpu.memory_space<vmem>>[vector<16xi32>], vector<16xf32>,
    %add3A_917 = arith.addf %add3A_912, %gather3A_916 : vector<16xf32>
    %add3A_918 = arith.constant 9 : i32
    %add3A_919 = vector.broadcast %add3A_918 : i32 to vector<16xi32>
    %add3A_920 = arith.addi %add3A_876, %add3A_919 : vector<16xi32>
    %gather3A_921 = tpu.vector_load_idx %arg9[%add3A_920] : memref<2048xf32, #tpu.memory_space<vmem>>[vector<16xi32>], vector<16xf32>,
    %add3A_922 = arith.addf %add3A_917, %gather3A_921 : vector<16xf32>
    %add3A_923 = arith.constant 10 : i32
    %add3A_924 = vector.broadcast %add3A_923 : i32 to vector<16xi32>
    %add3A_925 = arith.addi %add3A_876, %add3A_924 : vector<16xi32>
    %gather3A_926 = tpu.vector_load_idx %arg9[%add3A_925] : memref<2048xf32, #tpu.memory_space<vmem>>[vector<16xi32>], vector<16xf32>,
    %add3A_927 = arith.addf %add3A_922, %gather3A_926 : vector<16xf32>
    %add3A_928 = arith.constant 11 : i32
    %add3A_929 = vector.broadcast %add3A_928 : i32 to vector<16xi32>
    %add3A_930 = arith.addi %add3A_876, %add3A_929 : vector<16xi32>
    %gather3A_931 = tpu.vector_load_idx %arg9[%add3A_930] : memref<2048xf32, #tpu.memory_space<vmem>>[vector<16xi32>], vector<16xf32>,
    %add3A_932 = arith.addf %add3A_927, %gather3A_931 : vector<16xf32>
    %add3A_933 = arith.constant 12 : i32
    %add3A_934 = vector.broadcast %add3A_933 : i32 to vector<16xi32>
    %add3A_935 = arith.addi %add3A_876, %add3A_934 : vector<16xi32>
    %gather3A_936 = tpu.vector_load_idx %arg9[%add3A_935] : memref<2048xf32, #tpu.memory_space<vmem>>[vector<16xi32>], vector<16xf32>,
    %add3A_937 = arith.addf %add3A_932, %gather3A_936 : vector<16xf32>
    %add3A_938 = arith.constant 13 : i32
    %add3A_939 = vector.broadcast %add3A_938 : i32 to vector<16xi32>
    %add3A_940 = arith.addi %add3A_876, %add3A_939 : vector<16xi32>
    %gather3A_941 = tpu.vector_load_idx %arg9[%add3A_940] : memref<2048xf32, #tpu.memory_space<vmem>>[vector<16xi32>], vector<16xf32>,
    %add3A_942 = arith.addf %add3A_937, %gather3A_941 : vector<16xf32>
    %add3A_943 = arith.constant 14 : i32
    %add3A_944 = vector.broadcast %add3A_943 : i32 to vector<16xi32>
    %add3A_945 = arith.addi %add3A_876, %add3A_944 : vector<16xi32>
    %gather3A_946 = tpu.vector_load_idx %arg9[%add3A_945] : memref<2048xf32, #tpu.memory_space<vmem>>[vector<16xi32>], vector<16xf32>,
    %add3A_947 = arith.addf %add3A_942, %gather3A_946 : vector<16xf32>
    %add3A_948 = arith.constant 15 : i32
    %add3A_949 = vector.broadcast %add3A_948 : i32 to vector<16xi32>
    %add3A_950 = arith.addi %add3A_876, %add3A_949 : vector<16xi32>
    %gather3A_951 = tpu.vector_load_idx %arg9[%add3A_950] : memref<2048xf32, #tpu.memory_space<vmem>>[vector<16xi32>], vector<16xf32>,
    %add3A_952 = arith.addf %add3A_947, %gather3A_951 : vector<16xf32>
    %swap3A_953 = arith.constant 112 : index
    %swap3A_954 = tpu.vector_load %arg10[%swap3A_953] {strides = array<i32>} : memref<128xf32, #tpu.memory_space<vmem>>, vector<16xf32>,
    tpu.vector_store %arg10[%swap3A_953], %add3A_952 {strides = array<i32>} : memref<128xf32, #tpu.memory_space<vmem>>, vector<16xf32>,
    "tpu.region"() ({
      %run_scoped3A = tpu.sem_alloc : memref<!tpu.dma_semaphore, #tpu.memory_space<semaphore_mem>>
      %dma_start3A_955 = tpu.memref_slice %arg5[%mul3A_2] : memref<4096xf32, #tpu.memory_space<hbm>> -> memref<128xf32, #tpu.memory_space<hbm>>
      %dma_start3A_956 = tpu.memref_slice %arg5[%mul3A_2] : memref<4096xf32, #tpu.memory_space<hbm>> -> memref<128xf32, #tpu.memory_space<hbm>>
      tpu.enqueue_dma source(%arg10 : memref<128xf32, #tpu.memory_space<vmem>>) target(%dma_start3A_956 : memref<128xf32, #tpu.memory_space<hbm>>) target_semaphore(%run_scoped3A : memref<!tpu.dma_semaphore, #tpu.memory_space<semaphore_mem>>)
      %dma_wait3A_957 = tpu.memref_slice %arg5[%mul3A_2] : memref<4096xf32, #tpu.memory_space<hbm>> -> memref<128xf32, #tpu.memory_space<hbm>>
      %dma_wait3A_958 = tpu.memref_slice %arg5[%mul3A_2] : memref<4096xf32, #tpu.memory_space<hbm>> -> memref<128xf32, #tpu.memory_space<hbm>>
      tpu.wait_dma2 semaphore(%run_scoped3A : memref<!tpu.dma_semaphore, #tpu.memory_space<semaphore_mem>>) src(%arg10 : memref<128xf32, #tpu.memory_space<vmem>>) dst(%dma_wait3A_958 : memref<128xf32, #tpu.memory_space<hbm>>)
      tpu.yield
    }) : () -> ()
    return
  }
}

#map = affine_map<(d0, d1) -> (0)>
module attributes {stable_mosaic.version = 14 : i64} {
  func.func @sc_kernel(%arg0: i32, %arg1: i32, %arg2: memref<4096xi32, #tpu.memory_space<hbm>>, %arg3: memref<4096xi32, #tpu.memory_space<hbm>>, %arg4: memref<4096xi32, #tpu.memory_space<hbm>>, %arg5: memref<1000xf32, #tpu.memory_space<hbm>>, %arg6: memref<100000xf32, #tpu.memory_space<hbm>>, %arg7: memref<64xf32, #tpu.memory_space<hbm>>, %arg8: memref<4096xf32, #tpu.memory_space<hbm>>, %arg9: memref<4096xf32, #tpu.memory_space<hbm>>, %arg10: memref<16xf32, #tpu.memory_space<hbm>>, %arg11: memref<4096xf32, #tpu.memory_space<hbm>>, %arg12: memref<128xi32, #tpu.memory_space<vmem>>, %arg13: memref<128xi32, #tpu.memory_space<vmem>>, %arg14: memref<128xi32, #tpu.memory_space<vmem>>, %arg15: memref<128xi32, #tpu.memory_space<vmem>>, %arg16: memref<128xf32, #tpu.memory_space<vmem>>, %arg17: memref<128xf32, #tpu.memory_space<vmem>>, %arg18: memref<128xf32, #tpu.memory_space<vmem>>, %arg19: memref<128xf32, #tpu.memory_space<vmem>>, %arg20: memref<128xf32, #tpu.memory_space<vmem>>, %arg21: memref<16xf32, #tpu.memory_space<vmem>>, %arg22: memref<128xf32, #tpu.memory_space<vmem>>, %arg23: memref<!tpu.dma_semaphore, #tpu.memory_space<semaphore_mem>>) attributes {dimension_semantics = [#tpu.dimension_semantics<core_parallel>, #tpu.dimension_semantics<subcore_parallel>], iteration_bounds = array<i64: 2, 16>, scalar_prefetch = 0 : i64, scratch_operands = 12 : i64, tpu.core_type = #tpu.core_type<sc_vector_subcore>, window_params = [{transform_indices = #map}, {transform_indices = #map}, {transform_indices = #map}, {transform_indices = #map}, {transform_indices = #map}, {transform_indices = #map}, {transform_indices = #map}, {transform_indices = #map}, {transform_indices = #map}, {transform_indices = #map}]} {
    %mul3A = arith.constant 2 : i32
    %mul3A_0 = arith.muli %arg1, %mul3A : i32
    %add3A = arith.addi %mul3A_0, %arg0 : i32
    %mul3A_1 = arith.constant 128 : i32
    %mul3A_2 = arith.muli %add3A, %mul3A_1 : i32
    "tpu.region"() ({
      %run_scoped3A = tpu.sem_alloc : memref<!tpu.dma_semaphore, #tpu.memory_space<semaphore_mem>>
      %dma_start3A_297 = tpu.memref_slice %arg2[%mul3A_2] : memref<4096xi32, #tpu.memory_space<hbm>> -> memref<128xi32, #tpu.memory_space<hbm>>
      %dma_start3A_298 = tpu.memref_slice %arg2[%mul3A_2] : memref<4096xi32, #tpu.memory_space<hbm>> -> memref<128xi32, #tpu.memory_space<hbm>>
      tpu.enqueue_dma source(%dma_start3A_298 : memref<128xi32, #tpu.memory_space<hbm>>) target(%arg12 : memref<128xi32, #tpu.memory_space<vmem>>) target_semaphore(%run_scoped3A : memref<!tpu.dma_semaphore, #tpu.memory_space<semaphore_mem>>)
      %dma_wait3A_299 = tpu.memref_slice %arg2[%mul3A_2] : memref<4096xi32, #tpu.memory_space<hbm>> -> memref<128xi32, #tpu.memory_space<hbm>>
      %dma_wait3A_300 = tpu.memref_slice %arg2[%mul3A_2] : memref<4096xi32, #tpu.memory_space<hbm>> -> memref<128xi32, #tpu.memory_space<hbm>>
      tpu.wait_dma2 semaphore(%run_scoped3A : memref<!tpu.dma_semaphore, #tpu.memory_space<semaphore_mem>>) src(%dma_wait3A_300 : memref<128xi32, #tpu.memory_space<hbm>>) dst(%arg12 : memref<128xi32, #tpu.memory_space<vmem>>)
      tpu.yield
    }) : () -> ()
    "tpu.region"() ({
      %run_scoped3A = tpu.sem_alloc : memref<!tpu.dma_semaphore, #tpu.memory_space<semaphore_mem>>
      %dma_start3A_297 = tpu.memref_slice %arg3[%mul3A_2] : memref<4096xi32, #tpu.memory_space<hbm>> -> memref<128xi32, #tpu.memory_space<hbm>>
      %dma_start3A_298 = tpu.memref_slice %arg3[%mul3A_2] : memref<4096xi32, #tpu.memory_space<hbm>> -> memref<128xi32, #tpu.memory_space<hbm>>
      tpu.enqueue_dma source(%dma_start3A_298 : memref<128xi32, #tpu.memory_space<hbm>>) target(%arg13 : memref<128xi32, #tpu.memory_space<vmem>>) target_semaphore(%run_scoped3A : memref<!tpu.dma_semaphore, #tpu.memory_space<semaphore_mem>>)
      %dma_wait3A_299 = tpu.memref_slice %arg3[%mul3A_2] : memref<4096xi32, #tpu.memory_space<hbm>> -> memref<128xi32, #tpu.memory_space<hbm>>
      %dma_wait3A_300 = tpu.memref_slice %arg3[%mul3A_2] : memref<4096xi32, #tpu.memory_space<hbm>> -> memref<128xi32, #tpu.memory_space<hbm>>
      tpu.wait_dma2 semaphore(%run_scoped3A : memref<!tpu.dma_semaphore, #tpu.memory_space<semaphore_mem>>) src(%dma_wait3A_300 : memref<128xi32, #tpu.memory_space<hbm>>) dst(%arg13 : memref<128xi32, #tpu.memory_space<vmem>>)
      tpu.yield
    }) : () -> ()
    "tpu.region"() ({
      %run_scoped3A = tpu.sem_alloc : memref<!tpu.dma_semaphore, #tpu.memory_space<semaphore_mem>>
      %dma_start3A_297 = tpu.memref_slice %arg4[%mul3A_2] : memref<4096xi32, #tpu.memory_space<hbm>> -> memref<128xi32, #tpu.memory_space<hbm>>
      %dma_start3A_298 = tpu.memref_slice %arg4[%mul3A_2] : memref<4096xi32, #tpu.memory_space<hbm>> -> memref<128xi32, #tpu.memory_space<hbm>>
      tpu.enqueue_dma source(%dma_start3A_298 : memref<128xi32, #tpu.memory_space<hbm>>) target(%arg14 : memref<128xi32, #tpu.memory_space<vmem>>) target_semaphore(%run_scoped3A : memref<!tpu.dma_semaphore, #tpu.memory_space<semaphore_mem>>)
      %dma_wait3A_299 = tpu.memref_slice %arg4[%mul3A_2] : memref<4096xi32, #tpu.memory_space<hbm>> -> memref<128xi32, #tpu.memory_space<hbm>>
      %dma_wait3A_300 = tpu.memref_slice %arg4[%mul3A_2] : memref<4096xi32, #tpu.memory_space<hbm>> -> memref<128xi32, #tpu.memory_space<hbm>>
      tpu.wait_dma2 semaphore(%run_scoped3A : memref<!tpu.dma_semaphore, #tpu.memory_space<semaphore_mem>>) src(%dma_wait3A_300 : memref<128xi32, #tpu.memory_space<hbm>>) dst(%arg14 : memref<128xi32, #tpu.memory_space<vmem>>)
      tpu.yield
    }) : () -> ()
    %get3A = arith.constant 0 : index
    %get3A_3 = tpu.vector_load %arg14[%get3A] {strides = array<i32>} : memref<128xi32, #tpu.memory_space<vmem>>, vector<16xi32>,
    %ge3A = arith.constant 999936 : i32
    %ge3A_4 = vector.broadcast %ge3A : i32 to vector<16xi32>
    %ge3A_5 = arith.cmpi sge, %get3A_3, %ge3A_4 : vector<16xi32>
    %sub3A = arith.constant 999936 : i32
    %sub3A_6 = vector.broadcast %sub3A : i32 to vector<16xi32>
    %sub3A_7 = arith.subi %get3A_3, %sub3A_6 : vector<16xi32>
    %and3A = arith.constant 63 : i32
    %and3A_8 = vector.broadcast %and3A : i32 to vector<16xi32>
    %and3A_9 = arith.andi %get3A_3, %and3A_8 : vector<16xi32>
    %select_n3A = arith.select %ge3A_5, %sub3A_7, %and3A_9 : vector<16xi1>, vector<16xi32>
    %swap3A = arith.constant 0 : index
    %swap3A_10 = tpu.vector_load %arg15[%swap3A] {strides = array<i32>} : memref<128xi32, #tpu.memory_space<vmem>>, vector<16xi32>,
    tpu.vector_store %arg15[%swap3A], %select_n3A {strides = array<i32>} : memref<128xi32, #tpu.memory_space<vmem>>, vector<16xi32>,
    %get3A_11 = arith.constant 16 : index
    %get3A_12 = tpu.vector_load %arg14[%get3A_11] {strides = array<i32>} : memref<128xi32, #tpu.memory_space<vmem>>, vector<16xi32>,
    %ge3A_13 = arith.constant 999936 : i32
    %ge3A_14 = vector.broadcast %ge3A_13 : i32 to vector<16xi32>
    %ge3A_15 = arith.cmpi sge, %get3A_12, %ge3A_14 : vector<16xi32>
    %sub3A_16 = arith.constant 999936 : i32
    %sub3A_17 = vector.broadcast %sub3A_16 : i32 to vector<16xi32>
    %sub3A_18 = arith.subi %get3A_12, %sub3A_17 : vector<16xi32>
    %and3A_19 = arith.constant 63 : i32
    %and3A_20 = vector.broadcast %and3A_19 : i32 to vector<16xi32>
    %and3A_21 = arith.andi %get3A_12, %and3A_20 : vector<16xi32>
    %select_n3A_22 = arith.select %ge3A_15, %sub3A_18, %and3A_21 : vector<16xi1>, vector<16xi32>
    %swap3A_23 = arith.constant 16 : index
    %swap3A_24 = tpu.vector_load %arg15[%swap3A_23] {strides = array<i32>} : memref<128xi32, #tpu.memory_space<vmem>>, vector<16xi32>,
    tpu.vector_store %arg15[%swap3A_23], %select_n3A_22 {strides = array<i32>} : memref<128xi32, #tpu.memory_space<vmem>>, vector<16xi32>,
    %get3A_25 = arith.constant 32 : index
    %get3A_26 = tpu.vector_load %arg14[%get3A_25] {strides = array<i32>} : memref<128xi32, #tpu.memory_space<vmem>>, vector<16xi32>,
    %ge3A_27 = arith.constant 999936 : i32
    %ge3A_28 = vector.broadcast %ge3A_27 : i32 to vector<16xi32>
    %ge3A_29 = arith.cmpi sge, %get3A_26, %ge3A_28 : vector<16xi32>
    %sub3A_30 = arith.constant 999936 : i32
    %sub3A_31 = vector.broadcast %sub3A_30 : i32 to vector<16xi32>
    %sub3A_32 = arith.subi %get3A_26, %sub3A_31 : vector<16xi32>
    %and3A_33 = arith.constant 63 : i32
    %and3A_34 = vector.broadcast %and3A_33 : i32 to vector<16xi32>
    %and3A_35 = arith.andi %get3A_26, %and3A_34 : vector<16xi32>
    %select_n3A_36 = arith.select %ge3A_29, %sub3A_32, %and3A_35 : vector<16xi1>, vector<16xi32>
    %swap3A_37 = arith.constant 32 : index
    %swap3A_38 = tpu.vector_load %arg15[%swap3A_37] {strides = array<i32>} : memref<128xi32, #tpu.memory_space<vmem>>, vector<16xi32>,
    tpu.vector_store %arg15[%swap3A_37], %select_n3A_36 {strides = array<i32>} : memref<128xi32, #tpu.memory_space<vmem>>, vector<16xi32>,
    %get3A_39 = arith.constant 48 : index
    %get3A_40 = tpu.vector_load %arg14[%get3A_39] {strides = array<i32>} : memref<128xi32, #tpu.memory_space<vmem>>, vector<16xi32>,
    %ge3A_41 = arith.constant 999936 : i32
    %ge3A_42 = vector.broadcast %ge3A_41 : i32 to vector<16xi32>
    %ge3A_43 = arith.cmpi sge, %get3A_40, %ge3A_42 : vector<16xi32>
    %sub3A_44 = arith.constant 999936 : i32
    %sub3A_45 = vector.broadcast %sub3A_44 : i32 to vector<16xi32>
    %sub3A_46 = arith.subi %get3A_40, %sub3A_45 : vector<16xi32>
    %and3A_47 = arith.constant 63 : i32
    %and3A_48 = vector.broadcast %and3A_47 : i32 to vector<16xi32>
    %and3A_49 = arith.andi %get3A_40, %and3A_48 : vector<16xi32>
    %select_n3A_50 = arith.select %ge3A_43, %sub3A_46, %and3A_49 : vector<16xi1>, vector<16xi32>
    %swap3A_51 = arith.constant 48 : index
    %swap3A_52 = tpu.vector_load %arg15[%swap3A_51] {strides = array<i32>} : memref<128xi32, #tpu.memory_space<vmem>>, vector<16xi32>,
    tpu.vector_store %arg15[%swap3A_51], %select_n3A_50 {strides = array<i32>} : memref<128xi32, #tpu.memory_space<vmem>>, vector<16xi32>,
    %get3A_53 = arith.constant 64 : index
    %get3A_54 = tpu.vector_load %arg14[%get3A_53] {strides = array<i32>} : memref<128xi32, #tpu.memory_space<vmem>>, vector<16xi32>,
    %ge3A_55 = arith.constant 999936 : i32
    %ge3A_56 = vector.broadcast %ge3A_55 : i32 to vector<16xi32>
    %ge3A_57 = arith.cmpi sge, %get3A_54, %ge3A_56 : vector<16xi32>
    %sub3A_58 = arith.constant 999936 : i32
    %sub3A_59 = vector.broadcast %sub3A_58 : i32 to vector<16xi32>
    %sub3A_60 = arith.subi %get3A_54, %sub3A_59 : vector<16xi32>
    %and3A_61 = arith.constant 63 : i32
    %and3A_62 = vector.broadcast %and3A_61 : i32 to vector<16xi32>
    %and3A_63 = arith.andi %get3A_54, %and3A_62 : vector<16xi32>
    %select_n3A_64 = arith.select %ge3A_57, %sub3A_60, %and3A_63 : vector<16xi1>, vector<16xi32>
    %swap3A_65 = arith.constant 64 : index
    %swap3A_66 = tpu.vector_load %arg15[%swap3A_65] {strides = array<i32>} : memref<128xi32, #tpu.memory_space<vmem>>, vector<16xi32>,
    tpu.vector_store %arg15[%swap3A_65], %select_n3A_64 {strides = array<i32>} : memref<128xi32, #tpu.memory_space<vmem>>, vector<16xi32>,
    %get3A_67 = arith.constant 80 : index
    %get3A_68 = tpu.vector_load %arg14[%get3A_67] {strides = array<i32>} : memref<128xi32, #tpu.memory_space<vmem>>, vector<16xi32>,
    %ge3A_69 = arith.constant 999936 : i32
    %ge3A_70 = vector.broadcast %ge3A_69 : i32 to vector<16xi32>
    %ge3A_71 = arith.cmpi sge, %get3A_68, %ge3A_70 : vector<16xi32>
    %sub3A_72 = arith.constant 999936 : i32
    %sub3A_73 = vector.broadcast %sub3A_72 : i32 to vector<16xi32>
    %sub3A_74 = arith.subi %get3A_68, %sub3A_73 : vector<16xi32>
    %and3A_75 = arith.constant 63 : i32
    %and3A_76 = vector.broadcast %and3A_75 : i32 to vector<16xi32>
    %and3A_77 = arith.andi %get3A_68, %and3A_76 : vector<16xi32>
    %select_n3A_78 = arith.select %ge3A_71, %sub3A_74, %and3A_77 : vector<16xi1>, vector<16xi32>
    %swap3A_79 = arith.constant 80 : index
    %swap3A_80 = tpu.vector_load %arg15[%swap3A_79] {strides = array<i32>} : memref<128xi32, #tpu.memory_space<vmem>>, vector<16xi32>,
    tpu.vector_store %arg15[%swap3A_79], %select_n3A_78 {strides = array<i32>} : memref<128xi32, #tpu.memory_space<vmem>>, vector<16xi32>,
    %get3A_81 = arith.constant 96 : index
    %get3A_82 = tpu.vector_load %arg14[%get3A_81] {strides = array<i32>} : memref<128xi32, #tpu.memory_space<vmem>>, vector<16xi32>,
    %ge3A_83 = arith.constant 999936 : i32
    %ge3A_84 = vector.broadcast %ge3A_83 : i32 to vector<16xi32>
    %ge3A_85 = arith.cmpi sge, %get3A_82, %ge3A_84 : vector<16xi32>
    %sub3A_86 = arith.constant 999936 : i32
    %sub3A_87 = vector.broadcast %sub3A_86 : i32 to vector<16xi32>
    %sub3A_88 = arith.subi %get3A_82, %sub3A_87 : vector<16xi32>
    %and3A_89 = arith.constant 63 : i32
    %and3A_90 = vector.broadcast %and3A_89 : i32 to vector<16xi32>
    %and3A_91 = arith.andi %get3A_82, %and3A_90 : vector<16xi32>
    %select_n3A_92 = arith.select %ge3A_85, %sub3A_88, %and3A_91 : vector<16xi1>, vector<16xi32>
    %swap3A_93 = arith.constant 96 : index
    %swap3A_94 = tpu.vector_load %arg15[%swap3A_93] {strides = array<i32>} : memref<128xi32, #tpu.memory_space<vmem>>, vector<16xi32>,
    tpu.vector_store %arg15[%swap3A_93], %select_n3A_92 {strides = array<i32>} : memref<128xi32, #tpu.memory_space<vmem>>, vector<16xi32>,
    %get3A_95 = arith.constant 112 : index
    %get3A_96 = tpu.vector_load %arg14[%get3A_95] {strides = array<i32>} : memref<128xi32, #tpu.memory_space<vmem>>, vector<16xi32>,
    %ge3A_97 = arith.constant 999936 : i32
    %ge3A_98 = vector.broadcast %ge3A_97 : i32 to vector<16xi32>
    %ge3A_99 = arith.cmpi sge, %get3A_96, %ge3A_98 : vector<16xi32>
    %sub3A_100 = arith.constant 999936 : i32
    %sub3A_101 = vector.broadcast %sub3A_100 : i32 to vector<16xi32>
    %sub3A_102 = arith.subi %get3A_96, %sub3A_101 : vector<16xi32>
    %and3A_103 = arith.constant 63 : i32
    %and3A_104 = vector.broadcast %and3A_103 : i32 to vector<16xi32>
    %and3A_105 = arith.andi %get3A_96, %and3A_104 : vector<16xi32>
    %select_n3A_106 = arith.select %ge3A_99, %sub3A_102, %and3A_105 : vector<16xi1>, vector<16xi32>
    %swap3A_107 = arith.constant 112 : index
    %swap3A_108 = tpu.vector_load %arg15[%swap3A_107] {strides = array<i32>} : memref<128xi32, #tpu.memory_space<vmem>>, vector<16xi32>,
    tpu.vector_store %arg15[%swap3A_107], %select_n3A_106 {strides = array<i32>} : memref<128xi32, #tpu.memory_space<vmem>>, vector<16xi32>,
    %dma_start3A = arith.constant 0 : i32
    %dma_start3A_109 = tpu.memref_slice %arg5[%dma_start3A] : memref<1000xf32, #tpu.memory_space<hbm>> -> memref<1000xf32, #tpu.memory_space<hbm>>
    tpu.enqueue_indirect_dma source(%dma_start3A_109 : memref<1000xf32, #tpu.memory_space<hbm>>) target(%arg16 : memref<128xf32, #tpu.memory_space<vmem>>) offsets(%arg12 : memref<128xi32, #tpu.memory_space<vmem>>) semaphore(%arg23 : memref<!tpu.dma_semaphore, #tpu.memory_space<semaphore_mem>>)
    %dma_start3A_110 = arith.constant 0 : i32
    %dma_start3A_111 = tpu.memref_slice %arg6[%dma_start3A_110] : memref<100000xf32, #tpu.memory_space<hbm>> -> memref<100000xf32, #tpu.memory_space<hbm>>
    tpu.enqueue_indirect_dma source(%dma_start3A_111 : memref<100000xf32, #tpu.memory_space<hbm>>) target(%arg17 : memref<128xf32, #tpu.memory_space<vmem>>) offsets(%arg13 : memref<128xi32, #tpu.memory_space<vmem>>) semaphore(%arg23 : memref<!tpu.dma_semaphore, #tpu.memory_space<semaphore_mem>>)
    %dma_start3A_112 = arith.constant 0 : i32
    %dma_start3A_113 = tpu.memref_slice %arg7[%dma_start3A_112] : memref<64xf32, #tpu.memory_space<hbm>> -> memref<64xf32, #tpu.memory_space<hbm>>
    tpu.enqueue_indirect_dma source(%dma_start3A_113 : memref<64xf32, #tpu.memory_space<hbm>>) target(%arg18 : memref<128xf32, #tpu.memory_space<vmem>>) offsets(%arg15 : memref<128xi32, #tpu.memory_space<vmem>>) semaphore(%arg23 : memref<!tpu.dma_semaphore, #tpu.memory_space<semaphore_mem>>)
    "tpu.region"() ({
      %run_scoped3A = tpu.sem_alloc : memref<!tpu.dma_semaphore, #tpu.memory_space<semaphore_mem>>
      %dma_start3A_297 = tpu.memref_slice %arg8[%mul3A_2] : memref<4096xf32, #tpu.memory_space<hbm>> -> memref<128xf32, #tpu.memory_space<hbm>>
      %dma_start3A_298 = tpu.memref_slice %arg8[%mul3A_2] : memref<4096xf32, #tpu.memory_space<hbm>> -> memref<128xf32, #tpu.memory_space<hbm>>
      tpu.enqueue_dma source(%dma_start3A_298 : memref<128xf32, #tpu.memory_space<hbm>>) target(%arg19 : memref<128xf32, #tpu.memory_space<vmem>>) target_semaphore(%run_scoped3A : memref<!tpu.dma_semaphore, #tpu.memory_space<semaphore_mem>>)
      %dma_wait3A_299 = tpu.memref_slice %arg8[%mul3A_2] : memref<4096xf32, #tpu.memory_space<hbm>> -> memref<128xf32, #tpu.memory_space<hbm>>
      %dma_wait3A_300 = tpu.memref_slice %arg8[%mul3A_2] : memref<4096xf32, #tpu.memory_space<hbm>> -> memref<128xf32, #tpu.memory_space<hbm>>
      tpu.wait_dma2 semaphore(%run_scoped3A : memref<!tpu.dma_semaphore, #tpu.memory_space<semaphore_mem>>) src(%dma_wait3A_300 : memref<128xf32, #tpu.memory_space<hbm>>) dst(%arg19 : memref<128xf32, #tpu.memory_space<vmem>>)
      tpu.yield
    }) : () -> ()
    "tpu.region"() ({
      %run_scoped3A = tpu.sem_alloc : memref<!tpu.dma_semaphore, #tpu.memory_space<semaphore_mem>>
      %dma_start3A_297 = tpu.memref_slice %arg9[%mul3A_2] : memref<4096xf32, #tpu.memory_space<hbm>> -> memref<128xf32, #tpu.memory_space<hbm>>
      %dma_start3A_298 = tpu.memref_slice %arg9[%mul3A_2] : memref<4096xf32, #tpu.memory_space<hbm>> -> memref<128xf32, #tpu.memory_space<hbm>>
      tpu.enqueue_dma source(%dma_start3A_298 : memref<128xf32, #tpu.memory_space<hbm>>) target(%arg20 : memref<128xf32, #tpu.memory_space<vmem>>) target_semaphore(%run_scoped3A : memref<!tpu.dma_semaphore, #tpu.memory_space<semaphore_mem>>)
      %dma_wait3A_299 = tpu.memref_slice %arg9[%mul3A_2] : memref<4096xf32, #tpu.memory_space<hbm>> -> memref<128xf32, #tpu.memory_space<hbm>>
      %dma_wait3A_300 = tpu.memref_slice %arg9[%mul3A_2] : memref<4096xf32, #tpu.memory_space<hbm>> -> memref<128xf32, #tpu.memory_space<hbm>>
      tpu.wait_dma2 semaphore(%run_scoped3A : memref<!tpu.dma_semaphore, #tpu.memory_space<semaphore_mem>>) src(%dma_wait3A_300 : memref<128xf32, #tpu.memory_space<hbm>>) dst(%arg20 : memref<128xf32, #tpu.memory_space<vmem>>)
      tpu.yield
    }) : () -> ()
    "tpu.region"() ({
      %run_scoped3A = tpu.sem_alloc : memref<!tpu.dma_semaphore, #tpu.memory_space<semaphore_mem>>
      tpu.enqueue_dma source(%arg10 : memref<16xf32, #tpu.memory_space<hbm>>) target(%arg21 : memref<16xf32, #tpu.memory_space<vmem>>) target_semaphore(%run_scoped3A : memref<!tpu.dma_semaphore, #tpu.memory_space<semaphore_mem>>)
      tpu.wait_dma2 semaphore(%run_scoped3A : memref<!tpu.dma_semaphore, #tpu.memory_space<semaphore_mem>>) src(%arg10 : memref<16xf32, #tpu.memory_space<hbm>>) dst(%arg21 : memref<16xf32, #tpu.memory_space<vmem>>)
      tpu.yield
    }) : () -> ()
    %dma_wait3A = arith.constant 0 : i32
    %dma_wait3A_114 = tpu.memref_slice %arg5[%dma_wait3A] : memref<1000xf32, #tpu.memory_space<hbm>> -> memref<1000xf32, #tpu.memory_space<hbm>>
    tpu.wait_indirect_dma semaphore(%arg23 : memref<!tpu.dma_semaphore, #tpu.memory_space<semaphore_mem>>) src(%dma_wait3A_114 : memref<1000xf32, #tpu.memory_space<hbm>>) dst(%arg16 : memref<128xf32, #tpu.memory_space<vmem>>)
    %dma_wait3A_115 = arith.constant 0 : i32
    %dma_wait3A_116 = tpu.memref_slice %arg6[%dma_wait3A_115] : memref<100000xf32, #tpu.memory_space<hbm>> -> memref<100000xf32, #tpu.memory_space<hbm>>
    tpu.wait_indirect_dma semaphore(%arg23 : memref<!tpu.dma_semaphore, #tpu.memory_space<semaphore_mem>>) src(%dma_wait3A_116 : memref<100000xf32, #tpu.memory_space<hbm>>) dst(%arg17 : memref<128xf32, #tpu.memory_space<vmem>>)
    %dma_wait3A_117 = arith.constant 0 : i32
    %dma_wait3A_118 = tpu.memref_slice %arg7[%dma_wait3A_117] : memref<64xf32, #tpu.memory_space<hbm>> -> memref<64xf32, #tpu.memory_space<hbm>>
    tpu.wait_indirect_dma semaphore(%arg23 : memref<!tpu.dma_semaphore, #tpu.memory_space<semaphore_mem>>) src(%dma_wait3A_118 : memref<64xf32, #tpu.memory_space<hbm>>) dst(%arg18 : memref<128xf32, #tpu.memory_space<vmem>>)
    %get3A_119 = arith.constant 0 : index
    %get3A_120 = tpu.vector_load %arg21[%get3A_119] {strides = array<i32>} : memref<16xf32, #tpu.memory_space<vmem>>, vector<16xf32>,
    %get3A_121 = arith.constant 0 : index
    %get3A_122 = tpu.vector_load %arg14[%get3A_121] {strides = array<i32>} : memref<128xi32, #tpu.memory_space<vmem>>, vector<16xi32>,
    %ge3A_123 = arith.constant 999936 : i32
    %ge3A_124 = vector.broadcast %ge3A_123 : i32 to vector<16xi32>
    %ge3A_125 = arith.cmpi sge, %get3A_122, %ge3A_124 : vector<16xi32>
    %get3A_126 = arith.constant 0 : index
    %get3A_127 = tpu.vector_load %arg18[%get3A_126] {strides = array<i32>} : memref<128xf32, #tpu.memory_space<vmem>>, vector<16xf32>,
    %get3A_128 = arith.constant 0 : index
    %get3A_129 = tpu.vector_load %arg19[%get3A_128] {strides = array<i32>} : memref<128xf32, #tpu.memory_space<vmem>>, vector<16xf32>,
    %select_n3A_130 = arith.select %ge3A_125, %get3A_127, %get3A_129 : vector<16xi1>, vector<16xf32>
    %get3A_131 = arith.constant 0 : index
    %get3A_132 = tpu.vector_load %arg16[%get3A_131] {strides = array<i32>} : memref<128xf32, #tpu.memory_space<vmem>>, vector<16xf32>,
    %get3A_133 = arith.constant 0 : index
    %get3A_134 = tpu.vector_load %arg17[%get3A_133] {strides = array<i32>} : memref<128xf32, #tpu.memory_space<vmem>>, vector<16xf32>,
    %add3A_135 = arith.addf %get3A_132, %get3A_134 : vector<16xf32>
    %add3A_136 = arith.addf %add3A_135, %select_n3A_130 : vector<16xf32>
    %get3A_137 = arith.constant 0 : index
    %get3A_138 = tpu.vector_load %arg20[%get3A_137] {strides = array<i32>} : memref<128xf32, #tpu.memory_space<vmem>>, vector<16xf32>,
    %add3A_139 = arith.addf %add3A_136, %get3A_138 : vector<16xf32>
    %add3A_140 = arith.addf %add3A_139, %get3A_120 : vector<16xf32>
    %swap3A_141 = arith.constant 0 : index
    %swap3A_142 = tpu.vector_load %arg22[%swap3A_141] {strides = array<i32>} : memref<128xf32, #tpu.memory_space<vmem>>, vector<16xf32>,
    tpu.vector_store %arg22[%swap3A_141], %add3A_140 {strides = array<i32>} : memref<128xf32, #tpu.memory_space<vmem>>, vector<16xf32>,
    %get3A_143 = arith.constant 16 : index
    %get3A_144 = tpu.vector_load %arg14[%get3A_143] {strides = array<i32>} : memref<128xi32, #tpu.memory_space<vmem>>, vector<16xi32>,
    %ge3A_145 = arith.constant 999936 : i32
    %ge3A_146 = vector.broadcast %ge3A_145 : i32 to vector<16xi32>
    %ge3A_147 = arith.cmpi sge, %get3A_144, %ge3A_146 : vector<16xi32>
    %get3A_148 = arith.constant 16 : index
    %get3A_149 = tpu.vector_load %arg18[%get3A_148] {strides = array<i32>} : memref<128xf32, #tpu.memory_space<vmem>>, vector<16xf32>,
    %get3A_150 = arith.constant 16 : index
    %get3A_151 = tpu.vector_load %arg19[%get3A_150] {strides = array<i32>} : memref<128xf32, #tpu.memory_space<vmem>>, vector<16xf32>,
    %select_n3A_152 = arith.select %ge3A_147, %get3A_149, %get3A_151 : vector<16xi1>, vector<16xf32>
    %get3A_153 = arith.constant 16 : index
    %get3A_154 = tpu.vector_load %arg16[%get3A_153] {strides = array<i32>} : memref<128xf32, #tpu.memory_space<vmem>>, vector<16xf32>,
    %get3A_155 = arith.constant 16 : index
    %get3A_156 = tpu.vector_load %arg17[%get3A_155] {strides = array<i32>} : memref<128xf32, #tpu.memory_space<vmem>>, vector<16xf32>,
    %add3A_157 = arith.addf %get3A_154, %get3A_156 : vector<16xf32>
    %add3A_158 = arith.addf %add3A_157, %select_n3A_152 : vector<16xf32>
    %get3A_159 = arith.constant 16 : index
    %get3A_160 = tpu.vector_load %arg20[%get3A_159] {strides = array<i32>} : memref<128xf32, #tpu.memory_space<vmem>>, vector<16xf32>,
    %add3A_161 = arith.addf %add3A_158, %get3A_160 : vector<16xf32>
    %add3A_162 = arith.addf %add3A_161, %get3A_120 : vector<16xf32>
    %swap3A_163 = arith.constant 16 : index
    %swap3A_164 = tpu.vector_load %arg22[%swap3A_163] {strides = array<i32>} : memref<128xf32, #tpu.memory_space<vmem>>, vector<16xf32>,
    tpu.vector_store %arg22[%swap3A_163], %add3A_162 {strides = array<i32>} : memref<128xf32, #tpu.memory_space<vmem>>, vector<16xf32>,
    %get3A_165 = arith.constant 32 : index
    %get3A_166 = tpu.vector_load %arg14[%get3A_165] {strides = array<i32>} : memref<128xi32, #tpu.memory_space<vmem>>, vector<16xi32>,
    %ge3A_167 = arith.constant 999936 : i32
    %ge3A_168 = vector.broadcast %ge3A_167 : i32 to vector<16xi32>
    %ge3A_169 = arith.cmpi sge, %get3A_166, %ge3A_168 : vector<16xi32>
    %get3A_170 = arith.constant 32 : index
    %get3A_171 = tpu.vector_load %arg18[%get3A_170] {strides = array<i32>} : memref<128xf32, #tpu.memory_space<vmem>>, vector<16xf32>,
    %get3A_172 = arith.constant 32 : index
    %get3A_173 = tpu.vector_load %arg19[%get3A_172] {strides = array<i32>} : memref<128xf32, #tpu.memory_space<vmem>>, vector<16xf32>,
    %select_n3A_174 = arith.select %ge3A_169, %get3A_171, %get3A_173 : vector<16xi1>, vector<16xf32>
    %get3A_175 = arith.constant 32 : index
    %get3A_176 = tpu.vector_load %arg16[%get3A_175] {strides = array<i32>} : memref<128xf32, #tpu.memory_space<vmem>>, vector<16xf32>,
    %get3A_177 = arith.constant 32 : index
    %get3A_178 = tpu.vector_load %arg17[%get3A_177] {strides = array<i32>} : memref<128xf32, #tpu.memory_space<vmem>>, vector<16xf32>,
    %add3A_179 = arith.addf %get3A_176, %get3A_178 : vector<16xf32>
    %add3A_180 = arith.addf %add3A_179, %select_n3A_174 : vector<16xf32>
    %get3A_181 = arith.constant 32 : index
    %get3A_182 = tpu.vector_load %arg20[%get3A_181] {strides = array<i32>} : memref<128xf32, #tpu.memory_space<vmem>>, vector<16xf32>,
    %add3A_183 = arith.addf %add3A_180, %get3A_182 : vector<16xf32>
    %add3A_184 = arith.addf %add3A_183, %get3A_120 : vector<16xf32>
    %swap3A_185 = arith.constant 32 : index
    %swap3A_186 = tpu.vector_load %arg22[%swap3A_185] {strides = array<i32>} : memref<128xf32, #tpu.memory_space<vmem>>, vector<16xf32>,
    tpu.vector_store %arg22[%swap3A_185], %add3A_184 {strides = array<i32>} : memref<128xf32, #tpu.memory_space<vmem>>, vector<16xf32>,
    %get3A_187 = arith.constant 48 : index
    %get3A_188 = tpu.vector_load %arg14[%get3A_187] {strides = array<i32>} : memref<128xi32, #tpu.memory_space<vmem>>, vector<16xi32>,
    %ge3A_189 = arith.constant 999936 : i32
    %ge3A_190 = vector.broadcast %ge3A_189 : i32 to vector<16xi32>
    %ge3A_191 = arith.cmpi sge, %get3A_188, %ge3A_190 : vector<16xi32>
    %get3A_192 = arith.constant 48 : index
    %get3A_193 = tpu.vector_load %arg18[%get3A_192] {strides = array<i32>} : memref<128xf32, #tpu.memory_space<vmem>>, vector<16xf32>,
    %get3A_194 = arith.constant 48 : index
    %get3A_195 = tpu.vector_load %arg19[%get3A_194] {strides = array<i32>} : memref<128xf32, #tpu.memory_space<vmem>>, vector<16xf32>,
    %select_n3A_196 = arith.select %ge3A_191, %get3A_193, %get3A_195 : vector<16xi1>, vector<16xf32>
    %get3A_197 = arith.constant 48 : index
    %get3A_198 = tpu.vector_load %arg16[%get3A_197] {strides = array<i32>} : memref<128xf32, #tpu.memory_space<vmem>>, vector<16xf32>,
    %get3A_199 = arith.constant 48 : index
    %get3A_200 = tpu.vector_load %arg17[%get3A_199] {strides = array<i32>} : memref<128xf32, #tpu.memory_space<vmem>>, vector<16xf32>,
    %add3A_201 = arith.addf %get3A_198, %get3A_200 : vector<16xf32>
    %add3A_202 = arith.addf %add3A_201, %select_n3A_196 : vector<16xf32>
    %get3A_203 = arith.constant 48 : index
    %get3A_204 = tpu.vector_load %arg20[%get3A_203] {strides = array<i32>} : memref<128xf32, #tpu.memory_space<vmem>>, vector<16xf32>,
    %add3A_205 = arith.addf %add3A_202, %get3A_204 : vector<16xf32>
    %add3A_206 = arith.addf %add3A_205, %get3A_120 : vector<16xf32>
    %swap3A_207 = arith.constant 48 : index
    %swap3A_208 = tpu.vector_load %arg22[%swap3A_207] {strides = array<i32>} : memref<128xf32, #tpu.memory_space<vmem>>, vector<16xf32>,
    tpu.vector_store %arg22[%swap3A_207], %add3A_206 {strides = array<i32>} : memref<128xf32, #tpu.memory_space<vmem>>, vector<16xf32>,
    %get3A_209 = arith.constant 64 : index
    %get3A_210 = tpu.vector_load %arg14[%get3A_209] {strides = array<i32>} : memref<128xi32, #tpu.memory_space<vmem>>, vector<16xi32>,
    %ge3A_211 = arith.constant 999936 : i32
    %ge3A_212 = vector.broadcast %ge3A_211 : i32 to vector<16xi32>
    %ge3A_213 = arith.cmpi sge, %get3A_210, %ge3A_212 : vector<16xi32>
    %get3A_214 = arith.constant 64 : index
    %get3A_215 = tpu.vector_load %arg18[%get3A_214] {strides = array<i32>} : memref<128xf32, #tpu.memory_space<vmem>>, vector<16xf32>,
    %get3A_216 = arith.constant 64 : index
    %get3A_217 = tpu.vector_load %arg19[%get3A_216] {strides = array<i32>} : memref<128xf32, #tpu.memory_space<vmem>>, vector<16xf32>,
    %select_n3A_218 = arith.select %ge3A_213, %get3A_215, %get3A_217 : vector<16xi1>, vector<16xf32>
    %get3A_219 = arith.constant 64 : index
    %get3A_220 = tpu.vector_load %arg16[%get3A_219] {strides = array<i32>} : memref<128xf32, #tpu.memory_space<vmem>>, vector<16xf32>,
    %get3A_221 = arith.constant 64 : index
    %get3A_222 = tpu.vector_load %arg17[%get3A_221] {strides = array<i32>} : memref<128xf32, #tpu.memory_space<vmem>>, vector<16xf32>,
    %add3A_223 = arith.addf %get3A_220, %get3A_222 : vector<16xf32>
    %add3A_224 = arith.addf %add3A_223, %select_n3A_218 : vector<16xf32>
    %get3A_225 = arith.constant 64 : index
    %get3A_226 = tpu.vector_load %arg20[%get3A_225] {strides = array<i32>} : memref<128xf32, #tpu.memory_space<vmem>>, vector<16xf32>,
    %add3A_227 = arith.addf %add3A_224, %get3A_226 : vector<16xf32>
    %add3A_228 = arith.addf %add3A_227, %get3A_120 : vector<16xf32>
    %swap3A_229 = arith.constant 64 : index
    %swap3A_230 = tpu.vector_load %arg22[%swap3A_229] {strides = array<i32>} : memref<128xf32, #tpu.memory_space<vmem>>, vector<16xf32>,
    tpu.vector_store %arg22[%swap3A_229], %add3A_228 {strides = array<i32>} : memref<128xf32, #tpu.memory_space<vmem>>, vector<16xf32>,
    %get3A_231 = arith.constant 80 : index
    %get3A_232 = tpu.vector_load %arg14[%get3A_231] {strides = array<i32>} : memref<128xi32, #tpu.memory_space<vmem>>, vector<16xi32>,
    %ge3A_233 = arith.constant 999936 : i32
    %ge3A_234 = vector.broadcast %ge3A_233 : i32 to vector<16xi32>
    %ge3A_235 = arith.cmpi sge, %get3A_232, %ge3A_234 : vector<16xi32>
    %get3A_236 = arith.constant 80 : index
    %get3A_237 = tpu.vector_load %arg18[%get3A_236] {strides = array<i32>} : memref<128xf32, #tpu.memory_space<vmem>>, vector<16xf32>,
    %get3A_238 = arith.constant 80 : index
    %get3A_239 = tpu.vector_load %arg19[%get3A_238] {strides = array<i32>} : memref<128xf32, #tpu.memory_space<vmem>>, vector<16xf32>,
    %select_n3A_240 = arith.select %ge3A_235, %get3A_237, %get3A_239 : vector<16xi1>, vector<16xf32>
    %get3A_241 = arith.constant 80 : index
    %get3A_242 = tpu.vector_load %arg16[%get3A_241] {strides = array<i32>} : memref<128xf32, #tpu.memory_space<vmem>>, vector<16xf32>,
    %get3A_243 = arith.constant 80 : index
    %get3A_244 = tpu.vector_load %arg17[%get3A_243] {strides = array<i32>} : memref<128xf32, #tpu.memory_space<vmem>>, vector<16xf32>,
    %add3A_245 = arith.addf %get3A_242, %get3A_244 : vector<16xf32>
    %add3A_246 = arith.addf %add3A_245, %select_n3A_240 : vector<16xf32>
    %get3A_247 = arith.constant 80 : index
    %get3A_248 = tpu.vector_load %arg20[%get3A_247] {strides = array<i32>} : memref<128xf32, #tpu.memory_space<vmem>>, vector<16xf32>,
    %add3A_249 = arith.addf %add3A_246, %get3A_248 : vector<16xf32>
    %add3A_250 = arith.addf %add3A_249, %get3A_120 : vector<16xf32>
    %swap3A_251 = arith.constant 80 : index
    %swap3A_252 = tpu.vector_load %arg22[%swap3A_251] {strides = array<i32>} : memref<128xf32, #tpu.memory_space<vmem>>, vector<16xf32>,
    tpu.vector_store %arg22[%swap3A_251], %add3A_250 {strides = array<i32>} : memref<128xf32, #tpu.memory_space<vmem>>, vector<16xf32>,
    %get3A_253 = arith.constant 96 : index
    %get3A_254 = tpu.vector_load %arg14[%get3A_253] {strides = array<i32>} : memref<128xi32, #tpu.memory_space<vmem>>, vector<16xi32>,
    %ge3A_255 = arith.constant 999936 : i32
    %ge3A_256 = vector.broadcast %ge3A_255 : i32 to vector<16xi32>
    %ge3A_257 = arith.cmpi sge, %get3A_254, %ge3A_256 : vector<16xi32>
    %get3A_258 = arith.constant 96 : index
    %get3A_259 = tpu.vector_load %arg18[%get3A_258] {strides = array<i32>} : memref<128xf32, #tpu.memory_space<vmem>>, vector<16xf32>,
    %get3A_260 = arith.constant 96 : index
    %get3A_261 = tpu.vector_load %arg19[%get3A_260] {strides = array<i32>} : memref<128xf32, #tpu.memory_space<vmem>>, vector<16xf32>,
    %select_n3A_262 = arith.select %ge3A_257, %get3A_259, %get3A_261 : vector<16xi1>, vector<16xf32>
    %get3A_263 = arith.constant 96 : index
    %get3A_264 = tpu.vector_load %arg16[%get3A_263] {strides = array<i32>} : memref<128xf32, #tpu.memory_space<vmem>>, vector<16xf32>,
    %get3A_265 = arith.constant 96 : index
    %get3A_266 = tpu.vector_load %arg17[%get3A_265] {strides = array<i32>} : memref<128xf32, #tpu.memory_space<vmem>>, vector<16xf32>,
    %add3A_267 = arith.addf %get3A_264, %get3A_266 : vector<16xf32>
    %add3A_268 = arith.addf %add3A_267, %select_n3A_262 : vector<16xf32>
    %get3A_269 = arith.constant 96 : index
    %get3A_270 = tpu.vector_load %arg20[%get3A_269] {strides = array<i32>} : memref<128xf32, #tpu.memory_space<vmem>>, vector<16xf32>,
    %add3A_271 = arith.addf %add3A_268, %get3A_270 : vector<16xf32>
    %add3A_272 = arith.addf %add3A_271, %get3A_120 : vector<16xf32>
    %swap3A_273 = arith.constant 96 : index
    %swap3A_274 = tpu.vector_load %arg22[%swap3A_273] {strides = array<i32>} : memref<128xf32, #tpu.memory_space<vmem>>, vector<16xf32>,
    tpu.vector_store %arg22[%swap3A_273], %add3A_272 {strides = array<i32>} : memref<128xf32, #tpu.memory_space<vmem>>, vector<16xf32>,
    %get3A_275 = arith.constant 112 : index
    %get3A_276 = tpu.vector_load %arg14[%get3A_275] {strides = array<i32>} : memref<128xi32, #tpu.memory_space<vmem>>, vector<16xi32>,
    %ge3A_277 = arith.constant 999936 : i32
    %ge3A_278 = vector.broadcast %ge3A_277 : i32 to vector<16xi32>
    %ge3A_279 = arith.cmpi sge, %get3A_276, %ge3A_278 : vector<16xi32>
    %get3A_280 = arith.constant 112 : index
    %get3A_281 = tpu.vector_load %arg18[%get3A_280] {strides = array<i32>} : memref<128xf32, #tpu.memory_space<vmem>>, vector<16xf32>,
    %get3A_282 = arith.constant 112 : index
    %get3A_283 = tpu.vector_load %arg19[%get3A_282] {strides = array<i32>} : memref<128xf32, #tpu.memory_space<vmem>>, vector<16xf32>,
    %select_n3A_284 = arith.select %ge3A_279, %get3A_281, %get3A_283 : vector<16xi1>, vector<16xf32>
    %get3A_285 = arith.constant 112 : index
    %get3A_286 = tpu.vector_load %arg16[%get3A_285] {strides = array<i32>} : memref<128xf32, #tpu.memory_space<vmem>>, vector<16xf32>,
    %get3A_287 = arith.constant 112 : index
    %get3A_288 = tpu.vector_load %arg17[%get3A_287] {strides = array<i32>} : memref<128xf32, #tpu.memory_space<vmem>>, vector<16xf32>,
    %add3A_289 = arith.addf %get3A_286, %get3A_288 : vector<16xf32>
    %add3A_290 = arith.addf %add3A_289, %select_n3A_284 : vector<16xf32>
    %get3A_291 = arith.constant 112 : index
    %get3A_292 = tpu.vector_load %arg20[%get3A_291] {strides = array<i32>} : memref<128xf32, #tpu.memory_space<vmem>>, vector<16xf32>,
    %add3A_293 = arith.addf %add3A_290, %get3A_292 : vector<16xf32>
    %add3A_294 = arith.addf %add3A_293, %get3A_120 : vector<16xf32>
    %swap3A_295 = arith.constant 112 : index
    %swap3A_296 = tpu.vector_load %arg22[%swap3A_295] {strides = array<i32>} : memref<128xf32, #tpu.memory_space<vmem>>, vector<16xf32>,
    tpu.vector_store %arg22[%swap3A_295], %add3A_294 {strides = array<i32>} : memref<128xf32, #tpu.memory_space<vmem>>, vector<16xf32>,
    "tpu.region"() ({
      %run_scoped3A = tpu.sem_alloc : memref<!tpu.dma_semaphore, #tpu.memory_space<semaphore_mem>>
      %dma_start3A_297 = tpu.memref_slice %arg11[%mul3A_2] : memref<4096xf32, #tpu.memory_space<hbm>> -> memref<128xf32, #tpu.memory_space<hbm>>
      %dma_start3A_298 = tpu.memref_slice %arg11[%mul3A_2] : memref<4096xf32, #tpu.memory_space<hbm>> -> memref<128xf32, #tpu.memory_space<hbm>>
      tpu.enqueue_dma source(%arg22 : memref<128xf32, #tpu.memory_space<vmem>>) target(%dma_start3A_298 : memref<128xf32, #tpu.memory_space<hbm>>) target_semaphore(%run_scoped3A : memref<!tpu.dma_semaphore, #tpu.memory_space<semaphore_mem>>)
      %dma_wait3A_299 = tpu.memref_slice %arg11[%mul3A_2] : memref<4096xf32, #tpu.memory_space<hbm>> -> memref<128xf32, #tpu.memory_space<hbm>>
      %dma_wait3A_300 = tpu.memref_slice %arg11[%mul3A_2] : memref<4096xf32, #tpu.memory_space<hbm>> -> memref<128xf32, #tpu.memory_space<hbm>>
      tpu.wait_dma2 semaphore(%run_scoped3A : memref<!tpu.dma_semaphore, #tpu.memory_space<semaphore_mem>>) src(%arg22 : memref<128xf32, #tpu.memory_space<vmem>>) dst(%dma_wait3A_300 : memref<128xf32, #tpu.memory_space<hbm>>)
      tpu.yield
    }) : () -> ()
    return
  }
}

module attributes {stable_mosaic.version = 14 : i64} {
  func.func @body(%arg0: i32, %arg1: memref<1x64xf32, #tpu.memory_space<vmem>>, %arg2: memref<64x32768xf32, #tpu.memory_space<vmem>>, %arg3: memref<32768xf32, #tpu.memory_space<vmem>>) attributes {dimension_semantics = [#tpu.dimension_semantics<arbitrary>], iteration_bounds = array<i64: 4>, scalar_prefetch = 0 : i64, scratch_operands = 0 : i64, tpu.core_type = #tpu.core_type<tc>, window_params = [{pipeline_mode = #tpu.pipeline_mode<synchronous>, transform_indices = @transform_0, window_bounds = array<i64: 1, 64>}, {transform_indices = @transform_1, window_bounds = array<i64: 64, 32768>}, {transform_indices = @transform_2, window_bounds = array<i64: 32768>}]} {
    %get3A = arith.constant 0 : index
    %get3A_0 = arith.constant 0 : index
    %get3A_1 = vector.load %arg1[%get3A, %get3A_0] : memref<1x64xf32, #tpu.memory_space<vmem>>, vector<1x64xf32>
    %get3A_2 = arith.constant 0 : index
    %get3A_3 = arith.constant 0 : index
    %get3A_4 = vector.load %arg2[%get3A_2, %get3A_3] : memref<64x32768xf32, #tpu.memory_space<vmem>>, vector<64x32768xf32>
    %dot_general3A = arith.constant dense<0.000000e+00> : vector<1x32768xf32>
    %dot_general3A_5 = tpu.matmul %get3A_1, %get3A_4, %dot_general3A {dimension_numbers = #tpu.dot_dimension_numbers<[1], [0], [0], [1], [0, 0, 1, 1], [], []>, transpose_lhs_hint = false} : vector<1x64xf32>, vector<64x32768xf32>, vector<1x32768xf32> -> vector<1x32768xf32>
    %squeeze3A = vector.shape_cast %dot_general3A_5 : vector<1x32768xf32> to vector<32768xf32>
    %swap3A = arith.constant 0 : index
    %swap3A_6 = vector.load %arg3[%swap3A] : memref<32768xf32, #tpu.memory_space<vmem>>, vector<32768xf32>
    tpu.vector_store %arg3[%swap3A], %squeeze3A {strides = array<i32>} : memref<32768xf32, #tpu.memory_space<vmem>>, vector<32768xf32>,
    return
  }
  func.func @transform_0(%arg0: i32) -> (i32, i32) {
    %c0_i32 = arith.constant 0 : i32
    %c0_i32_0 = arith.constant 0 : i32
    %c0_i32_1 = arith.constant 0 : i32
    return %c0_i32, %c0_i32_0 : i32, i32
  }
  func.func @transform_1(%arg0: i32) -> (i32, i32) {
    %c0_i32 = arith.constant 0 : i32
    %c0_i32_0 = arith.constant 0 : i32
    return %c0_i32, %arg0 : i32, i32
  }
  func.func @transform_2(%arg0: i32) -> i32 {
    %c0_i32 = arith.constant 0 : i32
    return %arg0 : i32
  }
}

module attributes {stable_mosaic.version = 14 : i64} {
  func.func @_small_dense_body(%arg0: memref<1x32xf32, #tpu.memory_space<vmem>>, %arg1: memref<32x1000xf32, #tpu.memory_space<vmem>>, %arg2: memref<1x64xf32, #tpu.memory_space<vmem>>, %arg3: memref<64x64xf32, #tpu.memory_space<vmem>>, %arg4: memref<1x64xf32, #tpu.memory_space<vmem>>, %arg5: memref<64x4096xf32, #tpu.memory_space<vmem>>, %arg6: memref<1000xf32, #tpu.memory_space<vmem>>, %arg7: memref<64xf32, #tpu.memory_space<vmem>>, %arg8: memref<4096xf32, #tpu.memory_space<vmem>>) attributes {dimension_semantics = [], scalar_prefetch = 0 : i64, scratch_operands = 0 : i64, tpu.core_type = #tpu.core_type<tc>} {
    %get3A = arith.constant 0 : index
    %get3A_0 = arith.constant 0 : index
    %get3A_1 = vector.load %arg0[%get3A, %get3A_0] : memref<1x32xf32, #tpu.memory_space<vmem>>, vector<1x32xf32>
    %get3A_2 = arith.constant 0 : index
    %get3A_3 = arith.constant 0 : index
    %get3A_4 = vector.load %arg1[%get3A_2, %get3A_3] : memref<32x1000xf32, #tpu.memory_space<vmem>>, vector<32x1000xf32>
    %dot_general3A = arith.constant dense<0.000000e+00> : vector<1x1000xf32>
    %dot_general3A_5 = tpu.matmul %get3A_1, %get3A_4, %dot_general3A {dimension_numbers = #tpu.dot_dimension_numbers<[1], [0], [0], [1], [0, 0, 1, 1], [], []>, transpose_lhs_hint = false} : vector<1x32xf32>, vector<32x1000xf32>, vector<1x1000xf32> -> vector<1x1000xf32>
    %squeeze3A = vector.shape_cast %dot_general3A_5 : vector<1x1000xf32> to vector<1000xf32>
    %swap3A = arith.constant 0 : index
    %swap3A_6 = vector.load %arg6[%swap3A] : memref<1000xf32, #tpu.memory_space<vmem>>, vector<1000xf32>
    tpu.vector_store %arg6[%swap3A], %squeeze3A {strides = array<i32>} : memref<1000xf32, #tpu.memory_space<vmem>>, vector<1000xf32>,
    %get3A_7 = arith.constant 0 : index
    %get3A_8 = arith.constant 0 : index
    %get3A_9 = vector.load %arg2[%get3A_7, %get3A_8] : memref<1x64xf32, #tpu.memory_space<vmem>>, vector<1x64xf32>
    %get3A_10 = arith.constant 0 : index
    %get3A_11 = arith.constant 0 : index
    %get3A_12 = vector.load %arg3[%get3A_10, %get3A_11] : memref<64x64xf32, #tpu.memory_space<vmem>>, vector<64x64xf32>
    %dot_general3A_13 = arith.constant dense<0.000000e+00> : vector<1x64xf32>
    %dot_general3A_14 = tpu.matmul %get3A_9, %get3A_12, %dot_general3A_13 {dimension_numbers = #tpu.dot_dimension_numbers<[1], [0], [0], [1], [0, 0, 1, 1], [], []>, transpose_lhs_hint = false} : vector<1x64xf32>, vector<64x64xf32>, vector<1x64xf32> -> vector<1x64xf32>
    %squeeze3A_15 = vector.shape_cast %dot_general3A_14 : vector<1x64xf32> to vector<64xf32>
    %swap3A_16 = arith.constant 0 : index
    %swap3A_17 = vector.load %arg7[%swap3A_16] : memref<64xf32, #tpu.memory_space<vmem>>, vector<64xf32>
    tpu.vector_store %arg7[%swap3A_16], %squeeze3A_15 {strides = array<i32>} : memref<64xf32, #tpu.memory_space<vmem>>, vector<64xf32>,
    %get3A_18 = arith.constant 0 : index
    %get3A_19 = arith.constant 0 : index
    %get3A_20 = vector.load %arg4[%get3A_18, %get3A_19] : memref<1x64xf32, #tpu.memory_space<vmem>>, vector<1x64xf32>
    %get3A_21 = arith.constant 0 : index
    %get3A_22 = arith.constant 0 : index
    %get3A_23 = vector.load %arg5[%get3A_21, %get3A_22] : memref<64x4096xf32, #tpu.memory_space<vmem>>, vector<64x4096xf32>
    %dot_general3A_24 = arith.constant dense<0.000000e+00> : vector<1x4096xf32>
    %dot_general3A_25 = tpu.matmul %get3A_20, %get3A_23, %dot_general3A_24 {dimension_numbers = #tpu.dot_dimension_numbers<[1], [0], [0], [1], [0, 0, 1, 1], [], []>, transpose_lhs_hint = false} : vector<1x64xf32>, vector<64x4096xf32>, vector<1x4096xf32> -> vector<1x4096xf32>
    %squeeze3A_26 = vector.shape_cast %dot_general3A_25 : vector<1x4096xf32> to vector<4096xf32>
    %swap3A_27 = arith.constant 0 : index
    %swap3A_28 = vector.load %arg8[%swap3A_27] : memref<4096xf32, #tpu.memory_space<vmem>>, vector<4096xf32>
    tpu.vector_store %arg8[%swap3A_27], %squeeze3A_26 {strides = array<i32>} : memref<4096xf32, #tpu.memory_space<vmem>>, vector<4096xf32>,
    return
  }
}

</mosaic_0001>

<sc_bundles>
// kernel: kernel.6.cloned.1.call-start
scs
__scs_entry_jumppad:
0x0: {  	(pc) =	sbr.rel $0x88, $3  }
0x1: {  	(tag) =	ssettag $0x0;
	lr =	simm.s32 $0x1  }
0x2: {  	[smem:$0x3F98] =	sst lr;
	_ =	strace $0xD0000000  }
0x3: {  	_ = 	snop  }
0x4: {  	_ = 	snop  }
0x5: {  	_ = 	snop  }
0x6: {  	_ = 	snop  }
0x7: {  	_ = 	snop  }
__scs_overlays_trampoline_lowered:
0x8: {  	[smem:$0x3FA7] =	sst s0  }
0x9: {  	[smem:$0x3FA8] =	sst s1  }
0xa: {  	[smem:$0x3FA9] =	sst s2  }
0xb: {  	[smem:$0x3FAA] =	sst s3  }
0xc: {  	[smem:$0x3FAB] =	sst s4  }
0xd: {  	[smem:$0x3FAC] =	sst s5  }
0xe: {  	[smem:$0x3FAD] =	sst s6  }
0xf: {  	[smem:$0x3FAE] =	sst s7  }
0x10: {  	[smem:$0x3FAF] =	sst s8  }
0x11: {  	[smem:$0x3FB0] =	sst s9;
	s0 =	simm.s32 @!p0 $0x0  }
0x12: {  	s1 =	sld [smem:$0x3F96];
	s0 =	simm.s32 @p0 $0x1  }
0x13: {  	[smem:$0x3FB1] =	sst s0;
	s0 =	simm.s32 @!p1 $0x0  }
0x14: {  	s2 =	sld [smem:$0x3F95];
	s0 =	simm.s32 @p1 $0x1  }
0x15: {  	[smem:$0x3FB2] =	sst s0;
	s0 =	simm.s32 @!p2 $0x0  }
0x16: {  	s3 =	sld [smem:$0x3FDB];
	s0 =	simm.s32 @p2 $0x1  }
0x17: {  	s4 =	simm.s32 $0x1BF5;
	[smem:$0x3FB4] =	sst s0  }
0x18: {  	s0 =	sld [smem:$0x3F97];
	_ =	swait.ge [sflag:s4], $0x0  }
0x19: {  	s7 =	sld [smem:$0x3F98]  }
0x1a: {  	s8 =	sadd.s32 $0xFFFFE003, lr  }
0x1b: {  	s9 =	sadd.s32 $0xFFFFFEF7, lr;
	s5 =	simm.s32 $0xFFFFFFFF;
	p2 =	slt.u32 s8, $0xFFFFF086  }
0x1c: {  	p1 =	slt.u32 s9, $0xF7A;
	s5 =	simm.s32 @!p2 $0x0  }
0x1d: {  	s5 =	simm.s32 @p1 $0x1;
	p0 =	seq.s32 s7, s2  }
0x1e: {  	s7 =	smul.u32 @!p0 $0xF7A, s2;
	p2 =	seq.s32 @!p0 s5, $0x0  }
0x1f: {  	s9 =	smul.u32 $0xF7A, s1;
	s8 =	simm.s32 @!p0 $0x1BF5;
	p2 =	por !p2, p0  }
0x20: {  	[sflag:s8] =	ssyncset.s32 @!p0 $0xFFFFF086;
	s6 =	sadd.s32 @!p0 s3, s7;
	s7 =	simm.s32 @!p0 $0x108  }
0x21: {  	s3 =	sadd.s32 s3, s9;
	s6 =	sadd.s32 @!p0 $0x88, s6;
	s7 =	simm.s32 @p2 $0x1082  }
0x22: {  	[simem:s7], [sflag:s8] =	dma.local @!p0 [hbm:s6], $0xF7A  }
0x23: {  	s9 =	sor.u32 $0xD0000000, s2;
	s6 =	simm.s32 $0x108;
	_ =	swait.ge @!p0 [sflag:s8], $0x0  }
0x24: {  	s3 =	sadd.s32 $0x88, s3;
	s6 =	simm.s32 @!p1 $0x1082;
	[sflag:s4] =	ssyncset.s32 $0xFFFFF086  }
0x25: {  	[simem:s6], [sflag:s4] =	dma.local [hbm:s3], $0xF7A  }
0x26: {  	[smem:$0x3F98] =	sst s1;
	(tag) =	ssettag s2;
	_ =	strace s9  }
0x27: {  	s1 =	sld [smem:$0x3FA8]  }
0x28: {  	s2 =	sld [smem:$0x3FA9]  }
0x29: {  	s4 =	sld [smem:$0x3FAB]  }
0x2a: {  	p0 =	seq.s32 s5, $0x0;
	s5 =	sld [smem:$0x3FAC]  }
0x2b: {  	s6 =	sld [smem:$0x3FAD]  }
0x2c: {  	s7 =	sld [smem:$0x3FAE]  }
0x2d: {  	s3 =	simm.s32 $0x108;
	s8 =	sld [smem:$0x3FAF]  }
0x2e: {  	s3 =	simm.s32 @!p0 $0x1082;
	s9 =	sld [smem:$0x3FB0]  }
0x2f: {  	lr =	sadd.s32 s0, s3;
	s0 =	sld [smem:$0x3FA7]  }
0x30: {  	s3 =	sld [smem:$0x3FAA]  }
0x31: {  	[smem:$0x3FB3] =	sst s10  }
0x32: {  	s10 =	sld [smem:$0x3FB1];
	_ =	sdelay $0x3  }
0x33: {  	p0 =	seq.s32 s10, $0x1;
	s10 =	sld [smem:$0x3FB3];
	_ =	sdelay $0x3  }
0x34: {  	[smem:$0x3FB3] =	sst s10  }
0x35: {  	s10 =	sld [smem:$0x3FB2];
	_ =	sdelay $0x3  }
0x36: {  	p1 =	seq.s32 s10, $0x1;
	s10 =	sld [smem:$0x3FB3];
	_ =	sdelay $0x3  }
0x37: {  	[smem:$0x3FB3] =	sst s10  }
0x38: {  	s10 =	sld [smem:$0x3FB4]  }
0x39: {  	_ = 	snop;
	(pc) =	sbr.ind lr, $3  }
0x3a: {  	_ = 	snop  }
0x3b: {  	_ = 	snop  }
0x3c: {  	p2 =	seq.s32 s10, $0x1;
	s10 =	sld [smem:$0x3FB3]  }
0x3d: {  	_ =	shalt  }
0x3e: {  	_ =	shalt  }
0x3f: {  	_ =	shalt  }
0x40: {  	_ =	shalt  }
0x41: {  	_ =	shalt  }
0x42: {  	_ =	shalt  }
0x43: {  	_ =	shalt  }
0x44: {  	_ =	shalt  }
0x45: {  	_ =	shalt  }
0x46: {  	_ =	shalt  }
0x47: {  	_ =	shalt  }
0x48: {  	_ =	shalt  }
0x49: {  	_ =	shalt  }
0x4a: {  	_ =	shalt  }
0x4b: {  	_ =	shalt  }
0x4c: {  	_ =	shalt  }
0x4d: {  	_ =	shalt  }
0x4e: {  	_ =	shalt  }
0x4f: {  	_ =	shalt  }
0x50: {  	_ =	shalt  }
0x51: {  	_ =	shalt  }
0x52: {  	_ =	shalt  }
0x53: {  	_ =	shalt  }
0x54: {  	_ =	shalt  }
0x55: {  	_ =	shalt  }
0x56: {  	_ =	shalt  }
0x57: {  	_ =	shalt  }
0x58: {  	_ =	shalt  }
0x59: {  	_ =	shalt  }
0x5a: {  	_ =	shalt  }
0x5b: {  	_ =	shalt  }
0x5c: {  	_ =	shalt  }
0x5d: {  	_ =	shalt  }
0x5e: {  	_ =	shalt  }
0x5f: {  	_ =	shalt  }
0x60: {  	_ =	shalt  }
0x61: {  	_ =	shalt  }
0x62: {  	_ =	shalt  }
0x63: {  	_ =	shalt  }
0x64: {  	_ =	shalt  }
0x65: {  	_ =	shalt  }
0x66: {  	_ =	shalt  }
0x67: {  	_ =	shalt  }
0x68: {  	_ =	shalt  }
0x69: {  	_ =	shalt  }
0x6a: {  	_ =	shalt  }
0x6b: {  	_ =	shalt  }
0x6c: {  	_ =	shalt  }
0x6d: {  	_ =	shalt  }
0x6e: {  	_ =	shalt  }
0x6f: {  	_ =	shalt  }
0x70: {  	_ =	shalt  }
0x71: {  	_ =	shalt  }
0x72: {  	_ =	shalt  }
0x73: {  	_ =	shalt  }
0x74: {  	_ =	shalt  }
0x75: {  	_ =	shalt  }
0x76: {  	_ =	shalt  }
0x77: {  	_ =	shalt  }
0x78: {  	_ =	shalt  }
0x79: {  	_ =	shalt  }
0x7a: {  	_ =	shalt  }
0x7b: {  	_ =	shalt  }
0x7c: {  	_ =	shalt  }
0x7d: {  	_ =	shalt  }
0x7e: {  	_ =	shalt  }
0x7f: {  	_ =	shalt  }
0x80: {  	_ =	shalt  }
0x81: {  	_ =	shalt  }
0x82: {  	_ =	shalt  }
0x83: {  	_ =	shalt  }
0x84: {  	_ =	shalt  }
0x85: {  	_ =	shalt  }
0x86: {  	_ =	shalt  }
0x87: {  	_ =	shalt  }
.Lfunc_end0:
.L_simem_size_0:
called_computation_lowered:
.L_overlay_start_0:
0x88: {  	s2 =	sld [smem:$0x3FD9]  }
0x89: {  	s3 =	sld [smem:$0x3FFE];
	_ =	sdelay $0x1  }
0x8a: {  	s1 =	srdreg.scid  }
0x8b: {  	s0 =	sand.u32 $0x1, s1  }
0x8c: {  	s17 =	sshll.u32 s0, $0xA;
	s2 =	sadd.s32 s3, s2  }
0x8d: {  	s2 =	sadd.s32 s2, s17  }
0x8e: {  	[smem:$0x3FBF] =	sst s2  }
0x8f: {  	_ = 	snop  }
0x90: {  	s2 =	sld [smem:$0x3FC7]  }
0x91: {  	s18 =	sld [smem:$0x3FC3]  }
0x92: {  	s4 =	sld [smem:$0x3FD0];
	(tm) =	ssettm $0x1  }
0x93: {  	s5 =	sld [smem:$0x3FFB];
	_ =	sdelay $0x3  }
0x94: {  	_ =	strace s5  }
0x95: {  	s5 =	sld [smem:$0x3FFC];
	_ =	sdelay $0x3  }
0x96: {  	_ =	strace s5  }
0x97: {  	s5 =	sld [smem:$0x3FFD];
	_ =	sdelay $0x3  }
0x98: {  	_ =	strace s5  }
0x99: {  	_ =	strace $0x8FFFFFFF  }
0x9a: {  	s19 =	sld [smem:$0x3FDB];
	_ =	sdelay $0x1  }
0x9b: {  	s6 =	simm.s32 $_scs_section_size  }
0x9c: {  	s7 =	simm.s32 $_size__tile_overlayer_lowered;
	s8 =	simm.s32 $_tile_overlayer_lowered  }
0x9d: {  	s22 =	simm.s32 $0x1BFF;
	s21 =	sshll.u32 s8, $0x1;
	s5 =	sadd.s32 s6, s19  }
0x9e: {  	s9 =	simm.s32 $0x0;
	s20 =	sshll.u32 s7, $0x1;
	s7 =	sadd.s32 s21, s5  }
0x9f: {  	[timem:s9], [sflag:s22] =	dma.local [hbm:s7], s20  }
0xa0: {  	_ =	swait.ge [sflag:s22], s20  }
0xa1: {  	s6 =	ssub.s32 $0x0, s20;
	[sflag:s22] =	ssyncset.done $0x0  }
0xa2: {  	[sflag:s22] =	ssyncadd.s32 s6;
	_ =	sdelay $0x1  }
0xa3: {  	s23 =	simm.s32 $0x1B8B  }
0xa4: {  	_ =	swait.ge [sflag:s23], $0x1  }
0xa5: {  	[sflag:s23] =	ssyncset.done $0x0  }
0xa6: {  	s25 =	simm.s32 $0x1B8E;
	s24 =	sld [smem:$0x3FFE];
	[sflag:s23] =	ssyncadd.s32 $0xFFFFFFFF  }
0xa7: {  	s26 =	simm.s32 $execute0_lowered;
	[smem:$0x3FD2] =	sst s25  }
0xa8: {  	s7 =	sshll.u32 s26, $0x1;
	_ =	strace $0x80000046;
	[dreg:$0x1] =	wrdreg $0xFFFFFFFF  }
0xa9: {  	s28 =	simm.s32 $_size_execute0_lowered;
	s5 =	sadd.s32 s5, s7;
	[dreg:$0x0] =	wrdreg $0x0  }
0xaa: {  	s7 =	sshll.u32 s28, $0x1;
	[dreg:$0x2] =	wrdreg s5  }
0xab: {  	[dreg:$0x3] =	wrdreg s7  }
0xac: {  	[dreg:$0x4] =	wrdreg $0xC0  }
0xad: {  	_ =	task [dreg:s9], $0x5FFFF  }
0xae: {  	[dreg:$0x1] =	wrdreg $0xFFFFFFFF  }
0xaf: {  	[dreg:$0x0] =	wrdreg $0x60  }
0xb0: {  	[dreg:$0x2] =	wrdreg s2  }
0xb1: {  	[dreg:$0x3] =	wrdreg s18  }
0xb2: {  	[dreg:$0x4] =	wrdreg s4  }
0xb3: {  	[dreg:$0x5] =	wrdreg s24  }
0xb4: {  	[dreg:$0x6] =	wrdreg $0x9  }
0xb5: {  	_ =	task.clear_ibuf [dreg:s9], $0x7FFFF;
	_ =	strace $0x90000046  }
0xb6: {  	s29 =	simm.s32 $0x9;
	_ =	strace $0x80000048  }
0xb7: {  	_ =	swait.ge [sflag:s29], $0x1  }
0xb8: {  	[sflag:s29] =	ssyncadd.s32 $0xFFFFFFFF  }
0xb9: {  	_ =	strace $0x90000048  }
0xba: {  	_ =	sfence  }
0xbb: {  	s30 =	sld [smem:$0x0];
	_ =	sdelay $0x2  }
0xbc: {  	s31 =	sshll.u32 s1, $0xD;
	s1 =	sshrl.u32 s1, $0x2  }
0xbd: {  	s3 =	sand.u32 $0x4000, s31;
	s1 =	sadd.s32 s1, s30  }
0xbe: {  	s0 =	sor.u32 s3, s0;
	s1 =	sshll.u32 s1, $0x11  }
0xbf: {  	s0 =	sor.u32 s1, s0  }
0xc0: {  	s0 =	sadd.s32 $0x8F2B, s0  }
0xc1: {  	[sflag:s0] =	ssyncadd.remote.s32 $0x1  }
0xc2: {  	_ =	sfence.sel $0xFFFF  }
0xc3: {  	[dreg:$0x0] =	wrdreg $0xFFFFFFFF;
	(pc) =	sbr.abs _section_cstart, $3  }
0xc4: {  	[dreg:$0x1] =	wrdreg $0xFFFFFFFF  }
0xc5: {  	_ =	task.clear_ibuf [dreg:s9], $0x2FFFF;
	_ =	strace $0x9FFFFFFF  }
0xc6: {  	(tm) =	ssettm $0x7FFFFFFF  }
0xc7: {  	_ =	shalt  }
tec
execute0_lowered:
.L_overlay_start_1:
0x0: {  	(tag) =	ssettag $0x1  }
0x1: {  	v1 =	vlaneseq.u32  }
0x2: {  	v0 =	vmul.u32 $0x80, v1  }
0x3: {  	v1 =	vmul.u32 $0x10, v1  }
0x4: {  	v2 =	vor.u32 $0x800, v0  }
0x5: {  	v3 =	vor.u32 $0x1000, v0;
	v4 =	vor.u32 $0x1800, v0;
	v5 =	vor.u32 $0x1, v1  }
0x6: {  	v8 =	vor.u32 $0x4, v1;
	v9 =	vor.u32 $0x5, v1;
	v10 =	vor.u32 $0x6, v1  }
0x7: {  	v11 =	vor.u32 $0x7, v1;
	v12 =	vor.u32 $0x8, v1;
	v13 =	vor.u32 $0x9, v1  }
0x8: {  	v14 =	vor.u32 $0xA, v1;
	v15 =	vor.u32 $0xB, v1;
	v16 =	vor.u32 $0xC, v1  }
0x9: {  	s1 =	rddreg [dreg:$0x0];
	v17 =	vor.u32 $0xD, v1;
	v18 =	vor.u32 $0xE, v1;
	v19 =	vor.u32 $0xF, v1  }
0xa: {  	s0 =	rddreg [dreg:$0x1];
	v20 =	vor.u32 $0x100, v1;
	v21 =	vor.u32 $0x101, v1;
	v22 =	vor.u32 $0x102, v1  }
0xb: {  	s2 =	rddreg [dreg:$0x3];
	v23 =	vor.u32 $0x103, v1;
	v24 =	vor.u32 $0x104, v1;
	v25 =	vor.u32 $0x105, v1  }
0xc: {  	s3 =	srdreg.scid;
	s4 =	stileid.u32;
	s10 =	simm.s32 $0x400;
	v26 =	vor.u32 $0x106, v1;
	v27 =	vor.u32 $0x107, v1;
	v28 =	vor.u32 $0x108, v1  }
0xd: {  	s6 =	simm.s32 $0x0;
	s11 =	simm.s32 $0x7A1400;
	s13 =	simm.s32 $0x2100;
	v29 =	vor.u32 $0x109, v1;
	v30 =	vor.u32 $0x10A, v1;
	v31 =	vor.u32 $0x10B, v1  }
0xe: {  	s14 =	simm.s32 $0x4100;
	s15 =	simm.s32 $0x6100;
	s16 =	simm.s32 $0x8100;
	v32 =	vor.u32 $0x10C, v1;
	v33 =	vor.u32 $0x10D, v1;
	v34 =	vor.u32 $0x10E, v1  }
0xf: {  	s17 =	simm.s32 $0xA100;
	s18 =	simm.s32 $0xC100;
	s19 =	simm.s32 $0xE100;
	v35 =	vor.u32 $0x10F, v1;
	v36 =	vor.u32 $0x200, v1;
	v37 =	vor.u32 $0x201, v1  }
0x10: {  	s20 =	simm.s32 $0x1;
	s21 =	simm.s32 $0x2;
	s3 =	sand.u32 $0x1, s3;
	v38 =	vor.u32 $0x202, v1;
	v39 =	vor.u32 $0x203, v1;
	v40 =	vor.u32 $0x204, v1  }
0x11: {  	s4 =	sshll.u32 s4, $0x5;
	s5 =	sshll.u32 s3, $0x4;
	s3 =	ssub.s32 $0x2, s3;
	v41 =	vor.u32 $0x205, v1;
	v42 =	vor.u32 $0x206, v1;
	[tilespmem:$0x1FFD0] =	vst v5;
	v5 =	vor.u32 $0x2, v1  }
0x12: {  	[smem:$0x7FF] =	sst s6;
	s4 =	sor.u32 s5, s4;
	s29 =	sshrl.u32 s3, $0x1;
	v43 =	vor.u32 $0x207, v1;
	v44 =	vor.u32 $0x208, v1;
	[tilespmem:$0x1FFE0] =	vst v5;
	v5 =	vor.u32 $0x3, v1  }
0x13: {  	v45 =	vor.u32 $0x209, v1;
	v46 =	vor.u32 $0x20A, v1;
	v47 =	vor.u32 $0x20B, v1;
	s2 =	sadd.s32 s4, s2;
	s3 =	ssub.s32 s3, s29;
	s1 =	sadd.s32 s1, s4;
	[tilespmem:$0x1FFF0] =	vst v5  }
0x14: {  	v48 =	vor.u32 $0x20C, v1;
	v49 =	vor.u32 $0x20D, v1;
	v50 =	vor.u32 $0x20E, v1;
	s30 =	sadd.s32 $0x2600, s2;
	_ =	strace $0x80000047;
	[dreg:$0x5] =	wrdreg s1  }
0x15: {  	s5 =	simm.s32 $0x100;
	v51 =	vor.u32 $0x20F, v1;
	v52 =	vor.u32 $0x300, v1;
	v53 =	vor.u32 $0x301, v1;
	s31 =	smax.u32 s3, $0x1;
	[dreg:$0x6] =	wrdreg s30  }
0x16: {  	v54 =	vor.u32 $0x302, v1;
	v55 =	vor.u32 $0x303, v1;
	v56 =	vor.u32 $0x304, v1;
	s2 =	simm.s32 $0x3;
	s3 =	simm.s32 $0x0;
	[dreg:$0x7] =	wrdreg s31  }
.LBB2_1:
0x17: {  	[dreg:$0x8] =	wrdreg s3  }
0x18: {  	s1 =	rddreg [dreg:$0x5]  }
0x19: {  	[tilespmem:s6], [sflag:$0x3] =	stream.linear.gather [hbm4b:s1+s6], $0x80, $0x38;
	[tilespmem:$0x10A00] =	vst v63  }
0x1a: {  	_ =	swait.ge [sflag:s2], $0x80  }
0x1b: {  	[sflag:s2] =	ssyncset.done $0x0  }
0x1c: {  	[sflag:s2] =	ssyncadd.s32 $0xFFFFFF80  }
0x1d: {  	s8 =	simm.s32 $0x10100;
	s7 =	rddreg [dreg:$0x2]  }
0x1e: {  	[tilespmem:s8], [sflag:$0x3] =	stream.linear.gather [hbm4b:s7+s6], $0x80, $0x38;
	[tilespmem:$0x10A00] =	vst v63  }
0x1f: {  	_ =	swait.ge [sflag:s2], $0x80  }
0x20: {  	[sflag:s2] =	ssyncset.done $0x0  }
0x21: {  	[sflag:s2] =	ssyncadd.s32 $0xFFFFFF80  }
0x22: {  	v57 =	vld [tilespmem:$0x0];
	_ =	sdelay $0x4  }
0x23: {  	v61 =	vshrl.u32 v57, $0x7  }
0x24: {  	(v2sf) =	vpush v61, $0x0;
	_ =	sdelay $0x5  }
0x25: {  	(v2sf) =	vpush v61, $0x1;
	_ =	sdelay $0x2  }
0x26: {  	(v2sf) =	vpush v61, $0x2;
	_ =	sdelay $0x5  }
0x27: {  	s9 =	spop (v2sf);
	(v2sf) =	vpush v61, $0x3;
	_ =	sdelay $0x2  }
0x28: {  	(v2sf) =	vpush v61, $0x4;
	_ =	sdelay $0x1  }
0x29: {  	v58 =	vld [tilespmem:$0x10110];
	s1 =	smin.u32 s9, $0x1E83  }
0x2a: {  	v59 =	vld [tilespmem:$0x10120];
	s12 =	spop (v2sf);
	s1 =	sshll.u32 s1, $0x7;
	(v2sf) =	vpush v61, $0x5  }
0x2b: {  	v60 =	vld [tilespmem:$0x10130];
	s1 =	sadd.s32 s0, s1  }
0x2c: {  	v57 =	vld [tilespmem:$0x10100];
	[tilespmem:s5], [sflag:$0x1] =	stream.strided.gather [hbm4b:s1+s10], $0x2000, s11, s10, $0x38  }
0x2d: {  	s22 =	spop (v2sf);
	(v2sf) =	vpush v61, $0x6;
	s1 =	smin.u32 s12, $0x1E83  }
0x2e: {  	s1 =	sshll.u32 s1, $0x7  }
0x2f: {  	s1 =	sadd.s32 s0, s1  }
0x30: {  	[tilespmem:s13], [sflag:$0x1] =	stream.strided.gather [hbm4b:s1+s10], $0x2000, s11, s10, $0x38;
	[tilespmem:$0x10A00] =	vst v63  }
0x31: {  	s1 =	smin.u32 s22, $0x1E83  }
0x32: {  	s1 =	sshll.u32 s1, $0x7  }
0x33: {  	s1 =	sadd.s32 s0, s1;
	s23 =	spop (v2sf);
	(v2sf) =	vpush v61, $0x7  }
0x34: {  	[tilespmem:s14], [sflag:$0x1] =	stream.strided.gather [hbm4b:s1+s10], $0x2000, s11, s10, $0x38;
	[tilespmem:$0x10A00] =	vst v63  }
0x35: {  	s1 =	smin.u32 s23, $0x1E83  }
0x36: {  	s24 =	spop (v2sf);
	s1 =	sshll.u32 s1, $0x7  }
0x37: {  	s25 =	smin.u32 s24, $0x1E83;
	s1 =	sadd.s32 s0, s1  }
0x38: {  	[tilespmem:s15], [sflag:$0x1] =	stream.strided.gather [hbm4b:s1+s10], $0x2000, s11, s10, $0x38;
	[tilespmem:$0x10A00] =	vst v63  }
0x39: {  	s26 =	spop (v2sf);
	s1 =	sshll.u32 s25, $0x7  }
0x3a: {  	s28 =	smin.u32 s26, $0x1E83;
	s1 =	sadd.s32 s0, s1  }
0x3b: {  	[tilespmem:s16], [sflag:$0x2] =	stream.strided.gather [hbm4b:s1+s10], $0x2000, s11, s10, $0x38;
	[tilespmem:$0x10A00] =	vst v63  }
0x3c: {  	s29 =	spop (v2sf);
	s1 =	sshll.u32 s28, $0x7  }
0x3d: {  	s30 =	smin.u32 s29, $0x1E83;
	s1 =	sadd.s32 s0, s1  }
0x3e: {  	[tilespmem:s17], [sflag:$0x2] =	stream.strided.gather [hbm4b:s1+s10], $0x2000, s11, s10, $0x38;
	[tilespmem:$0x10A00] =	vst v63  }
0x3f: {  	s1 =	sshll.u32 s30, $0x7  }
0x40: {  	s1 =	sadd.s32 s0, s1  }
0x41: {  	[tilespmem:s18], [sflag:$0x2] =	stream.strided.gather [hbm4b:s1+s10], $0x2000, s11, s10, $0x38;
	[tilespmem:$0x10A00] =	vst v63  }
0x42: {  	s31 =	spop (v2sf)  }
0x43: {  	s1 =	smin.u32 s31, $0x1E83  }
0x44: {  	s1 =	sshll.u32 s1, $0x7  }
0x45: {  	s26 =	simm.s32 $0x0;
	s25 =	simm.s32 $0x10200;
	s1 =	sadd.s32 s0, s1  }
0x46: {  	[tilespmem:s19], [sflag:$0x2] =	stream.strided.gather [hbm4b:s1+s10], $0x2000, s11, s10, $0x38;
	[tilespmem:$0x10A00] =	vst v63  }
.LBB2_2:
0x47: {  	s1 =	sshra.s32 s26, $0x2  }
0x48: {  	v62 =	vld [tilespmem:s1+$0x0]  }
0x49: {  	v61 =	vld [tilespmem:s1+$0x10];
	_ =	swait.ge [sflag:s20], $0x2000  }
0x4a: {  	[sflag:s20] =	ssyncset.done $0x0  }
0x4b: {  	[sflag:s20] =	ssyncadd.s32 $0xFFFFE000  }
0x4c: {  	_ =	swait.ge [sflag:s20], $0x2000  }
0x4d: {  	[sflag:s20] =	ssyncset.done $0x0  }
0x4e: {  	[sflag:s20] =	ssyncadd.s32 $0xFFFFE000  }
0x4f: {  	_ =	swait.ge [sflag:s20], $0x2000  }
0x50: {  	[sflag:s20] =	ssyncset.done $0x0  }
0x51: {  	[sflag:s20] =	ssyncadd.s32 $0xFFFFE000  }
0x52: {  	_ =	swait.ge [sflag:s20], $0x2000  }
0x53: {  	(v2sf) =	vpush v62, $0x0;
	_ =	sdelay $0xe  }
0x54: {  	(v2sf) =	vpush v62, $0x1;
	s22 =	spop (v2sf)  }
0x55: {  	s2 =	sshrl.u32 s22, $0x7  }
0x56: {  	s2 =	smin.u32 s2, $0x1E83  }
0x57: {  	s2 =	sshll.u32 s2, $0x7  }
0x58: {  	s1 =	ssub.s32 s22, s2  }
0x59: {  	p0 =	slt.s32 s1, $0x7F  }
0x5a: {  	s1 =	simm.s32 @!p0 $0x7F  }
0x5b: {  	v63 =	vadd.s32 s1, v0  }
0x5c: {  	v5 =	vadd.s32 s1, v2;
	_ =	sdelay $0x1  }
0x5d: {  	[sflag:s20] =	ssyncset.done $0x0;
	v6 =	vadd.s32 s1, v3  }
0x5e: {  	[sflag:s20] =	ssyncadd.s32 $0xFFFFE000  }
0x5f: {  	v7 =	vadd.s32 s1, v4;
	v63 =	vld.idx.msk [tilespmem:v63+s5+$0x0], $0xffff  }
0x60: {  	v5 =	vld.idx.msk [tilespmem:v5+s5+$0x0], $0xffff;
	_ =	sdelay $0x1  }
0x61: {  	(v2sf) =	vpush v62, $0x2;
	s23 =	spop (v2sf);
	v6 =	vld.idx.msk [tilespmem:v6+s5+$0x0], $0xffff  }
0x62: {  	s24 =	sshrl.u32 s23, $0x7  }
0x63: {  	s2 =	smin.u32 s24, $0x1E83;
	v7 =	vld.idx.msk [tilespmem:v7+s5+$0x0], $0xffff  }
0x64: {  	s2 =	sshll.u32 s2, $0x7;
	v63 =	vmul.f32 v63, v57;
	v5 =	vmul.f32 v5, v58  }
0x65: {  	s1 =	ssub.s32 s23, s2  }
0x66: {  	p0 =	slt.s32 s1, $0x7F;
	v6 =	vmul.f32 v6, v59;
	v5 =	vadd.f32 v5, v63  }
0x67: {  	s1 =	simm.s32 @!p0 $0x7F  }
0x68: {  	v5 =	vadd.f32 v6, v5;
	v6 =	vmul.f32 v7, v60;
	v7 =	vadd.s32 s1, v0  }
0x69: {  	v63 =	vadd.s32 s1, v2  }
0x6a: {  	v5 =	vadd.f32 v6, v5  }
0x6b: {  	v6 =	vadd.s32 s1, v3  }
0x6c: {  	[tilespmem:s25+$0xFFFFFF80] =	vst v5  }
0x6d: {  	v5 =	vld.idx.msk [tilespmem:v7+s13+$0x0], $0xffff;
	v7 =	vadd.s32 s1, v4  }
0x6e: {  	v63 =	vld.idx.msk [tilespmem:v63+s13+$0x0], $0xffff;
	_ =	sdelay $0x1  }
0x6f: {  	s28 =	spop (v2sf);
	v6 =	vld.idx.msk [tilespmem:v6+s13+$0x0], $0xffff  }
0x70: {  	(v2sf) =	vpush v62, $0x3;
	s29 =	sshrl.u32 s28, $0x7  }
0x71: {  	s2 =	smin.u32 s29, $0x1E83;
	v7 =	vld.idx.msk [tilespmem:v7+s13+$0x0], $0xffff  }
0x72: {  	s2 =	sshll.u32 s2, $0x7;
	v5 =	vmul.f32 v5, v57;
	v63 =	vmul.f32 v63, v58  }
0x73: {  	s1 =	ssub.s32 s28, s2  }
0x74: {  	p0 =	slt.s32 s1, $0x7F;
	v5 =	vadd.f32 v63, v5;
	v6 =	vmul.f32 v6, v59  }
0x75: {  	s1 =	simm.s32 @!p0 $0x7F  }
0x76: {  	v5 =	vadd.f32 v6, v5;
	v6 =	vmul.f32 v7, v60;
	v7 =	vadd.s32 s1, v0  }
0x77: {  	v63 =	vadd.s32 s1, v2  }
0x78: {  	v5 =	vadd.f32 v6, v5;
	_ =	sdelay $0x1  }
0x79: {  	v6 =	vadd.s32 s1, v3;
	[tilespmem:s25+$0xFFFFFF90] =	vst v5  }
0x7a: {  	v5 =	vld.idx.msk [tilespmem:v7+s14+$0x0], $0xffff  }
0x7b: {  	v7 =	vld.idx.msk [tilespmem:v63+s14+$0x0], $0xffff;
	v63 =	vadd.s32 s1, v4;
	_ =	sdelay $0x2  }
0x7c: {  	s30 =	spop (v2sf);
	v6 =	vld.idx.msk [tilespmem:v6+s14+$0x0], $0xffff  }
0x7d: {  	s31 =	sshrl.u32 s30, $0x7  }
0x7e: {  	s2 =	smin.u32 s31, $0x1E83;
	v63 =	vld.idx.msk [tilespmem:v63+s14+$0x0], $0xffff  }
0x7f: {  	s2 =	sshll.u32 s2, $0x7;
	v5 =	vmul.f32 v5, v57;
	v7 =	vmul.f32 v7, v58  }
0x80: {  	s1 =	ssub.s32 s30, s2  }
0x81: {  	(v2sf) =	vpush v62, $0x8;
	p0 =	slt.s32 s1, $0x7F;
	v5 =	vadd.f32 v7, v5;
	v6 =	vmul.f32 v6, v59  }
0x82: {  	s1 =	simm.s32 @!p0 $0x7F  }
0x83: {  	v7 =	vadd.s32 s1, v0;
	v5 =	vadd.f32 v6, v5;
	v6 =	vmul.f32 v63, v60  }
0x84: {  	v63 =	vadd.s32 s1, v2  }
0x85: {  	v5 =	vadd.f32 v6, v5  }
0x86: {  	v6 =	vadd.s32 s1, v3  }
0x87: {  	[tilespmem:s25+$0xFFFFFFA0] =	vst v5  }
0x88: {  	v5 =	vld.idx.msk [tilespmem:v7+s15+$0x0], $0xffff;
	v7 =	vadd.s32 s1, v4  }
0x89: {  	(v2sf) =	vpush v62, $0x9;
	v63 =	vld.idx.msk [tilespmem:v63+s15+$0x0], $0xffff;
	_ =	sdelay $0x1  }
0x8a: {  	v6 =	vld.idx.msk [tilespmem:v6+s15+$0x0], $0xffff  }
0x8b: {  	(v2sf) =	vpush v62, $0xA  }
0x8c: {  	v7 =	vld.idx.msk [tilespmem:v7+s15+$0x0], $0xffff  }
0x8d: {  	v5 =	vmul.f32 v5, v57;
	v63 =	vmul.f32 v63, v58;
	_ =	sdelay $0x1  }
0x8e: {  	s5 =	spop (v2sf);
	(v2sf) =	vpush v62, $0xB;
	v5 =	vadd.f32 v63, v5;
	v6 =	vmul.f32 v6, v59;
	_ =	sdelay $0x1  }
0x8f: {  	v5 =	vadd.f32 v6, v5;
	v6 =	vmul.f32 v7, v60  }
0x90: {  	s4 =	sshrl.u32 s5, $0x7  }
0x91: {  	s1 =	smin.u32 s4, $0x1E83;
	v5 =	vadd.f32 v6, v5  }
0x92: {  	s7 =	sshll.u32 s1, $0x7  }
0x93: {  	s3 =	simm.s32 $0x100;
	s1 =	sadd.s32 s0, s7;
	[tilespmem:s25+$0xFFFFFFB0] =	vst v5  }
0x94: {  	[tilespmem:s3], [sflag:$0x1] =	stream.strided.gather [hbm4b:s1+s10], $0x2000, s11, s10, $0x38;
	[tilespmem:$0x10A00] =	vst v63  }
0x95: {  	s3 =	spop (v2sf)  }
0x96: {  	s6 =	sshrl.u32 s3, $0x7  }
0x97: {  	s1 =	smin.u32 s6, $0x1E83  }
0x98: {  	s30 =	spop (v2sf);
	s9 =	sshll.u32 s1, $0x7  }
0x99: {  	s8 =	sshrl.u32 s30, $0x7;
	s1 =	sadd.s32 s0, s9  }
0x9a: {  	[tilespmem:s13], [sflag:$0x1] =	stream.strided.gather [hbm4b:s1+s10], $0x2000, s11, s10, $0x38;
	[tilespmem:$0x10A00] =	vst v63  }
0x9b: {  	s1 =	smin.u32 s8, $0x1E83  }
0x9c: {  	s28 =	spop (v2sf);
	s31 =	sshll.u32 s1, $0x7  }
0x9d: {  	s12 =	sshrl.u32 s28, $0x7;
	s1 =	sadd.s32 s0, s31  }
0x9e: {  	[tilespmem:s14], [sflag:$0x1] =	stream.strided.gather [hbm4b:s1+s10], $0x2000, s11, s10, $0x38;
	[tilespmem:$0x10A00] =	vst v63  }
0x9f: {  	s1 =	smin.u32 s12, $0x1E83  }
0xa0: {  	s29 =	sshll.u32 s1, $0x7  }
0xa1: {  	s1 =	sadd.s32 s0, s29  }
0xa2: {  	[tilespmem:s15], [sflag:$0x1] =	stream.strided.gather [hbm4b:s1+s10], $0x2000, s11, s10, $0x38;
	[tilespmem:$0x10A00] =	vst v63  }
0xa3: {  	_ =	swait.ge [sflag:s21], $0x2000  }
0xa4: {  	[sflag:s21] =	ssyncset.done $0x0  }
0xa5: {  	[sflag:s21] =	ssyncadd.s32 $0xFFFFE000  }
0xa6: {  	_ =	swait.ge [sflag:s21], $0x2000  }
0xa7: {  	[sflag:s21] =	ssyncset.done $0x0  }
0xa8: {  	[sflag:s21] =	ssyncadd.s32 $0xFFFFE000  }
0xa9: {  	_ =	swait.ge [sflag:s21], $0x2000  }
0xaa: {  	[sflag:s21] =	ssyncset.done $0x0  }
0xab: {  	[sflag:s21] =	ssyncadd.s32 $0xFFFFE000  }
0xac: {  	_ =	swait.ge [sflag:s21], $0x2000  }
0xad: {  	(v2sf) =	vpush v62, $0x4;
	_ =	sdelay $0xe  }
0xae: {  	(v2sf) =	vpush v62, $0x5;
	s22 =	spop (v2sf)  }
0xaf: {  	s23 =	sshrl.u32 s22, $0x7  }
0xb0: {  	s2 =	smin.u32 s23, $0x1E83  }
0xb1: {  	s2 =	sshll.u32 s2, $0x7  }
0xb2: {  	s1 =	ssub.s32 s22, s2  }
0xb3: {  	p0 =	slt.s32 s1, $0x7F  }
0xb4: {  	s1 =	simm.s32 @!p0 $0x7F  }
0xb5: {  	v5 =	vadd.s32 s1, v0  }
0xb6: {  	v6 =	vadd.s32 s1, v2;
	_ =	sdelay $0x1  }
0xb7: {  	[sflag:s21] =	ssyncset.done $0x0;
	v7 =	vadd.s32 s1, v3  }
0xb8: {  	[sflag:s21] =	ssyncadd.s32 $0xFFFFE000  }
0xb9: {  	v63 =	vadd.s32 s1, v4;
	v5 =	vld.idx.msk [tilespmem:v5+s16+$0x0], $0xffff  }
0xba: {  	v6 =	vld.idx.msk [tilespmem:v6+s16+$0x0], $0xffff;
	_ =	sdelay $0x1  }
0xbb: {  	(v2sf) =	vpush v62, $0x6;
	s24 =	spop (v2sf);
	v7 =	vld.idx.msk [tilespmem:v7+s16+$0x0], $0xffff  }
0xbc: {  	s4 =	sshrl.u32 s24, $0x7  }
0xbd: {  	s2 =	smin.u32 s4, $0x1E83;
	v63 =	vld.idx.msk [tilespmem:v63+s16+$0x0], $0xffff  }
0xbe: {  	s2 =	sshll.u32 s2, $0x7;
	v5 =	vmul.f32 v5, v57;
	v6 =	vmul.f32 v6, v58  }
0xbf: {  	s1 =	ssub.s32 s24, s2  }
0xc0: {  	p0 =	slt.s32 s1, $0x7F;
	v5 =	vadd.f32 v6, v5;
	v6 =	vmul.f32 v7, v59  }
0xc1: {  	s1 =	simm.s32 @!p0 $0x7F  }
0xc2: {  	v7 =	vadd.s32 s1, v0;
	v5 =	vadd.f32 v6, v5;
	v6 =	vmul.f32 v63, v60  }
0xc3: {  	v63 =	vadd.s32 s1, v2  }
0xc4: {  	v5 =	vadd.f32 v6, v5  }
0xc5: {  	v6 =	vadd.s32 s1, v3  }
0xc6: {  	[tilespmem:s25+$0xFFFFFFC0] =	vst v5  }
0xc7: {  	v5 =	vld.idx.msk [tilespmem:v7+s17+$0x0], $0xffff;
	v7 =	vadd.s32 s1, v4  }
0xc8: {  	v63 =	vld.idx.msk [tilespmem:v63+s17+$0x0], $0xffff;
	_ =	sdelay $0x1  }
0xc9: {  	s6 =	spop (v2sf);
	v6 =	vld.idx.msk [tilespmem:v6+s17+$0x0], $0xffff  }
0xca: {  	(v2sf) =	vpush v62, $0x7;
	s8 =	sshrl.u32 s6, $0x7  }
0xcb: {  	s2 =	smin.u32 s8, $0x1E83;
	v7 =	vld.idx.msk [tilespmem:v7+s17+$0x0], $0xffff  }
0xcc: {  	s2 =	sshll.u32 s2, $0x7;
	v5 =	vmul.f32 v5, v57;
	v63 =	vmul.f32 v63, v58  }
0xcd: {  	s1 =	ssub.s32 s6, s2  }
0xce: {  	p0 =	slt.s32 s1, $0x7F;
	v5 =	vadd.f32 v63, v5;
	v6 =	vmul.f32 v6, v59  }
0xcf: {  	s1 =	simm.s32 @!p0 $0x7F  }
0xd0: {  	v5 =	vadd.f32 v6, v5;
	v6 =	vmul.f32 v7, v60;
	v7 =	vadd.s32 s1, v0  }
0xd1: {  	v63 =	vadd.s32 s1, v2  }
0xd2: {  	v5 =	vadd.f32 v6, v5;
	_ =	sdelay $0x1  }
0xd3: {  	v6 =	vadd.s32 s1, v3;
	[tilespmem:s25+$0xFFFFFFD0] =	vst v5  }
0xd4: {  	v5 =	vld.idx.msk [tilespmem:v7+s18+$0x0], $0xffff  }
0xd5: {  	v7 =	vld.idx.msk [tilespmem:v63+s18+$0x0], $0xffff;
	v63 =	vadd.s32 s1, v4;
	_ =	sdelay $0x2  }
0xd6: {  	s12 =	spop (v2sf);
	v6 =	vld.idx.msk [tilespmem:v6+s18+$0x0], $0xffff  }
0xd7: {  	s22 =	sshrl.u32 s12, $0x7  }
0xd8: {  	s2 =	smin.u32 s22, $0x1E83;
	v63 =	vld.idx.msk [tilespmem:v63+s18+$0x0], $0xffff  }
0xd9: {  	(v2sf) =	vpush v62, $0xC;
	s2 =	sshll.u32 s2, $0x7;
	v5 =	vmul.f32 v5, v57;
	v7 =	vmul.f32 v7, v58  }
0xda: {  	s1 =	ssub.s32 s12, s2  }
0xdb: {  	p0 =	slt.s32 s1, $0x7F;
	v5 =	vadd.f32 v7, v5;
	v6 =	vmul.f32 v6, v59  }
0xdc: {  	s1 =	simm.s32 @!p0 $0x7F  }
0xdd: {  	v7 =	vadd.s32 s1, v0;
	v5 =	vadd.f32 v6, v5;
	v6 =	vmul.f32 v63, v60  }
0xde: {  	v63 =	vadd.s32 s1, v2  }
0xdf: {  	v5 =	vadd.f32 v6, v5  }
0xe0: {  	(v2sf) =	vpush v62, $0xD;
	v6 =	vadd.s32 s1, v3  }
0xe1: {  	[tilespmem:s25+$0xFFFFFFE0] =	vst v5  }
0xe2: {  	v5 =	vld.idx.msk [tilespmem:v7+s19+$0x0], $0xffff;
	v7 =	vadd.s32 s1, v4  }
0xe3: {  	v63 =	vld.idx.msk [tilespmem:v63+s19+$0x0], $0xffff  }
0xe4: {  	(v2sf) =	vpush v62, $0xE  }
0xe5: {  	v6 =	vld.idx.msk [tilespmem:v6+s19+$0x0], $0xffff;
	_ =	sdelay $0x1  }
0xe6: {  	v7 =	vld.idx.msk [tilespmem:v7+s19+$0x0], $0xffff  }
0xe7: {  	s24 =	spop (v2sf);
	(v2sf) =	vpush v62, $0xF;
	v5 =	vmul.f32 v5, v57;
	v63 =	vmul.f32 v63, v58;
	_ =	sdelay $0x1  }
0xe8: {  	v5 =	vadd.f32 v63, v5;
	v6 =	vmul.f32 v6, v59;
	_ =	sdelay $0x1  }
0xe9: {  	v5 =	vadd.f32 v6, v5;
	v6 =	vmul.f32 v7, v60  }
0xea: {  	s23 =	sshrl.u32 s24, $0x7  }
0xeb: {  	s1 =	smin.u32 s23, $0x1E83;
	v5 =	vadd.f32 v6, v5  }
0xec: {  	s4 =	spop (v2sf);
	s22 =	sshll.u32 s1, $0x7  }
0xed: {  	s2 =	sshrl.u32 s4, $0x7;
	s1 =	sadd.s32 s0, s22;
	[tilespmem:s25+$0xFFFFFFF0] =	vst v5  }
0xee: {  	[tilespmem:s16], [sflag:$0x2] =	stream.strided.gather [hbm4b:s1+s10], $0x2000, s11, s10, $0x38;
	[tilespmem:$0x10A00] =	vst v63  }
0xef: {  	s1 =	smin.u32 s2, $0x1E83  }
0xf0: {  	s23 =	spop (v2sf);
	s8 =	sshll.u32 s1, $0x7  }
0xf1: {  	s6 =	sshrl.u32 s23, $0x7;
	s1 =	sadd.s32 s0, s8  }
0xf2: {  	[tilespmem:s17], [sflag:$0x2] =	stream.strided.gather [hbm4b:s1+s10], $0x2000, s11, s10, $0x38;
	[tilespmem:$0x10A00] =	vst v63  }
0xf3: {  	s1 =	smin.u32 s6, $0x1E83  }
0xf4: {  	s2 =	spop (v2sf);
	s6 =	sshll.u32 s1, $0x7  }
0xf5: {  	s12 =	sshrl.u32 s2, $0x7;
	s1 =	sadd.s32 s0, s6  }
0xf6: {  	[tilespmem:s18], [sflag:$0x2] =	stream.strided.gather [hbm4b:s1+s10], $0x2000, s11, s10, $0x38;
	[tilespmem:$0x10A00] =	vst v63  }
0xf7: {  	s1 =	smin.u32 s12, $0x1E83  }
0xf8: {  	s1 =	sshll.u32 s1, $0x7  }
0xf9: {  	s12 =	sadd.s32 s0, s1  }
0xfa: {  	[tilespmem:s19], [sflag:$0x2] =	stream.strided.gather [hbm4b:s12+s10], $0x2000, s11, s10, $0x38;
	[tilespmem:$0x10A00] =	vst v63  }
0xfb: {  	_ =	swait.ge [sflag:s20], $0x2000  }
0xfc: {  	[sflag:s20] =	ssyncset.done $0x0  }
0xfd: {  	[sflag:s20] =	ssyncadd.s32 $0xFFFFE000  }
0xfe: {  	_ =	swait.ge [sflag:s20], $0x2000  }
0xff: {  	s5 =	ssub.s32 s5, s7;
	[sflag:s20] =	ssyncset.done $0x0  }
0x100: {  	p0 =	slt.s32 s5, $0x7F;
	[sflag:s20] =	ssyncadd.s32 $0xFFFFE000  }
0x101: {  	s5 =	simm.s32 @!p0 $0x7F;
	_ =	swait.ge [sflag:s20], $0x2000  }
0x102: {  	v5 =	vadd.s32 s5, v0;
	[sflag:s20] =	ssyncset.done $0x0  }
0x103: {  	v6 =	vadd.s32 s5, v2;
	[sflag:s20] =	ssyncadd.s32 $0xFFFFE000  }
0x104: {  	_ =	swait.ge [sflag:s20], $0x2000  }
0x105: {  	v7 =	vadd.s32 s5, v3;
	[sflag:s20] =	ssyncset.done $0x0  }
0x106: {  	v62 =	vadd.s32 s5, v4;
	s5 =	simm.s32 $0x100;
	[sflag:s20] =	ssyncadd.s32 $0xFFFFE000  }
0x107: {  	v5 =	vld.idx.msk [tilespmem:v5+s5+$0x0], $0xffff  }
0x108: {  	v6 =	vld.idx.msk [tilespmem:v6+s5+$0x0], $0xffff;
	_ =	sdelay $0x1  }
0x109: {  	v7 =	vld.idx.msk [tilespmem:v7+s5+$0x0], $0xffff;
	_ =	sdelay $0x1  }
0x10a: {  	v62 =	vld.idx.msk [tilespmem:v62+s5+$0x0], $0xffff  }
0x10b: {  	v5 =	vmul.f32 v5, v57;
	v6 =	vmul.f32 v6, v58  }
0x10c: {  	s3 =	ssub.s32 s3, s9  }
0x10d: {  	p0 =	slt.s32 s3, $0x7F;
	v5 =	vadd.f32 v6, v5;
	v6 =	vmul.f32 v7, v59  }
0x10e: {  	s3 =	simm.s32 @!p0 $0x7F  }
0x10f: {  	v7 =	vadd.s32 s3, v0;
	v5 =	vadd.f32 v6, v5;
	v6 =	vmul.f32 v62, v60  }
0x110: {  	v62 =	vadd.s32 s3, v2  }
0x111: {  	v5 =	vadd.f32 v6, v5  }
0x112: {  	v6 =	vadd.s32 s3, v3  }
0x113: {  	[tilespmem:s25+$0x0] =	vst v5  }
0x114: {  	v5 =	vadd.s32 s3, v4;
	v7 =	vld.idx.msk [tilespmem:v7+s13+$0x0], $0xffff  }
0x115: {  	v62 =	vld.idx.msk [tilespmem:v62+s13+$0x0], $0xffff;
	_ =	sdelay $0x1  }
0x116: {  	v6 =	vld.idx.msk [tilespmem:v6+s13+$0x0], $0xffff;
	_ =	sdelay $0x1  }
0x117: {  	v5 =	vld.idx.msk [tilespmem:v5+s13+$0x0], $0xffff  }
0x118: {  	v7 =	vmul.f32 v7, v57;
	v62 =	vmul.f32 v62, v58  }
0x119: {  	s3 =	ssub.s32 s30, s31  }
0x11a: {  	p0 =	slt.s32 s3, $0x7F;
	v7 =	vadd.f32 v62, v7;
	v6 =	vmul.f32 v6, v59  }
0x11b: {  	s3 =	simm.s32 @!p0 $0x7F  }
0x11c: {  	v6 =	vadd.f32 v6, v7;
	v5 =	vmul.f32 v5, v60;
	v7 =	vadd.s32 s3, v0  }
0x11d: {  	v62 =	vadd.s32 s3, v2  }
0x11e: {  	v5 =	vadd.f32 v5, v6  }
0x11f: {  	v6 =	vadd.s32 s3, v3  }
0x120: {  	[tilespmem:s25+$0x10] =	vst v5  }
0x121: {  	v5 =	vld.idx.msk [tilespmem:v7+s14+$0x0], $0xffff;
	v7 =	vadd.s32 s3, v4  }
0x122: {  	v62 =	vld.idx.msk [tilespmem:v62+s14+$0x0], $0xffff;
	_ =	sdelay $0x1  }
0x123: {  	v6 =	vld.idx.msk [tilespmem:v6+s14+$0x0], $0xffff;
	_ =	sdelay $0x1  }
0x124: {  	v7 =	vld.idx.msk [tilespmem:v7+s14+$0x0], $0xffff  }
0x125: {  	v61 =	vshrl.u32 v61, $0x7;
	v5 =	vmul.f32 v5, v57;
	v62 =	vmul.f32 v62, v58  }
0x126: {  	(v2sf) =	vpush v61, $0x0;
	s3 =	ssub.s32 s28, s29  }
0x127: {  	p0 =	slt.s32 s3, $0x7F;
	v5 =	vadd.f32 v62, v5;
	v6 =	vmul.f32 v6, v59  }
0x128: {  	s3 =	simm.s32 @!p0 $0x7F  }
0x129: {  	v5 =	vadd.f32 v6, v5;
	v6 =	vmul.f32 v7, v60;
	v7 =	vadd.s32 s3, v0  }
0x12a: {  	v62 =	vadd.s32 s3, v2  }
0x12b: {  	v5 =	vadd.f32 v6, v5  }
0x12c: {  	v6 =	vadd.s32 s3, v3  }
0x12d: {  	(v2sf) =	vpush v61, $0x1;
	[tilespmem:s25+$0x20] =	vst v5  }
0x12e: {  	v5 =	vld.idx.msk [tilespmem:v7+s15+$0x0], $0xffff;
	v7 =	vadd.s32 s3, v4  }
0x12f: {  	v62 =	vld.idx.msk [tilespmem:v62+s15+$0x0], $0xffff;
	_ =	sdelay $0x1  }
0x130: {  	(v2sf) =	vpush v61, $0x2;
	v6 =	vld.idx.msk [tilespmem:v6+s15+$0x0], $0xffff;
	_ =	sdelay $0x1  }
0x131: {  	v7 =	vld.idx.msk [tilespmem:v7+s15+$0x0], $0xffff  }
0x132: {  	v5 =	vmul.f32 v5, v57;
	v62 =	vmul.f32 v62, v58  }
0x133: {  	s31 =	spop (v2sf);
	(v2sf) =	vpush v61, $0x3  }
0x134: {  	v5 =	vadd.f32 v62, v5;
	v6 =	vmul.f32 v6, v59;
	_ =	sdelay $0x1  }
0x135: {  	v5 =	vadd.f32 v6, v5;
	v6 =	vmul.f32 v7, v60;
	_ =	sdelay $0x1  }
0x136: {  	s3 =	smin.u32 s31, $0x1E83;
	v5 =	vadd.f32 v6, v5  }
0x137: {  	s3 =	sshll.u32 s3, $0x7  }
0x138: {  	s7 =	spop (v2sf);
	s3 =	sadd.s32 s0, s3;
	[tilespmem:s25+$0x30] =	vst v5  }
0x139: {  	[tilespmem:s5], [sflag:$0x1] =	stream.strided.gather [hbm4b:s3+s10], $0x2000, s11, s10, $0x38;
	[tilespmem:$0x10A00] =	vst v63  }
0x13a: {  	s3 =	smin.u32 s7, $0x1E83  }
0x13b: {  	s3 =	sshll.u32 s3, $0x7  }
0x13c: {  	s9 =	spop (v2sf);
	s3 =	sadd.s32 s0, s3  }
0x13d: {  	[tilespmem:s13], [sflag:$0x1] =	stream.strided.gather [hbm4b:s3+s10], $0x2000, s11, s10, $0x38;
	[tilespmem:$0x10A00] =	vst v63  }
0x13e: {  	s3 =	smin.u32 s9, $0x1E83  }
0x13f: {  	s3 =	sshll.u32 s3, $0x7  }
0x140: {  	s12 =	spop (v2sf);
	s3 =	sadd.s32 s0, s3  }
0x141: {  	[tilespmem:s14], [sflag:$0x1] =	stream.strided.gather [hbm4b:s3+s10], $0x2000, s11, s10, $0x38;
	[tilespmem:$0x10A00] =	vst v63  }
0x142: {  	s3 =	smin.u32 s12, $0x1E83  }
0x143: {  	s3 =	sshll.u32 s3, $0x7  }
0x144: {  	s3 =	sadd.s32 s0, s3  }
0x145: {  	[tilespmem:s15], [sflag:$0x1] =	stream.strided.gather [hbm4b:s3+s10], $0x2000, s11, s10, $0x38;
	[tilespmem:$0x10A00] =	vst v63  }
0x146: {  	_ =	swait.ge [sflag:s21], $0x2000  }
0x147: {  	[sflag:s21] =	ssyncset.done $0x0  }
0x148: {  	[sflag:s21] =	ssyncadd.s32 $0xFFFFE000  }
0x149: {  	_ =	swait.ge [sflag:s21], $0x2000  }
0x14a: {  	s3 =	ssub.s32 s24, s22;
	[sflag:s21] =	ssyncset.done $0x0  }
0x14b: {  	p0 =	slt.s32 s3, $0x7F;
	[sflag:s21] =	ssyncadd.s32 $0xFFFFE000  }
0x14c: {  	s3 =	simm.s32 @!p0 $0x7F;
	_ =	swait.ge [sflag:s21], $0x2000  }
0x14d: {  	v5 =	vadd.s32 s3, v0;
	[sflag:s21] =	ssyncset.done $0x0  }
0x14e: {  	v6 =	vadd.s32 s3, v2;
	[sflag:s21] =	ssyncadd.s32 $0xFFFFE000  }
0x14f: {  	_ =	swait.ge [sflag:s21], $0x2000  }
0x150: {  	v7 =	vadd.s32 s3, v3;
	[sflag:s21] =	ssyncset.done $0x0  }
0x151: {  	[sflag:s21] =	ssyncadd.s32 $0xFFFFE000  }
0x152: {  	v62 =	vadd.s32 s3, v4;
	v5 =	vld.idx.msk [tilespmem:v5+s16+$0x0], $0xffff  }
0x153: {  	v6 =	vld.idx.msk [tilespmem:v6+s16+$0x0], $0xffff;
	_ =	sdelay $0x1  }
0x154: {  	v7 =	vld.idx.msk [tilespmem:v7+s16+$0x0], $0xffff;
	_ =	sdelay $0x1  }
0x155: {  	v62 =	vld.idx.msk [tilespmem:v62+s16+$0x0], $0xffff  }
0x156: {  	v5 =	vmul.f32 v5, v57;
	v6 =	vmul.f32 v6, v58  }
0x157: {  	s3 =	ssub.s32 s4, s8  }
0x158: {  	p0 =	slt.s32 s3, $0x7F;
	v5 =	vadd.f32 v6, v5;
	v6 =	vmul.f32 v7, v59  }
0x159: {  	s3 =	simm.s32 @!p0 $0x7F  }
0x15a: {  	v7 =	vadd.s32 s3, v0;
	v5 =	vadd.f32 v6, v5;
	v6 =	vmul.f32 v62, v60  }
0x15b: {  	v62 =	vadd.s32 s3, v2  }
0x15c: {  	v5 =	vadd.f32 v6, v5  }
0x15d: {  	v6 =	vadd.s32 s3, v3  }
0x15e: {  	[tilespmem:s25+$0x40] =	vst v5  }
0x15f: {  	v5 =	vadd.s32 s3, v4;
	v7 =	vld.idx.msk [tilespmem:v7+s17+$0x0], $0xffff  }
0x160: {  	v62 =	vld.idx.msk [tilespmem:v62+s17+$0x0], $0xffff;
	_ =	sdelay $0x1  }
0x161: {  	v6 =	vld.idx.msk [tilespmem:v6+s17+$0x0], $0xffff;
	_ =	sdelay $0x1  }
0x162: {  	v5 =	vld.idx.msk [tilespmem:v5+s17+$0x0], $0xffff  }
0x163: {  	v7 =	vmul.f32 v7, v57;
	v62 =	vmul.f32 v62, v58  }
0x164: {  	s3 =	ssub.s32 s23, s6  }
0x165: {  	p0 =	slt.s32 s3, $0x7F;
	v7 =	vadd.f32 v62, v7;
	v6 =	vmul.f32 v6, v59  }
0x166: {  	s3 =	simm.s32 @!p0 $0x7F  }
0x167: {  	v6 =	vadd.f32 v6, v7;
	v5 =	vmul.f32 v5, v60;
	v7 =	vadd.s32 s3, v0  }
0x168: {  	v62 =	vadd.s32 s3, v2  }
0x169: {  	v5 =	vadd.f32 v5, v6  }
0x16a: {  	v6 =	vadd.s32 s3, v3  }
0x16b: {  	[tilespmem:s25+$0x50] =	vst v5  }
0x16c: {  	v5 =	vadd.s32 s3, v4;
	v7 =	vld.idx.msk [tilespmem:v7+s18+$0x0], $0xffff  }
0x16d: {  	v62 =	vld.idx.msk [tilespmem:v62+s18+$0x0], $0xffff;
	_ =	sdelay $0x1  }
0x16e: {  	v6 =	vld.idx.msk [tilespmem:v6+s18+$0x0], $0xffff;
	_ =	sdelay $0x1  }
0x16f: {  	v5 =	vld.idx.msk [tilespmem:v5+s18+$0x0], $0xffff  }
0x170: {  	v7 =	vmul.f32 v7, v57;
	v62 =	vmul.f32 v62, v58  }
0x171: {  	s1 =	ssub.s32 s2, s1  }
0x172: {  	p0 =	slt.s32 s1, $0x7F;
	v7 =	vadd.f32 v62, v7;
	v6 =	vmul.f32 v6, v59  }
0x173: {  	(v2sf) =	vpush v61, $0x4;
	s1 =	simm.s32 @!p0 $0x7F  }
0x174: {  	v6 =	vadd.f32 v6, v7;
	v5 =	vmul.f32 v5, v60;
	v7 =	vadd.s32 s1, v0  }
0x175: {  	v62 =	vadd.s32 s1, v2  }
0x176: {  	v5 =	vadd.f32 v5, v6  }
0x177: {  	v6 =	vadd.s32 s1, v3  }
0x178: {  	(v2sf) =	vpush v61, $0x5;
	[tilespmem:s25+$0x60] =	vst v5  }
0x179: {  	v5 =	vld.idx.msk [tilespmem:v7+s19+$0x0], $0xffff;
	v7 =	vadd.s32 s1, v4  }
0x17a: {  	v62 =	vld.idx.msk [tilespmem:v62+s19+$0x0], $0xffff;
	_ =	sdelay $0x1  }
0x17b: {  	(v2sf) =	vpush v61, $0x6;
	v6 =	vld.idx.msk [tilespmem:v6+s19+$0x0], $0xffff;
	_ =	sdelay $0x1  }
0x17c: {  	v7 =	vld.idx.msk [tilespmem:v7+s19+$0x0], $0xffff  }
0x17d: {  	v5 =	vmul.f32 v5, v57;
	v62 =	vmul.f32 v62, v58;
	_ =	sdelay $0x1  }
0x17e: {  	v5 =	vadd.f32 v62, v5;
	v6 =	vmul.f32 v6, v59  }
0x17f: {  	s28 =	spop (v2sf);
	(v2sf) =	vpush v61, $0x7  }
0x180: {  	v5 =	vadd.f32 v6, v5;
	v6 =	vmul.f32 v7, v60;
	_ =	sdelay $0x1  }
0x181: {  	s1 =	smin.u32 s28, $0x1E83;
	v5 =	vadd.f32 v6, v5  }
0x182: {  	s1 =	sshll.u32 s1, $0x7  }
0x183: {  	s29 =	spop (v2sf);
	s1 =	sadd.s32 s0, s1;
	[tilespmem:s25+$0x70] =	vst v5  }
0x184: {  	[tilespmem:s16], [sflag:$0x2] =	stream.strided.gather [hbm4b:s1+s10], $0x2000, s11, s10, $0x38;
	[tilespmem:$0x10A00] =	vst v63  }
0x185: {  	s1 =	smin.u32 s29, $0x1E83  }
0x186: {  	s1 =	sshll.u32 s1, $0x7  }
0x187: {  	s30 =	spop (v2sf);
	s1 =	sadd.s32 s0, s1  }
0x188: {  	[tilespmem:s17], [sflag:$0x2] =	stream.strided.gather [hbm4b:s1+s10], $0x2000, s11, s10, $0x38;
	[tilespmem:$0x10A00] =	vst v63  }
0x189: {  	s1 =	smin.u32 s30, $0x1E83  }
0x18a: {  	s1 =	sshll.u32 s1, $0x7  }
0x18b: {  	p0 =	sne.s32 s26, $0x1C0;
	s1 =	sadd.s32 s0, s1  }
0x18c: {  	[tilespmem:s18], [sflag:$0x2] =	stream.strided.gather [hbm4b:s1+s10], $0x2000, s11, s10, $0x38;
	[tilespmem:$0x10A00] =	vst v63  }
.Ltmp0:
0x18d: {  	s31 =	spop (v2sf);
	(pc) =	sbr.rel @p0 .LBB2_2-.Ltmp0, $4  }
0x18e: {  	s1 =	smin.u32 s31, $0x1E83  }
0x18f: {  	s1 =	sshll.u32 s1, $0x7  }
0x190: {  	s26 =	sadd.s32 $0x40, s26;
	s25 =	sadd.s32 $0x100, s25;
	s1 =	sadd.s32 s0, s1  }
0x191: {  	[tilespmem:s19], [sflag:$0x2] =	stream.strided.gather [hbm4b:s1+s10], $0x2000, s11, s10, $0x38;
	[tilespmem:$0x10A00] =	vst v63  }
0x192: {  	_ =	swait.ge [sflag:s20], $0x2000  }
0x193: {  	[sflag:s20] =	ssyncset.done $0x0  }
0x194: {  	[sflag:s20] =	ssyncadd.s32 $0xFFFFE000  }
0x195: {  	_ =	swait.ge [sflag:s20], $0x2000  }
0x196: {  	[sflag:s20] =	ssyncset.done $0x0  }
0x197: {  	[sflag:s20] =	ssyncadd.s32 $0xFFFFE000  }
0x198: {  	_ =	swait.ge [sflag:s20], $0x2000  }
0x199: {  	[sflag:s20] =	ssyncset.done $0x0  }
0x19a: {  	[sflag:s20] =	ssyncadd.s32 $0xFFFFE000  }
0x19b: {  	_ =	swait.ge [sflag:s20], $0x2000  }
0x19c: {  	[sflag:s20] =	ssyncset.done $0x0  }
0x19d: {  	[sflag:s20] =	ssyncadd.s32 $0xFFFFE000  }
0x19e: {  	_ =	swait.ge [sflag:s21], $0x2000  }
0x19f: {  	[sflag:s21] =	ssyncset.done $0x0  }
0x1a0: {  	[sflag:s21] =	ssyncadd.s32 $0xFFFFE000  }
0x1a1: {  	_ =	swait.ge [sflag:s21], $0x2000  }
0x1a2: {  	[sflag:s21] =	ssyncset.done $0x0  }
0x1a3: {  	[sflag:s21] =	ssyncadd.s32 $0xFFFFE000  }
0x1a4: {  	_ =	swait.ge [sflag:s21], $0x2000  }
0x1a5: {  	[sflag:s21] =	ssyncset.done $0x0  }
0x1a6: {  	[sflag:s21] =	ssyncadd.s32 $0xFFFFE000  }
0x1a7: {  	_ =	swait.ge [sflag:s21], $0x2000  }
0x1a8: {  	v6 =	vld [tilespmem:$0x1FFD0];
	_ =	sdelay $0x1  }
0x1a9: {  	v7 =	vld [tilespmem:$0x1FFE0];
	_ =	sdelay $0x1  }
0x1aa: {  	v57 =	vld [tilespmem:$0x1FFF0]  }
0x1ab: {  	[sflag:s21] =	ssyncset.done $0x0  }
0x1ac: {  	s1 =	simm.s32 $0x10180;
	[sflag:s21] =	ssyncadd.s32 $0xFFFFE000  }
0x1ad: {  	v5 =	vld.idx.msk [tilespmem:v1+s1+$0x0], $0xffff  }
0x1ae: {  	v6 =	vld.idx.msk [tilespmem:v6+s1+$0x0], $0xffff;
	_ =	sdelay $0x1  }
0x1af: {  	v7 =	vld.idx.msk [tilespmem:v7+s1+$0x0], $0xffff;
	_ =	sdelay $0x1  }
0x1b0: {  	v57 =	vld.idx.msk [tilespmem:v57+s1+$0x0], $0xffff  }
0x1b1: {  	v5 =	vadd.f32 v6, v5  }
0x1b2: {  	v6 =	vld.idx.msk [tilespmem:v8+s1+$0x0], $0xffff  }
0x1b3: {  	v5 =	vadd.f32 v7, v5  }
0x1b4: {  	v7 =	vld.idx.msk [tilespmem:v9+s1+$0x0], $0xffff  }
0x1b5: {  	v5 =	vadd.f32 v57, v5  }
0x1b6: {  	v63 =	vld.idx.msk [tilespmem:v10+s1+$0x0], $0xffff  }
0x1b7: {  	v5 =	vadd.f32 v6, v5  }
0x1b8: {  	v6 =	vld.idx.msk [tilespmem:v11+s1+$0x0], $0xffff  }
0x1b9: {  	v5 =	vadd.f32 v7, v5  }
0x1ba: {  	v7 =	vld.idx.msk [tilespmem:v12+s1+$0x0], $0xffff  }
0x1bb: {  	v5 =	vadd.f32 v63, v5  }
0x1bc: {  	v60 =	vld.idx.msk [tilespmem:v13+s1+$0x0], $0xffff  }
0x1bd: {  	v5 =	vadd.f32 v6, v5  }
0x1be: {  	v6 =	vld.idx.msk [tilespmem:v14+s1+$0x0], $0xffff  }
0x1bf: {  	v5 =	vadd.f32 v7, v5  }
0x1c0: {  	v7 =	vld.idx.msk [tilespmem:v15+s1+$0x0], $0xffff  }
0x1c1: {  	v5 =	vadd.f32 v60, v5  }
0x1c2: {  	v61 =	vld.idx.msk [tilespmem:v16+s1+$0x0], $0xffff  }
0x1c3: {  	v5 =	vadd.f32 v6, v5  }
0x1c4: {  	v6 =	vld.idx.msk [tilespmem:v17+s1+$0x0], $0xffff  }
0x1c5: {  	v5 =	vadd.f32 v7, v5  }
0x1c6: {  	v7 =	vld.idx.msk [tilespmem:v18+s1+$0x0], $0xffff  }
0x1c7: {  	v5 =	vadd.f32 v61, v5  }
0x1c8: {  	v62 =	vld.idx.msk [tilespmem:v19+s1+$0x0], $0xffff  }
0x1c9: {  	v5 =	vadd.f32 v6, v5;
	_ =	sdelay $0x1  }
0x1ca: {  	v5 =	vadd.f32 v7, v5;
	_ =	sdelay $0x1  }
0x1cb: {  	v5 =	vadd.f32 v62, v5;
	_ =	sdelay $0x1  }
0x1cc: {  	[tilespmem:$0x10980] =	vst v5  }
0x1cd: {  	v5 =	vld.idx.msk [tilespmem:v20+s1+$0x0], $0xffff  }
0x1ce: {  	v6 =	vld.idx.msk [tilespmem:v21+s1+$0x0], $0xffff;
	_ =	sdelay $0x1  }
0x1cf: {  	v7 =	vld.idx.msk [tilespmem:v22+s1+$0x0], $0xffff;
	_ =	sdelay $0x1  }
0x1d0: {  	v63 =	vld.idx.msk [tilespmem:v23+s1+$0x0], $0xffff  }
0x1d1: {  	v5 =	vadd.f32 v6, v5  }
0x1d2: {  	v6 =	vld.idx.msk [tilespmem:v24+s1+$0x0], $0xffff  }
0x1d3: {  	v5 =	vadd.f32 v7, v5  }
0x1d4: {  	v7 =	vld.idx.msk [tilespmem:v25+s1+$0x0], $0xffff  }
0x1d5: {  	v5 =	vadd.f32 v63, v5  }
0x1d6: {  	v60 =	vld.idx.msk [tilespmem:v26+s1+$0x0], $0xffff  }
0x1d7: {  	v5 =	vadd.f32 v6, v5  }
0x1d8: {  	v6 =	vld.idx.msk [tilespmem:v27+s1+$0x0], $0xffff  }
0x1d9: {  	v5 =	vadd.f32 v7, v5  }
0x1da: {  	v7 =	vld.idx.msk [tilespmem:v28+s1+$0x0], $0xffff  }
0x1db: {  	v5 =	vadd.f32 v60, v5  }
0x1dc: {  	v61 =	vld.idx.msk [tilespmem:v29+s1+$0x0], $0xffff  }
0x1dd: {  	v5 =	vadd.f32 v6, v5  }
0x1de: {  	v6 =	vld.idx.msk [tilespmem:v30+s1+$0x0], $0xffff  }
0x1df: {  	v5 =	vadd.f32 v7, v5  }
0x1e0: {  	v7 =	vld.idx.msk [tilespmem:v31+s1+$0x0], $0xffff  }
0x1e1: {  	v5 =	vadd.f32 v61, v5  }
0x1e2: {  	v62 =	vld.idx.msk [tilespmem:v32+s1+$0x0], $0xffff  }
0x1e3: {  	v5 =	vadd.f32 v6, v5  }
0x1e4: {  	v6 =	vld.idx.msk [tilespmem:v33+s1+$0x0], $0xffff  }
0x1e5: {  	v5 =	vadd.f32 v7, v5  }
0x1e6: {  	v7 =	vld.idx.msk [tilespmem:v34+s1+$0x0], $0xffff  }
0x1e7: {  	v5 =	vadd.f32 v62, v5  }
0x1e8: {  	v63 =	vld.idx.msk [tilespmem:v35+s1+$0x0], $0xffff  }
0x1e9: {  	v5 =	vadd.f32 v6, v5;
	_ =	sdelay $0x1  }
0x1ea: {  	v5 =	vadd.f32 v7, v5;
	_ =	sdelay $0x1  }
0x1eb: {  	v5 =	vadd.f32 v63, v5;
	_ =	sdelay $0x1  }
0x1ec: {  	[tilespmem:$0x10990] =	vst v5  }
0x1ed: {  	v5 =	vld.idx.msk [tilespmem:v36+s1+$0x0], $0xffff  }
0x1ee: {  	v6 =	vld.idx.msk [tilespmem:v37+s1+$0x0], $0xffff;
	_ =	sdelay $0x1  }
0x1ef: {  	v7 =	vld.idx.msk [tilespmem:v38+s1+$0x0], $0xffff;
	_ =	sdelay $0x1  }
0x1f0: {  	v60 =	vld.idx.msk [tilespmem:v39+s1+$0x0], $0xffff  }
0x1f1: {  	v5 =	vadd.f32 v6, v5  }
0x1f2: {  	v6 =	vld.idx.msk [tilespmem:v40+s1+$0x0], $0xffff  }
0x1f3: {  	v5 =	vadd.f32 v7, v5  }
0x1f4: {  	v7 =	vld.idx.msk [tilespmem:v41+s1+$0x0], $0xffff  }
0x1f5: {  	v5 =	vadd.f32 v60, v5  }
0x1f6: {  	v61 =	vld.idx.msk [tilespmem:v42+s1+$0x0], $0xffff  }
0x1f7: {  	v5 =	vadd.f32 v6, v5  }
0x1f8: {  	v6 =	vld.idx.msk [tilespmem:v43+s1+$0x0], $0xffff  }
0x1f9: {  	v5 =	vadd.f32 v7, v5  }
0x1fa: {  	v7 =	vld.idx.msk [tilespmem:v44+s1+$0x0], $0xffff  }
0x1fb: {  	v5 =	vadd.f32 v61, v5  }
0x1fc: {  	v62 =	vld.idx.msk [tilespmem:v45+s1+$0x0], $0xffff  }
0x1fd: {  	v5 =	vadd.f32 v6, v5  }
0x1fe: {  	v6 =	vld.idx.msk [tilespmem:v46+s1+$0x0], $0xffff  }
0x1ff: {  	v5 =	vadd.f32 v7, v5  }
0x200: {  	v7 =	vld.idx.msk [tilespmem:v47+s1+$0x0], $0xffff  }
0x201: {  	v5 =	vadd.f32 v62, v5  }
0x202: {  	v63 =	vld.idx.msk [tilespmem:v48+s1+$0x0], $0xffff  }
0x203: {  	v5 =	vadd.f32 v6, v5  }
0x204: {  	v6 =	vld.idx.msk [tilespmem:v49+s1+$0x0], $0xffff  }
0x205: {  	v5 =	vadd.f32 v7, v5  }
0x206: {  	v7 =	vld.idx.msk [tilespmem:v50+s1+$0x0], $0xffff  }
0x207: {  	v5 =	vadd.f32 v63, v5  }
0x208: {  	v60 =	vld.idx.msk [tilespmem:v51+s1+$0x0], $0xffff  }
0x209: {  	v5 =	vadd.f32 v6, v5;
	_ =	sdelay $0x1  }
0x20a: {  	v5 =	vadd.f32 v7, v5;
	_ =	sdelay $0x1  }
0x20b: {  	v5 =	vadd.f32 v60, v5;
	_ =	sdelay $0x1  }
0x20c: {  	[tilespmem:$0x109A0] =	vst v5  }
0x20d: {  	v5 =	vld.idx.msk [tilespmem:v52+s1+$0x0], $0xffff  }
0x20e: {  	v6 =	vld.idx.msk [tilespmem:v53+s1+$0x0], $0xffff;
	_ =	sdelay $0x1  }
0x20f: {  	v7 =	vld.idx.msk [tilespmem:v54+s1+$0x0], $0xffff  }
0x210: {  	v61 =	vor.u32 $0x305, v1  }
0x211: {  	v58 =	vld.idx.msk [tilespmem:v55+s1+$0x0], $0xffff  }
0x212: {  	v5 =	vadd.f32 v6, v5;
	v6 =	vor.u32 $0x306, v1  }
0x213: {  	v59 =	vld.idx.msk [tilespmem:v56+s1+$0x0], $0xffff  }
0x214: {  	v5 =	vadd.f32 v7, v5;
	v7 =	vor.u32 $0x307, v1  }
0x215: {  	v57 =	vld.idx.msk [tilespmem:v61+s1+$0x0], $0xffff  }
0x216: {  	v62 =	vor.u32 $0x308, v1;
	v5 =	vadd.f32 v58, v5  }
0x217: {  	v6 =	vld.idx.msk [tilespmem:v6+s1+$0x0], $0xffff  }
0x218: {  	v63 =	vor.u32 $0x309, v1;
	v5 =	vadd.f32 v59, v5  }
0x219: {  	v7 =	vld.idx.msk [tilespmem:v7+s1+$0x0], $0xffff  }
0x21a: {  	v60 =	vor.u32 $0x30A, v1;
	v5 =	vadd.f32 v57, v5  }
0x21b: {  	v58 =	vld.idx.msk [tilespmem:v62+s1+$0x0], $0xffff  }
0x21c: {  	v5 =	vadd.f32 v6, v5;
	v6 =	vor.u32 $0x30B, v1  }
0x21d: {  	v59 =	vld.idx.msk [tilespmem:v63+s1+$0x0], $0xffff  }
0x21e: {  	v5 =	vadd.f32 v7, v5;
	v7 =	vor.u32 $0x30C, v1  }
0x21f: {  	v57 =	vld.idx.msk [tilespmem:v60+s1+$0x0], $0xffff  }
0x220: {  	v61 =	vor.u32 $0x30D, v1;
	v5 =	vadd.f32 v58, v5  }
0x221: {  	v6 =	vld.idx.msk [tilespmem:v6+s1+$0x0], $0xffff  }
0x222: {  	v62 =	vor.u32 $0x30E, v1;
	v5 =	vadd.f32 v59, v5  }
0x223: {  	v7 =	vld.idx.msk [tilespmem:v7+s1+$0x0], $0xffff  }
0x224: {  	v63 =	vor.u32 $0x30F, v1;
	v5 =	vadd.f32 v57, v5  }
0x225: {  	v58 =	vld.idx.msk [tilespmem:v61+s1+$0x0], $0xffff  }
0x226: {  	v5 =	vadd.f32 v6, v5  }
0x227: {  	v6 =	vld.idx.msk [tilespmem:v62+s1+$0x0], $0xffff  }
0x228: {  	v5 =	vadd.f32 v7, v5  }
0x229: {  	v7 =	vld.idx.msk [tilespmem:v63+s1+$0x0], $0xffff  }
0x22a: {  	v5 =	vadd.f32 v58, v5;
	_ =	sdelay $0x1  }
0x22b: {  	v5 =	vadd.f32 v6, v5;
	v6 =	vor.u32 $0x400, v1  }
0x22c: {  	v60 =	vor.u32 $0x401, v1  }
0x22d: {  	v5 =	vadd.f32 v7, v5  }
0x22e: {  	v7 =	vor.u32 $0x402, v1  }
0x22f: {  	[tilespmem:$0x109B0] =	vst v5  }
0x230: {  	v5 =	vld.idx.msk [tilespmem:v6+s1+$0x0], $0xffff;
	v6 =	vor.u32 $0x403, v1  }
0x231: {  	v57 =	vld.idx.msk [tilespmem:v60+s1+$0x0], $0xffff  }
0x232: {  	v61 =	vor.u32 $0x404, v1  }
0x233: {  	v7 =	vld.idx.msk [tilespmem:v7+s1+$0x0], $0xffff  }
0x234: {  	v62 =	vor.u32 $0x405, v1  }
0x235: {  	v6 =	vld.idx.msk [tilespmem:v6+s1+$0x0], $0xffff  }
0x236: {  	v63 =	vor.u32 $0x406, v1;
	v5 =	vadd.f32 v57, v5  }
0x237: {  	v58 =	vld.idx.msk [tilespmem:v61+s1+$0x0], $0xffff  }
0x238: {  	v5 =	vadd.f32 v7, v5;
	v7 =	vor.u32 $0x407, v1  }
0x239: {  	v59 =	vld.idx.msk [tilespmem:v62+s1+$0x0], $0xffff  }
0x23a: {  	v5 =	vadd.f32 v6, v5;
	v6 =	vor.u32 $0x408, v1  }
0x23b: {  	v57 =	vld.idx.msk [tilespmem:v63+s1+$0x0], $0xffff  }
0x23c: {  	v60 =	vor.u32 $0x409, v1;
	v5 =	vadd.f32 v58, v5  }
0x23d: {  	v7 =	vld.idx.msk [tilespmem:v7+s1+$0x0], $0xffff  }
0x23e: {  	v61 =	vor.u32 $0x40A, v1;
	v5 =	vadd.f32 v59, v5  }
0x23f: {  	v6 =	vld.idx.msk [tilespmem:v6+s1+$0x0], $0xffff  }
0x240: {  	v62 =	vor.u32 $0x40B, v1;
	v5 =	vadd.f32 v57, v5  }
0x241: {  	v58 =	vld.idx.msk [tilespmem:v60+s1+$0x0], $0xffff  }
0x242: {  	v5 =	vadd.f32 v7, v5;
	v7 =	vor.u32 $0x40C, v1  }
0x243: {  	v59 =	vld.idx.msk [tilespmem:v61+s1+$0x0], $0xffff  }
0x244: {  	v5 =	vadd.f32 v6, v5;
	v6 =	vor.u32 $0x40D, v1  }
0x245: {  	v57 =	vld.idx.msk [tilespmem:v62+s1+$0x0], $0xffff  }
0x246: {  	v63 =	vor.u32 $0x40E, v1;
	v5 =	vadd.f32 v58, v5  }
0x247: {  	v7 =	vld.idx.msk [tilespmem:v7+s1+$0x0], $0xffff  }
0x248: {  	v60 =	vor.u32 $0x40F, v1;
	v5 =	vadd.f32 v59, v5  }
0x249: {  	v6 =	vld.idx.msk [tilespmem:v6+s1+$0x0], $0xffff  }
0x24a: {  	v5 =	vadd.f32 v57, v5  }
0x24b: {  	v61 =	vld.idx.msk [tilespmem:v63+s1+$0x0], $0xffff  }
0x24c: {  	v5 =	vadd.f32 v7, v5  }
0x24d: {  	v7 =	vld.idx.msk [tilespmem:v60+s1+$0x0], $0xffff  }
0x24e: {  	v5 =	vadd.f32 v6, v5;
	_ =	sdelay $0x1  }
0x24f: {  	v6 =	vor.u32 $0x500, v1;
	v5 =	vadd.f32 v61, v5  }
0x250: {  	v62 =	vor.u32 $0x501, v1  }
0x251: {  	v5 =	vadd.f32 v7, v5  }
0x252: {  	v7 =	vor.u32 $0x502, v1  }
0x253: {  	[tilespmem:$0x109C0] =	vst v5  }
0x254: {  	v5 =	vld.idx.msk [tilespmem:v6+s1+$0x0], $0xffff;
	v6 =	vor.u32 $0x503, v1  }
0x255: {  	v57 =	vld.idx.msk [tilespmem:v62+s1+$0x0], $0xffff  }
0x256: {  	v63 =	vor.u32 $0x504, v1  }
0x257: {  	v7 =	vld.idx.msk [tilespmem:v7+s1+$0x0], $0xffff  }
0x258: {  	v60 =	vor.u32 $0x505, v1  }
0x259: {  	v6 =	vld.idx.msk [tilespmem:v6+s1+$0x0], $0xffff  }
0x25a: {  	v61 =	vor.u32 $0x506, v1;
	v5 =	vadd.f32 v57, v5  }
0x25b: {  	v58 =	vld.idx.msk [tilespmem:v63+s1+$0x0], $0xffff  }
0x25c: {  	v5 =	vadd.f32 v7, v5;
	v7 =	vor.u32 $0x507, v1  }
0x25d: {  	v59 =	vld.idx.msk [tilespmem:v60+s1+$0x0], $0xffff  }
0x25e: {  	v5 =	vadd.f32 v6, v5;
	v6 =	vor.u32 $0x508, v1  }
0x25f: {  	v57 =	vld.idx.msk [tilespmem:v61+s1+$0x0], $0xffff  }
0x260: {  	v62 =	vor.u32 $0x509, v1;
	v5 =	vadd.f32 v58, v5  }
0x261: {  	v7 =	vld.idx.msk [tilespmem:v7+s1+$0x0], $0xffff  }
0x262: {  	v63 =	vor.u32 $0x50A, v1;
	v5 =	vadd.f32 v59, v5  }
0x263: {  	v6 =	vld.idx.msk [tilespmem:v6+s1+$0x0], $0xffff  }
0x264: {  	v60 =	vor.u32 $0x50B, v1;
	v5 =	vadd.f32 v57, v5  }
0x265: {  	v58 =	vld.idx.msk [tilespmem:v62+s1+$0x0], $0xffff  }
0x266: {  	v5 =	vadd.f32 v7, v5;
	v7 =	vor.u32 $0x50C, v1  }
0x267: {  	v59 =	vld.idx.msk [tilespmem:v63+s1+$0x0], $0xffff  }
0x268: {  	v5 =	vadd.f32 v6, v5;
	v6 =	vor.u32 $0x50D, v1  }
0x269: {  	v57 =	vld.idx.msk [tilespmem:v60+s1+$0x0], $0xffff  }
0x26a: {  	v61 =	vor.u32 $0x50E, v1;
	v5 =	vadd.f32 v58, v5  }
0x26b: {  	v7 =	vld.idx.msk [tilespmem:v7+s1+$0x0], $0xffff  }
0x26c: {  	v62 =	vor.u32 $0x50F, v1;
	v5 =	vadd.f32 v59, v5  }
0x26d: {  	v6 =	vld.idx.msk [tilespmem:v6+s1+$0x0], $0xffff  }
0x26e: {  	v5 =	vadd.f32 v57, v5  }
0x26f: {  	v63 =	vld.idx.msk [tilespmem:v61+s1+$0x0], $0xffff  }
0x270: {  	v5 =	vadd.f32 v7, v5  }
0x271: {  	v7 =	vld.idx.msk [tilespmem:v62+s1+$0x0], $0xffff  }
0x272: {  	v5 =	vadd.f32 v6, v5;
	_ =	sdelay $0x1  }
0x273: {  	v6 =	vor.u32 $0x600, v1;
	v5 =	vadd.f32 v63, v5  }
0x274: {  	v60 =	vor.u32 $0x601, v1  }
0x275: {  	v5 =	vadd.f32 v7, v5  }
0x276: {  	v7 =	vor.u32 $0x602, v1  }
0x277: {  	[tilespmem:$0x109D0] =	vst v5  }
0x278: {  	v5 =	vld.idx.msk [tilespmem:v6+s1+$0x0], $0xffff;
	v6 =	vor.u32 $0x603, v1  }
0x279: {  	v57 =	vld.idx.msk [tilespmem:v60+s1+$0x0], $0xffff  }
0x27a: {  	v61 =	vor.u32 $0x604, v1  }
0x27b: {  	v7 =	vld.idx.msk [tilespmem:v7+s1+$0x0], $0xffff  }
0x27c: {  	v62 =	vor.u32 $0x605, v1  }
0x27d: {  	v6 =	vld.idx.msk [tilespmem:v6+s1+$0x0], $0xffff  }
0x27e: {  	v63 =	vor.u32 $0x606, v1;
	v5 =	vadd.f32 v57, v5  }
0x27f: {  	v58 =	vld.idx.msk [tilespmem:v61+s1+$0x0], $0xffff  }
0x280: {  	v5 =	vadd.f32 v7, v5;
	v7 =	vor.u32 $0x607, v1  }
0x281: {  	v59 =	vld.idx.msk [tilespmem:v62+s1+$0x0], $0xffff  }
0x282: {  	v5 =	vadd.f32 v6, v5;
	v6 =	vor.u32 $0x608, v1  }
0x283: {  	v57 =	vld.idx.msk [tilespmem:v63+s1+$0x0], $0xffff  }
0x284: {  	v60 =	vor.u32 $0x609, v1;
	v5 =	vadd.f32 v58, v5  }
0x285: {  	v7 =	vld.idx.msk [tilespmem:v7+s1+$0x0], $0xffff  }
0x286: {  	v61 =	vor.u32 $0x60A, v1;
	v5 =	vadd.f32 v59, v5  }
0x287: {  	v6 =	vld.idx.msk [tilespmem:v6+s1+$0x0], $0xffff  }
0x288: {  	v62 =	vor.u32 $0x60B, v1;
	v5 =	vadd.f32 v57, v5  }
0x289: {  	v58 =	vld.idx.msk [tilespmem:v60+s1+$0x0], $0xffff  }
0x28a: {  	v5 =	vadd.f32 v7, v5;
	v7 =	vor.u32 $0x60C, v1  }
0x28b: {  	v59 =	vld.idx.msk [tilespmem:v61+s1+$0x0], $0xffff  }
0x28c: {  	v5 =	vadd.f32 v6, v5;
	v6 =	vor.u32 $0x60D, v1  }
0x28d: {  	v57 =	vld.idx.msk [tilespmem:v62+s1+$0x0], $0xffff  }
0x28e: {  	v63 =	vor.u32 $0x60E, v1;
	v5 =	vadd.f32 v58, v5  }
0x28f: {  	v7 =	vld.idx.msk [tilespmem:v7+s1+$0x0], $0xffff  }
0x290: {  	v60 =	vor.u32 $0x60F, v1;
	v5 =	vadd.f32 v59, v5  }
0x291: {  	v6 =	vld.idx.msk [tilespmem:v6+s1+$0x0], $0xffff  }
0x292: {  	v5 =	vadd.f32 v57, v5  }
0x293: {  	v61 =	vld.idx.msk [tilespmem:v63+s1+$0x0], $0xffff  }
0x294: {  	v5 =	vadd.f32 v7, v5  }
0x295: {  	v7 =	vld.idx.msk [tilespmem:v60+s1+$0x0], $0xffff  }
0x296: {  	v5 =	vadd.f32 v6, v5;
	_ =	sdelay $0x1  }
0x297: {  	v6 =	vor.u32 $0x700, v1;
	v5 =	vadd.f32 v61, v5  }
0x298: {  	v62 =	vor.u32 $0x701, v1  }
0x299: {  	v5 =	vadd.f32 v7, v5  }
0x29a: {  	v7 =	vor.u32 $0x702, v1  }
0x29b: {  	[tilespmem:$0x109E0] =	vst v5  }
0x29c: {  	v5 =	vld.idx.msk [tilespmem:v6+s1+$0x0], $0xffff;
	v6 =	vor.u32 $0x703, v1  }
0x29d: {  	v57 =	vld.idx.msk [tilespmem:v62+s1+$0x0], $0xffff  }
0x29e: {  	v63 =	vor.u32 $0x704, v1  }
0x29f: {  	v7 =	vld.idx.msk [tilespmem:v7+s1+$0x0], $0xffff  }
0x2a0: {  	v60 =	vor.u32 $0x705, v1  }
0x2a1: {  	v6 =	vld.idx.msk [tilespmem:v6+s1+$0x0], $0xffff  }
0x2a2: {  	v61 =	vor.u32 $0x706, v1;
	v5 =	vadd.f32 v57, v5  }
0x2a3: {  	v58 =	vld.idx.msk [tilespmem:v63+s1+$0x0], $0xffff  }
0x2a4: {  	v5 =	vadd.f32 v7, v5;
	v7 =	vor.u32 $0x707, v1  }
0x2a5: {  	v59 =	vld.idx.msk [tilespmem:v60+s1+$0x0], $0xffff  }
0x2a6: {  	v5 =	vadd.f32 v6, v5;
	v6 =	vor.u32 $0x708, v1  }
0x2a7: {  	v57 =	vld.idx.msk [tilespmem:v61+s1+$0x0], $0xffff  }
0x2a8: {  	v62 =	vor.u32 $0x709, v1;
	v5 =	vadd.f32 v58, v5  }
0x2a9: {  	v7 =	vld.idx.msk [tilespmem:v7+s1+$0x0], $0xffff  }
0x2aa: {  	v63 =	vor.u32 $0x70A, v1;
	v5 =	vadd.f32 v59, v5  }
0x2ab: {  	v6 =	vld.idx.msk [tilespmem:v6+s1+$0x0], $0xffff  }
0x2ac: {  	v60 =	vor.u32 $0x70B, v1;
	v5 =	vadd.f32 v57, v5  }
0x2ad: {  	v58 =	vld.idx.msk [tilespmem:v62+s1+$0x0], $0xffff  }
0x2ae: {  	v5 =	vadd.f32 v7, v5;
	v7 =	vor.u32 $0x70C, v1  }
0x2af: {  	v59 =	vld.idx.msk [tilespmem:v63+s1+$0x0], $0xffff  }
0x2b0: {  	v5 =	vadd.f32 v6, v5;
	v6 =	vor.u32 $0x70D, v1  }
0x2b1: {  	v57 =	vld.idx.msk [tilespmem:v60+s1+$0x0], $0xffff  }
0x2b2: {  	v61 =	vor.u32 $0x70E, v1;
	v5 =	vadd.f32 v58, v5  }
0x2b3: {  	v7 =	vld.idx.msk [tilespmem:v7+s1+$0x0], $0xffff  }
0x2b4: {  	v62 =	vor.u32 $0x70F, v1;
	v5 =	vadd.f32 v59, v5  }
0x2b5: {  	v6 =	vld.idx.msk [tilespmem:v6+s1+$0x0], $0xffff  }
0x2b6: {  	v5 =	vadd.f32 v57, v5  }
0x2b7: {  	v63 =	vld.idx.msk [tilespmem:v61+s1+$0x0], $0xffff  }
0x2b8: {  	v5 =	vadd.f32 v7, v5  }
0x2b9: {  	v7 =	vld.idx.msk [tilespmem:v62+s1+$0x0], $0xffff  }
0x2ba: {  	v5 =	vadd.f32 v6, v5;
	_ =	sdelay $0x1  }
0x2bb: {  	v5 =	vadd.f32 v63, v5;
	_ =	sdelay $0x1  }
0x2bc: {  	v5 =	vadd.f32 v7, v5;
	_ =	sdelay $0x1  }
0x2bd: {  	s6 =	simm.s32 $0x0;
	s2 =	simm.s32 $0x10980;
	s30 =	rddreg [dreg:$0x6];
	[tilespmem:$0x109F0] =	vst v5  }
0x2be: {  	[hbm4b:s30+s6] =	stream.linear.scatter [tilespmem:s2], [sflag:$0x3], $0x80, $0x38;
	[tilespmem:$0x10A00] =	vst v63  }
0x2bf: {  	s2 =	simm.s32 $0x3  }
0x2c0: {  	_ =	swait.ge [sflag:s2], $0x80  }
0x2c1: {  	s3 =	rddreg [dreg:$0x8]  }
0x2c2: {  	s31 =	rddreg [dreg:$0x7];
	s3 =	sadd.s32 $0x1, s3  }
0x2c3: {  	p0 =	sne.s32 s3, s31  }
.Ltmp1:
0x2c4: {  	_ = 	snop;
	(pc) =	sbr.rel @p0 .LBB2_1-.Ltmp1, $3  }
0x2c5: {  	_ =	sdelay $0x1  }
0x2c6: {  	[sflag:s2] =	ssyncset.done $0x0  }
0x2c7: {  	[sflag:s2] =	ssyncadd.s32 $0xFFFFFF80  }
0x2c8: {  	_ =	sfence.sel $0x180000  }
0x2c9: {  	[bflag:$0x0] =	sbarrier.arrive $0xFFFF  }
0x2ca: {  	_ =	strace $0x90000047  }
0x2cb: {  	s0 =	stileid.u32;
	[bflag:$0x2] =	sbarrier.arrive $0xFFFF  }
0x2cc: {  	p0 =	sne.s32 s0, $0x0;
	s0 =	rddreg [dreg:$0x4]  }
0x2cd: {  	s0 =	sadd.s32 @!p0 $0x100000, s0  }
0x2ce: {  	[sflag:s0] =	ssyncadd.tile.s32 @!p0 $0x1;
	_ =	shalt  }
.Lfunc_end2:
_tile_overlayer_lowered:
.L_overlay_start_2:
0x2cf: {  	(tag) =	ssettag $0x2  }
0x2d0: {  	s0 =	rddreg [dreg:$0x0];
	s2 =	stileid.u32  }
0x2d1: {  	s1 =	rddreg [dreg:$0x1];
	p0 =	sne.s32 s2, $0x0  }
0x2d2: {  	s3 =	rddreg [dreg:$0x2];
	[bflag:$0x3] =	sbarrier.arrive $0xFFFF;
	s2 =	simm.s32 @!p0 $0x1C03  }
0x2d3: {  	[timem:s3], [sflag:s2] =	dma.local @!p0 [hbm:s0], s1  }
0x2d4: {  	s0 =	simm.s32 @!p0 $0x3  }
0x2d5: {  	_ =	swait.ge @!p0 [sflag:s0], s1  }
0x2d6: {  	s1 =	ssub.s32 @!p0 $0x0, s1;
	[sflag:s0] =	ssyncset.done @!p0 $0x0  }
0x2d7: {  	[sflag:s0] =	ssyncadd.s32 @!p0 s1  }
0x2d8: {  	[bflag:$0x3] =	sbarrier.arrive $0xFFFF  }
0x2d9: {  	_ =	shalt  }

// kernel: kernel.9.cloned.1.call-start
scs
__scs_entry_jumppad:
0x0: {  	(pc) =	sbr.rel $0x88, $3  }
0x1: {  	(tag) =	ssettag $0x0;
	lr =	simm.s32 $0x1  }
0x2: {  	[smem:$0x3F98] =	sst lr;
	_ =	strace $0xD0000000  }
0x3: {  	_ = 	snop  }
0x4: {  	_ = 	snop  }
0x5: {  	_ = 	snop  }
0x6: {  	_ = 	snop  }
0x7: {  	_ = 	snop  }
__scs_overlays_trampoline_lowered:
0x8: {  	[smem:$0x3FA7] =	sst s0  }
0x9: {  	[smem:$0x3FA8] =	sst s1  }
0xa: {  	[smem:$0x3FA9] =	sst s2  }
0xb: {  	[smem:$0x3FAA] =	sst s3  }
0xc: {  	[smem:$0x3FAB] =	sst s4  }
0xd: {  	[smem:$0x3FAC] =	sst s5  }
0xe: {  	[smem:$0x3FAD] =	sst s6  }
0xf: {  	[smem:$0x3FAE] =	sst s7  }
0x10: {  	[smem:$0x3FAF] =	sst s8  }
0x11: {  	[smem:$0x3FB0] =	sst s9;
	s0 =	simm.s32 @!p0 $0x0  }
0x12: {  	s1 =	sld [smem:$0x3F96];
	s0 =	simm.s32 @p0 $0x1  }
0x13: {  	[smem:$0x3FB1] =	sst s0;
	s0 =	simm.s32 @!p1 $0x0  }
0x14: {  	s2 =	sld [smem:$0x3F95];
	s0 =	simm.s32 @p1 $0x1  }
0x15: {  	[smem:$0x3FB2] =	sst s0;
	s0 =	simm.s32 @!p2 $0x0  }
0x16: {  	s3 =	sld [smem:$0x3FDB];
	s0 =	simm.s32 @p2 $0x1  }
0x17: {  	s4 =	simm.s32 $0x1BF5;
	[smem:$0x3FB4] =	sst s0  }
0x18: {  	s0 =	sld [smem:$0x3F97];
	_ =	swait.ge [sflag:s4], $0x0  }
0x19: {  	s7 =	sld [smem:$0x3F98]  }
0x1a: {  	s8 =	sadd.s32 $0xFFFFE003, lr  }
0x1b: {  	s9 =	sadd.s32 $0xFFFFFEF7, lr;
	s5 =	simm.s32 $0xFFFFFFFF;
	p2 =	slt.u32 s8, $0xFFFFF086  }
0x1c: {  	p1 =	slt.u32 s9, $0xF7A;
	s5 =	simm.s32 @!p2 $0x0  }
0x1d: {  	s5 =	simm.s32 @p1 $0x1;
	p0 =	seq.s32 s7, s2  }
0x1e: {  	s7 =	smul.u32 @!p0 $0xF7A, s2;
	p2 =	seq.s32 @!p0 s5, $0x0  }
0x1f: {  	s9 =	smul.u32 $0xF7A, s1;
	s8 =	simm.s32 @!p0 $0x1BF5;
	p2 =	por !p2, p0  }
0x20: {  	[sflag:s8] =	ssyncset.s32 @!p0 $0xFFFFF086;
	s6 =	sadd.s32 @!p0 s3, s7;
	s7 =	simm.s32 @!p0 $0x108  }
0x21: {  	s3 =	sadd.s32 s3, s9;
	s6 =	sadd.s32 @!p0 $0x88, s6;
	s7 =	simm.s32 @p2 $0x1082  }
0x22: {  	[simem:s7], [sflag:s8] =	dma.local @!p0 [hbm:s6], $0xF7A  }
0x23: {  	s9 =	sor.u32 $0xD0000000, s2;
	s6 =	simm.s32 $0x108;
	_ =	swait.ge @!p0 [sflag:s8], $0x0  }
0x24: {  	s3 =	sadd.s32 $0x88, s3;
	s6 =	simm.s32 @!p1 $0x1082;
	[sflag:s4] =	ssyncset.s32 $0xFFFFF086  }
0x25: {  	[simem:s6], [sflag:s4] =	dma.local [hbm:s3], $0xF7A  }
0x26: {  	[smem:$0x3F98] =	sst s1;
	(tag) =	ssettag s2;
	_ =	strace s9  }
0x27: {  	s1 =	sld [smem:$0x3FA8]  }
0x28: {  	s2 =	sld [smem:$0x3FA9]  }
0x29: {  	s4 =	sld [smem:$0x3FAB]  }
0x2a: {  	p0 =	seq.s32 s5, $0x0;
	s5 =	sld [smem:$0x3FAC]  }
0x2b: {  	s6 =	sld [smem:$0x3FAD]  }
0x2c: {  	s7 =	sld [smem:$0x3FAE]  }
0x2d: {  	s3 =	simm.s32 $0x108;
	s8 =	sld [smem:$0x3FAF]  }
0x2e: {  	s3 =	simm.s32 @!p0 $0x1082;
	s9 =	sld [smem:$0x3FB0]  }
0x2f: {  	lr =	sadd.s32 s0, s3;
	s0 =	sld [smem:$0x3FA7]  }
0x30: {  	s3 =	sld [smem:$0x3FAA]  }
0x31: {  	[smem:$0x3FB3] =	sst s10  }
0x32: {  	s10 =	sld [smem:$0x3FB1];
	_ =	sdelay $0x3  }
0x33: {  	p0 =	seq.s32 s10, $0x1;
	s10 =	sld [smem:$0x3FB3];
	_ =	sdelay $0x3  }
0x34: {  	[smem:$0x3FB3] =	sst s10  }
0x35: {  	s10 =	sld [smem:$0x3FB2];
	_ =	sdelay $0x3  }
0x36: {  	p1 =	seq.s32 s10, $0x1;
	s10 =	sld [smem:$0x3FB3];
	_ =	sdelay $0x3  }
0x37: {  	[smem:$0x3FB3] =	sst s10  }
0x38: {  	s10 =	sld [smem:$0x3FB4]  }
0x39: {  	_ = 	snop;
	(pc) =	sbr.ind lr, $3  }
0x3a: {  	_ = 	snop  }
0x3b: {  	_ = 	snop  }
0x3c: {  	p2 =	seq.s32 s10, $0x1;
	s10 =	sld [smem:$0x3FB3]  }
0x3d: {  	_ =	shalt  }
0x3e: {  	_ =	shalt  }
0x3f: {  	_ =	shalt  }
0x40: {  	_ =	shalt  }
0x41: {  	_ =	shalt  }
0x42: {  	_ =	shalt  }
0x43: {  	_ =	shalt  }
0x44: {  	_ =	shalt  }
0x45: {  	_ =	shalt  }
0x46: {  	_ =	shalt  }
0x47: {  	_ =	shalt  }
0x48: {  	_ =	shalt  }
0x49: {  	_ =	shalt  }
0x4a: {  	_ =	shalt  }
0x4b: {  	_ =	shalt  }
0x4c: {  	_ =	shalt  }
0x4d: {  	_ =	shalt  }
0x4e: {  	_ =	shalt  }
0x4f: {  	_ =	shalt  }
0x50: {  	_ =	shalt  }
0x51: {  	_ =	shalt  }
0x52: {  	_ =	shalt  }
0x53: {  	_ =	shalt  }
0x54: {  	_ =	shalt  }
0x55: {  	_ =	shalt  }
0x56: {  	_ =	shalt  }
0x57: {  	_ =	shalt  }
0x58: {  	_ =	shalt  }
0x59: {  	_ =	shalt  }
0x5a: {  	_ =	shalt  }
0x5b: {  	_ =	shalt  }
0x5c: {  	_ =	shalt  }
0x5d: {  	_ =	shalt  }
0x5e: {  	_ =	shalt  }
0x5f: {  	_ =	shalt  }
0x60: {  	_ =	shalt  }
0x61: {  	_ =	shalt  }
0x62: {  	_ =	shalt  }
0x63: {  	_ =	shalt  }
0x64: {  	_ =	shalt  }
0x65: {  	_ =	shalt  }
0x66: {  	_ =	shalt  }
0x67: {  	_ =	shalt  }
0x68: {  	_ =	shalt  }
0x69: {  	_ =	shalt  }
0x6a: {  	_ =	shalt  }
0x6b: {  	_ =	shalt  }
0x6c: {  	_ =	shalt  }
0x6d: {  	_ =	shalt  }
0x6e: {  	_ =	shalt  }
0x6f: {  	_ =	shalt  }
0x70: {  	_ =	shalt  }
0x71: {  	_ =	shalt  }
0x72: {  	_ =	shalt  }
0x73: {  	_ =	shalt  }
0x74: {  	_ =	shalt  }
0x75: {  	_ =	shalt  }
0x76: {  	_ =	shalt  }
0x77: {  	_ =	shalt  }
0x78: {  	_ =	shalt  }
0x79: {  	_ =	shalt  }
0x7a: {  	_ =	shalt  }
0x7b: {  	_ =	shalt  }
0x7c: {  	_ =	shalt  }
0x7d: {  	_ =	shalt  }
0x7e: {  	_ =	shalt  }
0x7f: {  	_ =	shalt  }
0x80: {  	_ =	shalt  }
0x81: {  	_ =	shalt  }
0x82: {  	_ =	shalt  }
0x83: {  	_ =	shalt  }
0x84: {  	_ =	shalt  }
0x85: {  	_ =	shalt  }
0x86: {  	_ =	shalt  }
0x87: {  	_ =	shalt  }
.Lfunc_end0:
.L_simem_size_0:
called_computation.1_lowered:
.L_overlay_start_0:
0x88: {  	s2 =	sld [smem:$0x3FD9]  }
0x89: {  	s3 =	sld [smem:$0x3FFE];
	_ =	sdelay $0x1  }
0x8a: {  	s1 =	srdreg.scid  }
0x8b: {  	s0 =	sand.u32 $0x1, s1  }
0x8c: {  	s17 =	sshll.u32 s0, $0xA;
	s2 =	sadd.s32 s3, s2  }
0x8d: {  	s2 =	sadd.s32 s2, s17  }
0x8e: {  	[smem:$0x3FBF] =	sst s2  }
0x8f: {  	_ = 	snop  }
0x90: {  	s2 =	sld [smem:$0x3FC9]  }
0x91: {  	s18 =	sld [smem:$0x3FC8]  }
0x92: {  	s4 =	sld [smem:$0x3FC7]  }
0x93: {  	s5 =	sld [smem:$0x3FD0];
	(tm) =	ssettm $0x1  }
0x94: {  	s6 =	sld [smem:$0x3FFB];
	_ =	sdelay $0x3  }
0x95: {  	_ =	strace s6  }
0x96: {  	s6 =	sld [smem:$0x3FFC];
	_ =	sdelay $0x3  }
0x97: {  	_ =	strace s6  }
0x98: {  	s6 =	sld [smem:$0x3FFD];
	_ =	sdelay $0x3  }
0x99: {  	_ =	strace s6  }
0x9a: {  	_ =	strace $0x8FFFFFFF  }
0x9b: {  	s19 =	sld [smem:$0x3FDB];
	_ =	sdelay $0x1  }
0x9c: {  	s7 =	simm.s32 $_scs_section_size  }
0x9d: {  	s8 =	simm.s32 $_size__tile_overlayer_lowered;
	s9 =	simm.s32 $_tile_overlayer_lowered  }
0x9e: {  	s22 =	simm.s32 $0x1BFF;
	s21 =	sshll.u32 s9, $0x1;
	s6 =	sadd.s32 s7, s19  }
0x9f: {  	s10 =	simm.s32 $0x0;
	s20 =	sshll.u32 s8, $0x1;
	s8 =	sadd.s32 s21, s6  }
0xa0: {  	[timem:s10], [sflag:s22] =	dma.local [hbm:s8], s20  }
0xa1: {  	_ =	swait.ge [sflag:s22], s20  }
0xa2: {  	s7 =	ssub.s32 $0x0, s20;
	[sflag:s22] =	ssyncset.done $0x0  }
0xa3: {  	[sflag:s22] =	ssyncadd.s32 s7;
	_ =	sdelay $0x1  }
0xa4: {  	s23 =	simm.s32 $0x1B8B  }
0xa5: {  	_ =	swait.ge [sflag:s23], $0x1  }
0xa6: {  	[sflag:s23] =	ssyncset.done $0x0  }
0xa7: {  	s25 =	simm.s32 $0x1B8E;
	s24 =	sld [smem:$0x3FFE];
	[sflag:s23] =	ssyncadd.s32 $0xFFFFFFFF  }
0xa8: {  	s26 =	simm.s32 $execute0_lowered;
	[smem:$0x3FD2] =	sst s25  }
0xa9: {  	s8 =	sshll.u32 s26, $0x1;
	_ =	strace $0x80000049;
	[dreg:$0x1] =	wrdreg $0xFFFFFFFF  }
0xaa: {  	s28 =	simm.s32 $_size_execute0_lowered;
	s6 =	sadd.s32 s6, s8;
	[dreg:$0x0] =	wrdreg $0x0  }
0xab: {  	s8 =	sshll.u32 s28, $0x1;
	[dreg:$0x2] =	wrdreg s6  }
0xac: {  	[dreg:$0x3] =	wrdreg s8  }
0xad: {  	[dreg:$0x4] =	wrdreg $0xC0  }
0xae: {  	_ =	task [dreg:s10], $0x5FFFF  }
0xaf: {  	[dreg:$0x1] =	wrdreg $0xFFFFFFFF  }
0xb0: {  	[dreg:$0x0] =	wrdreg $0x60  }
0xb1: {  	[dreg:$0x2] =	wrdreg s2  }
0xb2: {  	[dreg:$0x3] =	wrdreg s18  }
0xb3: {  	[dreg:$0x4] =	wrdreg s4  }
0xb4: {  	[dreg:$0x5] =	wrdreg s24  }
0xb5: {  	[dreg:$0x6] =	wrdreg s5  }
0xb6: {  	[dreg:$0x7] =	wrdreg $0x9  }
0xb7: {  	_ =	task.clear_ibuf [dreg:s10], $0x8FFFF;
	_ =	strace $0x90000049  }
0xb8: {  	s29 =	simm.s32 $0x9;
	_ =	strace $0x8000004B  }
0xb9: {  	_ =	swait.ge [sflag:s29], $0x1  }
0xba: {  	[sflag:s29] =	ssyncadd.s32 $0xFFFFFFFF  }
0xbb: {  	_ =	strace $0x9000004B  }
0xbc: {  	_ =	sfence  }
0xbd: {  	s30 =	sld [smem:$0x0];
	_ =	sdelay $0x2  }
0xbe: {  	s31 =	sshll.u32 s1, $0xD;
	s1 =	sshrl.u32 s1, $0x2  }
0xbf: {  	s3 =	sand.u32 $0x4000, s31;
	s1 =	sadd.s32 s1, s30  }
0xc0: {  	s0 =	sor.u32 s3, s0;
	s1 =	sshll.u32 s1, $0x11  }
0xc1: {  	s0 =	sor.u32 s1, s0  }
0xc2: {  	s0 =	sadd.s32 $0x8F2B, s0  }
0xc3: {  	[sflag:s0] =	ssyncadd.remote.s32 $0x1  }
0xc4: {  	_ =	sfence.sel $0xFFFF  }
0xc5: {  	[dreg:$0x0] =	wrdreg $0xFFFFFFFF;
	(pc) =	sbr.abs _section_cstart, $3  }
0xc6: {  	[dreg:$0x1] =	wrdreg $0xFFFFFFFF  }
0xc7: {  	_ =	task.clear_ibuf [dreg:s10], $0x2FFFF;
	_ =	strace $0x9FFFFFFF  }
0xc8: {  	(tm) =	ssettm $0x7FFFFFFF  }
0xc9: {  	_ =	shalt  }
tec
execute0_lowered:
.L_overlay_start_1:
0x0: {  	(tag) =	ssettag $0x1  }
0x1: {  	s7 =	rddreg [dreg:$0x0]  }
0x2: {  	s8 =	rddreg [dreg:$0x1]  }
0x3: {  	s9 =	rddreg [dreg:$0x2]  }
0x4: {  	s6 =	rddreg [dreg:$0x3]  }
0x5: {  	s12 =	rddreg [dreg:$0x4]  }
0x6: {  	s0 =	rddreg [dreg:$0x5]  }
0x7: {  	s2 =	simm.s32 $0x0;
	s3 =	srdreg.scid;
	s1 =	stileid.u32  }
0x8: {  	s15 =	simm.s32 $0x80;
	s16 =	simm.s32 $0x100;
	s17 =	simm.s32 $0x200  }
0x9: {  	s18 =	simm.s32 $0x280;
	s19 =	simm.s32 $0x180;
	s20 =	simm.s32 $0x300  }
0xa: {  	s21 =	simm.s32 $0x380;
	s22 =	simm.s32 $0x400;
	s23 =	simm.s32 $0x480  }
0xb: {  	s24 =	simm.s32 $0x1;
	s25 =	simm.s32 $0x490;
	[smem:$0x7FF] =	sst s2  }
0xc: {  	s5 =	sand.u32 $0x1, s3;
	s3 =	sadd.s32 $0x2200, s6;
	s10 =	sshll.u32 s1, $0x5  }
0xd: {  	s4 =	sadd.s32 $0x2A00, s6;
	_ =	strace $0x8000004A;
	s11 =	sshll.u32 s5, $0x4  }
0xe: {  	s31 =	ssub.s32 $0x2, s5;
	s5 =	sadd.s32 $0x2400, s6;
	s13 =	sor.u32 s11, s10  }
0xf: {  	s14 =	sshrl.u32 s31, $0x1;
	s11 =	sadd.s32 s13, s6;
	s6 =	sadd.s32 $0x5C00, s6  }
0x10: {  	s14 =	ssub.s32 s31, s14;
	s7 =	sadd.s32 s7, s13;
	s8 =	sadd.s32 s8, s13  }
0x11: {  	s9 =	sadd.s32 s9, s13;
	s12 =	sadd.s32 s12, s13;
	s10 =	sadd.s32 $0x2600, s11  }
0x12: {  	s11 =	sadd.s32 $0x2000, s11;
	s13 =	smax.u32 s14, $0x1;
	s14 =	simm.s32 $0x2  }
.LBB2_1:
0x13: {  	[tilespmem:s2], [sflag:$0x2] =	stream.linear.gather [hbm4b:s7+s2], $0x80, $0x38;
	[tilespmem:$0x510] =	vst v63  }
0x14: {  	_ =	swait.ge [sflag:s14], $0x80  }
0x15: {  	[sflag:s14] =	ssyncset.done $0x0  }
0x16: {  	[sflag:s14] =	ssyncadd.s32 $0xFFFFFF80  }
0x17: {  	[tilespmem:s15], [sflag:$0x2] =	stream.linear.gather [hbm4b:s8+s2], $0x80, $0x38;
	[tilespmem:$0x510] =	vst v63  }
0x18: {  	_ =	swait.ge [sflag:s14], $0x80  }
0x19: {  	[sflag:s14] =	ssyncset.done $0x0  }
0x1a: {  	[sflag:s14] =	ssyncadd.s32 $0xFFFFFF80  }
0x1b: {  	[tilespmem:s16], [sflag:$0x2] =	stream.linear.gather [hbm4b:s9+s2], $0x80, $0x38;
	[tilespmem:$0x510] =	vst v63  }
0x1c: {  	_ =	swait.ge [sflag:s14], $0x80  }
0x1d: {  	[sflag:s14] =	ssyncset.done $0x0  }
0x1e: {  	[sflag:s14] =	ssyncadd.s32 $0xFFFFFF80  }
0x1f: {  	v0 =	vld [tilespmem:$0x100]  }
0x20: {  	v1 =	vld [tilespmem:$0x110]  }
0x21: {  	v2 =	vld [tilespmem:$0x120]  }
0x22: {  	v3 =	vld [tilespmem:$0x130];
	_ =	sdelay $0x1  }
0x23: {  	v5 =	vld [tilespmem:$0x140];
	vm0 =	vgt.s32 v0, $0xF41FF  }
0x24: {  	v7 =	vld [tilespmem:$0x160];
	v4 =	vadd.s32 $0xFFF0BE00, v0;
	v0 =	vand.u32 $0x3F, v0;
	vm1 =	vgt.s32 v1, $0xF41FF  }
0x25: {  	v9 =	vld [tilespmem:$0x170];
	v6 =	vadd.s32 $0xFFF0BE00, v1;
	v1 =	vand.u32 $0x3F, v1;
	vm15 =	vgt.s32 v2, $0xF41FF  }
0x26: {  	v42 =	vadd.s32 $0xFFF0BE00, v2;
	v2 =	vand.u32 $0x3F, v2;
	vm4 =	vgt.s32 v3, $0xF41FF  }
0x27: {  	v41 =	vld [tilespmem:$0x150];
	v8 =	vadd.s32 $0xFFF0BE00, v3;
	v3 =	vand.u32 $0x3F, v3;
	v0 =	vsel vm0, v4, v0  }
0x28: {  	vm2 =	vgt.s32 v5, $0xF41FF;
	v43 =	vadd.s32 $0xFFF0BE00, v5;
	v1 =	vsel vm1, v6, v1;
	[tilespmem:$0x180] =	vst v0  }
0x29: {  	vm6 =	vgt.s32 v7, $0xF41FF;
	v47 =	vadd.s32 $0xFFF0BE00, v7;
	v2 =	vsel vm15, v42, v2;
	[tilespmem:$0x190] =	vst v1  }
0x2a: {  	v48 =	vand.u32 $0x3F, v7;
	vm7 =	vgt.s32 v9, $0xF41FF;
	v44 =	vsel vm4, v8, v3;
	[tilespmem:$0x1A0] =	vst v2  }
0x2b: {  	v50 =	vadd.s32 $0xFFF0BE00, v9;
	v51 =	vand.u32 $0x3F, v9;
	v49 =	vsel vm6, v47, v48;
	[tilespmem:$0x1B0] =	vst v44  }
0x2c: {  	v5 =	vand.u32 $0x3F, v5;
	vm5 =	vgt.s32 v41, $0xF41FF;
	v52 =	vsel vm7, v50, v51;
	[tilespmem:$0x1E0] =	vst v49  }
0x2d: {  	v45 =	vadd.s32 $0xFFF0BE00, v41;
	v46 =	vand.u32 $0x3F, v41;
	v0 =	vsel vm2, v43, v5;
	[tilespmem:$0x1F0] =	vst v52  }
0x2e: {  	v2 =	vsel vm5, v45, v46;
	[tilespmem:$0x1C0] =	vst v0  }
0x2f: {  	[tilespmem:$0x1D0] =	vst v2  }
0x30: {  	[tilespmem:s17], [sflag:$0x1] =	stream.indirect.gather [hbm4b:s3+s15], $0x1, s2, s15, $0xb8;
	[tilespmem:$0x510] =	vst v63  }
0x31: {  	_ = 	snop  }
0x32: {  	[tilespmem:s18], [sflag:$0x1] =	stream.indirect.gather [hbm4b:s4+s15], $0x1, s15, s15, $0xb8;
	[tilespmem:$0x510] =	vst v63  }
0x33: {  	_ = 	snop  }
0x34: {  	[tilespmem:s20], [sflag:$0x1] =	stream.indirect.gather [hbm4b:s5+s15], $0x1, s19, s15, $0xb8;
	[tilespmem:$0x510] =	vst v63  }
0x35: {  	_ = 	snop  }
0x36: {  	[tilespmem:s21], [sflag:$0x2] =	stream.linear.gather [hbm4b:s10+s2], $0x80, $0x38;
	[tilespmem:$0x510] =	vst v63  }
0x37: {  	_ =	swait.ge [sflag:s14], $0x80  }
0x38: {  	[sflag:s14] =	ssyncset.done $0x0  }
0x39: {  	[sflag:s14] =	ssyncadd.s32 $0xFFFFFF80  }
0x3a: {  	[tilespmem:s22], [sflag:$0x2] =	stream.linear.gather [hbm4b:s11+s2], $0x80, $0x38;
	[tilespmem:$0x510] =	vst v63  }
0x3b: {  	_ =	swait.ge [sflag:s14], $0x80  }
0x3c: {  	[sflag:s14] =	ssyncset.done $0x0  }
0x3d: {  	[sflag:s14] =	ssyncadd.s32 $0xFFFFFF80  }
0x3e: {  	[tilespmem:s23], [sflag:$0x2] =	stream.linear.gather [hbm4b:s6+s2], $0x10, $0x38;
	[tilespmem:$0x510] =	vst v63  }
0x3f: {  	_ =	swait.ge [sflag:s14], $0x10  }
0x40: {  	[sflag:s14] =	ssyncset.done $0x0  }
0x41: {  	[sflag:s14] =	ssyncadd.s32 $0xFFFFFFF0  }
0x42: {  	_ =	swait.ge [sflag:s24], $0x80  }
0x43: {  	[sflag:s24] =	ssyncset.done $0x0  }
0x44: {  	[sflag:s24] =	ssyncadd.s32 $0xFFFFFF80  }
0x45: {  	_ =	swait.ge [sflag:s24], $0x80  }
0x46: {  	[sflag:s24] =	ssyncset.done $0x0  }
0x47: {  	[sflag:s24] =	ssyncadd.s32 $0xFFFFFF80  }
0x48: {  	_ =	swait.ge [sflag:s24], $0x80  }
0x49: {  	[sflag:s24] =	ssyncset.done $0x0  }
0x4a: {  	[sflag:s24] =	ssyncadd.s32 $0xFFFFFF80  }
0x4b: {  	v0 =	vld [tilespmem:$0x480]  }
0x4c: {  	v53 =	vld [tilespmem:$0x100]  }
0x4d: {  	v54 =	vld [tilespmem:$0x300]  }
0x4e: {  	v55 =	vld [tilespmem:$0x380]  }
0x4f: {  	v56 =	vld [tilespmem:$0x200]  }
0x50: {  	v57 =	vld [tilespmem:$0x280]  }
0x51: {  	v58 =	vld [tilespmem:$0x400]  }
0x52: {  	v59 =	vld [tilespmem:$0x110]  }
0x53: {  	v60 =	vld [tilespmem:$0x310]  }
0x54: {  	v61 =	vld [tilespmem:$0x390]  }
0x55: {  	v10 =	vld [tilespmem:$0x210]  }
0x56: {  	v11 =	vld [tilespmem:$0x290]  }
0x57: {  	v12 =	vld [tilespmem:$0x410]  }
0x58: {  	v13 =	vld [tilespmem:$0x120]  }
0x59: {  	v14 =	vld [tilespmem:$0x320]  }
0x5a: {  	v15 =	vld [tilespmem:$0x3A0]  }
0x5b: {  	v16 =	vld [tilespmem:$0x220]  }
0x5c: {  	v17 =	vld [tilespmem:$0x2A0]  }
0x5d: {  	v18 =	vld [tilespmem:$0x420]  }
0x5e: {  	v19 =	vld [tilespmem:$0x130]  }
0x5f: {  	v20 =	vld [tilespmem:$0x330]  }
0x60: {  	v21 =	vld [tilespmem:$0x3B0]  }
0x61: {  	v22 =	vld [tilespmem:$0x230]  }
0x62: {  	v23 =	vld [tilespmem:$0x2B0]  }
0x63: {  	v24 =	vld [tilespmem:$0x430]  }
0x64: {  	v25 =	vld [tilespmem:$0x140]  }
0x65: {  	v26 =	vld [tilespmem:$0x340]  }
0x66: {  	v27 =	vld [tilespmem:$0x3C0]  }
0x67: {  	v28 =	vld [tilespmem:$0x240]  }
0x68: {  	v29 =	vld [tilespmem:$0x2C0]  }
0x69: {  	v30 =	vld [tilespmem:$0x440]  }
0x6a: {  	v31 =	vld [tilespmem:$0x150]  }
0x6b: {  	v32 =	vld [tilespmem:$0x350]  }
0x6c: {  	v34 =	vld [tilespmem:$0x250]  }
0x6d: {  	v35 =	vld [tilespmem:$0x2D0]  }
0x6e: {  	v39 =	vld [tilespmem:$0x260]  }
0x6f: {  	v50 =	vld [tilespmem:$0x270]  }
0x70: {  	v52 =	vld [tilespmem:$0x2F0]  }
0x71: {  	v41 =	vld [tilespmem:$0x2E0];
	vm8 =	vgt.s32 v53, $0xF41FF;
	v62 =	vadd.f32 v57, v56  }
0x72: {  	v33 =	vld [tilespmem:$0x3D0];
	vm9 =	vgt.s32 v59, $0xF41FF;
	v11 =	vadd.f32 v11, v10;
	vm10 =	vgt.s32 v13, $0xF41FF  }
0x73: {  	v36 =	vld [tilespmem:$0x450];
	vm11 =	vgt.s32 v19, $0xF41FF;
	vm12 =	vgt.s32 v25, $0xF41FF;
	v44 =	vadd.f32 v17, v16  }
0x74: {  	v63 =	vld [tilespmem:$0x160];
	v46 =	vadd.f32 v23, v22;
	v48 =	vadd.f32 v29, v28;
	vm13 =	vgt.s32 v31, $0xF41FF  }
0x75: {  	v37 =	vld [tilespmem:$0x360];
	v49 =	vadd.f32 v35, v34;
	v57 =	vadd.f32 v52, v50;
	v2 =	vsel vm8, v54, v55  }
0x76: {  	v38 =	vld [tilespmem:$0x3E0];
	v7 =	vsel vm9, v60, v61;
	v40 =	vsel vm10, v14, v15;
	v55 =	vadd.f32 v41, v39  }
0x77: {  	v43 =	vld [tilespmem:$0x170];
	v42 =	vsel vm11, v20, v21;
	v1 =	vadd.f32 v62, v2;
	v3 =	vadd.f32 v11, v7  }
0x78: {  	v47 =	vld [tilespmem:$0x370];
	v51 =	vsel vm13, v32, v33;
	v6 =	vadd.f32 v44, v40;
	v9 =	vadd.f32 v46, v42  }
0x79: {  	v53 =	vld [tilespmem:$0x3F0];
	v45 =	vsel vm12, v26, v27;
	v11 =	vadd.f32 v49, v51;
	v1 =	vadd.f32 v1, v58  }
0x7a: {  	v3 =	vadd.f32 v3, v12;
	v12 =	vadd.f32 v48, v45  }
0x7b: {  	vm14 =	vgt.s32 v63, $0xF41FF;
	v54 =	vld [tilespmem:$0x460];
	v6 =	vadd.f32 v6, v18;
	v9 =	vadd.f32 v9, v24  }
0x7c: {  	v56 =	vld [tilespmem:$0x470];
	v2 =	vsel vm14, v37, v38;
	v11 =	vadd.f32 v11, v36;
	v1 =	vadd.f32 v1, v0  }
0x7d: {  	vm15 =	vgt.s32 v43, $0xF41FF;
	v58 =	vadd.f32 v55, v2;
	v3 =	vadd.f32 v3, v0  }
0x7e: {  	v59 =	vsel vm15, v47, v53;
	v12 =	vadd.f32 v12, v30;
	v60 =	vadd.f32 v6, v0;
	[tilespmem:$0x490] =	vst v1  }
0x7f: {  	v2 =	vadd.f32 v57, v59;
	v61 =	vadd.f32 v9, v0;
	[tilespmem:$0x4A0] =	vst v3  }
0x80: {  	v63 =	vadd.f32 v11, v0;
	[tilespmem:$0x4B0] =	vst v60;
	v1 =	vadd.f32 v58, v54  }
0x81: {  	v62 =	vadd.f32 v12, v0;
	[tilespmem:$0x4C0] =	vst v61;
	v2 =	vadd.f32 v2, v56  }
0x82: {  	[tilespmem:$0x4E0] =	vst v63;
	v1 =	vadd.f32 v1, v0  }
0x83: {  	[tilespmem:$0x4D0] =	vst v62;
	v0 =	vadd.f32 v2, v0  }
0x84: {  	p0 =	sne.s32 s13, $0x1;
	[tilespmem:$0x4F0] =	vst v1  }
.Ltmp0:
0x85: {  	[tilespmem:$0x500] =	vst v0;
	(pc) =	sbr.rel @p0 .LBB2_1-.Ltmp0, $4  }
0x86: {  	[hbm4b:s12+s2] =	stream.linear.scatter [tilespmem:s25], [sflag:$0x2], $0x80, $0x38;
	[tilespmem:$0x510] =	vst v63  }
0x87: {  	_ =	swait.ge [sflag:s14], $0x80  }
0x88: {  	[sflag:s14] =	ssyncset.done $0x0  }
0x89: {  	s13 =	sadd.s32 $0xFFFFFFFF, s13;
	[sflag:s14] =	ssyncadd.s32 $0xFFFFFF80  }
0x8a: {  	_ =	sfence.sel $0x180000  }
0x8b: {  	[bflag:$0x0] =	sbarrier.arrive $0xFFFF  }
0x8c: {  	p0 =	sne.s32 s1, $0x0;
	_ =	strace $0x9000004A  }
0x8d: {  	s0 =	sadd.s32 @!p0 $0x100000, s0;
	[bflag:$0x2] =	sbarrier.arrive $0xFFFF  }
0x8e: {  	[sflag:s0] =	ssyncadd.tile.s32 @!p0 $0x1;
	_ =	shalt  }
.Lfunc_end2:
_tile_overlayer_lowered:
.L_overlay_start_2:
0x8f: {  	(tag) =	ssettag $0x2  }
0x90: {  	s0 =	rddreg [dreg:$0x0];
	s2 =	stileid.u32  }
0x91: {  	s1 =	rddreg [dreg:$0x1];
	p0 =	sne.s32 s2, $0x0  }
0x92: {  	s3 =	rddreg [dreg:$0x2];
	[bflag:$0x3] =	sbarrier.arrive $0xFFFF;
	s2 =	simm.s32 @!p0 $0x1C02  }
0x93: {  	[timem:s3], [sflag:s2] =	dma.local @!p0 [hbm:s0], s1  }
0x94: {  	s0 =	simm.s32 @!p0 $0x2  }
0x95: {  	_ =	swait.ge @!p0 [sflag:s0], s1  }
0x96: {  	s1 =	ssub.s32 @!p0 $0x0, s1;
	[sflag:s0] =	ssyncset.done @!p0 $0x0  }
0x97: {  	[sflag:s0] =	ssyncadd.s32 @!p0 s1  }
0x98: {  	[bflag:$0x3] =	sbarrier.arrive $0xFFFF  }
0x99: {  	_ =	shalt  }

</sc_bundles>
